<compile_context>
chip_gen: v7x
topology: tpu7x:2x2x1
jax: 0.10.2.dev20260603
libtpu: 0.0.44.dev20260713+nightly
codegen_flags: <defaults>
</compile_context>

<pallas_src>
import functools

import jax
import jax.numpy as jnp
from jax import lax
from jax.experimental import pallas as pl
from jax.experimental.pallas import tpu as pltpu
from jax.experimental.pallas import tpu_sc as plsc

N = 10000
E = 320000
F_IN = 128
HID = 128
C = 64

NC = 2
NS = 16
NW = NC * NS
LANES = 128
K = 80
E_PAD = NW * K * LANES
N_PAD = 10112
CHUNK = N_PAD // NS

_MESH = plsc.VectorSubcoreMesh(core_axis_name="c", subcore_axis_name="s")



@functools.partial(
    pl.kernel,
    out_type=jax.ShapeDtypeStruct((NC * N_PAD,), jnp.float32),
    mesh=_MESH,
    scratch_types=[
        pltpu.VMEM((K, LANES), jnp.int32),
        pltpu.VMEM((LANES,), jnp.float32),
        pltpu.VMEM((CHUNK + 8,), jnp.float32),
        pltpu.VMEM_SHARED((N_PAD,), jnp.float32),
        pltpu.SemaphoreType.DMA,
    ],
)
def _sc_degree(dst_hbm, out_hbm, dst_v, ones_v, stage_v, acc_sh, sem):
    c = lax.axis_index("c")
    s = lax.axis_index("s")
    w = s * NC + c
    for i in range(LANES // 16):
        ones_v[pl.ds(i * 16, 16)] = jnp.full((16,), 1.0, jnp.float32)
    for i in range((CHUNK + 8) // 16):
        stage_v[pl.ds(i * 16, 16)] = jnp.zeros((16,), jnp.float32)
    pltpu.sync_copy(stage_v.at[pl.ds(0, CHUNK)],
                    acc_sh.at[pl.ds(s * CHUNK, CHUNK)])
    plsc.subcore_barrier()
    pltpu.sync_copy(dst_hbm.at[w], dst_v)

    def body(g, carry):
        descs = [
            pltpu.async_copy(ones_v, acc_sh.at[dst_v.at[g * 8 + b]], sem,
                             add=True)
            for b in range(8)
        ]
        for d in descs:
            d.wait()
        return carry

    lax.fori_loop(0, K // 8, body, 0)
    plsc.subcore_barrier()
    pltpu.sync_copy(acc_sh.at[pl.ds(s * CHUNK, CHUNK)],
                    stage_v.at[pl.ds(0, CHUNK)])
    pltpu.sync_copy(stage_v.at[pl.ds(0, CHUNK)],
                    out_hbm.at[pl.ds(c * N_PAD + s * CHUNK, CHUNK)])


@functools.partial(
    pl.kernel,
    out_type=jax.ShapeDtypeStruct((NC, N_PAD, HID), jnp.float32),
    mesh=_MESH,
    scratch_types=[
        pltpu.VMEM((K // 2, LANES), jnp.int32),
        pltpu.VMEM((K // 2, LANES), jnp.int32),
        pltpu.VMEM((LANES, HID), jnp.float32),
        pltpu.VMEM((LANES, HID), jnp.float32),
        pltpu.VMEM_SHARED((N_PAD, HID), jnp.float32),
        pltpu.SemaphoreType.DMA,
        pltpu.SemaphoreType.DMA,
        pltpu.SemaphoreType.DMA,
        pltpu.SemaphoreType.DMA,
    ],
)
def _sc_scatter(tbl_hbm, src_hbm, dst_hbm, zero_hbm, out_hbm,
                src_v, dst_v, rows_a, rows_b, acc_sh, sga, sgb, ssa, ssb):
    c = lax.axis_index("c")
    s = lax.axis_index("s")
    w = s * NC + c
    pltpu.sync_copy(zero_hbm.at[pl.ds(s * CHUNK, CHUNK)],
                    acc_sh.at[pl.ds(s * CHUNK, CHUNK)])
    plsc.subcore_barrier()

    GRP = 10
    KP = K // 2
    bufs = (rows_a, rows_b)
    gsem = (sga, sgb)
    ssem = (ssa, ssb)

    def body(grp, carry):
        j0 = grp * GRP
        g = [None] * GRP
        sd = [None] * GRP
        g[0] = pltpu.async_copy(tbl_hbm.at[src_v.at[j0]], bufs[0], gsem[0])
        g[1] = pltpu.async_copy(tbl_hbm.at[src_v.at[j0 + 1]], bufs[1], gsem[1])
        for b in range(GRP):
            p = b % 2
            g[b].wait()
            sd[b] = pltpu.async_copy(bufs[p], acc_sh.at[dst_v.at[j0 + b]],
                                     ssem[p], add=True)
            if b + 2 < GRP:
                sd[b].wait()
                g[b + 2] = pltpu.async_copy(tbl_hbm.at[src_v.at[j0 + b + 2]],
                                            bufs[p], gsem[p])
        sd[GRP - 2].wait()
        sd[GRP - 1].wait()
        return carry

    for ph in range(2):
        pltpu.sync_copy(src_hbm.at[w, pl.ds(ph * KP, KP)], src_v)
        pltpu.sync_copy(dst_hbm.at[w, pl.ds(ph * KP, KP)], dst_v)
        lax.fori_loop(0, KP // GRP, body, 0)
    plsc.subcore_barrier()
    pltpu.sync_copy(acc_sh.at[pl.ds(s * CHUNK, CHUNK)],
                    out_hbm.at[c, pl.ds(s * CHUNK, CHUNK)])



def _tc_front_body(deg_ref, x_ref, wi_ref, w0_ref, dis_ref, hws_ref):
    p = deg_ref[...]
    deg_col = p[0, :, :1] + p[1, :, :1]
    dis = lax.rsqrt(1.0 + deg_col)
    dis_ref[...] = dis
    h0 = jnp.dot(x_ref[...], wi_ref[...], preferred_element_type=jnp.float32)
    hw = jnp.dot(h0, w0_ref[...], preferred_element_type=jnp.float32)
    hws_ref[...] = hw * dis[:N, :]


def _tc_mid_body(acc_ref, self_ref, dis_ref, b_ref, w_ref, out_ref):
    a = acc_ref[0, :N, :] + acc_ref[1, :N, :] + self_ref[...]
    dis = dis_ref[:N, :]
    h = jnp.maximum(a * dis + b_ref[...], 0.0)
    hw = jnp.dot(h, w_ref[...], preferred_element_type=jnp.float32)
    out_ref[...] = hw * dis


def _tc_out_body(acc_ref, self_ref, dis_ref, b_ref, w_ref, out_ref):
    a = acc_ref[0, :N, :] + acc_ref[1, :N, :] + self_ref[...]
    h = jnp.maximum(a * dis_ref[:N, :] + b_ref[...], 0.0)
    z = jnp.dot(h, w_ref[...], preferred_element_type=jnp.float32)
    m = jnp.max(z, axis=1, keepdims=True)
    lse = jnp.log(jnp.sum(jnp.exp(z - m), axis=1, keepdims=True))
    out_ref[...] = z - m - lse


def kernel(x, edge_index, W_in, W0, b0, W1, b1, W_out):
    src = edge_index[0]
    dst = edge_index[1]
    pad = E_PAD - E
    pad_ar = jnp.arange(pad, dtype=jnp.int32)
    pad_src = (pad_ar * 127) % N
    pad_dst = N + pad_ar % (N_PAD - N)
    src_b = jnp.concatenate([src, pad_src]).reshape(NW, K, LANES)
    dst_b = jnp.concatenate([dst, pad_dst]).reshape(NW, K, LANES)
    zeros2 = jnp.zeros((N_PAD, HID), jnp.float32)

    deg_p = _sc_degree(dst_b).reshape(NC, N_PAD, 1)

    dis, hw0 = pl.pallas_call(
        _tc_front_body,
        out_shape=(jax.ShapeDtypeStruct((N_PAD, 1), jnp.float32),
                   jax.ShapeDtypeStruct((N, HID), jnp.float32)),
    )(deg_p, x, W_in, W0)

    acc1 = _sc_scatter(hw0, src_b, dst_b, zeros2)

    hw1 = pl.pallas_call(
        _tc_mid_body,
        out_shape=jax.ShapeDtypeStruct((N, HID), jnp.float32),
    )(acc1, hw0, dis, b0.reshape(1, HID), W1)

    acc2 = _sc_scatter(hw1, src_b, dst_b, zeros2)

    out = pl.pallas_call(
        _tc_out_body,
        out_shape=jax.ShapeDtypeStruct((N, C), jnp.float32),
    )(acc2, hw1, dis, b1.reshape(1, HID), W_out)

    return out

# --- scband reference (transcript-rebuilt; emitter-appended) ---
"""Pipeline reference for scband-gcn-3702261809599 (READ-ONLY COPY).

The authoritative reference and input builder live on the scoring server;
editing this copy changes nothing except your own understanding.
"""

import jax, jax.numpy as jnp
import numpy as np

N = 10000
E = 320000
F_IN = 128
HID = 128
C = 64


def _glorot(key, shape):
    lim = float(np.sqrt(6.0 / (shape[0] + shape[1])))
    return jax.random.uniform(key, shape, minval=-lim, maxval=lim, dtype=jnp.float32)


def setup_inputs(seed: int = 0) -> dict:
    key = jax.random.key(seed)
    ks = jax.random.split(key, 8)
    x = jax.random.normal(ks[0], (N, F_IN), dtype=jnp.float32)
    edge_index = jax.random.randint(ks[1], (2, E), 0, N, dtype=jnp.int32)
    W_in = _glorot(ks[2], (F_IN, HID))
    W0 = _glorot(ks[3], (HID, HID))
    b0 = jnp.zeros((HID,), dtype=jnp.float32)
    W1 = _glorot(ks[4], (HID, HID))
    b1 = jnp.zeros((HID,), dtype=jnp.float32)
    W_out = _glorot(ks[5], (HID, C))
    return {"x": x, "edge_index": edge_index, "W_in": W_in, "W0": W0, "b0": b0, "W1": W1, "b1": b1, "W_out": W_out}


def _gcn_conv(h, src, dst, W, b):
    # h: [N, HID] node features (self-loops already appended to src/dst)
    n = h.shape[0]
    deg = jnp.zeros((n,), dtype=h.dtype).at[dst].add(1.0)
    dis = jnp.where(deg > 0, 1.0 / jnp.sqrt(deg), 0.0)
    norm = dis[src] * dis[dst]
    hw = h @ W
    msg = hw[src] * norm[:, None]
    out = jnp.zeros((n, W.shape[1]), dtype=h.dtype).at[dst].add(msg)
    return out + b


def reference(x, edge_index, W_in, W0, b0, W1, b1, W_out):
    n = x.shape[0]
    loop = jnp.arange(n, dtype=edge_index.dtype)
    src = jnp.concatenate([edge_index[0], loop])
    dst = jnp.concatenate([edge_index[1], loop])
    h = x @ W_in
    for W, b in ((W0, b0), (W1, b1)):
        h = _gcn_conv(h, src, dst, W, b)
        h = jax.nn.relu(h)
        # dropout is identity in eval mode
    out = h @ W_out
    return jax.nn.log_softmax(out, axis=1)

if __name__ == "__main__":
    import jax
    _d = setup_inputs()
    print(jax.jit(kernel)(*tuple(_d.values())))

</pallas_src>

<mosaic_0001>
#map = affine_map<(d0, d1) -> (0, 0)>
#map1 = affine_map<(d0, d1) -> (0, 0, 0)>
module attributes {stable_mosaic.version = 14 : i64} {
  func.func @_sc_scatter(%arg0: i32, %arg1: i32, %arg2: memref<10000x128xf32, #tpu.memory_space<hbm>>, %arg3: memref<32x80x128xi32, #tpu.memory_space<hbm>>, %arg4: memref<32x80x128xi32, #tpu.memory_space<hbm>>, %arg5: memref<10112x128xf32, #tpu.memory_space<hbm>>, %arg6: memref<2x10112x128xf32, #tpu.memory_space<hbm>>, %arg7: memref<40x128xi32, #tpu.memory_space<vmem>>, %arg8: memref<40x128xi32, #tpu.memory_space<vmem>>, %arg9: memref<128x128xf32, #tpu.memory_space<vmem>>, %arg10: memref<128x128xf32, #tpu.memory_space<vmem>>, %arg11: memref<10112x128xf32, #tpu.memory_space<vmem_shared>>, %arg12: memref<!tpu.dma_semaphore, #tpu.memory_space<semaphore_mem>>, %arg13: memref<!tpu.dma_semaphore, #tpu.memory_space<semaphore_mem>>, %arg14: memref<!tpu.dma_semaphore, #tpu.memory_space<semaphore_mem>>, %arg15: memref<!tpu.dma_semaphore, #tpu.memory_space<semaphore_mem>>) attributes {dimension_semantics = [#tpu.dimension_semantics<core_parallel>, #tpu.dimension_semantics<subcore_parallel>], iteration_bounds = array<i64: 2, 16>, scalar_prefetch = 0 : i64, scratch_operands = 9 : i64, tpu.core_type = #tpu.core_type<sc_vector_subcore>, window_params = [{transform_indices = #map}, {transform_indices = #map1}, {transform_indices = #map1}, {transform_indices = #map}, {transform_indices = #map1}]} {
    %mul3A = arith.constant 2 : i32
    %mul3A_0 = arith.muli %arg1, %mul3A : i32
    %add3A = arith.addi %mul3A_0, %arg0 : i32
    %mul3A_1 = arith.constant 632 : i32
    %mul3A_2 = arith.muli %arg1, %mul3A_1 : i32
    %mul3A_3 = arith.constant 632 : i32
    %mul3A_4 = arith.muli %arg1, %mul3A_3 : i32
    "tpu.region"() ({
      %run_scoped3A = tpu.sem_alloc : memref<!tpu.dma_semaphore, #tpu.memory_space<semaphore_mem>>
      %dma_start3A = arith.constant 0 : i32
      %dma_start3A_21 = tpu.memref_slice %arg11[%mul3A_4, %dma_start3A] : memref<10112x128xf32, #tpu.memory_space<vmem_shared>> -> memref<632x128xf32, #tpu.memory_space<vmem_shared>>
      %dma_start3A_22 = arith.constant 0 : i32
      %dma_start3A_23 = tpu.memref_slice %arg5[%mul3A_2, %dma_start3A_22] : memref<10112x128xf32, #tpu.memory_space<hbm>> -> memref<632x128xf32, #tpu.memory_space<hbm>>
      tpu.enqueue_dma source(%dma_start3A_23 : memref<632x128xf32, #tpu.memory_space<hbm>>) target(%dma_start3A_21 : memref<632x128xf32, #tpu.memory_space<vmem_shared>>) target_semaphore(%run_scoped3A : memref<!tpu.dma_semaphore, #tpu.memory_space<semaphore_mem>>)
      %dma_wait3A = arith.constant 0 : i32
      %dma_wait3A_24 = tpu.memref_slice %arg11[%mul3A_4, %dma_wait3A] : memref<10112x128xf32, #tpu.memory_space<vmem_shared>> -> memref<632x128xf32, #tpu.memory_space<vmem_shared>>
      %dma_wait3A_25 = arith.constant 0 : i32
      %dma_wait3A_26 = tpu.memref_slice %arg5[%mul3A_2, %dma_wait3A_25] : memref<10112x128xf32, #tpu.memory_space<hbm>> -> memref<632x128xf32, #tpu.memory_space<hbm>>
      tpu.wait_dma2 semaphore(%run_scoped3A : memref<!tpu.dma_semaphore, #tpu.memory_space<semaphore_mem>>) src(%dma_wait3A_26 : memref<632x128xf32, #tpu.memory_space<hbm>>) dst(%dma_wait3A_24 : memref<632x128xf32, #tpu.memory_space<vmem_shared>>)
      tpu.yield
    }) : () -> ()
    %barrier3A = arith.constant 0 : index
    tpu.barrier barrier_id(%barrier3A)
    "tpu.region"() ({
      %run_scoped3A = tpu.sem_alloc : memref<!tpu.dma_semaphore, #tpu.memory_space<semaphore_mem>>
      %dma_start3A = arith.constant 0 : i32
      %dma_start3A_21 = arith.constant 0 : i32
      %dma_start3A_22 = tpu.memref_slice %arg3[%add3A, %dma_start3A, %dma_start3A_21] : memref<32x80x128xi32, #tpu.memory_space<hbm>> -> memref<1x40x128xi32, #tpu.memory_space<hbm>>
      %dma_start3A_23 = tpu.memref_squeeze %dma_start3A_22 : memref<1x40x128xi32, #tpu.memory_space<hbm>> -> memref<40x128xi32, #tpu.memory_space<hbm>>
      %dma_start3A_24 = arith.constant 0 : i32
      %dma_start3A_25 = arith.constant 0 : i32
      %dma_start3A_26 = tpu.memref_slice %arg3[%add3A, %dma_start3A_24, %dma_start3A_25] : memref<32x80x128xi32, #tpu.memory_space<hbm>> -> memref<1x40x128xi32, #tpu.memory_space<hbm>>
      %dma_start3A_27 = tpu.memref_squeeze %dma_start3A_26 : memref<1x40x128xi32, #tpu.memory_space<hbm>> -> memref<40x128xi32, #tpu.memory_space<hbm>>
      tpu.enqueue_dma source(%dma_start3A_27 : memref<40x128xi32, #tpu.memory_space<hbm>>) target(%arg7 : memref<40x128xi32, #tpu.memory_space<vmem>>) target_semaphore(%run_scoped3A : memref<!tpu.dma_semaphore, #tpu.memory_space<semaphore_mem>>)
      %dma_wait3A = arith.constant 0 : i32
      %dma_wait3A_28 = arith.constant 0 : i32
      %dma_wait3A_29 = tpu.memref_slice %arg3[%add3A, %dma_wait3A, %dma_wait3A_28] : memref<32x80x128xi32, #tpu.memory_space<hbm>> -> memref<1x40x128xi32, #tpu.memory_space<hbm>>
      %dma_wait3A_30 = tpu.memref_squeeze %dma_wait3A_29 : memref<1x40x128xi32, #tpu.memory_space<hbm>> -> memref<40x128xi32, #tpu.memory_space<hbm>>
      %dma_wait3A_31 = arith.constant 0 : i32
      %dma_wait3A_32 = arith.constant 0 : i32
      %dma_wait3A_33 = tpu.memref_slice %arg3[%add3A, %dma_wait3A_31, %dma_wait3A_32] : memref<32x80x128xi32, #tpu.memory_space<hbm>> -> memref<1x40x128xi32, #tpu.memory_space<hbm>>
      %dma_wait3A_34 = tpu.memref_squeeze %dma_wait3A_33 : memref<1x40x128xi32, #tpu.memory_space<hbm>> -> memref<40x128xi32, #tpu.memory_space<hbm>>
      tpu.wait_dma2 semaphore(%run_scoped3A : memref<!tpu.dma_semaphore, #tpu.memory_space<semaphore_mem>>) src(%dma_wait3A_34 : memref<40x128xi32, #tpu.memory_space<hbm>>) dst(%arg7 : memref<40x128xi32, #tpu.memory_space<vmem>>)
      tpu.yield
    }) : () -> ()
    "tpu.region"() ({
      %run_scoped3A = tpu.sem_alloc : memref<!tpu.dma_semaphore, #tpu.memory_space<semaphore_mem>>
      %dma_start3A = arith.constant 0 : i32
      %dma_start3A_21 = arith.constant 0 : i32
      %dma_start3A_22 = tpu.memref_slice %arg4[%add3A, %dma_start3A, %dma_start3A_21] : memref<32x80x128xi32, #tpu.memory_space<hbm>> -> memref<1x40x128xi32, #tpu.memory_space<hbm>>
      %dma_start3A_23 = tpu.memref_squeeze %dma_start3A_22 : memref<1x40x128xi32, #tpu.memory_space<hbm>> -> memref<40x128xi32, #tpu.memory_space<hbm>>
      %dma_start3A_24 = arith.constant 0 : i32
      %dma_start3A_25 = arith.constant 0 : i32
      %dma_start3A_26 = tpu.memref_slice %arg4[%add3A, %dma_start3A_24, %dma_start3A_25] : memref<32x80x128xi32, #tpu.memory_space<hbm>> -> memref<1x40x128xi32, #tpu.memory_space<hbm>>
      %dma_start3A_27 = tpu.memref_squeeze %dma_start3A_26 : memref<1x40x128xi32, #tpu.memory_space<hbm>> -> memref<40x128xi32, #tpu.memory_space<hbm>>
      tpu.enqueue_dma source(%dma_start3A_27 : memref<40x128xi32, #tpu.memory_space<hbm>>) target(%arg8 : memref<40x128xi32, #tpu.memory_space<vmem>>) target_semaphore(%run_scoped3A : memref<!tpu.dma_semaphore, #tpu.memory_space<semaphore_mem>>)
      %dma_wait3A = arith.constant 0 : i32
      %dma_wait3A_28 = arith.constant 0 : i32
      %dma_wait3A_29 = tpu.memref_slice %arg4[%add3A, %dma_wait3A, %dma_wait3A_28] : memref<32x80x128xi32, #tpu.memory_space<hbm>> -> memref<1x40x128xi32, #tpu.memory_space<hbm>>
      %dma_wait3A_30 = tpu.memref_squeeze %dma_wait3A_29 : memref<1x40x128xi32, #tpu.memory_space<hbm>> -> memref<40x128xi32, #tpu.memory_space<hbm>>
      %dma_wait3A_31 = arith.constant 0 : i32
      %dma_wait3A_32 = arith.constant 0 : i32
      %dma_wait3A_33 = tpu.memref_slice %arg4[%add3A, %dma_wait3A_31, %dma_wait3A_32] : memref<32x80x128xi32, #tpu.memory_space<hbm>> -> memref<1x40x128xi32, #tpu.memory_space<hbm>>
      %dma_wait3A_34 = tpu.memref_squeeze %dma_wait3A_33 : memref<1x40x128xi32, #tpu.memory_space<hbm>> -> memref<40x128xi32, #tpu.memory_space<hbm>>
      tpu.wait_dma2 semaphore(%run_scoped3A : memref<!tpu.dma_semaphore, #tpu.memory_space<semaphore_mem>>) src(%dma_wait3A_34 : memref<40x128xi32, #tpu.memory_space<hbm>>) dst(%arg8 : memref<40x128xi32, #tpu.memory_space<vmem>>)
      tpu.yield
    }) : () -> ()
    %scan3A = arith.constant 0 : i32
    %scan3A_5 = arith.constant 0 : i32
    %scan3A_6 = arith.constant 4 : i32
    %scan3A_7 = arith.addi %scan3A_5, %scan3A_6 : i32
    %scan3A_8 = arith.constant 1 : i32
    scf.for %scan3A_21 = %scan3A_5 to %scan3A_7 step %scan3A_8  : i32 {
      %mul3A_22 = arith.constant 10 : i32
      %mul3A_23 = arith.muli %scan3A_21, %mul3A_22 : i32
      %dma_start3A = arith.constant 0 : i32
      %dma_start3A_24 = tpu.memref_slice %arg7[%mul3A_23, %dma_start3A] : memref<40x128xi32, #tpu.memory_space<vmem>> -> memref<1x128xi32, #tpu.memory_space<vmem>>
      %dma_start3A_25 = tpu.memref_squeeze %dma_start3A_24 : memref<1x128xi32, #tpu.memory_space<vmem>> -> memref<128xi32, #tpu.memory_space<vmem>>
      %dma_start3A_26 = arith.constant 0 : i32
      %dma_start3A_27 = arith.constant 0 : i32
      %dma_start3A_28 = tpu.memref_slice %arg2[%dma_start3A_26, %dma_start3A_27] : memref<10000x128xf32, #tpu.memory_space<hbm>> -> memref<10000x128xf32, #tpu.memory_space<hbm>>
      tpu.enqueue_indirect_dma source(%dma_start3A_28 : memref<10000x128xf32, #tpu.memory_space<hbm>>) target(%arg9 : memref<128x128xf32, #tpu.memory_space<vmem>>) offsets(%dma_start3A_25 : memref<128xi32, #tpu.memory_space<vmem>>) semaphore(%arg12 : memref<!tpu.dma_semaphore, #tpu.memory_space<semaphore_mem>>)
      %add3A_29 = arith.constant 1 : i32
      %add3A_30 = arith.addi %mul3A_23, %add3A_29 : i32
      %dma_start3A_31 = arith.constant 0 : i32
      %dma_start3A_32 = tpu.memref_slice %arg7[%add3A_30, %dma_start3A_31] : memref<40x128xi32, #tpu.memory_space<vmem>> -> memref<1x128xi32, #tpu.memory_space<vmem>>
      %dma_start3A_33 = tpu.memref_squeeze %dma_start3A_32 : memref<1x128xi32, #tpu.memory_space<vmem>> -> memref<128xi32, #tpu.memory_space<vmem>>
      %dma_start3A_34 = arith.constant 0 : i32
      %dma_start3A_35 = arith.constant 0 : i32
      %dma_start3A_36 = tpu.memref_slice %arg2[%dma_start3A_34, %dma_start3A_35] : memref<10000x128xf32, #tpu.memory_space<hbm>> -> memref<10000x128xf32, #tpu.memory_space<hbm>>
      tpu.enqueue_indirect_dma source(%dma_start3A_36 : memref<10000x128xf32, #tpu.memory_space<hbm>>) target(%arg10 : memref<128x128xf32, #tpu.memory_space<vmem>>) offsets(%dma_start3A_33 : memref<128xi32, #tpu.memory_space<vmem>>) semaphore(%arg13 : memref<!tpu.dma_semaphore, #tpu.memory_space<semaphore_mem>>)
      %dma_wait3A = arith.constant 0 : i32
      %dma_wait3A_37 = tpu.memref_slice %arg7[%mul3A_23, %dma_wait3A] : memref<40x128xi32, #tpu.memory_space<vmem>> -> memref<1x128xi32, #tpu.memory_space<vmem>>
      %dma_wait3A_38 = tpu.memref_squeeze %dma_wait3A_37 : memref<1x128xi32, #tpu.memory_space<vmem>> -> memref<128xi32, #tpu.memory_space<vmem>>
      %dma_wait3A_39 = arith.constant 0 : i32
      %dma_wait3A_40 = arith.constant 0 : i32
      %dma_wait3A_41 = tpu.memref_slice %arg2[%dma_wait3A_39, %dma_wait3A_40] : memref<10000x128xf32, #tpu.memory_space<hbm>> -> memref<10000x128xf32, #tpu.memory_space<hbm>>
      tpu.wait_indirect_dma semaphore(%arg12 : memref<!tpu.dma_semaphore, #tpu.memory_space<semaphore_mem>>) src(%dma_wait3A_41 : memref<10000x128xf32, #tpu.memory_space<hbm>>) dst(%arg9 : memref<128x128xf32, #tpu.memory_space<vmem>>)
      %add3A_42 = arith.constant 0 : i32
      %add3A_43 = arith.addi %mul3A_23, %add3A_42 : i32
      %dma_start3A_44 = arith.constant 0 : i32
      %dma_start3A_45 = tpu.memref_slice %arg8[%add3A_43, %dma_start3A_44] : memref<40x128xi32, #tpu.memory_space<vmem>> -> memref<1x128xi32, #tpu.memory_space<vmem>>
      %dma_start3A_46 = tpu.memref_squeeze %dma_start3A_45 : memref<1x128xi32, #tpu.memory_space<vmem>> -> memref<128xi32, #tpu.memory_space<vmem>>
      %dma_start3A_47 = arith.constant 0 : i32
      %dma_start3A_48 = arith.constant 0 : i32
      %dma_start3A_49 = tpu.memref_slice %arg11[%dma_start3A_47, %dma_start3A_48] : memref<10112x128xf32, #tpu.memory_space<vmem_shared>> -> memref<10112x128xf32, #tpu.memory_space<vmem_shared>>
      tpu.enqueue_indirect_dma source(%arg9 : memref<128x128xf32, #tpu.memory_space<vmem>>) target(%dma_start3A_49 : memref<10112x128xf32, #tpu.memory_space<vmem_shared>>) offsets(%dma_start3A_46 : memref<128xi32, #tpu.memory_space<vmem>>) semaphore(%arg14 : memref<!tpu.dma_semaphore, #tpu.memory_space<semaphore_mem>>) {add = true}
      %dma_wait3A_50 = arith.constant 0 : i32
      %dma_wait3A_51 = tpu.memref_slice %arg8[%add3A_43, %dma_wait3A_50] : memref<40x128xi32, #tpu.memory_space<vmem>> -> memref<1x128xi32, #tpu.memory_space<vmem>>
      %dma_wait3A_52 = tpu.memref_squeeze %dma_wait3A_51 : memref<1x128xi32, #tpu.memory_space<vmem>> -> memref<128xi32, #tpu.memory_space<vmem>>
      %dma_wait3A_53 = arith.constant 0 : i32
      %dma_wait3A_54 = arith.constant 0 : i32
      %dma_wait3A_55 = tpu.memref_slice %arg11[%dma_wait3A_53, %dma_wait3A_54] : memref<10112x128xf32, #tpu.memory_space<vmem_shared>> -> memref<10112x128xf32, #tpu.memory_space<vmem_shared>>
      tpu.wait_indirect_dma semaphore(%arg14 : memref<!tpu.dma_semaphore, #tpu.memory_space<semaphore_mem>>) src(%arg9 : memref<128x128xf32, #tpu.memory_space<vmem>>) dst(%dma_wait3A_55 : memref<10112x128xf32, #tpu.memory_space<vmem_shared>>)
      %add3A_56 = arith.constant 0 : i32
      %add3A_57 = arith.addi %mul3A_23, %add3A_56 : i32
      %add3A_58 = arith.constant 2 : i32
      %add3A_59 = arith.addi %add3A_57, %add3A_58 : i32
      %dma_start3A_60 = arith.constant 0 : i32
      %dma_start3A_61 = tpu.memref_slice %arg7[%add3A_59, %dma_start3A_60] : memref<40x128xi32, #tpu.memory_space<vmem>> -> memref<1x128xi32, #tpu.memory_space<vmem>>
      %dma_start3A_62 = tpu.memref_squeeze %dma_start3A_61 : memref<1x128xi32, #tpu.memory_space<vmem>> -> memref<128xi32, #tpu.memory_space<vmem>>
      %dma_start3A_63 = arith.constant 0 : i32
      %dma_start3A_64 = arith.constant 0 : i32
      %dma_start3A_65 = tpu.memref_slice %arg2[%dma_start3A_63, %dma_start3A_64] : memref<10000x128xf32, #tpu.memory_space<hbm>> -> memref<10000x128xf32, #tpu.memory_space<hbm>>
      tpu.enqueue_indirect_dma source(%dma_start3A_65 : memref<10000x128xf32, #tpu.memory_space<hbm>>) target(%arg9 : memref<128x128xf32, #tpu.memory_space<vmem>>) offsets(%dma_start3A_62 : memref<128xi32, #tpu.memory_space<vmem>>) semaphore(%arg12 : memref<!tpu.dma_semaphore, #tpu.memory_space<semaphore_mem>>)
      %dma_wait3A_66 = arith.constant 0 : i32
      %dma_wait3A_67 = tpu.memref_slice %arg7[%add3A_30, %dma_wait3A_66] : memref<40x128xi32, #tpu.memory_space<vmem>> -> memref<1x128xi32, #tpu.memory_space<vmem>>
      %dma_wait3A_68 = tpu.memref_squeeze %dma_wait3A_67 : memref<1x128xi32, #tpu.memory_space<vmem>> -> memref<128xi32, #tpu.memory_space<vmem>>
      %dma_wait3A_69 = arith.constant 0 : i32
      %dma_wait3A_70 = arith.constant 0 : i32
      %dma_wait3A_71 = tpu.memref_slice %arg2[%dma_wait3A_69, %dma_wait3A_70] : memref<10000x128xf32, #tpu.memory_space<hbm>> -> memref<10000x128xf32, #tpu.memory_space<hbm>>
      tpu.wait_indirect_dma semaphore(%arg13 : memref<!tpu.dma_semaphore, #tpu.memory_space<semaphore_mem>>) src(%dma_wait3A_71 : memref<10000x128xf32, #tpu.memory_space<hbm>>) dst(%arg10 : memref<128x128xf32, #tpu.memory_space<vmem>>)
      %add3A_72 = arith.constant 1 : i32
      %add3A_73 = arith.addi %mul3A_23, %add3A_72 : i32
      %dma_start3A_74 = arith.constant 0 : i32
      %dma_start3A_75 = tpu.memref_slice %arg8[%add3A_73, %dma_start3A_74] : memref<40x128xi32, #tpu.memory_space<vmem>> -> memref<1x128xi32, #tpu.memory_space<vmem>>
      %dma_start3A_76 = tpu.memref_squeeze %dma_start3A_75 : memref<1x128xi32, #tpu.memory_space<vmem>> -> memref<128xi32, #tpu.memory_space<vmem>>
      %dma_start3A_77 = arith.constant 0 : i32
      %dma_start3A_78 = arith.constant 0 : i32
      %dma_start3A_79 = tpu.memref_slice %arg11[%dma_start3A_77, %dma_start3A_78] : memref<10112x128xf32, #tpu.memory_space<vmem_shared>> -> memref<10112x128xf32, #tpu.memory_space<vmem_shared>>
      tpu.enqueue_indirect_dma source(%arg10 : memref<128x128xf32, #tpu.memory_space<vmem>>) target(%dma_start3A_79 : memref<10112x128xf32, #tpu.memory_space<vmem_shared>>) offsets(%dma_start3A_76 : memref<128xi32, #tpu.memory_space<vmem>>) semaphore(%arg15 : memref<!tpu.dma_semaphore, #tpu.memory_space<semaphore_mem>>) {add = true}
      %dma_wait3A_80 = arith.constant 0 : i32
      %dma_wait3A_81 = tpu.memref_slice %arg8[%add3A_73, %dma_wait3A_80] : memref<40x128xi32, #tpu.memory_space<vmem>> -> memref<1x128xi32, #tpu.memory_space<vmem>>
      %dma_wait3A_82 = tpu.memref_squeeze %dma_wait3A_81 : memref<1x128xi32, #tpu.memory_space<vmem>> -> memref<128xi32, #tpu.memory_space<vmem>>
      %dma_wait3A_83 = arith.constant 0 : i32
      %dma_wait3A_84 = arith.constant 0 : i32
      %dma_wait3A_85 = tpu.memref_slice %arg11[%dma_wait3A_83, %dma_wait3A_84] : memref<10112x128xf32, #tpu.memory_space<vmem_shared>> -> memref<10112x128xf32, #tpu.memory_space<vmem_shared>>
      tpu.wait_indirect_dma semaphore(%arg15 : memref<!tpu.dma_semaphore, #tpu.memory_space<semaphore_mem>>) src(%arg10 : memref<128x128xf32, #tpu.memory_space<vmem>>) dst(%dma_wait3A_85 : memref<10112x128xf32, #tpu.memory_space<vmem_shared>>)
      %add3A_86 = arith.constant 1 : i32
      %add3A_87 = arith.addi %mul3A_23, %add3A_86 : i32
      %add3A_88 = arith.constant 2 : i32
      %add3A_89 = arith.addi %add3A_87, %add3A_88 : i32
      %dma_start3A_90 = arith.constant 0 : i32
      %dma_start3A_91 = tpu.memref_slice %arg7[%add3A_89, %dma_start3A_90] : memref<40x128xi32, #tpu.memory_space<vmem>> -> memref<1x128xi32, #tpu.memory_space<vmem>>
      %dma_start3A_92 = tpu.memref_squeeze %dma_start3A_91 : memref<1x128xi32, #tpu.memory_space<vmem>> -> memref<128xi32, #tpu.memory_space<vmem>>
      %dma_start3A_93 = arith.constant 0 : i32
      %dma_start3A_94 = arith.constant 0 : i32
      %dma_start3A_95 = tpu.memref_slice %arg2[%dma_start3A_93, %dma_start3A_94] : memref<10000x128xf32, #tpu.memory_space<hbm>> -> memref<10000x128xf32, #tpu.memory_space<hbm>>
      tpu.enqueue_indirect_dma source(%dma_start3A_95 : memref<10000x128xf32, #tpu.memory_space<hbm>>) target(%arg10 : memref<128x128xf32, #tpu.memory_space<vmem>>) offsets(%dma_start3A_92 : memref<128xi32, #tpu.memory_space<vmem>>) semaphore(%arg13 : memref<!tpu.dma_semaphore, #tpu.memory_space<semaphore_mem>>)
      %dma_wait3A_96 = arith.constant 0 : i32
      %dma_wait3A_97 = tpu.memref_slice %arg7[%add3A_59, %dma_wait3A_96] : memref<40x128xi32, #tpu.memory_space<vmem>> -> memref<1x128xi32, #tpu.memory_space<vmem>>
      %dma_wait3A_98 = tpu.memref_squeeze %dma_wait3A_97 : memref<1x128xi32, #tpu.memory_space<vmem>> -> memref<128xi32, #tpu.memory_space<vmem>>
      %dma_wait3A_99 = arith.constant 0 : i32
      %dma_wait3A_100 = arith.constant 0 : i32
      %dma_wait3A_101 = tpu.memref_slice %arg2[%dma_wait3A_99, %dma_wait3A_100] : memref<10000x128xf32, #tpu.memory_space<hbm>> -> memref<10000x128xf32, #tpu.memory_space<hbm>>
      tpu.wait_indirect_dma semaphore(%arg12 : memref<!tpu.dma_semaphore, #tpu.memory_space<semaphore_mem>>) src(%dma_wait3A_101 : memref<10000x128xf32, #tpu.memory_space<hbm>>) dst(%arg9 : memref<128x128xf32, #tpu.memory_space<vmem>>)
      %add3A_102 = arith.constant 2 : i32
      %add3A_103 = arith.addi %mul3A_23, %add3A_102 : i32
      %dma_start3A_104 = arith.constant 0 : i32
      %dma_start3A_105 = tpu.memref_slice %arg8[%add3A_103, %dma_start3A_104] : memref<40x128xi32, #tpu.memory_space<vmem>> -> memref<1x128xi32, #tpu.memory_space<vmem>>
      %dma_start3A_106 = tpu.memref_squeeze %dma_start3A_105 : memref<1x128xi32, #tpu.memory_space<vmem>> -> memref<128xi32, #tpu.memory_space<vmem>>
      %dma_start3A_107 = arith.constant 0 : i32
      %dma_start3A_108 = arith.constant 0 : i32
      %dma_start3A_109 = tpu.memref_slice %arg11[%dma_start3A_107, %dma_start3A_108] : memref<10112x128xf32, #tpu.memory_space<vmem_shared>> -> memref<10112x128xf32, #tpu.memory_space<vmem_shared>>
      tpu.enqueue_indirect_dma source(%arg9 : memref<128x128xf32, #tpu.memory_space<vmem>>) target(%dma_start3A_109 : memref<10112x128xf32, #tpu.memory_space<vmem_shared>>) offsets(%dma_start3A_106 : memref<128xi32, #tpu.memory_space<vmem>>) semaphore(%arg14 : memref<!tpu.dma_semaphore, #tpu.memory_space<semaphore_mem>>) {add = true}
      %dma_wait3A_110 = arith.constant 0 : i32
      %dma_wait3A_111 = tpu.memref_slice %arg8[%add3A_103, %dma_wait3A_110] : memref<40x128xi32, #tpu.memory_space<vmem>> -> memref<1x128xi32, #tpu.memory_space<vmem>>
      %dma_wait3A_112 = tpu.memref_squeeze %dma_wait3A_111 : memref<1x128xi32, #tpu.memory_space<vmem>> -> memref<128xi32, #tpu.memory_space<vmem>>
      %dma_wait3A_113 = arith.constant 0 : i32
      %dma_wait3A_114 = arith.constant 0 : i32
      %dma_wait3A_115 = tpu.memref_slice %arg11[%dma_wait3A_113, %dma_wait3A_114] : memref<10112x128xf32, #tpu.memory_space<vmem_shared>> -> memref<10112x128xf32, #tpu.memory_space<vmem_shared>>
      tpu.wait_indirect_dma semaphore(%arg14 : memref<!tpu.dma_semaphore, #tpu.memory_space<semaphore_mem>>) src(%arg9 : memref<128x128xf32, #tpu.memory_space<vmem>>) dst(%dma_wait3A_115 : memref<10112x128xf32, #tpu.memory_space<vmem_shared>>)
      %add3A_116 = arith.constant 2 : i32
      %add3A_117 = arith.addi %mul3A_23, %add3A_116 : i32
      %add3A_118 = arith.constant 2 : i32
      %add3A_119 = arith.addi %add3A_117, %add3A_118 : i32
      %dma_start3A_120 = arith.constant 0 : i32
      %dma_start3A_121 = tpu.memref_slice %arg7[%add3A_119, %dma_start3A_120] : memref<40x128xi32, #tpu.memory_space<vmem>> -> memref<1x128xi32, #tpu.memory_space<vmem>>
      %dma_start3A_122 = tpu.memref_squeeze %dma_start3A_121 : memref<1x128xi32, #tpu.memory_space<vmem>> -> memref<128xi32, #tpu.memory_space<vmem>>
      %dma_start3A_123 = arith.constant 0 : i32
      %dma_start3A_124 = arith.constant 0 : i32
      %dma_start3A_125 = tpu.memref_slice %arg2[%dma_start3A_123, %dma_start3A_124] : memref<10000x128xf32, #tpu.memory_space<hbm>> -> memref<10000x128xf32, #tpu.memory_space<hbm>>
      tpu.enqueue_indirect_dma source(%dma_start3A_125 : memref<10000x128xf32, #tpu.memory_space<hbm>>) target(%arg9 : memref<128x128xf32, #tpu.memory_space<vmem>>) offsets(%dma_start3A_122 : memref<128xi32, #tpu.memory_space<vmem>>) semaphore(%arg12 : memref<!tpu.dma_semaphore, #tpu.memory_space<semaphore_mem>>)
      %dma_wait3A_126 = arith.constant 0 : i32
      %dma_wait3A_127 = tpu.memref_slice %arg7[%add3A_89, %dma_wait3A_126] : memref<40x128xi32, #tpu.memory_space<vmem>> -> memref<1x128xi32, #tpu.memory_space<vmem>>
      %dma_wait3A_128 = tpu.memref_squeeze %dma_wait3A_127 : memref<1x128xi32, #tpu.memory_space<vmem>> -> memref<128xi32, #tpu.memory_space<vmem>>
      %dma_wait3A_129 = arith.constant 0 : i32
      %dma_wait3A_130 = arith.constant 0 : i32
      %dma_wait3A_131 = tpu.memref_slice %arg2[%dma_wait3A_129, %dma_wait3A_130] : memref<10000x128xf32, #tpu.memory_space<hbm>> -> memref<10000x128xf32, #tpu.memory_space<hbm>>
      tpu.wait_indirect_dma semaphore(%arg13 : memref<!tpu.dma_semaphore, #tpu.memory_space<semaphore_mem>>) src(%dma_wait3A_131 : memref<10000x128xf32, #tpu.memory_space<hbm>>) dst(%arg10 : memref<128x128xf32, #tpu.memory_space<vmem>>)
      %add3A_132 = arith.constant 3 : i32
      %add3A_133 = arith.addi %mul3A_23, %add3A_132 : i32
      %dma_start3A_134 = arith.constant 0 : i32
      %dma_start3A_135 = tpu.memref_slice %arg8[%add3A_133, %dma_start3A_134] : memref<40x128xi32, #tpu.memory_space<vmem>> -> memref<1x128xi32, #tpu.memory_space<vmem>>
      %dma_start3A_136 = tpu.memref_squeeze %dma_start3A_135 : memref<1x128xi32, #tpu.memory_space<vmem>> -> memref<128xi32, #tpu.memory_space<vmem>>
      %dma_start3A_137 = arith.constant 0 : i32
      %dma_start3A_138 = arith.constant 0 : i32
      %dma_start3A_139 = tpu.memref_slice %arg11[%dma_start3A_137, %dma_start3A_138] : memref<10112x128xf32, #tpu.memory_space<vmem_shared>> -> memref<10112x128xf32, #tpu.memory_space<vmem_shared>>
      tpu.enqueue_indirect_dma source(%arg10 : memref<128x128xf32, #tpu.memory_space<vmem>>) target(%dma_start3A_139 : memref<10112x128xf32, #tpu.memory_space<vmem_shared>>) offsets(%dma_start3A_136 : memref<128xi32, #tpu.memory_space<vmem>>) semaphore(%arg15 : memref<!tpu.dma_semaphore, #tpu.memory_space<semaphore_mem>>) {add = true}
      %dma_wait3A_140 = arith.constant 0 : i32
      %dma_wait3A_141 = tpu.memref_slice %arg8[%add3A_133, %dma_wait3A_140] : memref<40x128xi32, #tpu.memory_space<vmem>> -> memref<1x128xi32, #tpu.memory_space<vmem>>
      %dma_wait3A_142 = tpu.memref_squeeze %dma_wait3A_141 : memref<1x128xi32, #tpu.memory_space<vmem>> -> memref<128xi32, #tpu.memory_space<vmem>>
      %dma_wait3A_143 = arith.constant 0 : i32
      %dma_wait3A_144 = arith.constant 0 : i32
      %dma_wait3A_145 = tpu.memref_slice %arg11[%dma_wait3A_143, %dma_wait3A_144] : memref<10112x128xf32, #tpu.memory_space<vmem_shared>> -> memref<10112x128xf32, #tpu.memory_space<vmem_shared>>
      tpu.wait_indirect_dma semaphore(%arg15 : memref<!tpu.dma_semaphore, #tpu.memory_space<semaphore_mem>>) src(%arg10 : memref<128x128xf32, #tpu.memory_space<vmem>>) dst(%dma_wait3A_145 : memref<10112x128xf32, #tpu.memory_space<vmem_shared>>)
      %add3A_146 = arith.constant 3 : i32
      %add3A_147 = arith.addi %mul3A_23, %add3A_146 : i32
      %add3A_148 = arith.constant 2 : i32
      %add3A_149 = arith.addi %add3A_147, %add3A_148 : i32
      %dma_start3A_150 = arith.constant 0 : i32
      %dma_start3A_151 = tpu.memref_slice %arg7[%add3A_149, %dma_start3A_150] : memref<40x128xi32, #tpu.memory_space<vmem>> -> memref<1x128xi32, #tpu.memory_space<vmem>>
      %dma_start3A_152 = tpu.memref_squeeze %dma_start3A_151 : memref<1x128xi32, #tpu.memory_space<vmem>> -> memref<128xi32, #tpu.memory_space<vmem>>
      %dma_start3A_153 = arith.constant 0 : i32
      %dma_start3A_154 = arith.constant 0 : i32
      %dma_start3A_155 = tpu.memref_slice %arg2[%dma_start3A_153, %dma_start3A_154] : memref<10000x128xf32, #tpu.memory_space<hbm>> -> memref<10000x128xf32, #tpu.memory_space<hbm>>
      tpu.enqueue_indirect_dma source(%dma_start3A_155 : memref<10000x128xf32, #tpu.memory_space<hbm>>) target(%arg10 : memref<128x128xf32, #tpu.memory_space<vmem>>) offsets(%dma_start3A_152 : memref<128xi32, #tpu.memory_space<vmem>>) semaphore(%arg13 : memref<!tpu.dma_semaphore, #tpu.memory_space<semaphore_mem>>)
      %dma_wait3A_156 = arith.constant 0 : i32
      %dma_wait3A_157 = tpu.memref_slice %arg7[%add3A_119, %dma_wait3A_156] : memref<40x128xi32, #tpu.memory_space<vmem>> -> memref<1x128xi32, #tpu.memory_space<vmem>>
      %dma_wait3A_158 = tpu.memref_squeeze %dma_wait3A_157 : memref<1x128xi32, #tpu.memory_space<vmem>> -> memref<128xi32, #tpu.memory_space<vmem>>
      %dma_wait3A_159 = arith.constant 0 : i32
      %dma_wait3A_160 = arith.constant 0 : i32
      %dma_wait3A_161 = tpu.memref_slice %arg2[%dma_wait3A_159, %dma_wait3A_160] : memref<10000x128xf32, #tpu.memory_space<hbm>> -> memref<10000x128xf32, #tpu.memory_space<hbm>>
      tpu.wait_indirect_dma semaphore(%arg12 : memref<!tpu.dma_semaphore, #tpu.memory_space<semaphore_mem>>) src(%dma_wait3A_161 : memref<10000x128xf32, #tpu.memory_space<hbm>>) dst(%arg9 : memref<128x128xf32, #tpu.memory_space<vmem>>)
      %add3A_162 = arith.constant 4 : i32
      %add3A_163 = arith.addi %mul3A_23, %add3A_162 : i32
      %dma_start3A_164 = arith.constant 0 : i32
      %dma_start3A_165 = tpu.memref_slice %arg8[%add3A_163, %dma_start3A_164] : memref<40x128xi32, #tpu.memory_space<vmem>> -> memref<1x128xi32, #tpu.memory_space<vmem>>
      %dma_start3A_166 = tpu.memref_squeeze %dma_start3A_165 : memref<1x128xi32, #tpu.memory_space<vmem>> -> memref<128xi32, #tpu.memory_space<vmem>>
      %dma_start3A_167 = arith.constant 0 : i32
      %dma_start3A_168 = arith.constant 0 : i32
      %dma_start3A_169 = tpu.memref_slice %arg11[%dma_start3A_167, %dma_start3A_168] : memref<10112x128xf32, #tpu.memory_space<vmem_shared>> -> memref<10112x128xf32, #tpu.memory_space<vmem_shared>>
      tpu.enqueue_indirect_dma source(%arg9 : memref<128x128xf32, #tpu.memory_space<vmem>>) target(%dma_start3A_169 : memref<10112x128xf32, #tpu.memory_space<vmem_shared>>) offsets(%dma_start3A_166 : memref<128xi32, #tpu.memory_space<vmem>>) semaphore(%arg14 : memref<!tpu.dma_semaphore, #tpu.memory_space<semaphore_mem>>) {add = true}
      %dma_wait3A_170 = arith.constant 0 : i32
      %dma_wait3A_171 = tpu.memref_slice %arg8[%add3A_163, %dma_wait3A_170] : memref<40x128xi32, #tpu.memory_space<vmem>> -> memref<1x128xi32, #tpu.memory_space<vmem>>
      %dma_wait3A_172 = tpu.memref_squeeze %dma_wait3A_171 : memref<1x128xi32, #tpu.memory_space<vmem>> -> memref<128xi32, #tpu.memory_space<vmem>>
      %dma_wait3A_173 = arith.constant 0 : i32
      %dma_wait3A_174 = arith.constant 0 : i32
      %dma_wait3A_175 = tpu.memref_slice %arg11[%dma_wait3A_173, %dma_wait3A_174] : memref<10112x128xf32, #tpu.memory_space<vmem_shared>> -> memref<10112x128xf32, #tpu.memory_space<vmem_shared>>
      tpu.wait_indirect_dma semaphore(%arg14 : memref<!tpu.dma_semaphore, #tpu.memory_space<semaphore_mem>>) src(%arg9 : memref<128x128xf32, #tpu.memory_space<vmem>>) dst(%dma_wait3A_175 : memref<10112x128xf32, #tpu.memory_space<vmem_shared>>)
      %add3A_176 = arith.constant 4 : i32
      %add3A_177 = arith.addi %mul3A_23, %add3A_176 : i32
      %add3A_178 = arith.constant 2 : i32
      %add3A_179 = arith.addi %add3A_177, %add3A_178 : i32
      %dma_start3A_180 = arith.constant 0 : i32
      %dma_start3A_181 = tpu.memref_slice %arg7[%add3A_179, %dma_start3A_180] : memref<40x128xi32, #tpu.memory_space<vmem>> -> memref<1x128xi32, #tpu.memory_space<vmem>>
      %dma_start3A_182 = tpu.memref_squeeze %dma_start3A_181 : memref<1x128xi32, #tpu.memory_space<vmem>> -> memref<128xi32, #tpu.memory_space<vmem>>
      %dma_start3A_183 = arith.constant 0 : i32
      %dma_start3A_184 = arith.constant 0 : i32
      %dma_start3A_185 = tpu.memref_slice %arg2[%dma_start3A_183, %dma_start3A_184] : memref<10000x128xf32, #tpu.memory_space<hbm>> -> memref<10000x128xf32, #tpu.memory_space<hbm>>
      tpu.enqueue_indirect_dma source(%dma_start3A_185 : memref<10000x128xf32, #tpu.memory_space<hbm>>) target(%arg9 : memref<128x128xf32, #tpu.memory_space<vmem>>) offsets(%dma_start3A_182 : memref<128xi32, #tpu.memory_space<vmem>>) semaphore(%arg12 : memref<!tpu.dma_semaphore, #tpu.memory_space<semaphore_mem>>)
      %dma_wait3A_186 = arith.constant 0 : i32
      %dma_wait3A_187 = tpu.memref_slice %arg7[%add3A_149, %dma_wait3A_186] : memref<40x128xi32, #tpu.memory_space<vmem>> -> memref<1x128xi32, #tpu.memory_space<vmem>>
      %dma_wait3A_188 = tpu.memref_squeeze %dma_wait3A_187 : memref<1x128xi32, #tpu.memory_space<vmem>> -> memref<128xi32, #tpu.memory_space<vmem>>
      %dma_wait3A_189 = arith.constant 0 : i32
      %dma_wait3A_190 = arith.constant 0 : i32
      %dma_wait3A_191 = tpu.memref_slice %arg2[%dma_wait3A_189, %dma_wait3A_190] : memref<10000x128xf32, #tpu.memory_space<hbm>> -> memref<10000x128xf32, #tpu.memory_space<hbm>>
      tpu.wait_indirect_dma semaphore(%arg13 : memref<!tpu.dma_semaphore, #tpu.memory_space<semaphore_mem>>) src(%dma_wait3A_191 : memref<10000x128xf32, #tpu.memory_space<hbm>>) dst(%arg10 : memref<128x128xf32, #tpu.memory_space<vmem>>)
      %add3A_192 = arith.constant 5 : i32
      %add3A_193 = arith.addi %mul3A_23, %add3A_192 : i32
      %dma_start3A_194 = arith.constant 0 : i32
      %dma_start3A_195 = tpu.memref_slice %arg8[%add3A_193, %dma_start3A_194] : memref<40x128xi32, #tpu.memory_space<vmem>> -> memref<1x128xi32, #tpu.memory_space<vmem>>
      %dma_start3A_196 = tpu.memref_squeeze %dma_start3A_195 : memref<1x128xi32, #tpu.memory_space<vmem>> -> memref<128xi32, #tpu.memory_space<vmem>>
      %dma_start3A_197 = arith.constant 0 : i32
      %dma_start3A_198 = arith.constant 0 : i32
      %dma_start3A_199 = tpu.memref_slice %arg11[%dma_start3A_197, %dma_start3A_198] : memref<10112x128xf32, #tpu.memory_space<vmem_shared>> -> memref<10112x128xf32, #tpu.memory_space<vmem_shared>>
      tpu.enqueue_indirect_dma source(%arg10 : memref<128x128xf32, #tpu.memory_space<vmem>>) target(%dma_start3A_199 : memref<10112x128xf32, #tpu.memory_space<vmem_shared>>) offsets(%dma_start3A_196 : memref<128xi32, #tpu.memory_space<vmem>>) semaphore(%arg15 : memref<!tpu.dma_semaphore, #tpu.memory_space<semaphore_mem>>) {add = true}
      %dma_wait3A_200 = arith.constant 0 : i32
      %dma_wait3A_201 = tpu.memref_slice %arg8[%add3A_193, %dma_wait3A_200] : memref<40x128xi32, #tpu.memory_space<vmem>> -> memref<1x128xi32, #tpu.memory_space<vmem>>
      %dma_wait3A_202 = tpu.memref_squeeze %dma_wait3A_201 : memref<1x128xi32, #tpu.memory_space<vmem>> -> memref<128xi32, #tpu.memory_space<vmem>>
      %dma_wait3A_203 = arith.constant 0 : i32
      %dma_wait3A_204 = arith.constant 0 : i32
      %dma_wait3A_205 = tpu.memref_slice %arg11[%dma_wait3A_203, %dma_wait3A_204] : memref<10112x128xf32, #tpu.memory_space<vmem_shared>> -> memref<10112x128xf32, #tpu.memory_space<vmem_shared>>
      tpu.wait_indirect_dma semaphore(%arg15 : memref<!tpu.dma_semaphore, #tpu.memory_space<semaphore_mem>>) src(%arg10 : memref<128x128xf32, #tpu.memory_space<vmem>>) dst(%dma_wait3A_205 : memref<10112x128xf32, #tpu.memory_space<vmem_shared>>)
      %add3A_206 = arith.constant 5 : i32
      %add3A_207 = arith.addi %mul3A_23, %add3A_206 : i32
      %add3A_208 = arith.constant 2 : i32
      %add3A_209 = arith.addi %add3A_207, %add3A_208 : i32
      %dma_start3A_210 = arith.constant 0 : i32
      %dma_start3A_211 = tpu.memref_slice %arg7[%add3A_209, %dma_start3A_210] : memref<40x128xi32, #tpu.memory_space<vmem>> -> memref<1x128xi32, #tpu.memory_space<vmem>>
      %dma_start3A_212 = tpu.memref_squeeze %dma_start3A_211 : memref<1x128xi32, #tpu.memory_space<vmem>> -> memref<128xi32, #tpu.memory_space<vmem>>
      %dma_start3A_213 = arith.constant 0 : i32
      %dma_start3A_214 = arith.constant 0 : i32
      %dma_start3A_215 = tpu.memref_slice %arg2[%dma_start3A_213, %dma_start3A_214] : memref<10000x128xf32, #tpu.memory_space<hbm>> -> memref<10000x128xf32, #tpu.memory_space<hbm>>
      tpu.enqueue_indirect_dma source(%dma_start3A_215 : memref<10000x128xf32, #tpu.memory_space<hbm>>) target(%arg10 : memref<128x128xf32, #tpu.memory_space<vmem>>) offsets(%dma_start3A_212 : memref<128xi32, #tpu.memory_space<vmem>>) semaphore(%arg13 : memref<!tpu.dma_semaphore, #tpu.memory_space<semaphore_mem>>)
      %dma_wait3A_216 = arith.constant 0 : i32
      %dma_wait3A_217 = tpu.memref_slice %arg7[%add3A_179, %dma_wait3A_216] : memref<40x128xi32, #tpu.memory_space<vmem>> -> memref<1x128xi32, #tpu.memory_space<vmem>>
      %dma_wait3A_218 = tpu.memref_squeeze %dma_wait3A_217 : memref<1x128xi32, #tpu.memory_space<vmem>> -> memref<128xi32, #tpu.memory_space<vmem>>
      %dma_wait3A_219 = arith.constant 0 : i32
      %dma_wait3A_220 = arith.constant 0 : i32
      %dma_wait3A_221 = tpu.memref_slice %arg2[%dma_wait3A_219, %dma_wait3A_220] : memref<10000x128xf32, #tpu.memory_space<hbm>> -> memref<10000x128xf32, #tpu.memory_space<hbm>>
      tpu.wait_indirect_dma semaphore(%arg12 : memref<!tpu.dma_semaphore, #tpu.memory_space<semaphore_mem>>) src(%dma_wait3A_221 : memref<10000x128xf32, #tpu.memory_space<hbm>>) dst(%arg9 : memref<128x128xf32, #tpu.memory_space<vmem>>)
      %add3A_222 = arith.constant 6 : i32
      %add3A_223 = arith.addi %mul3A_23, %add3A_222 : i32
      %dma_start3A_224 = arith.constant 0 : i32
      %dma_start3A_225 = tpu.memref_slice %arg8[%add3A_223, %dma_start3A_224] : memref<40x128xi32, #tpu.memory_space<vmem>> -> memref<1x128xi32, #tpu.memory_space<vmem>>
      %dma_start3A_226 = tpu.memref_squeeze %dma_start3A_225 : memref<1x128xi32, #tpu.memory_space<vmem>> -> memref<128xi32, #tpu.memory_space<vmem>>
      %dma_start3A_227 = arith.constant 0 : i32
      %dma_start3A_228 = arith.constant 0 : i32
      %dma_start3A_229 = tpu.memref_slice %arg11[%dma_start3A_227, %dma_start3A_228] : memref<10112x128xf32, #tpu.memory_space<vmem_shared>> -> memref<10112x128xf32, #tpu.memory_space<vmem_shared>>
      tpu.enqueue_indirect_dma source(%arg9 : memref<128x128xf32, #tpu.memory_space<vmem>>) target(%dma_start3A_229 : memref<10112x128xf32, #tpu.memory_space<vmem_shared>>) offsets(%dma_start3A_226 : memref<128xi32, #tpu.memory_space<vmem>>) semaphore(%arg14 : memref<!tpu.dma_semaphore, #tpu.memory_space<semaphore_mem>>) {add = true}
      %dma_wait3A_230 = arith.constant 0 : i32
      %dma_wait3A_231 = tpu.memref_slice %arg8[%add3A_223, %dma_wait3A_230] : memref<40x128xi32, #tpu.memory_space<vmem>> -> memref<1x128xi32, #tpu.memory_space<vmem>>
      %dma_wait3A_232 = tpu.memref_squeeze %dma_wait3A_231 : memref<1x128xi32, #tpu.memory_space<vmem>> -> memref<128xi32, #tpu.memory_space<vmem>>
      %dma_wait3A_233 = arith.constant 0 : i32
      %dma_wait3A_234 = arith.constant 0 : i32
      %dma_wait3A_235 = tpu.memref_slice %arg11[%dma_wait3A_233, %dma_wait3A_234] : memref<10112x128xf32, #tpu.memory_space<vmem_shared>> -> memref<10112x128xf32, #tpu.memory_space<vmem_shared>>
      tpu.wait_indirect_dma semaphore(%arg14 : memref<!tpu.dma_semaphore, #tpu.memory_space<semaphore_mem>>) src(%arg9 : memref<128x128xf32, #tpu.memory_space<vmem>>) dst(%dma_wait3A_235 : memref<10112x128xf32, #tpu.memory_space<vmem_shared>>)
      %add3A_236 = arith.constant 6 : i32
      %add3A_237 = arith.addi %mul3A_23, %add3A_236 : i32
      %add3A_238 = arith.constant 2 : i32
      %add3A_239 = arith.addi %add3A_237, %add3A_238 : i32
      %dma_start3A_240 = arith.constant 0 : i32
      %dma_start3A_241 = tpu.memref_slice %arg7[%add3A_239, %dma_start3A_240] : memref<40x128xi32, #tpu.memory_space<vmem>> -> memref<1x128xi32, #tpu.memory_space<vmem>>
      %dma_start3A_242 = tpu.memref_squeeze %dma_start3A_241 : memref<1x128xi32, #tpu.memory_space<vmem>> -> memref<128xi32, #tpu.memory_space<vmem>>
      %dma_start3A_243 = arith.constant 0 : i32
      %dma_start3A_244 = arith.constant 0 : i32
      %dma_start3A_245 = tpu.memref_slice %arg2[%dma_start3A_243, %dma_start3A_244] : memref<10000x128xf32, #tpu.memory_space<hbm>> -> memref<10000x128xf32, #tpu.memory_space<hbm>>
      tpu.enqueue_indirect_dma source(%dma_start3A_245 : memref<10000x128xf32, #tpu.memory_space<hbm>>) target(%arg9 : memref<128x128xf32, #tpu.memory_space<vmem>>) offsets(%dma_start3A_242 : memref<128xi32, #tpu.memory_space<vmem>>) semaphore(%arg12 : memref<!tpu.dma_semaphore, #tpu.memory_space<semaphore_mem>>)
      %dma_wait3A_246 = arith.constant 0 : i32
      %dma_wait3A_247 = tpu.memref_slice %arg7[%add3A_209, %dma_wait3A_246] : memref<40x128xi32, #tpu.memory_space<vmem>> -> memref<1x128xi32, #tpu.memory_space<vmem>>
      %dma_wait3A_248 = tpu.memref_squeeze %dma_wait3A_247 : memref<1x128xi32, #tpu.memory_space<vmem>> -> memref<128xi32, #tpu.memory_space<vmem>>
      %dma_wait3A_249 = arith.constant 0 : i32
      %dma_wait3A_250 = arith.constant 0 : i32
      %dma_wait3A_251 = tpu.memref_slice %arg2[%dma_wait3A_249, %dma_wait3A_250] : memref<10000x128xf32, #tpu.memory_space<hbm>> -> memref<10000x128xf32, #tpu.memory_space<hbm>>
      tpu.wait_indirect_dma semaphore(%arg13 : memref<!tpu.dma_semaphore, #tpu.memory_space<semaphore_mem>>) src(%dma_wait3A_251 : memref<10000x128xf32, #tpu.memory_space<hbm>>) dst(%arg10 : memref<128x128xf32, #tpu.memory_space<vmem>>)
      %add3A_252 = arith.constant 7 : i32
      %add3A_253 = arith.addi %mul3A_23, %add3A_252 : i32
      %dma_start3A_254 = arith.constant 0 : i32
      %dma_start3A_255 = tpu.memref_slice %arg8[%add3A_253, %dma_start3A_254] : memref<40x128xi32, #tpu.memory_space<vmem>> -> memref<1x128xi32, #tpu.memory_space<vmem>>
      %dma_start3A_256 = tpu.memref_squeeze %dma_start3A_255 : memref<1x128xi32, #tpu.memory_space<vmem>> -> memref<128xi32, #tpu.memory_space<vmem>>
      %dma_start3A_257 = arith.constant 0 : i32
      %dma_start3A_258 = arith.constant 0 : i32
      %dma_start3A_259 = tpu.memref_slice %arg11[%dma_start3A_257, %dma_start3A_258] : memref<10112x128xf32, #tpu.memory_space<vmem_shared>> -> memref<10112x128xf32, #tpu.memory_space<vmem_shared>>
      tpu.enqueue_indirect_dma source(%arg10 : memref<128x128xf32, #tpu.memory_space<vmem>>) target(%dma_start3A_259 : memref<10112x128xf32, #tpu.memory_space<vmem_shared>>) offsets(%dma_start3A_256 : memref<128xi32, #tpu.memory_space<vmem>>) semaphore(%arg15 : memref<!tpu.dma_semaphore, #tpu.memory_space<semaphore_mem>>) {add = true}
      %dma_wait3A_260 = arith.constant 0 : i32
      %dma_wait3A_261 = tpu.memref_slice %arg8[%add3A_253, %dma_wait3A_260] : memref<40x128xi32, #tpu.memory_space<vmem>> -> memref<1x128xi32, #tpu.memory_space<vmem>>
      %dma_wait3A_262 = tpu.memref_squeeze %dma_wait3A_261 : memref<1x128xi32, #tpu.memory_space<vmem>> -> memref<128xi32, #tpu.memory_space<vmem>>
      %dma_wait3A_263 = arith.constant 0 : i32
      %dma_wait3A_264 = arith.constant 0 : i32
      %dma_wait3A_265 = tpu.memref_slice %arg11[%dma_wait3A_263, %dma_wait3A_264] : memref<10112x128xf32, #tpu.memory_space<vmem_shared>> -> memref<10112x128xf32, #tpu.memory_space<vmem_shared>>
      tpu.wait_indirect_dma semaphore(%arg15 : memref<!tpu.dma_semaphore, #tpu.memory_space<semaphore_mem>>) src(%arg10 : memref<128x128xf32, #tpu.memory_space<vmem>>) dst(%dma_wait3A_265 : memref<10112x128xf32, #tpu.memory_space<vmem_shared>>)
      %add3A_266 = arith.constant 7 : i32
      %add3A_267 = arith.addi %mul3A_23, %add3A_266 : i32
      %add3A_268 = arith.constant 2 : i32
      %add3A_269 = arith.addi %add3A_267, %add3A_268 : i32
      %dma_start3A_270 = arith.constant 0 : i32
      %dma_start3A_271 = tpu.memref_slice %arg7[%add3A_269, %dma_start3A_270] : memref<40x128xi32, #tpu.memory_space<vmem>> -> memref<1x128xi32, #tpu.memory_space<vmem>>
      %dma_start3A_272 = tpu.memref_squeeze %dma_start3A_271 : memref<1x128xi32, #tpu.memory_space<vmem>> -> memref<128xi32, #tpu.memory_space<vmem>>
      %dma_start3A_273 = arith.constant 0 : i32
      %dma_start3A_274 = arith.constant 0 : i32
      %dma_start3A_275 = tpu.memref_slice %arg2[%dma_start3A_273, %dma_start3A_274] : memref<10000x128xf32, #tpu.memory_space<hbm>> -> memref<10000x128xf32, #tpu.memory_space<hbm>>
      tpu.enqueue_indirect_dma source(%dma_start3A_275 : memref<10000x128xf32, #tpu.memory_space<hbm>>) target(%arg10 : memref<128x128xf32, #tpu.memory_space<vmem>>) offsets(%dma_start3A_272 : memref<128xi32, #tpu.memory_space<vmem>>) semaphore(%arg13 : memref<!tpu.dma_semaphore, #tpu.memory_space<semaphore_mem>>)
      %dma_wait3A_276 = arith.constant 0 : i32
      %dma_wait3A_277 = tpu.memref_slice %arg7[%add3A_239, %dma_wait3A_276] : memref<40x128xi32, #tpu.memory_space<vmem>> -> memref<1x128xi32, #tpu.memory_space<vmem>>
      %dma_wait3A_278 = tpu.memref_squeeze %dma_wait3A_277 : memref<1x128xi32, #tpu.memory_space<vmem>> -> memref<128xi32, #tpu.memory_space<vmem>>
      %dma_wait3A_279 = arith.constant 0 : i32
      %dma_wait3A_280 = arith.constant 0 : i32
      %dma_wait3A_281 = tpu.memref_slice %arg2[%dma_wait3A_279, %dma_wait3A_280] : memref<10000x128xf32, #tpu.memory_space<hbm>> -> memref<10000x128xf32, #tpu.memory_space<hbm>>
      tpu.wait_indirect_dma semaphore(%arg12 : memref<!tpu.dma_semaphore, #tpu.memory_space<semaphore_mem>>) src(%dma_wait3A_281 : memref<10000x128xf32, #tpu.memory_space<hbm>>) dst(%arg9 : memref<128x128xf32, #tpu.memory_space<vmem>>)
      %add3A_282 = arith.constant 8 : i32
      %add3A_283 = arith.addi %mul3A_23, %add3A_282 : i32
      %dma_start3A_284 = arith.constant 0 : i32
      %dma_start3A_285 = tpu.memref_slice %arg8[%add3A_283, %dma_start3A_284] : memref<40x128xi32, #tpu.memory_space<vmem>> -> memref<1x128xi32, #tpu.memory_space<vmem>>
      %dma_start3A_286 = tpu.memref_squeeze %dma_start3A_285 : memref<1x128xi32, #tpu.memory_space<vmem>> -> memref<128xi32, #tpu.memory_space<vmem>>
      %dma_start3A_287 = arith.constant 0 : i32
      %dma_start3A_288 = arith.constant 0 : i32
      %dma_start3A_289 = tpu.memref_slice %arg11[%dma_start3A_287, %dma_start3A_288] : memref<10112x128xf32, #tpu.memory_space<vmem_shared>> -> memref<10112x128xf32, #tpu.memory_space<vmem_shared>>
      tpu.enqueue_indirect_dma source(%arg9 : memref<128x128xf32, #tpu.memory_space<vmem>>) target(%dma_start3A_289 : memref<10112x128xf32, #tpu.memory_space<vmem_shared>>) offsets(%dma_start3A_286 : memref<128xi32, #tpu.memory_space<vmem>>) semaphore(%arg14 : memref<!tpu.dma_semaphore, #tpu.memory_space<semaphore_mem>>) {add = true}
      %dma_wait3A_290 = arith.constant 0 : i32
      %dma_wait3A_291 = tpu.memref_slice %arg7[%add3A_269, %dma_wait3A_290] : memref<40x128xi32, #tpu.memory_space<vmem>> -> memref<1x128xi32, #tpu.memory_space<vmem>>
      %dma_wait3A_292 = tpu.memref_squeeze %dma_wait3A_291 : memref<1x128xi32, #tpu.memory_space<vmem>> -> memref<128xi32, #tpu.memory_space<vmem>>
      %dma_wait3A_293 = arith.constant 0 : i32
      %dma_wait3A_294 = arith.constant 0 : i32
      %dma_wait3A_295 = tpu.memref_slice %arg2[%dma_wait3A_293, %dma_wait3A_294] : memref<10000x128xf32, #tpu.memory_space<hbm>> -> memref<10000x128xf32, #tpu.memory_space<hbm>>
      tpu.wait_indirect_dma semaphore(%arg13 : memref<!tpu.dma_semaphore, #tpu.memory_space<semaphore_mem>>) src(%dma_wait3A_295 : memref<10000x128xf32, #tpu.memory_space<hbm>>) dst(%arg10 : memref<128x128xf32, #tpu.memory_space<vmem>>)
      %add3A_296 = arith.constant 9 : i32
      %add3A_297 = arith.addi %mul3A_23, %add3A_296 : i32
      %dma_start3A_298 = arith.constant 0 : i32
      %dma_start3A_299 = tpu.memref_slice %arg8[%add3A_297, %dma_start3A_298] : memref<40x128xi32, #tpu.memory_space<vmem>> -> memref<1x128xi32, #tpu.memory_space<vmem>>
      %dma_start3A_300 = tpu.memref_squeeze %dma_start3A_299 : memref<1x128xi32, #tpu.memory_space<vmem>> -> memref<128xi32, #tpu.memory_space<vmem>>
      %dma_start3A_301 = arith.constant 0 : i32
      %dma_start3A_302 = arith.constant 0 : i32
      %dma_start3A_303 = tpu.memref_slice %arg11[%dma_start3A_301, %dma_start3A_302] : memref<10112x128xf32, #tpu.memory_space<vmem_shared>> -> memref<10112x128xf32, #tpu.memory_space<vmem_shared>>
      tpu.enqueue_indirect_dma source(%arg10 : memref<128x128xf32, #tpu.memory_space<vmem>>) target(%dma_start3A_303 : memref<10112x128xf32, #tpu.memory_space<vmem_shared>>) offsets(%dma_start3A_300 : memref<128xi32, #tpu.memory_space<vmem>>) semaphore(%arg15 : memref<!tpu.dma_semaphore, #tpu.memory_space<semaphore_mem>>) {add = true}
      %dma_wait3A_304 = arith.constant 0 : i32
      %dma_wait3A_305 = tpu.memref_slice %arg8[%add3A_283, %dma_wait3A_304] : memref<40x128xi32, #tpu.memory_space<vmem>> -> memref<1x128xi32, #tpu.memory_space<vmem>>
      %dma_wait3A_306 = tpu.memref_squeeze %dma_wait3A_305 : memref<1x128xi32, #tpu.memory_space<vmem>> -> memref<128xi32, #tpu.memory_space<vmem>>
      %dma_wait3A_307 = arith.constant 0 : i32
      %dma_wait3A_308 = arith.constant 0 : i32
      %dma_wait3A_309 = tpu.memref_slice %arg11[%dma_wait3A_307, %dma_wait3A_308] : memref<10112x128xf32, #tpu.memory_space<vmem_shared>> -> memref<10112x128xf32, #tpu.memory_space<vmem_shared>>
      tpu.wait_indirect_dma semaphore(%arg14 : memref<!tpu.dma_semaphore, #tpu.memory_space<semaphore_mem>>) src(%arg9 : memref<128x128xf32, #tpu.memory_space<vmem>>) dst(%dma_wait3A_309 : memref<10112x128xf32, #tpu.memory_space<vmem_shared>>)
      %dma_wait3A_310 = arith.constant 0 : i32
      %dma_wait3A_311 = tpu.memref_slice %arg8[%add3A_297, %dma_wait3A_310] : memref<40x128xi32, #tpu.memory_space<vmem>> -> memref<1x128xi32, #tpu.memory_space<vmem>>
      %dma_wait3A_312 = tpu.memref_squeeze %dma_wait3A_311 : memref<1x128xi32, #tpu.memory_space<vmem>> -> memref<128xi32, #tpu.memory_space<vmem>>
      %dma_wait3A_313 = arith.constant 0 : i32
      %dma_wait3A_314 = arith.constant 0 : i32
      %dma_wait3A_315 = tpu.memref_slice %arg11[%dma_wait3A_313, %dma_wait3A_314] : memref<10112x128xf32, #tpu.memory_space<vmem_shared>> -> memref<10112x128xf32, #tpu.memory_space<vmem_shared>>
      tpu.wait_indirect_dma semaphore(%arg15 : memref<!tpu.dma_semaphore, #tpu.memory_space<semaphore_mem>>) src(%arg10 : memref<128x128xf32, #tpu.memory_space<vmem>>) dst(%dma_wait3A_315 : memref<10112x128xf32, #tpu.memory_space<vmem_shared>>)
    }
    %scan3A_9 = arith.constant 4 : i32
    "tpu.region"() ({
      %run_scoped3A = tpu.sem_alloc : memref<!tpu.dma_semaphore, #tpu.memory_space<semaphore_mem>>
      %dma_start3A = arith.constant 40 : i32
      %dma_start3A_21 = arith.constant 0 : i32
      %dma_start3A_22 = tpu.memref_slice %arg3[%add3A, %dma_start3A, %dma_start3A_21] : memref<32x80x128xi32, #tpu.memory_space<hbm>> -> memref<1x40x128xi32, #tpu.memory_space<hbm>>
      %dma_start3A_23 = tpu.memref_squeeze %dma_start3A_22 : memref<1x40x128xi32, #tpu.memory_space<hbm>> -> memref<40x128xi32, #tpu.memory_space<hbm>>
      %dma_start3A_24 = arith.constant 40 : i32
      %dma_start3A_25 = arith.constant 0 : i32
      %dma_start3A_26 = tpu.memref_slice %arg3[%add3A, %dma_start3A_24, %dma_start3A_25] : memref<32x80x128xi32, #tpu.memory_space<hbm>> -> memref<1x40x128xi32, #tpu.memory_space<hbm>>
      %dma_start3A_27 = tpu.memref_squeeze %dma_start3A_26 : memref<1x40x128xi32, #tpu.memory_space<hbm>> -> memref<40x128xi32, #tpu.memory_space<hbm>>
      tpu.enqueue_dma source(%dma_start3A_27 : memref<40x128xi32, #tpu.memory_space<hbm>>) target(%arg7 : memref<40x128xi32, #tpu.memory_space<vmem>>) target_semaphore(%run_scoped3A : memref<!tpu.dma_semaphore, #tpu.memory_space<semaphore_mem>>)
      %dma_wait3A = arith.constant 40 : i32
      %dma_wait3A_28 = arith.constant 0 : i32
      %dma_wait3A_29 = tpu.memref_slice %arg3[%add3A, %dma_wait3A, %dma_wait3A_28] : memref<32x80x128xi32, #tpu.memory_space<hbm>> -> memref<1x40x128xi32, #tpu.memory_space<hbm>>
      %dma_wait3A_30 = tpu.memref_squeeze %dma_wait3A_29 : memref<1x40x128xi32, #tpu.memory_space<hbm>> -> memref<40x128xi32, #tpu.memory_space<hbm>>
      %dma_wait3A_31 = arith.constant 40 : i32
      %dma_wait3A_32 = arith.constant 0 : i32
      %dma_wait3A_33 = tpu.memref_slice %arg3[%add3A, %dma_wait3A_31, %dma_wait3A_32] : memref<32x80x128xi32, #tpu.memory_space<hbm>> -> memref<1x40x128xi32, #tpu.memory_space<hbm>>
      %dma_wait3A_34 = tpu.memref_squeeze %dma_wait3A_33 : memref<1x40x128xi32, #tpu.memory_space<hbm>> -> memref<40x128xi32, #tpu.memory_space<hbm>>
      tpu.wait_dma2 semaphore(%run_scoped3A : memref<!tpu.dma_semaphore, #tpu.memory_space<semaphore_mem>>) src(%dma_wait3A_34 : memref<40x128xi32, #tpu.memory_space<hbm>>) dst(%arg7 : memref<40x128xi32, #tpu.memory_space<vmem>>)
      tpu.yield
    }) : () -> ()
    "tpu.region"() ({
      %run_scoped3A = tpu.sem_alloc : memref<!tpu.dma_semaphore, #tpu.memory_space<semaphore_mem>>
      %dma_start3A = arith.constant 40 : i32
      %dma_start3A_21 = arith.constant 0 : i32
      %dma_start3A_22 = tpu.memref_slice %arg4[%add3A, %dma_start3A, %dma_start3A_21] : memref<32x80x128xi32, #tpu.memory_space<hbm>> -> memref<1x40x128xi32, #tpu.memory_space<hbm>>
      %dma_start3A_23 = tpu.memref_squeeze %dma_start3A_22 : memref<1x40x128xi32, #tpu.memory_space<hbm>> -> memref<40x128xi32, #tpu.memory_space<hbm>>
      %dma_start3A_24 = arith.constant 40 : i32
      %dma_start3A_25 = arith.constant 0 : i32
      %dma_start3A_26 = tpu.memref_slice %arg4[%add3A, %dma_start3A_24, %dma_start3A_25] : memref<32x80x128xi32, #tpu.memory_space<hbm>> -> memref<1x40x128xi32, #tpu.memory_space<hbm>>
      %dma_start3A_27 = tpu.memref_squeeze %dma_start3A_26 : memref<1x40x128xi32, #tpu.memory_space<hbm>> -> memref<40x128xi32, #tpu.memory_space<hbm>>
      tpu.enqueue_dma source(%dma_start3A_27 : memref<40x128xi32, #tpu.memory_space<hbm>>) target(%arg8 : memref<40x128xi32, #tpu.memory_space<vmem>>) target_semaphore(%run_scoped3A : memref<!tpu.dma_semaphore, #tpu.memory_space<semaphore_mem>>)
      %dma_wait3A = arith.constant 40 : i32
      %dma_wait3A_28 = arith.constant 0 : i32
      %dma_wait3A_29 = tpu.memref_slice %arg4[%add3A, %dma_wait3A, %dma_wait3A_28] : memref<32x80x128xi32, #tpu.memory_space<hbm>> -> memref<1x40x128xi32, #tpu.memory_space<hbm>>
      %dma_wait3A_30 = tpu.memref_squeeze %dma_wait3A_29 : memref<1x40x128xi32, #tpu.memory_space<hbm>> -> memref<40x128xi32, #tpu.memory_space<hbm>>
      %dma_wait3A_31 = arith.constant 40 : i32
      %dma_wait3A_32 = arith.constant 0 : i32
      %dma_wait3A_33 = tpu.memref_slice %arg4[%add3A, %dma_wait3A_31, %dma_wait3A_32] : memref<32x80x128xi32, #tpu.memory_space<hbm>> -> memref<1x40x128xi32, #tpu.memory_space<hbm>>
      %dma_wait3A_34 = tpu.memref_squeeze %dma_wait3A_33 : memref<1x40x128xi32, #tpu.memory_space<hbm>> -> memref<40x128xi32, #tpu.memory_space<hbm>>
      tpu.wait_dma2 semaphore(%run_scoped3A : memref<!tpu.dma_semaphore, #tpu.memory_space<semaphore_mem>>) src(%dma_wait3A_34 : memref<40x128xi32, #tpu.memory_space<hbm>>) dst(%arg8 : memref<40x128xi32, #tpu.memory_space<vmem>>)
      tpu.yield
    }) : () -> ()
    %scan3A_10 = arith.constant 0 : i32
    %scan3A_11 = arith.constant 0 : i32
    %scan3A_12 = arith.constant 4 : i32
    %scan3A_13 = arith.addi %scan3A_11, %scan3A_12 : i32
    %scan3A_14 = arith.constant 1 : i32
    scf.for %scan3A_21 = %scan3A_11 to %scan3A_13 step %scan3A_14  : i32 {
      %mul3A_22 = arith.constant 10 : i32
      %mul3A_23 = arith.muli %scan3A_21, %mul3A_22 : i32
      %dma_start3A = arith.constant 0 : i32
      %dma_start3A_24 = tpu.memref_slice %arg7[%mul3A_23, %dma_start3A] : memref<40x128xi32, #tpu.memory_space<vmem>> -> memref<1x128xi32, #tpu.memory_space<vmem>>
      %dma_start3A_25 = tpu.memref_squeeze %dma_start3A_24 : memref<1x128xi32, #tpu.memory_space<vmem>> -> memref<128xi32, #tpu.memory_space<vmem>>
      %dma_start3A_26 = arith.constant 0 : i32
      %dma_start3A_27 = arith.constant 0 : i32
      %dma_start3A_28 = tpu.memref_slice %arg2[%dma_start3A_26, %dma_start3A_27] : memref<10000x128xf32, #tpu.memory_space<hbm>> -> memref<10000x128xf32, #tpu.memory_space<hbm>>
      tpu.enqueue_indirect_dma source(%dma_start3A_28 : memref<10000x128xf32, #tpu.memory_space<hbm>>) target(%arg9 : memref<128x128xf32, #tpu.memory_space<vmem>>) offsets(%dma_start3A_25 : memref<128xi32, #tpu.memory_space<vmem>>) semaphore(%arg12 : memref<!tpu.dma_semaphore, #tpu.memory_space<semaphore_mem>>)
      %add3A_29 = arith.constant 1 : i32
      %add3A_30 = arith.addi %mul3A_23, %add3A_29 : i32
      %dma_start3A_31 = arith.constant 0 : i32
      %dma_start3A_32 = tpu.memref_slice %arg7[%add3A_30, %dma_start3A_31] : memref<40x128xi32, #tpu.memory_space<vmem>> -> memref<1x128xi32, #tpu.memory_space<vmem>>
      %dma_start3A_33 = tpu.memref_squeeze %dma_start3A_32 : memref<1x128xi32, #tpu.memory_space<vmem>> -> memref<128xi32, #tpu.memory_space<vmem>>
      %dma_start3A_34 = arith.constant 0 : i32
      %dma_start3A_35 = arith.constant 0 : i32
      %dma_start3A_36 = tpu.memref_slice %arg2[%dma_start3A_34, %dma_start3A_35] : memref<10000x128xf32, #tpu.memory_space<hbm>> -> memref<10000x128xf32, #tpu.memory_space<hbm>>
      tpu.enqueue_indirect_dma source(%dma_start3A_36 : memref<10000x128xf32, #tpu.memory_space<hbm>>) target(%arg10 : memref<128x128xf32, #tpu.memory_space<vmem>>) offsets(%dma_start3A_33 : memref<128xi32, #tpu.memory_space<vmem>>) semaphore(%arg13 : memref<!tpu.dma_semaphore, #tpu.memory_space<semaphore_mem>>)
      %dma_wait3A = arith.constant 0 : i32
      %dma_wait3A_37 = tpu.memref_slice %arg7[%mul3A_23, %dma_wait3A] : memref<40x128xi32, #tpu.memory_space<vmem>> -> memref<1x128xi32, #tpu.memory_space<vmem>>
      %dma_wait3A_38 = tpu.memref_squeeze %dma_wait3A_37 : memref<1x128xi32, #tpu.memory_space<vmem>> -> memref<128xi32, #tpu.memory_space<vmem>>
      %dma_wait3A_39 = arith.constant 0 : i32
      %dma_wait3A_40 = arith.constant 0 : i32
      %dma_wait3A_41 = tpu.memref_slice %arg2[%dma_wait3A_39, %dma_wait3A_40] : memref<10000x128xf32, #tpu.memory_space<hbm>> -> memref<10000x128xf32, #tpu.memory_space<hbm>>
      tpu.wait_indirect_dma semaphore(%arg12 : memref<!tpu.dma_semaphore, #tpu.memory_space<semaphore_mem>>) src(%dma_wait3A_41 : memref<10000x128xf32, #tpu.memory_space<hbm>>) dst(%arg9 : memref<128x128xf32, #tpu.memory_space<vmem>>)
      %add3A_42 = arith.constant 0 : i32
      %add3A_43 = arith.addi %mul3A_23, %add3A_42 : i32
      %dma_start3A_44 = arith.constant 0 : i32
      %dma_start3A_45 = tpu.memref_slice %arg8[%add3A_43, %dma_start3A_44] : memref<40x128xi32, #tpu.memory_space<vmem>> -> memref<1x128xi32, #tpu.memory_space<vmem>>
      %dma_start3A_46 = tpu.memref_squeeze %dma_start3A_45 : memref<1x128xi32, #tpu.memory_space<vmem>> -> memref<128xi32, #tpu.memory_space<vmem>>
      %dma_start3A_47 = arith.constant 0 : i32
      %dma_start3A_48 = arith.constant 0 : i32
      %dma_start3A_49 = tpu.memref_slice %arg11[%dma_start3A_47, %dma_start3A_48] : memref<10112x128xf32, #tpu.memory_space<vmem_shared>> -> memref<10112x128xf32, #tpu.memory_space<vmem_shared>>
      tpu.enqueue_indirect_dma source(%arg9 : memref<128x128xf32, #tpu.memory_space<vmem>>) target(%dma_start3A_49 : memref<10112x128xf32, #tpu.memory_space<vmem_shared>>) offsets(%dma_start3A_46 : memref<128xi32, #tpu.memory_space<vmem>>) semaphore(%arg14 : memref<!tpu.dma_semaphore, #tpu.memory_space<semaphore_mem>>) {add = true}
      %dma_wait3A_50 = arith.constant 0 : i32
      %dma_wait3A_51 = tpu.memref_slice %arg8[%add3A_43, %dma_wait3A_50] : memref<40x128xi32, #tpu.memory_space<vmem>> -> memref<1x128xi32, #tpu.memory_space<vmem>>
      %dma_wait3A_52 = tpu.memref_squeeze %dma_wait3A_51 : memref<1x128xi32, #tpu.memory_space<vmem>> -> memref<128xi32, #tpu.memory_space<vmem>>
      %dma_wait3A_53 = arith.constant 0 : i32
      %dma_wait3A_54 = arith.constant 0 : i32
      %dma_wait3A_55 = tpu.memref_slice %arg11[%dma_wait3A_53, %dma_wait3A_54] : memref<10112x128xf32, #tpu.memory_space<vmem_shared>> -> memref<10112x128xf32, #tpu.memory_space<vmem_shared>>
      tpu.wait_indirect_dma semaphore(%arg14 : memref<!tpu.dma_semaphore, #tpu.memory_space<semaphore_mem>>) src(%arg9 : memref<128x128xf32, #tpu.memory_space<vmem>>) dst(%dma_wait3A_55 : memref<10112x128xf32, #tpu.memory_space<vmem_shared>>)
      %add3A_56 = arith.constant 0 : i32
      %add3A_57 = arith.addi %mul3A_23, %add3A_56 : i32
      %add3A_58 = arith.constant 2 : i32
      %add3A_59 = arith.addi %add3A_57, %add3A_58 : i32
      %dma_start3A_60 = arith.constant 0 : i32
      %dma_start3A_61 = tpu.memref_slice %arg7[%add3A_59, %dma_start3A_60] : memref<40x128xi32, #tpu.memory_space<vmem>> -> memref<1x128xi32, #tpu.memory_space<vmem>>
      %dma_start3A_62 = tpu.memref_squeeze %dma_start3A_61 : memref<1x128xi32, #tpu.memory_space<vmem>> -> memref<128xi32, #tpu.memory_space<vmem>>
      %dma_start3A_63 = arith.constant 0 : i32
      %dma_start3A_64 = arith.constant 0 : i32
      %dma_start3A_65 = tpu.memref_slice %arg2[%dma_start3A_63, %dma_start3A_64] : memref<10000x128xf32, #tpu.memory_space<hbm>> -> memref<10000x128xf32, #tpu.memory_space<hbm>>
      tpu.enqueue_indirect_dma source(%dma_start3A_65 : memref<10000x128xf32, #tpu.memory_space<hbm>>) target(%arg9 : memref<128x128xf32, #tpu.memory_space<vmem>>) offsets(%dma_start3A_62 : memref<128xi32, #tpu.memory_space<vmem>>) semaphore(%arg12 : memref<!tpu.dma_semaphore, #tpu.memory_space<semaphore_mem>>)
      %dma_wait3A_66 = arith.constant 0 : i32
      %dma_wait3A_67 = tpu.memref_slice %arg7[%add3A_30, %dma_wait3A_66] : memref<40x128xi32, #tpu.memory_space<vmem>> -> memref<1x128xi32, #tpu.memory_space<vmem>>
      %dma_wait3A_68 = tpu.memref_squeeze %dma_wait3A_67 : memref<1x128xi32, #tpu.memory_space<vmem>> -> memref<128xi32, #tpu.memory_space<vmem>>
      %dma_wait3A_69 = arith.constant 0 : i32
      %dma_wait3A_70 = arith.constant 0 : i32
      %dma_wait3A_71 = tpu.memref_slice %arg2[%dma_wait3A_69, %dma_wait3A_70] : memref<10000x128xf32, #tpu.memory_space<hbm>> -> memref<10000x128xf32, #tpu.memory_space<hbm>>
      tpu.wait_indirect_dma semaphore(%arg13 : memref<!tpu.dma_semaphore, #tpu.memory_space<semaphore_mem>>) src(%dma_wait3A_71 : memref<10000x128xf32, #tpu.memory_space<hbm>>) dst(%arg10 : memref<128x128xf32, #tpu.memory_space<vmem>>)
      %add3A_72 = arith.constant 1 : i32
      %add3A_73 = arith.addi %mul3A_23, %add3A_72 : i32
      %dma_start3A_74 = arith.constant 0 : i32
      %dma_start3A_75 = tpu.memref_slice %arg8[%add3A_73, %dma_start3A_74] : memref<40x128xi32, #tpu.memory_space<vmem>> -> memref<1x128xi32, #tpu.memory_space<vmem>>
      %dma_start3A_76 = tpu.memref_squeeze %dma_start3A_75 : memref<1x128xi32, #tpu.memory_space<vmem>> -> memref<128xi32, #tpu.memory_space<vmem>>
      %dma_start3A_77 = arith.constant 0 : i32
      %dma_start3A_78 = arith.constant 0 : i32
      %dma_start3A_79 = tpu.memref_slice %arg11[%dma_start3A_77, %dma_start3A_78] : memref<10112x128xf32, #tpu.memory_space<vmem_shared>> -> memref<10112x128xf32, #tpu.memory_space<vmem_shared>>
      tpu.enqueue_indirect_dma source(%arg10 : memref<128x128xf32, #tpu.memory_space<vmem>>) target(%dma_start3A_79 : memref<10112x128xf32, #tpu.memory_space<vmem_shared>>) offsets(%dma_start3A_76 : memref<128xi32, #tpu.memory_space<vmem>>) semaphore(%arg15 : memref<!tpu.dma_semaphore, #tpu.memory_space<semaphore_mem>>) {add = true}
      %dma_wait3A_80 = arith.constant 0 : i32
      %dma_wait3A_81 = tpu.memref_slice %arg8[%add3A_73, %dma_wait3A_80] : memref<40x128xi32, #tpu.memory_space<vmem>> -> memref<1x128xi32, #tpu.memory_space<vmem>>
      %dma_wait3A_82 = tpu.memref_squeeze %dma_wait3A_81 : memref<1x128xi32, #tpu.memory_space<vmem>> -> memref<128xi32, #tpu.memory_space<vmem>>
      %dma_wait3A_83 = arith.constant 0 : i32
      %dma_wait3A_84 = arith.constant 0 : i32
      %dma_wait3A_85 = tpu.memref_slice %arg11[%dma_wait3A_83, %dma_wait3A_84] : memref<10112x128xf32, #tpu.memory_space<vmem_shared>> -> memref<10112x128xf32, #tpu.memory_space<vmem_shared>>
      tpu.wait_indirect_dma semaphore(%arg15 : memref<!tpu.dma_semaphore, #tpu.memory_space<semaphore_mem>>) src(%arg10 : memref<128x128xf32, #tpu.memory_space<vmem>>) dst(%dma_wait3A_85 : memref<10112x128xf32, #tpu.memory_space<vmem_shared>>)
      %add3A_86 = arith.constant 1 : i32
      %add3A_87 = arith.addi %mul3A_23, %add3A_86 : i32
      %add3A_88 = arith.constant 2 : i32
      %add3A_89 = arith.addi %add3A_87, %add3A_88 : i32
      %dma_start3A_90 = arith.constant 0 : i32
      %dma_start3A_91 = tpu.memref_slice %arg7[%add3A_89, %dma_start3A_90] : memref<40x128xi32, #tpu.memory_space<vmem>> -> memref<1x128xi32, #tpu.memory_space<vmem>>
      %dma_start3A_92 = tpu.memref_squeeze %dma_start3A_91 : memref<1x128xi32, #tpu.memory_space<vmem>> -> memref<128xi32, #tpu.memory_space<vmem>>
      %dma_start3A_93 = arith.constant 0 : i32
      %dma_start3A_94 = arith.constant 0 : i32
      %dma_start3A_95 = tpu.memref_slice %arg2[%dma_start3A_93, %dma_start3A_94] : memref<10000x128xf32, #tpu.memory_space<hbm>> -> memref<10000x128xf32, #tpu.memory_space<hbm>>
      tpu.enqueue_indirect_dma source(%dma_start3A_95 : memref<10000x128xf32, #tpu.memory_space<hbm>>) target(%arg10 : memref<128x128xf32, #tpu.memory_space<vmem>>) offsets(%dma_start3A_92 : memref<128xi32, #tpu.memory_space<vmem>>) semaphore(%arg13 : memref<!tpu.dma_semaphore, #tpu.memory_space<semaphore_mem>>)
      %dma_wait3A_96 = arith.constant 0 : i32
      %dma_wait3A_97 = tpu.memref_slice %arg7[%add3A_59, %dma_wait3A_96] : memref<40x128xi32, #tpu.memory_space<vmem>> -> memref<1x128xi32, #tpu.memory_space<vmem>>
      %dma_wait3A_98 = tpu.memref_squeeze %dma_wait3A_97 : memref<1x128xi32, #tpu.memory_space<vmem>> -> memref<128xi32, #tpu.memory_space<vmem>>
      %dma_wait3A_99 = arith.constant 0 : i32
      %dma_wait3A_100 = arith.constant 0 : i32
      %dma_wait3A_101 = tpu.memref_slice %arg2[%dma_wait3A_99, %dma_wait3A_100] : memref<10000x128xf32, #tpu.memory_space<hbm>> -> memref<10000x128xf32, #tpu.memory_space<hbm>>
      tpu.wait_indirect_dma semaphore(%arg12 : memref<!tpu.dma_semaphore, #tpu.memory_space<semaphore_mem>>) src(%dma_wait3A_101 : memref<10000x128xf32, #tpu.memory_space<hbm>>) dst(%arg9 : memref<128x128xf32, #tpu.memory_space<vmem>>)
      %add3A_102 = arith.constant 2 : i32
      %add3A_103 = arith.addi %mul3A_23, %add3A_102 : i32
      %dma_start3A_104 = arith.constant 0 : i32
      %dma_start3A_105 = tpu.memref_slice %arg8[%add3A_103, %dma_start3A_104] : memref<40x128xi32, #tpu.memory_space<vmem>> -> memref<1x128xi32, #tpu.memory_space<vmem>>
      %dma_start3A_106 = tpu.memref_squeeze %dma_start3A_105 : memref<1x128xi32, #tpu.memory_space<vmem>> -> memref<128xi32, #tpu.memory_space<vmem>>
      %dma_start3A_107 = arith.constant 0 : i32
      %dma_start3A_108 = arith.constant 0 : i32
      %dma_start3A_109 = tpu.memref_slice %arg11[%dma_start3A_107, %dma_start3A_108] : memref<10112x128xf32, #tpu.memory_space<vmem_shared>> -> memref<10112x128xf32, #tpu.memory_space<vmem_shared>>
      tpu.enqueue_indirect_dma source(%arg9 : memref<128x128xf32, #tpu.memory_space<vmem>>) target(%dma_start3A_109 : memref<10112x128xf32, #tpu.memory_space<vmem_shared>>) offsets(%dma_start3A_106 : memref<128xi32, #tpu.memory_space<vmem>>) semaphore(%arg14 : memref<!tpu.dma_semaphore, #tpu.memory_space<semaphore_mem>>) {add = true}
      %dma_wait3A_110 = arith.constant 0 : i32
      %dma_wait3A_111 = tpu.memref_slice %arg8[%add3A_103, %dma_wait3A_110] : memref<40x128xi32, #tpu.memory_space<vmem>> -> memref<1x128xi32, #tpu.memory_space<vmem>>
      %dma_wait3A_112 = tpu.memref_squeeze %dma_wait3A_111 : memref<1x128xi32, #tpu.memory_space<vmem>> -> memref<128xi32, #tpu.memory_space<vmem>>
      %dma_wait3A_113 = arith.constant 0 : i32
      %dma_wait3A_114 = arith.constant 0 : i32
      %dma_wait3A_115 = tpu.memref_slice %arg11[%dma_wait3A_113, %dma_wait3A_114] : memref<10112x128xf32, #tpu.memory_space<vmem_shared>> -> memref<10112x128xf32, #tpu.memory_space<vmem_shared>>
      tpu.wait_indirect_dma semaphore(%arg14 : memref<!tpu.dma_semaphore, #tpu.memory_space<semaphore_mem>>) src(%arg9 : memref<128x128xf32, #tpu.memory_space<vmem>>) dst(%dma_wait3A_115 : memref<10112x128xf32, #tpu.memory_space<vmem_shared>>)
      %add3A_116 = arith.constant 2 : i32
      %add3A_117 = arith.addi %mul3A_23, %add3A_116 : i32
      %add3A_118 = arith.constant 2 : i32
      %add3A_119 = arith.addi %add3A_117, %add3A_118 : i32
      %dma_start3A_120 = arith.constant 0 : i32
      %dma_start3A_121 = tpu.memref_slice %arg7[%add3A_119, %dma_start3A_120] : memref<40x128xi32, #tpu.memory_space<vmem>> -> memref<1x128xi32, #tpu.memory_space<vmem>>
      %dma_start3A_122 = tpu.memref_squeeze %dma_start3A_121 : memref<1x128xi32, #tpu.memory_space<vmem>> -> memref<128xi32, #tpu.memory_space<vmem>>
      %dma_start3A_123 = arith.constant 0 : i32
      %dma_start3A_124 = arith.constant 0 : i32
      %dma_start3A_125 = tpu.memref_slice %arg2[%dma_start3A_123, %dma_start3A_124] : memref<10000x128xf32, #tpu.memory_space<hbm>> -> memref<10000x128xf32, #tpu.memory_space<hbm>>
      tpu.enqueue_indirect_dma source(%dma_start3A_125 : memref<10000x128xf32, #tpu.memory_space<hbm>>) target(%arg9 : memref<128x128xf32, #tpu.memory_space<vmem>>) offsets(%dma_start3A_122 : memref<128xi32, #tpu.memory_space<vmem>>) semaphore(%arg12 : memref<!tpu.dma_semaphore, #tpu.memory_space<semaphore_mem>>)
      %dma_wait3A_126 = arith.constant 0 : i32
      %dma_wait3A_127 = tpu.memref_slice %arg7[%add3A_89, %dma_wait3A_126] : memref<40x128xi32, #tpu.memory_space<vmem>> -> memref<1x128xi32, #tpu.memory_space<vmem>>
      %dma_wait3A_128 = tpu.memref_squeeze %dma_wait3A_127 : memref<1x128xi32, #tpu.memory_space<vmem>> -> memref<128xi32, #tpu.memory_space<vmem>>
      %dma_wait3A_129 = arith.constant 0 : i32
      %dma_wait3A_130 = arith.constant 0 : i32
      %dma_wait3A_131 = tpu.memref_slice %arg2[%dma_wait3A_129, %dma_wait3A_130] : memref<10000x128xf32, #tpu.memory_space<hbm>> -> memref<10000x128xf32, #tpu.memory_space<hbm>>
      tpu.wait_indirect_dma semaphore(%arg13 : memref<!tpu.dma_semaphore, #tpu.memory_space<semaphore_mem>>) src(%dma_wait3A_131 : memref<10000x128xf32, #tpu.memory_space<hbm>>) dst(%arg10 : memref<128x128xf32, #tpu.memory_space<vmem>>)
      %add3A_132 = arith.constant 3 : i32
      %add3A_133 = arith.addi %mul3A_23, %add3A_132 : i32
      %dma_start3A_134 = arith.constant 0 : i32
      %dma_start3A_135 = tpu.memref_slice %arg8[%add3A_133, %dma_start3A_134] : memref<40x128xi32, #tpu.memory_space<vmem>> -> memref<1x128xi32, #tpu.memory_space<vmem>>
      %dma_start3A_136 = tpu.memref_squeeze %dma_start3A_135 : memref<1x128xi32, #tpu.memory_space<vmem>> -> memref<128xi32, #tpu.memory_space<vmem>>
      %dma_start3A_137 = arith.constant 0 : i32
      %dma_start3A_138 = arith.constant 0 : i32
      %dma_start3A_139 = tpu.memref_slice %arg11[%dma_start3A_137, %dma_start3A_138] : memref<10112x128xf32, #tpu.memory_space<vmem_shared>> -> memref<10112x128xf32, #tpu.memory_space<vmem_shared>>
      tpu.enqueue_indirect_dma source(%arg10 : memref<128x128xf32, #tpu.memory_space<vmem>>) target(%dma_start3A_139 : memref<10112x128xf32, #tpu.memory_space<vmem_shared>>) offsets(%dma_start3A_136 : memref<128xi32, #tpu.memory_space<vmem>>) semaphore(%arg15 : memref<!tpu.dma_semaphore, #tpu.memory_space<semaphore_mem>>) {add = true}
      %dma_wait3A_140 = arith.constant 0 : i32
      %dma_wait3A_141 = tpu.memref_slice %arg8[%add3A_133, %dma_wait3A_140] : memref<40x128xi32, #tpu.memory_space<vmem>> -> memref<1x128xi32, #tpu.memory_space<vmem>>
      %dma_wait3A_142 = tpu.memref_squeeze %dma_wait3A_141 : memref<1x128xi32, #tpu.memory_space<vmem>> -> memref<128xi32, #tpu.memory_space<vmem>>
      %dma_wait3A_143 = arith.constant 0 : i32
      %dma_wait3A_144 = arith.constant 0 : i32
      %dma_wait3A_145 = tpu.memref_slice %arg11[%dma_wait3A_143, %dma_wait3A_144] : memref<10112x128xf32, #tpu.memory_space<vmem_shared>> -> memref<10112x128xf32, #tpu.memory_space<vmem_shared>>
      tpu.wait_indirect_dma semaphore(%arg15 : memref<!tpu.dma_semaphore, #tpu.memory_space<semaphore_mem>>) src(%arg10 : memref<128x128xf32, #tpu.memory_space<vmem>>) dst(%dma_wait3A_145 : memref<10112x128xf32, #tpu.memory_space<vmem_shared>>)
      %add3A_146 = arith.constant 3 : i32
      %add3A_147 = arith.addi %mul3A_23, %add3A_146 : i32
      %add3A_148 = arith.constant 2 : i32
      %add3A_149 = arith.addi %add3A_147, %add3A_148 : i32
      %dma_start3A_150 = arith.constant 0 : i32
      %dma_start3A_151 = tpu.memref_slice %arg7[%add3A_149, %dma_start3A_150] : memref<40x128xi32, #tpu.memory_space<vmem>> -> memref<1x128xi32, #tpu.memory_space<vmem>>
      %dma_start3A_152 = tpu.memref_squeeze %dma_start3A_151 : memref<1x128xi32, #tpu.memory_space<vmem>> -> memref<128xi32, #tpu.memory_space<vmem>>
      %dma_start3A_153 = arith.constant 0 : i32
      %dma_start3A_154 = arith.constant 0 : i32
      %dma_start3A_155 = tpu.memref_slice %arg2[%dma_start3A_153, %dma_start3A_154] : memref<10000x128xf32, #tpu.memory_space<hbm>> -> memref<10000x128xf32, #tpu.memory_space<hbm>>
      tpu.enqueue_indirect_dma source(%dma_start3A_155 : memref<10000x128xf32, #tpu.memory_space<hbm>>) target(%arg10 : memref<128x128xf32, #tpu.memory_space<vmem>>) offsets(%dma_start3A_152 : memref<128xi32, #tpu.memory_space<vmem>>) semaphore(%arg13 : memref<!tpu.dma_semaphore, #tpu.memory_space<semaphore_mem>>)
      %dma_wait3A_156 = arith.constant 0 : i32
      %dma_wait3A_157 = tpu.memref_slice %arg7[%add3A_119, %dma_wait3A_156] : memref<40x128xi32, #tpu.memory_space<vmem>> -> memref<1x128xi32, #tpu.memory_space<vmem>>
      %dma_wait3A_158 = tpu.memref_squeeze %dma_wait3A_157 : memref<1x128xi32, #tpu.memory_space<vmem>> -> memref<128xi32, #tpu.memory_space<vmem>>
      %dma_wait3A_159 = arith.constant 0 : i32
      %dma_wait3A_160 = arith.constant 0 : i32
      %dma_wait3A_161 = tpu.memref_slice %arg2[%dma_wait3A_159, %dma_wait3A_160] : memref<10000x128xf32, #tpu.memory_space<hbm>> -> memref<10000x128xf32, #tpu.memory_space<hbm>>
      tpu.wait_indirect_dma semaphore(%arg12 : memref<!tpu.dma_semaphore, #tpu.memory_space<semaphore_mem>>) src(%dma_wait3A_161 : memref<10000x128xf32, #tpu.memory_space<hbm>>) dst(%arg9 : memref<128x128xf32, #tpu.memory_space<vmem>>)
      %add3A_162 = arith.constant 4 : i32
      %add3A_163 = arith.addi %mul3A_23, %add3A_162 : i32
      %dma_start3A_164 = arith.constant 0 : i32
      %dma_start3A_165 = tpu.memref_slice %arg8[%add3A_163, %dma_start3A_164] : memref<40x128xi32, #tpu.memory_space<vmem>> -> memref<1x128xi32, #tpu.memory_space<vmem>>
      %dma_start3A_166 = tpu.memref_squeeze %dma_start3A_165 : memref<1x128xi32, #tpu.memory_space<vmem>> -> memref<128xi32, #tpu.memory_space<vmem>>
      %dma_start3A_167 = arith.constant 0 : i32
      %dma_start3A_168 = arith.constant 0 : i32
      %dma_start3A_169 = tpu.memref_slice %arg11[%dma_start3A_167, %dma_start3A_168] : memref<10112x128xf32, #tpu.memory_space<vmem_shared>> -> memref<10112x128xf32, #tpu.memory_space<vmem_shared>>
      tpu.enqueue_indirect_dma source(%arg9 : memref<128x128xf32, #tpu.memory_space<vmem>>) target(%dma_start3A_169 : memref<10112x128xf32, #tpu.memory_space<vmem_shared>>) offsets(%dma_start3A_166 : memref<128xi32, #tpu.memory_space<vmem>>) semaphore(%arg14 : memref<!tpu.dma_semaphore, #tpu.memory_space<semaphore_mem>>) {add = true}
      %dma_wait3A_170 = arith.constant 0 : i32
      %dma_wait3A_171 = tpu.memref_slice %arg8[%add3A_163, %dma_wait3A_170] : memref<40x128xi32, #tpu.memory_space<vmem>> -> memref<1x128xi32, #tpu.memory_space<vmem>>
      %dma_wait3A_172 = tpu.memref_squeeze %dma_wait3A_171 : memref<1x128xi32, #tpu.memory_space<vmem>> -> memref<128xi32, #tpu.memory_space<vmem>>
      %dma_wait3A_173 = arith.constant 0 : i32
      %dma_wait3A_174 = arith.constant 0 : i32
      %dma_wait3A_175 = tpu.memref_slice %arg11[%dma_wait3A_173, %dma_wait3A_174] : memref<10112x128xf32, #tpu.memory_space<vmem_shared>> -> memref<10112x128xf32, #tpu.memory_space<vmem_shared>>
      tpu.wait_indirect_dma semaphore(%arg14 : memref<!tpu.dma_semaphore, #tpu.memory_space<semaphore_mem>>) src(%arg9 : memref<128x128xf32, #tpu.memory_space<vmem>>) dst(%dma_wait3A_175 : memref<10112x128xf32, #tpu.memory_space<vmem_shared>>)
      %add3A_176 = arith.constant 4 : i32
      %add3A_177 = arith.addi %mul3A_23, %add3A_176 : i32
      %add3A_178 = arith.constant 2 : i32
      %add3A_179 = arith.addi %add3A_177, %add3A_178 : i32
      %dma_start3A_180 = arith.constant 0 : i32
      %dma_start3A_181 = tpu.memref_slice %arg7[%add3A_179, %dma_start3A_180] : memref<40x128xi32, #tpu.memory_space<vmem>> -> memref<1x128xi32, #tpu.memory_space<vmem>>
      %dma_start3A_182 = tpu.memref_squeeze %dma_start3A_181 : memref<1x128xi32, #tpu.memory_space<vmem>> -> memref<128xi32, #tpu.memory_space<vmem>>
      %dma_start3A_183 = arith.constant 0 : i32
      %dma_start3A_184 = arith.constant 0 : i32
      %dma_start3A_185 = tpu.memref_slice %arg2[%dma_start3A_183, %dma_start3A_184] : memref<10000x128xf32, #tpu.memory_space<hbm>> -> memref<10000x128xf32, #tpu.memory_space<hbm>>
      tpu.enqueue_indirect_dma source(%dma_start3A_185 : memref<10000x128xf32, #tpu.memory_space<hbm>>) target(%arg9 : memref<128x128xf32, #tpu.memory_space<vmem>>) offsets(%dma_start3A_182 : memref<128xi32, #tpu.memory_space<vmem>>) semaphore(%arg12 : memref<!tpu.dma_semaphore, #tpu.memory_space<semaphore_mem>>)
      %dma_wait3A_186 = arith.constant 0 : i32
      %dma_wait3A_187 = tpu.memref_slice %arg7[%add3A_149, %dma_wait3A_186] : memref<40x128xi32, #tpu.memory_space<vmem>> -> memref<1x128xi32, #tpu.memory_space<vmem>>
      %dma_wait3A_188 = tpu.memref_squeeze %dma_wait3A_187 : memref<1x128xi32, #tpu.memory_space<vmem>> -> memref<128xi32, #tpu.memory_space<vmem>>
      %dma_wait3A_189 = arith.constant 0 : i32
      %dma_wait3A_190 = arith.constant 0 : i32
      %dma_wait3A_191 = tpu.memref_slice %arg2[%dma_wait3A_189, %dma_wait3A_190] : memref<10000x128xf32, #tpu.memory_space<hbm>> -> memref<10000x128xf32, #tpu.memory_space<hbm>>
      tpu.wait_indirect_dma semaphore(%arg13 : memref<!tpu.dma_semaphore, #tpu.memory_space<semaphore_mem>>) src(%dma_wait3A_191 : memref<10000x128xf32, #tpu.memory_space<hbm>>) dst(%arg10 : memref<128x128xf32, #tpu.memory_space<vmem>>)
      %add3A_192 = arith.constant 5 : i32
      %add3A_193 = arith.addi %mul3A_23, %add3A_192 : i32
      %dma_start3A_194 = arith.constant 0 : i32
      %dma_start3A_195 = tpu.memref_slice %arg8[%add3A_193, %dma_start3A_194] : memref<40x128xi32, #tpu.memory_space<vmem>> -> memref<1x128xi32, #tpu.memory_space<vmem>>
      %dma_start3A_196 = tpu.memref_squeeze %dma_start3A_195 : memref<1x128xi32, #tpu.memory_space<vmem>> -> memref<128xi32, #tpu.memory_space<vmem>>
      %dma_start3A_197 = arith.constant 0 : i32
      %dma_start3A_198 = arith.constant 0 : i32
      %dma_start3A_199 = tpu.memref_slice %arg11[%dma_start3A_197, %dma_start3A_198] : memref<10112x128xf32, #tpu.memory_space<vmem_shared>> -> memref<10112x128xf32, #tpu.memory_space<vmem_shared>>
      tpu.enqueue_indirect_dma source(%arg10 : memref<128x128xf32, #tpu.memory_space<vmem>>) target(%dma_start3A_199 : memref<10112x128xf32, #tpu.memory_space<vmem_shared>>) offsets(%dma_start3A_196 : memref<128xi32, #tpu.memory_space<vmem>>) semaphore(%arg15 : memref<!tpu.dma_semaphore, #tpu.memory_space<semaphore_mem>>) {add = true}
      %dma_wait3A_200 = arith.constant 0 : i32
      %dma_wait3A_201 = tpu.memref_slice %arg8[%add3A_193, %dma_wait3A_200] : memref<40x128xi32, #tpu.memory_space<vmem>> -> memref<1x128xi32, #tpu.memory_space<vmem>>
      %dma_wait3A_202 = tpu.memref_squeeze %dma_wait3A_201 : memref<1x128xi32, #tpu.memory_space<vmem>> -> memref<128xi32, #tpu.memory_space<vmem>>
      %dma_wait3A_203 = arith.constant 0 : i32
      %dma_wait3A_204 = arith.constant 0 : i32
      %dma_wait3A_205 = tpu.memref_slice %arg11[%dma_wait3A_203, %dma_wait3A_204] : memref<10112x128xf32, #tpu.memory_space<vmem_shared>> -> memref<10112x128xf32, #tpu.memory_space<vmem_shared>>
      tpu.wait_indirect_dma semaphore(%arg15 : memref<!tpu.dma_semaphore, #tpu.memory_space<semaphore_mem>>) src(%arg10 : memref<128x128xf32, #tpu.memory_space<vmem>>) dst(%dma_wait3A_205 : memref<10112x128xf32, #tpu.memory_space<vmem_shared>>)
      %add3A_206 = arith.constant 5 : i32
      %add3A_207 = arith.addi %mul3A_23, %add3A_206 : i32
      %add3A_208 = arith.constant 2 : i32
      %add3A_209 = arith.addi %add3A_207, %add3A_208 : i32
      %dma_start3A_210 = arith.constant 0 : i32
      %dma_start3A_211 = tpu.memref_slice %arg7[%add3A_209, %dma_start3A_210] : memref<40x128xi32, #tpu.memory_space<vmem>> -> memref<1x128xi32, #tpu.memory_space<vmem>>
      %dma_start3A_212 = tpu.memref_squeeze %dma_start3A_211 : memref<1x128xi32, #tpu.memory_space<vmem>> -> memref<128xi32, #tpu.memory_space<vmem>>
      %dma_start3A_213 = arith.constant 0 : i32
      %dma_start3A_214 = arith.constant 0 : i32
      %dma_start3A_215 = tpu.memref_slice %arg2[%dma_start3A_213, %dma_start3A_214] : memref<10000x128xf32, #tpu.memory_space<hbm>> -> memref<10000x128xf32, #tpu.memory_space<hbm>>
      tpu.enqueue_indirect_dma source(%dma_start3A_215 : memref<10000x128xf32, #tpu.memory_space<hbm>>) target(%arg10 : memref<128x128xf32, #tpu.memory_space<vmem>>) offsets(%dma_start3A_212 : memref<128xi32, #tpu.memory_space<vmem>>) semaphore(%arg13 : memref<!tpu.dma_semaphore, #tpu.memory_space<semaphore_mem>>)
      %dma_wait3A_216 = arith.constant 0 : i32
      %dma_wait3A_217 = tpu.memref_slice %arg7[%add3A_179, %dma_wait3A_216] : memref<40x128xi32, #tpu.memory_space<vmem>> -> memref<1x128xi32, #tpu.memory_space<vmem>>
      %dma_wait3A_218 = tpu.memref_squeeze %dma_wait3A_217 : memref<1x128xi32, #tpu.memory_space<vmem>> -> memref<128xi32, #tpu.memory_space<vmem>>
      %dma_wait3A_219 = arith.constant 0 : i32
      %dma_wait3A_220 = arith.constant 0 : i32
      %dma_wait3A_221 = tpu.memref_slice %arg2[%dma_wait3A_219, %dma_wait3A_220] : memref<10000x128xf32, #tpu.memory_space<hbm>> -> memref<10000x128xf32, #tpu.memory_space<hbm>>
      tpu.wait_indirect_dma semaphore(%arg12 : memref<!tpu.dma_semaphore, #tpu.memory_space<semaphore_mem>>) src(%dma_wait3A_221 : memref<10000x128xf32, #tpu.memory_space<hbm>>) dst(%arg9 : memref<128x128xf32, #tpu.memory_space<vmem>>)
      %add3A_222 = arith.constant 6 : i32
      %add3A_223 = arith.addi %mul3A_23, %add3A_222 : i32
      %dma_start3A_224 = arith.constant 0 : i32
      %dma_start3A_225 = tpu.memref_slice %arg8[%add3A_223, %dma_start3A_224] : memref<40x128xi32, #tpu.memory_space<vmem>> -> memref<1x128xi32, #tpu.memory_space<vmem>>
      %dma_start3A_226 = tpu.memref_squeeze %dma_start3A_225 : memref<1x128xi32, #tpu.memory_space<vmem>> -> memref<128xi32, #tpu.memory_space<vmem>>
      %dma_start3A_227 = arith.constant 0 : i32
      %dma_start3A_228 = arith.constant 0 : i32
      %dma_start3A_229 = tpu.memref_slice %arg11[%dma_start3A_227, %dma_start3A_228] : memref<10112x128xf32, #tpu.memory_space<vmem_shared>> -> memref<10112x128xf32, #tpu.memory_space<vmem_shared>>
      tpu.enqueue_indirect_dma source(%arg9 : memref<128x128xf32, #tpu.memory_space<vmem>>) target(%dma_start3A_229 : memref<10112x128xf32, #tpu.memory_space<vmem_shared>>) offsets(%dma_start3A_226 : memref<128xi32, #tpu.memory_space<vmem>>) semaphore(%arg14 : memref<!tpu.dma_semaphore, #tpu.memory_space<semaphore_mem>>) {add = true}
      %dma_wait3A_230 = arith.constant 0 : i32
      %dma_wait3A_231 = tpu.memref_slice %arg8[%add3A_223, %dma_wait3A_230] : memref<40x128xi32, #tpu.memory_space<vmem>> -> memref<1x128xi32, #tpu.memory_space<vmem>>
      %dma_wait3A_232 = tpu.memref_squeeze %dma_wait3A_231 : memref<1x128xi32, #tpu.memory_space<vmem>> -> memref<128xi32, #tpu.memory_space<vmem>>
      %dma_wait3A_233 = arith.constant 0 : i32
      %dma_wait3A_234 = arith.constant 0 : i32
      %dma_wait3A_235 = tpu.memref_slice %arg11[%dma_wait3A_233, %dma_wait3A_234] : memref<10112x128xf32, #tpu.memory_space<vmem_shared>> -> memref<10112x128xf32, #tpu.memory_space<vmem_shared>>
      tpu.wait_indirect_dma semaphore(%arg14 : memref<!tpu.dma_semaphore, #tpu.memory_space<semaphore_mem>>) src(%arg9 : memref<128x128xf32, #tpu.memory_space<vmem>>) dst(%dma_wait3A_235 : memref<10112x128xf32, #tpu.memory_space<vmem_shared>>)
      %add3A_236 = arith.constant 6 : i32
      %add3A_237 = arith.addi %mul3A_23, %add3A_236 : i32
      %add3A_238 = arith.constant 2 : i32
      %add3A_239 = arith.addi %add3A_237, %add3A_238 : i32
      %dma_start3A_240 = arith.constant 0 : i32
      %dma_start3A_241 = tpu.memref_slice %arg7[%add3A_239, %dma_start3A_240] : memref<40x128xi32, #tpu.memory_space<vmem>> -> memref<1x128xi32, #tpu.memory_space<vmem>>
      %dma_start3A_242 = tpu.memref_squeeze %dma_start3A_241 : memref<1x128xi32, #tpu.memory_space<vmem>> -> memref<128xi32, #tpu.memory_space<vmem>>
      %dma_start3A_243 = arith.constant 0 : i32
      %dma_start3A_244 = arith.constant 0 : i32
      %dma_start3A_245 = tpu.memref_slice %arg2[%dma_start3A_243, %dma_start3A_244] : memref<10000x128xf32, #tpu.memory_space<hbm>> -> memref<10000x128xf32, #tpu.memory_space<hbm>>
      tpu.enqueue_indirect_dma source(%dma_start3A_245 : memref<10000x128xf32, #tpu.memory_space<hbm>>) target(%arg9 : memref<128x128xf32, #tpu.memory_space<vmem>>) offsets(%dma_start3A_242 : memref<128xi32, #tpu.memory_space<vmem>>) semaphore(%arg12 : memref<!tpu.dma_semaphore, #tpu.memory_space<semaphore_mem>>)
      %dma_wait3A_246 = arith.constant 0 : i32
      %dma_wait3A_247 = tpu.memref_slice %arg7[%add3A_209, %dma_wait3A_246] : memref<40x128xi32, #tpu.memory_space<vmem>> -> memref<1x128xi32, #tpu.memory_space<vmem>>
      %dma_wait3A_248 = tpu.memref_squeeze %dma_wait3A_247 : memref<1x128xi32, #tpu.memory_space<vmem>> -> memref<128xi32, #tpu.memory_space<vmem>>
      %dma_wait3A_249 = arith.constant 0 : i32
      %dma_wait3A_250 = arith.constant 0 : i32
      %dma_wait3A_251 = tpu.memref_slice %arg2[%dma_wait3A_249, %dma_wait3A_250] : memref<10000x128xf32, #tpu.memory_space<hbm>> -> memref<10000x128xf32, #tpu.memory_space<hbm>>
      tpu.wait_indirect_dma semaphore(%arg13 : memref<!tpu.dma_semaphore, #tpu.memory_space<semaphore_mem>>) src(%dma_wait3A_251 : memref<10000x128xf32, #tpu.memory_space<hbm>>) dst(%arg10 : memref<128x128xf32, #tpu.memory_space<vmem>>)
      %add3A_252 = arith.constant 7 : i32
      %add3A_253 = arith.addi %mul3A_23, %add3A_252 : i32
      %dma_start3A_254 = arith.constant 0 : i32
      %dma_start3A_255 = tpu.memref_slice %arg8[%add3A_253, %dma_start3A_254] : memref<40x128xi32, #tpu.memory_space<vmem>> -> memref<1x128xi32, #tpu.memory_space<vmem>>
      %dma_start3A_256 = tpu.memref_squeeze %dma_start3A_255 : memref<1x128xi32, #tpu.memory_space<vmem>> -> memref<128xi32, #tpu.memory_space<vmem>>
      %dma_start3A_257 = arith.constant 0 : i32
      %dma_start3A_258 = arith.constant 0 : i32
      %dma_start3A_259 = tpu.memref_slice %arg11[%dma_start3A_257, %dma_start3A_258] : memref<10112x128xf32, #tpu.memory_space<vmem_shared>> -> memref<10112x128xf32, #tpu.memory_space<vmem_shared>>
      tpu.enqueue_indirect_dma source(%arg10 : memref<128x128xf32, #tpu.memory_space<vmem>>) target(%dma_start3A_259 : memref<10112x128xf32, #tpu.memory_space<vmem_shared>>) offsets(%dma_start3A_256 : memref<128xi32, #tpu.memory_space<vmem>>) semaphore(%arg15 : memref<!tpu.dma_semaphore, #tpu.memory_space<semaphore_mem>>) {add = true}
      %dma_wait3A_260 = arith.constant 0 : i32
      %dma_wait3A_261 = tpu.memref_slice %arg8[%add3A_253, %dma_wait3A_260] : memref<40x128xi32, #tpu.memory_space<vmem>> -> memref<1x128xi32, #tpu.memory_space<vmem>>
      %dma_wait3A_262 = tpu.memref_squeeze %dma_wait3A_261 : memref<1x128xi32, #tpu.memory_space<vmem>> -> memref<128xi32, #tpu.memory_space<vmem>>
      %dma_wait3A_263 = arith.constant 0 : i32
      %dma_wait3A_264 = arith.constant 0 : i32
      %dma_wait3A_265 = tpu.memref_slice %arg11[%dma_wait3A_263, %dma_wait3A_264] : memref<10112x128xf32, #tpu.memory_space<vmem_shared>> -> memref<10112x128xf32, #tpu.memory_space<vmem_shared>>
      tpu.wait_indirect_dma semaphore(%arg15 : memref<!tpu.dma_semaphore, #tpu.memory_space<semaphore_mem>>) src(%arg10 : memref<128x128xf32, #tpu.memory_space<vmem>>) dst(%dma_wait3A_265 : memref<10112x128xf32, #tpu.memory_space<vmem_shared>>)
      %add3A_266 = arith.constant 7 : i32
      %add3A_267 = arith.addi %mul3A_23, %add3A_266 : i32
      %add3A_268 = arith.constant 2 : i32
      %add3A_269 = arith.addi %add3A_267, %add3A_268 : i32
      %dma_start3A_270 = arith.constant 0 : i32
      %dma_start3A_271 = tpu.memref_slice %arg7[%add3A_269, %dma_start3A_270] : memref<40x128xi32, #tpu.memory_space<vmem>> -> memref<1x128xi32, #tpu.memory_space<vmem>>
      %dma_start3A_272 = tpu.memref_squeeze %dma_start3A_271 : memref<1x128xi32, #tpu.memory_space<vmem>> -> memref<128xi32, #tpu.memory_space<vmem>>
      %dma_start3A_273 = arith.constant 0 : i32
      %dma_start3A_274 = arith.constant 0 : i32
      %dma_start3A_275 = tpu.memref_slice %arg2[%dma_start3A_273, %dma_start3A_274] : memref<10000x128xf32, #tpu.memory_space<hbm>> -> memref<10000x128xf32, #tpu.memory_space<hbm>>
      tpu.enqueue_indirect_dma source(%dma_start3A_275 : memref<10000x128xf32, #tpu.memory_space<hbm>>) target(%arg10 : memref<128x128xf32, #tpu.memory_space<vmem>>) offsets(%dma_start3A_272 : memref<128xi32, #tpu.memory_space<vmem>>) semaphore(%arg13 : memref<!tpu.dma_semaphore, #tpu.memory_space<semaphore_mem>>)
      %dma_wait3A_276 = arith.constant 0 : i32
      %dma_wait3A_277 = tpu.memref_slice %arg7[%add3A_239, %dma_wait3A_276] : memref<40x128xi32, #tpu.memory_space<vmem>> -> memref<1x128xi32, #tpu.memory_space<vmem>>
      %dma_wait3A_278 = tpu.memref_squeeze %dma_wait3A_277 : memref<1x128xi32, #tpu.memory_space<vmem>> -> memref<128xi32, #tpu.memory_space<vmem>>
      %dma_wait3A_279 = arith.constant 0 : i32
      %dma_wait3A_280 = arith.constant 0 : i32
      %dma_wait3A_281 = tpu.memref_slice %arg2[%dma_wait3A_279, %dma_wait3A_280] : memref<10000x128xf32, #tpu.memory_space<hbm>> -> memref<10000x128xf32, #tpu.memory_space<hbm>>
      tpu.wait_indirect_dma semaphore(%arg12 : memref<!tpu.dma_semaphore, #tpu.memory_space<semaphore_mem>>) src(%dma_wait3A_281 : memref<10000x128xf32, #tpu.memory_space<hbm>>) dst(%arg9 : memref<128x128xf32, #tpu.memory_space<vmem>>)
      %add3A_282 = arith.constant 8 : i32
      %add3A_283 = arith.addi %mul3A_23, %add3A_282 : i32
      %dma_start3A_284 = arith.constant 0 : i32
      %dma_start3A_285 = tpu.memref_slice %arg8[%add3A_283, %dma_start3A_284] : memref<40x128xi32, #tpu.memory_space<vmem>> -> memref<1x128xi32, #tpu.memory_space<vmem>>
      %dma_start3A_286 = tpu.memref_squeeze %dma_start3A_285 : memref<1x128xi32, #tpu.memory_space<vmem>> -> memref<128xi32, #tpu.memory_space<vmem>>
      %dma_start3A_287 = arith.constant 0 : i32
      %dma_start3A_288 = arith.constant 0 : i32
      %dma_start3A_289 = tpu.memref_slice %arg11[%dma_start3A_287, %dma_start3A_288] : memref<10112x128xf32, #tpu.memory_space<vmem_shared>> -> memref<10112x128xf32, #tpu.memory_space<vmem_shared>>
      tpu.enqueue_indirect_dma source(%arg9 : memref<128x128xf32, #tpu.memory_space<vmem>>) target(%dma_start3A_289 : memref<10112x128xf32, #tpu.memory_space<vmem_shared>>) offsets(%dma_start3A_286 : memref<128xi32, #tpu.memory_space<vmem>>) semaphore(%arg14 : memref<!tpu.dma_semaphore, #tpu.memory_space<semaphore_mem>>) {add = true}
      %dma_wait3A_290 = arith.constant 0 : i32
      %dma_wait3A_291 = tpu.memref_slice %arg7[%add3A_269, %dma_wait3A_290] : memref<40x128xi32, #tpu.memory_space<vmem>> -> memref<1x128xi32, #tpu.memory_space<vmem>>
      %dma_wait3A_292 = tpu.memref_squeeze %dma_wait3A_291 : memref<1x128xi32, #tpu.memory_space<vmem>> -> memref<128xi32, #tpu.memory_space<vmem>>
      %dma_wait3A_293 = arith.constant 0 : i32
      %dma_wait3A_294 = arith.constant 0 : i32
      %dma_wait3A_295 = tpu.memref_slice %arg2[%dma_wait3A_293, %dma_wait3A_294] : memref<10000x128xf32, #tpu.memory_space<hbm>> -> memref<10000x128xf32, #tpu.memory_space<hbm>>
      tpu.wait_indirect_dma semaphore(%arg13 : memref<!tpu.dma_semaphore, #tpu.memory_space<semaphore_mem>>) src(%dma_wait3A_295 : memref<10000x128xf32, #tpu.memory_space<hbm>>) dst(%arg10 : memref<128x128xf32, #tpu.memory_space<vmem>>)
      %add3A_296 = arith.constant 9 : i32
      %add3A_297 = arith.addi %mul3A_23, %add3A_296 : i32
      %dma_start3A_298 = arith.constant 0 : i32
      %dma_start3A_299 = tpu.memref_slice %arg8[%add3A_297, %dma_start3A_298] : memref<40x128xi32, #tpu.memory_space<vmem>> -> memref<1x128xi32, #tpu.memory_space<vmem>>
      %dma_start3A_300 = tpu.memref_squeeze %dma_start3A_299 : memref<1x128xi32, #tpu.memory_space<vmem>> -> memref<128xi32, #tpu.memory_space<vmem>>
      %dma_start3A_301 = arith.constant 0 : i32
      %dma_start3A_302 = arith.constant 0 : i32
      %dma_start3A_303 = tpu.memref_slice %arg11[%dma_start3A_301, %dma_start3A_302] : memref<10112x128xf32, #tpu.memory_space<vmem_shared>> -> memref<10112x128xf32, #tpu.memory_space<vmem_shared>>
      tpu.enqueue_indirect_dma source(%arg10 : memref<128x128xf32, #tpu.memory_space<vmem>>) target(%dma_start3A_303 : memref<10112x128xf32, #tpu.memory_space<vmem_shared>>) offsets(%dma_start3A_300 : memref<128xi32, #tpu.memory_space<vmem>>) semaphore(%arg15 : memref<!tpu.dma_semaphore, #tpu.memory_space<semaphore_mem>>) {add = true}
      %dma_wait3A_304 = arith.constant 0 : i32
      %dma_wait3A_305 = tpu.memref_slice %arg8[%add3A_283, %dma_wait3A_304] : memref<40x128xi32, #tpu.memory_space<vmem>> -> memref<1x128xi32, #tpu.memory_space<vmem>>
      %dma_wait3A_306 = tpu.memref_squeeze %dma_wait3A_305 : memref<1x128xi32, #tpu.memory_space<vmem>> -> memref<128xi32, #tpu.memory_space<vmem>>
      %dma_wait3A_307 = arith.constant 0 : i32
      %dma_wait3A_308 = arith.constant 0 : i32
      %dma_wait3A_309 = tpu.memref_slice %arg11[%dma_wait3A_307, %dma_wait3A_308] : memref<10112x128xf32, #tpu.memory_space<vmem_shared>> -> memref<10112x128xf32, #tpu.memory_space<vmem_shared>>
      tpu.wait_indirect_dma semaphore(%arg14 : memref<!tpu.dma_semaphore, #tpu.memory_space<semaphore_mem>>) src(%arg9 : memref<128x128xf32, #tpu.memory_space<vmem>>) dst(%dma_wait3A_309 : memref<10112x128xf32, #tpu.memory_space<vmem_shared>>)
      %dma_wait3A_310 = arith.constant 0 : i32
      %dma_wait3A_311 = tpu.memref_slice %arg8[%add3A_297, %dma_wait3A_310] : memref<40x128xi32, #tpu.memory_space<vmem>> -> memref<1x128xi32, #tpu.memory_space<vmem>>
      %dma_wait3A_312 = tpu.memref_squeeze %dma_wait3A_311 : memref<1x128xi32, #tpu.memory_space<vmem>> -> memref<128xi32, #tpu.memory_space<vmem>>
      %dma_wait3A_313 = arith.constant 0 : i32
      %dma_wait3A_314 = arith.constant 0 : i32
      %dma_wait3A_315 = tpu.memref_slice %arg11[%dma_wait3A_313, %dma_wait3A_314] : memref<10112x128xf32, #tpu.memory_space<vmem_shared>> -> memref<10112x128xf32, #tpu.memory_space<vmem_shared>>
      tpu.wait_indirect_dma semaphore(%arg15 : memref<!tpu.dma_semaphore, #tpu.memory_space<semaphore_mem>>) src(%arg10 : memref<128x128xf32, #tpu.memory_space<vmem>>) dst(%dma_wait3A_315 : memref<10112x128xf32, #tpu.memory_space<vmem_shared>>)
    }
    %scan3A_15 = arith.constant 4 : i32
    %barrier3A_16 = arith.constant 0 : index
    tpu.barrier barrier_id(%barrier3A_16)
    %mul3A_17 = arith.constant 632 : i32
    %mul3A_18 = arith.muli %arg1, %mul3A_17 : i32
    %mul3A_19 = arith.constant 632 : i32
    %mul3A_20 = arith.muli %arg1, %mul3A_19 : i32
    "tpu.region"() ({
      %run_scoped3A = tpu.sem_alloc : memref<!tpu.dma_semaphore, #tpu.memory_space<semaphore_mem>>
      %dma_start3A = arith.constant 0 : i32
      %dma_start3A_21 = tpu.memref_slice %arg6[%arg0, %mul3A_20, %dma_start3A] : memref<2x10112x128xf32, #tpu.memory_space<hbm>> -> memref<1x632x128xf32, #tpu.memory_space<hbm>>
      %dma_start3A_22 = tpu.memref_squeeze %dma_start3A_21 : memref<1x632x128xf32, #tpu.memory_space<hbm>> -> memref<632x128xf32, #tpu.memory_space<hbm>>
      %dma_start3A_23 = arith.constant 0 : i32
      %dma_start3A_24 = tpu.memref_slice %arg11[%mul3A_18, %dma_start3A_23] : memref<10112x128xf32, #tpu.memory_space<vmem_shared>> -> memref<632x128xf32, #tpu.memory_space<vmem_shared>>
      tpu.enqueue_dma source(%dma_start3A_24 : memref<632x128xf32, #tpu.memory_space<vmem_shared>>) target(%dma_start3A_22 : memref<632x128xf32, #tpu.memory_space<hbm>>) target_semaphore(%run_scoped3A : memref<!tpu.dma_semaphore, #tpu.memory_space<semaphore_mem>>)
      %dma_wait3A = arith.constant 0 : i32
      %dma_wait3A_25 = tpu.memref_slice %arg6[%arg0, %mul3A_20, %dma_wait3A] : memref<2x10112x128xf32, #tpu.memory_space<hbm>> -> memref<1x632x128xf32, #tpu.memory_space<hbm>>
      %dma_wait3A_26 = tpu.memref_squeeze %dma_wait3A_25 : memref<1x632x128xf32, #tpu.memory_space<hbm>> -> memref<632x128xf32, #tpu.memory_space<hbm>>
      %dma_wait3A_27 = arith.constant 0 : i32
      %dma_wait3A_28 = tpu.memref_slice %arg11[%mul3A_18, %dma_wait3A_27] : memref<10112x128xf32, #tpu.memory_space<vmem_shared>> -> memref<632x128xf32, #tpu.memory_space<vmem_shared>>
      tpu.wait_dma2 semaphore(%run_scoped3A : memref<!tpu.dma_semaphore, #tpu.memory_space<semaphore_mem>>) src(%dma_wait3A_28 : memref<632x128xf32, #tpu.memory_space<vmem_shared>>) dst(%dma_wait3A_26 : memref<632x128xf32, #tpu.memory_space<hbm>>)
      tpu.yield
    }) : () -> ()
    return
  }
}

#map = affine_map<(d0, d1) -> (0, 0, 0)>
#map1 = affine_map<(d0, d1) -> (0)>
module attributes {stable_mosaic.version = 14 : i64} {
  func.func @_sc_degree(%arg0: i32, %arg1: i32, %arg2: memref<32x80x128xi32, #tpu.memory_space<hbm>>, %arg3: memref<20224xf32, #tpu.memory_space<hbm>>, %arg4: memref<80x128xi32, #tpu.memory_space<vmem>>, %arg5: memref<128xf32, #tpu.memory_space<vmem>>, %arg6: memref<640xf32, #tpu.memory_space<vmem>>, %arg7: memref<10112xf32, #tpu.memory_space<vmem_shared>>, %arg8: memref<!tpu.dma_semaphore, #tpu.memory_space<semaphore_mem>>) attributes {dimension_semantics = [#tpu.dimension_semantics<core_parallel>, #tpu.dimension_semantics<subcore_parallel>], iteration_bounds = array<i64: 2, 16>, scalar_prefetch = 0 : i64, scratch_operands = 5 : i64, tpu.core_type = #tpu.core_type<sc_vector_subcore>, window_params = [{transform_indices = #map}, {transform_indices = #map1}]} {
    %mul3A = arith.constant 2 : i32
    %mul3A_0 = arith.muli %arg1, %mul3A : i32
    %add3A = arith.addi %mul3A_0, %arg0 : i32
    %broadcast_in_dim3A = arith.constant 1.000000e+00 : f32
    %broadcast_in_dim3A_1 = vector.broadcast %broadcast_in_dim3A : f32 to vector<16xf32>
    %swap3A = arith.constant 0 : index
    %swap3A_2 = tpu.vector_load %arg5[%swap3A] {strides = array<i32>} : memref<128xf32, #tpu.memory_space<vmem>>, vector<16xf32>,
    %swap3A_3 = vector.shape_cast %swap3A_2 : vector<16xf32> to vector<16xf32>
    %swap3A_4 = vector.shape_cast %broadcast_in_dim3A_1 : vector<16xf32> to vector<16xf32>
    tpu.vector_store %arg5[%swap3A], %swap3A_4 {strides = array<i32>} : memref<128xf32, #tpu.memory_space<vmem>>, vector<16xf32>,
    %broadcast_in_dim3A_5 = arith.constant 1.000000e+00 : f32
    %broadcast_in_dim3A_6 = vector.broadcast %broadcast_in_dim3A_5 : f32 to vector<16xf32>
    %swap3A_7 = arith.constant 16 : index
    %swap3A_8 = tpu.vector_load %arg5[%swap3A_7] {strides = array<i32>} : memref<128xf32, #tpu.memory_space<vmem>>, vector<16xf32>,
    %swap3A_9 = vector.shape_cast %swap3A_8 : vector<16xf32> to vector<16xf32>
    %swap3A_10 = vector.shape_cast %broadcast_in_dim3A_6 : vector<16xf32> to vector<16xf32>
    tpu.vector_store %arg5[%swap3A_7], %swap3A_10 {strides = array<i32>} : memref<128xf32, #tpu.memory_space<vmem>>, vector<16xf32>,
    %broadcast_in_dim3A_11 = arith.constant 1.000000e+00 : f32
    %broadcast_in_dim3A_12 = vector.broadcast %broadcast_in_dim3A_11 : f32 to vector<16xf32>
    %swap3A_13 = arith.constant 32 : index
    %swap3A_14 = tpu.vector_load %arg5[%swap3A_13] {strides = array<i32>} : memref<128xf32, #tpu.memory_space<vmem>>, vector<16xf32>,
    %swap3A_15 = vector.shape_cast %swap3A_14 : vector<16xf32> to vector<16xf32>
    %swap3A_16 = vector.shape_cast %broadcast_in_dim3A_12 : vector<16xf32> to vector<16xf32>
    tpu.vector_store %arg5[%swap3A_13], %swap3A_16 {strides = array<i32>} : memref<128xf32, #tpu.memory_space<vmem>>, vector<16xf32>,
    %broadcast_in_dim3A_17 = arith.constant 1.000000e+00 : f32
    %broadcast_in_dim3A_18 = vector.broadcast %broadcast_in_dim3A_17 : f32 to vector<16xf32>
    %swap3A_19 = arith.constant 48 : index
    %swap3A_20 = tpu.vector_load %arg5[%swap3A_19] {strides = array<i32>} : memref<128xf32, #tpu.memory_space<vmem>>, vector<16xf32>,
    %swap3A_21 = vector.shape_cast %swap3A_20 : vector<16xf32> to vector<16xf32>
    %swap3A_22 = vector.shape_cast %broadcast_in_dim3A_18 : vector<16xf32> to vector<16xf32>
    tpu.vector_store %arg5[%swap3A_19], %swap3A_22 {strides = array<i32>} : memref<128xf32, #tpu.memory_space<vmem>>, vector<16xf32>,
    %broadcast_in_dim3A_23 = arith.constant 1.000000e+00 : f32
    %broadcast_in_dim3A_24 = vector.broadcast %broadcast_in_dim3A_23 : f32 to vector<16xf32>
    %swap3A_25 = arith.constant 64 : index
    %swap3A_26 = tpu.vector_load %arg5[%swap3A_25] {strides = array<i32>} : memref<128xf32, #tpu.memory_space<vmem>>, vector<16xf32>,
    %swap3A_27 = vector.shape_cast %swap3A_26 : vector<16xf32> to vector<16xf32>
    %swap3A_28 = vector.shape_cast %broadcast_in_dim3A_24 : vector<16xf32> to vector<16xf32>
    tpu.vector_store %arg5[%swap3A_25], %swap3A_28 {strides = array<i32>} : memref<128xf32, #tpu.memory_space<vmem>>, vector<16xf32>,
    %broadcast_in_dim3A_29 = arith.constant 1.000000e+00 : f32
    %broadcast_in_dim3A_30 = vector.broadcast %broadcast_in_dim3A_29 : f32 to vector<16xf32>
    %swap3A_31 = arith.constant 80 : index
    %swap3A_32 = tpu.vector_load %arg5[%swap3A_31] {strides = array<i32>} : memref<128xf32, #tpu.memory_space<vmem>>, vector<16xf32>,
    %swap3A_33 = vector.shape_cast %swap3A_32 : vector<16xf32> to vector<16xf32>
    %swap3A_34 = vector.shape_cast %broadcast_in_dim3A_30 : vector<16xf32> to vector<16xf32>
    tpu.vector_store %arg5[%swap3A_31], %swap3A_34 {strides = array<i32>} : memref<128xf32, #tpu.memory_space<vmem>>, vector<16xf32>,
    %broadcast_in_dim3A_35 = arith.constant 1.000000e+00 : f32
    %broadcast_in_dim3A_36 = vector.broadcast %broadcast_in_dim3A_35 : f32 to vector<16xf32>
    %swap3A_37 = arith.constant 96 : index
    %swap3A_38 = tpu.vector_load %arg5[%swap3A_37] {strides = array<i32>} : memref<128xf32, #tpu.memory_space<vmem>>, vector<16xf32>,
    %swap3A_39 = vector.shape_cast %swap3A_38 : vector<16xf32> to vector<16xf32>
    %swap3A_40 = vector.shape_cast %broadcast_in_dim3A_36 : vector<16xf32> to vector<16xf32>
    tpu.vector_store %arg5[%swap3A_37], %swap3A_40 {strides = array<i32>} : memref<128xf32, #tpu.memory_space<vmem>>, vector<16xf32>,
    %broadcast_in_dim3A_41 = arith.constant 1.000000e+00 : f32
    %broadcast_in_dim3A_42 = vector.broadcast %broadcast_in_dim3A_41 : f32 to vector<16xf32>
    %swap3A_43 = arith.constant 112 : index
    %swap3A_44 = tpu.vector_load %arg5[%swap3A_43] {strides = array<i32>} : memref<128xf32, #tpu.memory_space<vmem>>, vector<16xf32>,
    %swap3A_45 = vector.shape_cast %swap3A_44 : vector<16xf32> to vector<16xf32>
    %swap3A_46 = vector.shape_cast %broadcast_in_dim3A_42 : vector<16xf32> to vector<16xf32>
    tpu.vector_store %arg5[%swap3A_43], %swap3A_46 {strides = array<i32>} : memref<128xf32, #tpu.memory_space<vmem>>, vector<16xf32>,
    %broadcast_in_dim3A_47 = arith.constant 0.000000e+00 : f32
    %broadcast_in_dim3A_48 = vector.broadcast %broadcast_in_dim3A_47 : f32 to vector<16xf32>
    %swap3A_49 = arith.constant 0 : index
    %swap3A_50 = tpu.vector_load %arg6[%swap3A_49] {strides = array<i32>} : memref<640xf32, #tpu.memory_space<vmem>>, vector<16xf32>,
    %swap3A_51 = vector.shape_cast %swap3A_50 : vector<16xf32> to vector<16xf32>
    %swap3A_52 = vector.shape_cast %broadcast_in_dim3A_48 : vector<16xf32> to vector<16xf32>
    tpu.vector_store %arg6[%swap3A_49], %swap3A_52 {strides = array<i32>} : memref<640xf32, #tpu.memory_space<vmem>>, vector<16xf32>,
    %broadcast_in_dim3A_53 = arith.constant 0.000000e+00 : f32
    %broadcast_in_dim3A_54 = vector.broadcast %broadcast_in_dim3A_53 : f32 to vector<16xf32>
    %swap3A_55 = arith.constant 16 : index
    %swap3A_56 = tpu.vector_load %arg6[%swap3A_55] {strides = array<i32>} : memref<640xf32, #tpu.memory_space<vmem>>, vector<16xf32>,
    %swap3A_57 = vector.shape_cast %swap3A_56 : vector<16xf32> to vector<16xf32>
    %swap3A_58 = vector.shape_cast %broadcast_in_dim3A_54 : vector<16xf32> to vector<16xf32>
    tpu.vector_store %arg6[%swap3A_55], %swap3A_58 {strides = array<i32>} : memref<640xf32, #tpu.memory_space<vmem>>, vector<16xf32>,
    %broadcast_in_dim3A_59 = arith.constant 0.000000e+00 : f32
    %broadcast_in_dim3A_60 = vector.broadcast %broadcast_in_dim3A_59 : f32 to vector<16xf32>
    %swap3A_61 = arith.constant 32 : index
    %swap3A_62 = tpu.vector_load %arg6[%swap3A_61] {strides = array<i32>} : memref<640xf32, #tpu.memory_space<vmem>>, vector<16xf32>,
    %swap3A_63 = vector.shape_cast %swap3A_62 : vector<16xf32> to vector<16xf32>
    %swap3A_64 = vector.shape_cast %broadcast_in_dim3A_60 : vector<16xf32> to vector<16xf32>
    tpu.vector_store %arg6[%swap3A_61], %swap3A_64 {strides = array<i32>} : memref<640xf32, #tpu.memory_space<vmem>>, vector<16xf32>,
    %broadcast_in_dim3A_65 = arith.constant 0.000000e+00 : f32
    %broadcast_in_dim3A_66 = vector.broadcast %broadcast_in_dim3A_65 : f32 to vector<16xf32>
    %swap3A_67 = arith.constant 48 : index
    %swap3A_68 = tpu.vector_load %arg6[%swap3A_67] {strides = array<i32>} : memref<640xf32, #tpu.memory_space<vmem>>, vector<16xf32>,
    %swap3A_69 = vector.shape_cast %swap3A_68 : vector<16xf32> to vector<16xf32>
    %swap3A_70 = vector.shape_cast %broadcast_in_dim3A_66 : vector<16xf32> to vector<16xf32>
    tpu.vector_store %arg6[%swap3A_67], %swap3A_70 {strides = array<i32>} : memref<640xf32, #tpu.memory_space<vmem>>, vector<16xf32>,
    %broadcast_in_dim3A_71 = arith.constant 0.000000e+00 : f32
    %broadcast_in_dim3A_72 = vector.broadcast %broadcast_in_dim3A_71 : f32 to vector<16xf32>
    %swap3A_73 = arith.constant 64 : index
    %swap3A_74 = tpu.vector_load %arg6[%swap3A_73] {strides = array<i32>} : memref<640xf32, #tpu.memory_space<vmem>>, vector<16xf32>,
    %swap3A_75 = vector.shape_cast %swap3A_74 : vector<16xf32> to vector<16xf32>
    %swap3A_76 = vector.shape_cast %broadcast_in_dim3A_72 : vector<16xf32> to vector<16xf32>
    tpu.vector_store %arg6[%swap3A_73], %swap3A_76 {strides = array<i32>} : memref<640xf32, #tpu.memory_space<vmem>>, vector<16xf32>,
    %broadcast_in_dim3A_77 = arith.constant 0.000000e+00 : f32
    %broadcast_in_dim3A_78 = vector.broadcast %broadcast_in_dim3A_77 : f32 to vector<16xf32>
    %swap3A_79 = arith.constant 80 : index
    %swap3A_80 = tpu.vector_load %arg6[%swap3A_79] {strides = array<i32>} : memref<640xf32, #tpu.memory_space<vmem>>, vector<16xf32>,
    %swap3A_81 = vector.shape_cast %swap3A_80 : vector<16xf32> to vector<16xf32>
    %swap3A_82 = vector.shape_cast %broadcast_in_dim3A_78 : vector<16xf32> to vector<16xf32>
    tpu.vector_store %arg6[%swap3A_79], %swap3A_82 {strides = array<i32>} : memref<640xf32, #tpu.memory_space<vmem>>, vector<16xf32>,
    %broadcast_in_dim3A_83 = arith.constant 0.000000e+00 : f32
    %broadcast_in_dim3A_84 = vector.broadcast %broadcast_in_dim3A_83 : f32 to vector<16xf32>
    %swap3A_85 = arith.constant 96 : index
    %swap3A_86 = tpu.vector_load %arg6[%swap3A_85] {strides = array<i32>} : memref<640xf32, #tpu.memory_space<vmem>>, vector<16xf32>,
    %swap3A_87 = vector.shape_cast %swap3A_86 : vector<16xf32> to vector<16xf32>
    %swap3A_88 = vector.shape_cast %broadcast_in_dim3A_84 : vector<16xf32> to vector<16xf32>
    tpu.vector_store %arg6[%swap3A_85], %swap3A_88 {strides = array<i32>} : memref<640xf32, #tpu.memory_space<vmem>>, vector<16xf32>,
    %broadcast_in_dim3A_89 = arith.constant 0.000000e+00 : f32
    %broadcast_in_dim3A_90 = vector.broadcast %broadcast_in_dim3A_89 : f32 to vector<16xf32>
    %swap3A_91 = arith.constant 112 : index
    %swap3A_92 = tpu.vector_load %arg6[%swap3A_91] {strides = array<i32>} : memref<640xf32, #tpu.memory_space<vmem>>, vector<16xf32>,
    %swap3A_93 = vector.shape_cast %swap3A_92 : vector<16xf32> to vector<16xf32>
    %swap3A_94 = vector.shape_cast %broadcast_in_dim3A_90 : vector<16xf32> to vector<16xf32>
    tpu.vector_store %arg6[%swap3A_91], %swap3A_94 {strides = array<i32>} : memref<640xf32, #tpu.memory_space<vmem>>, vector<16xf32>,
    %broadcast_in_dim3A_95 = arith.constant 0.000000e+00 : f32
    %broadcast_in_dim3A_96 = vector.broadcast %broadcast_in_dim3A_95 : f32 to vector<16xf32>
    %swap3A_97 = arith.constant 128 : index
    %swap3A_98 = tpu.vector_load %arg6[%swap3A_97] {strides = array<i32>} : memref<640xf32, #tpu.memory_space<vmem>>, vector<16xf32>,
    %swap3A_99 = vector.shape_cast %swap3A_98 : vector<16xf32> to vector<16xf32>
    %swap3A_100 = vector.shape_cast %broadcast_in_dim3A_96 : vector<16xf32> to vector<16xf32>
    tpu.vector_store %arg6[%swap3A_97], %swap3A_100 {strides = array<i32>} : memref<640xf32, #tpu.memory_space<vmem>>, vector<16xf32>,
    %broadcast_in_dim3A_101 = arith.constant 0.000000e+00 : f32
    %broadcast_in_dim3A_102 = vector.broadcast %broadcast_in_dim3A_101 : f32 to vector<16xf32>
    %swap3A_103 = arith.constant 144 : index
    %swap3A_104 = tpu.vector_load %arg6[%swap3A_103] {strides = array<i32>} : memref<640xf32, #tpu.memory_space<vmem>>, vector<16xf32>,
    %swap3A_105 = vector.shape_cast %swap3A_104 : vector<16xf32> to vector<16xf32>
    %swap3A_106 = vector.shape_cast %broadcast_in_dim3A_102 : vector<16xf32> to vector<16xf32>
    tpu.vector_store %arg6[%swap3A_103], %swap3A_106 {strides = array<i32>} : memref<640xf32, #tpu.memory_space<vmem>>, vector<16xf32>,
    %broadcast_in_dim3A_107 = arith.constant 0.000000e+00 : f32
    %broadcast_in_dim3A_108 = vector.broadcast %broadcast_in_dim3A_107 : f32 to vector<16xf32>
    %swap3A_109 = arith.constant 160 : index
    %swap3A_110 = tpu.vector_load %arg6[%swap3A_109] {strides = array<i32>} : memref<640xf32, #tpu.memory_space<vmem>>, vector<16xf32>,
    %swap3A_111 = vector.shape_cast %swap3A_110 : vector<16xf32> to vector<16xf32>
    %swap3A_112 = vector.shape_cast %broadcast_in_dim3A_108 : vector<16xf32> to vector<16xf32>
    tpu.vector_store %arg6[%swap3A_109], %swap3A_112 {strides = array<i32>} : memref<640xf32, #tpu.memory_space<vmem>>, vector<16xf32>,
    %broadcast_in_dim3A_113 = arith.constant 0.000000e+00 : f32
    %broadcast_in_dim3A_114 = vector.broadcast %broadcast_in_dim3A_113 : f32 to vector<16xf32>
    %swap3A_115 = arith.constant 176 : index
    %swap3A_116 = tpu.vector_load %arg6[%swap3A_115] {strides = array<i32>} : memref<640xf32, #tpu.memory_space<vmem>>, vector<16xf32>,
    %swap3A_117 = vector.shape_cast %swap3A_116 : vector<16xf32> to vector<16xf32>
    %swap3A_118 = vector.shape_cast %broadcast_in_dim3A_114 : vector<16xf32> to vector<16xf32>
    tpu.vector_store %arg6[%swap3A_115], %swap3A_118 {strides = array<i32>} : memref<640xf32, #tpu.memory_space<vmem>>, vector<16xf32>,
    %broadcast_in_dim3A_119 = arith.constant 0.000000e+00 : f32
    %broadcast_in_dim3A_120 = vector.broadcast %broadcast_in_dim3A_119 : f32 to vector<16xf32>
    %swap3A_121 = arith.constant 192 : index
    %swap3A_122 = tpu.vector_load %arg6[%swap3A_121] {strides = array<i32>} : memref<640xf32, #tpu.memory_space<vmem>>, vector<16xf32>,
    %swap3A_123 = vector.shape_cast %swap3A_122 : vector<16xf32> to vector<16xf32>
    %swap3A_124 = vector.shape_cast %broadcast_in_dim3A_120 : vector<16xf32> to vector<16xf32>
    tpu.vector_store %arg6[%swap3A_121], %swap3A_124 {strides = array<i32>} : memref<640xf32, #tpu.memory_space<vmem>>, vector<16xf32>,
    %broadcast_in_dim3A_125 = arith.constant 0.000000e+00 : f32
    %broadcast_in_dim3A_126 = vector.broadcast %broadcast_in_dim3A_125 : f32 to vector<16xf32>
    %swap3A_127 = arith.constant 208 : index
    %swap3A_128 = tpu.vector_load %arg6[%swap3A_127] {strides = array<i32>} : memref<640xf32, #tpu.memory_space<vmem>>, vector<16xf32>,
    %swap3A_129 = vector.shape_cast %swap3A_128 : vector<16xf32> to vector<16xf32>
    %swap3A_130 = vector.shape_cast %broadcast_in_dim3A_126 : vector<16xf32> to vector<16xf32>
    tpu.vector_store %arg6[%swap3A_127], %swap3A_130 {strides = array<i32>} : memref<640xf32, #tpu.memory_space<vmem>>, vector<16xf32>,
    %broadcast_in_dim3A_131 = arith.constant 0.000000e+00 : f32
    %broadcast_in_dim3A_132 = vector.broadcast %broadcast_in_dim3A_131 : f32 to vector<16xf32>
    %swap3A_133 = arith.constant 224 : index
    %swap3A_134 = tpu.vector_load %arg6[%swap3A_133] {strides = array<i32>} : memref<640xf32, #tpu.memory_space<vmem>>, vector<16xf32>,
    %swap3A_135 = vector.shape_cast %swap3A_134 : vector<16xf32> to vector<16xf32>
    %swap3A_136 = vector.shape_cast %broadcast_in_dim3A_132 : vector<16xf32> to vector<16xf32>
    tpu.vector_store %arg6[%swap3A_133], %swap3A_136 {strides = array<i32>} : memref<640xf32, #tpu.memory_space<vmem>>, vector<16xf32>,
    %broadcast_in_dim3A_137 = arith.constant 0.000000e+00 : f32
    %broadcast_in_dim3A_138 = vector.broadcast %broadcast_in_dim3A_137 : f32 to vector<16xf32>
    %swap3A_139 = arith.constant 240 : index
    %swap3A_140 = tpu.vector_load %arg6[%swap3A_139] {strides = array<i32>} : memref<640xf32, #tpu.memory_space<vmem>>, vector<16xf32>,
    %swap3A_141 = vector.shape_cast %swap3A_140 : vector<16xf32> to vector<16xf32>
    %swap3A_142 = vector.shape_cast %broadcast_in_dim3A_138 : vector<16xf32> to vector<16xf32>
    tpu.vector_store %arg6[%swap3A_139], %swap3A_142 {strides = array<i32>} : memref<640xf32, #tpu.memory_space<vmem>>, vector<16xf32>,
    %broadcast_in_dim3A_143 = arith.constant 0.000000e+00 : f32
    %broadcast_in_dim3A_144 = vector.broadcast %broadcast_in_dim3A_143 : f32 to vector<16xf32>
    %swap3A_145 = arith.constant 256 : index
    %swap3A_146 = tpu.vector_load %arg6[%swap3A_145] {strides = array<i32>} : memref<640xf32, #tpu.memory_space<vmem>>, vector<16xf32>,
    %swap3A_147 = vector.shape_cast %swap3A_146 : vector<16xf32> to vector<16xf32>
    %swap3A_148 = vector.shape_cast %broadcast_in_dim3A_144 : vector<16xf32> to vector<16xf32>
    tpu.vector_store %arg6[%swap3A_145], %swap3A_148 {strides = array<i32>} : memref<640xf32, #tpu.memory_space<vmem>>, vector<16xf32>,
    %broadcast_in_dim3A_149 = arith.constant 0.000000e+00 : f32
    %broadcast_in_dim3A_150 = vector.broadcast %broadcast_in_dim3A_149 : f32 to vector<16xf32>
    %swap3A_151 = arith.constant 272 : index
    %swap3A_152 = tpu.vector_load %arg6[%swap3A_151] {strides = array<i32>} : memref<640xf32, #tpu.memory_space<vmem>>, vector<16xf32>,
    %swap3A_153 = vector.shape_cast %swap3A_152 : vector<16xf32> to vector<16xf32>
    %swap3A_154 = vector.shape_cast %broadcast_in_dim3A_150 : vector<16xf32> to vector<16xf32>
    tpu.vector_store %arg6[%swap3A_151], %swap3A_154 {strides = array<i32>} : memref<640xf32, #tpu.memory_space<vmem>>, vector<16xf32>,
    %broadcast_in_dim3A_155 = arith.constant 0.000000e+00 : f32
    %broadcast_in_dim3A_156 = vector.broadcast %broadcast_in_dim3A_155 : f32 to vector<16xf32>
    %swap3A_157 = arith.constant 288 : index
    %swap3A_158 = tpu.vector_load %arg6[%swap3A_157] {strides = array<i32>} : memref<640xf32, #tpu.memory_space<vmem>>, vector<16xf32>,
    %swap3A_159 = vector.shape_cast %swap3A_158 : vector<16xf32> to vector<16xf32>
    %swap3A_160 = vector.shape_cast %broadcast_in_dim3A_156 : vector<16xf32> to vector<16xf32>
    tpu.vector_store %arg6[%swap3A_157], %swap3A_160 {strides = array<i32>} : memref<640xf32, #tpu.memory_space<vmem>>, vector<16xf32>,
    %broadcast_in_dim3A_161 = arith.constant 0.000000e+00 : f32
    %broadcast_in_dim3A_162 = vector.broadcast %broadcast_in_dim3A_161 : f32 to vector<16xf32>
    %swap3A_163 = arith.constant 304 : index
    %swap3A_164 = tpu.vector_load %arg6[%swap3A_163] {strides = array<i32>} : memref<640xf32, #tpu.memory_space<vmem>>, vector<16xf32>,
    %swap3A_165 = vector.shape_cast %swap3A_164 : vector<16xf32> to vector<16xf32>
    %swap3A_166 = vector.shape_cast %broadcast_in_dim3A_162 : vector<16xf32> to vector<16xf32>
    tpu.vector_store %arg6[%swap3A_163], %swap3A_166 {strides = array<i32>} : memref<640xf32, #tpu.memory_space<vmem>>, vector<16xf32>,
    %broadcast_in_dim3A_167 = arith.constant 0.000000e+00 : f32
    %broadcast_in_dim3A_168 = vector.broadcast %broadcast_in_dim3A_167 : f32 to vector<16xf32>
    %swap3A_169 = arith.constant 320 : index
    %swap3A_170 = tpu.vector_load %arg6[%swap3A_169] {strides = array<i32>} : memref<640xf32, #tpu.memory_space<vmem>>, vector<16xf32>,
    %swap3A_171 = vector.shape_cast %swap3A_170 : vector<16xf32> to vector<16xf32>
    %swap3A_172 = vector.shape_cast %broadcast_in_dim3A_168 : vector<16xf32> to vector<16xf32>
    tpu.vector_store %arg6[%swap3A_169], %swap3A_172 {strides = array<i32>} : memref<640xf32, #tpu.memory_space<vmem>>, vector<16xf32>,
    %broadcast_in_dim3A_173 = arith.constant 0.000000e+00 : f32
    %broadcast_in_dim3A_174 = vector.broadcast %broadcast_in_dim3A_173 : f32 to vector<16xf32>
    %swap3A_175 = arith.constant 336 : index
    %swap3A_176 = tpu.vector_load %arg6[%swap3A_175] {strides = array<i32>} : memref<640xf32, #tpu.memory_space<vmem>>, vector<16xf32>,
    %swap3A_177 = vector.shape_cast %swap3A_176 : vector<16xf32> to vector<16xf32>
    %swap3A_178 = vector.shape_cast %broadcast_in_dim3A_174 : vector<16xf32> to vector<16xf32>
    tpu.vector_store %arg6[%swap3A_175], %swap3A_178 {strides = array<i32>} : memref<640xf32, #tpu.memory_space<vmem>>, vector<16xf32>,
    %broadcast_in_dim3A_179 = arith.constant 0.000000e+00 : f32
    %broadcast_in_dim3A_180 = vector.broadcast %broadcast_in_dim3A_179 : f32 to vector<16xf32>
    %swap3A_181 = arith.constant 352 : index
    %swap3A_182 = tpu.vector_load %arg6[%swap3A_181] {strides = array<i32>} : memref<640xf32, #tpu.memory_space<vmem>>, vector<16xf32>,
    %swap3A_183 = vector.shape_cast %swap3A_182 : vector<16xf32> to vector<16xf32>
    %swap3A_184 = vector.shape_cast %broadcast_in_dim3A_180 : vector<16xf32> to vector<16xf32>
    tpu.vector_store %arg6[%swap3A_181], %swap3A_184 {strides = array<i32>} : memref<640xf32, #tpu.memory_space<vmem>>, vector<16xf32>,
    %broadcast_in_dim3A_185 = arith.constant 0.000000e+00 : f32
    %broadcast_in_dim3A_186 = vector.broadcast %broadcast_in_dim3A_185 : f32 to vector<16xf32>
    %swap3A_187 = arith.constant 368 : index
    %swap3A_188 = tpu.vector_load %arg6[%swap3A_187] {strides = array<i32>} : memref<640xf32, #tpu.memory_space<vmem>>, vector<16xf32>,
    %swap3A_189 = vector.shape_cast %swap3A_188 : vector<16xf32> to vector<16xf32>
    %swap3A_190 = vector.shape_cast %broadcast_in_dim3A_186 : vector<16xf32> to vector<16xf32>
    tpu.vector_store %arg6[%swap3A_187], %swap3A_190 {strides = array<i32>} : memref<640xf32, #tpu.memory_space<vmem>>, vector<16xf32>,
    %broadcast_in_dim3A_191 = arith.constant 0.000000e+00 : f32
    %broadcast_in_dim3A_192 = vector.broadcast %broadcast_in_dim3A_191 : f32 to vector<16xf32>
    %swap3A_193 = arith.constant 384 : index
    %swap3A_194 = tpu.vector_load %arg6[%swap3A_193] {strides = array<i32>} : memref<640xf32, #tpu.memory_space<vmem>>, vector<16xf32>,
    %swap3A_195 = vector.shape_cast %swap3A_194 : vector<16xf32> to vector<16xf32>
    %swap3A_196 = vector.shape_cast %broadcast_in_dim3A_192 : vector<16xf32> to vector<16xf32>
    tpu.vector_store %arg6[%swap3A_193], %swap3A_196 {strides = array<i32>} : memref<640xf32, #tpu.memory_space<vmem>>, vector<16xf32>,
    %broadcast_in_dim3A_197 = arith.constant 0.000000e+00 : f32
    %broadcast_in_dim3A_198 = vector.broadcast %broadcast_in_dim3A_197 : f32 to vector<16xf32>
    %swap3A_199 = arith.constant 400 : index
    %swap3A_200 = tpu.vector_load %arg6[%swap3A_199] {strides = array<i32>} : memref<640xf32, #tpu.memory_space<vmem>>, vector<16xf32>,
    %swap3A_201 = vector.shape_cast %swap3A_200 : vector<16xf32> to vector<16xf32>
    %swap3A_202 = vector.shape_cast %broadcast_in_dim3A_198 : vector<16xf32> to vector<16xf32>
    tpu.vector_store %arg6[%swap3A_199], %swap3A_202 {strides = array<i32>} : memref<640xf32, #tpu.memory_space<vmem>>, vector<16xf32>,
    %broadcast_in_dim3A_203 = arith.constant 0.000000e+00 : f32
    %broadcast_in_dim3A_204 = vector.broadcast %broadcast_in_dim3A_203 : f32 to vector<16xf32>
    %swap3A_205 = arith.constant 416 : index
    %swap3A_206 = tpu.vector_load %arg6[%swap3A_205] {strides = array<i32>} : memref<640xf32, #tpu.memory_space<vmem>>, vector<16xf32>,
    %swap3A_207 = vector.shape_cast %swap3A_206 : vector<16xf32> to vector<16xf32>
    %swap3A_208 = vector.shape_cast %broadcast_in_dim3A_204 : vector<16xf32> to vector<16xf32>
    tpu.vector_store %arg6[%swap3A_205], %swap3A_208 {strides = array<i32>} : memref<640xf32, #tpu.memory_space<vmem>>, vector<16xf32>,
    %broadcast_in_dim3A_209 = arith.constant 0.000000e+00 : f32
    %broadcast_in_dim3A_210 = vector.broadcast %broadcast_in_dim3A_209 : f32 to vector<16xf32>
    %swap3A_211 = arith.constant 432 : index
    %swap3A_212 = tpu.vector_load %arg6[%swap3A_211] {strides = array<i32>} : memref<640xf32, #tpu.memory_space<vmem>>, vector<16xf32>,
    %swap3A_213 = vector.shape_cast %swap3A_212 : vector<16xf32> to vector<16xf32>
    %swap3A_214 = vector.shape_cast %broadcast_in_dim3A_210 : vector<16xf32> to vector<16xf32>
    tpu.vector_store %arg6[%swap3A_211], %swap3A_214 {strides = array<i32>} : memref<640xf32, #tpu.memory_space<vmem>>, vector<16xf32>,
    %broadcast_in_dim3A_215 = arith.constant 0.000000e+00 : f32
    %broadcast_in_dim3A_216 = vector.broadcast %broadcast_in_dim3A_215 : f32 to vector<16xf32>
    %swap3A_217 = arith.constant 448 : index
    %swap3A_218 = tpu.vector_load %arg6[%swap3A_217] {strides = array<i32>} : memref<640xf32, #tpu.memory_space<vmem>>, vector<16xf32>,
    %swap3A_219 = vector.shape_cast %swap3A_218 : vector<16xf32> to vector<16xf32>
    %swap3A_220 = vector.shape_cast %broadcast_in_dim3A_216 : vector<16xf32> to vector<16xf32>
    tpu.vector_store %arg6[%swap3A_217], %swap3A_220 {strides = array<i32>} : memref<640xf32, #tpu.memory_space<vmem>>, vector<16xf32>,
    %broadcast_in_dim3A_221 = arith.constant 0.000000e+00 : f32
    %broadcast_in_dim3A_222 = vector.broadcast %broadcast_in_dim3A_221 : f32 to vector<16xf32>
    %swap3A_223 = arith.constant 464 : index
    %swap3A_224 = tpu.vector_load %arg6[%swap3A_223] {strides = array<i32>} : memref<640xf32, #tpu.memory_space<vmem>>, vector<16xf32>,
    %swap3A_225 = vector.shape_cast %swap3A_224 : vector<16xf32> to vector<16xf32>
    %swap3A_226 = vector.shape_cast %broadcast_in_dim3A_222 : vector<16xf32> to vector<16xf32>
    tpu.vector_store %arg6[%swap3A_223], %swap3A_226 {strides = array<i32>} : memref<640xf32, #tpu.memory_space<vmem>>, vector<16xf32>,
    %broadcast_in_dim3A_227 = arith.constant 0.000000e+00 : f32
    %broadcast_in_dim3A_228 = vector.broadcast %broadcast_in_dim3A_227 : f32 to vector<16xf32>
    %swap3A_229 = arith.constant 480 : index
    %swap3A_230 = tpu.vector_load %arg6[%swap3A_229] {strides = array<i32>} : memref<640xf32, #tpu.memory_space<vmem>>, vector<16xf32>,
    %swap3A_231 = vector.shape_cast %swap3A_230 : vector<16xf32> to vector<16xf32>
    %swap3A_232 = vector.shape_cast %broadcast_in_dim3A_228 : vector<16xf32> to vector<16xf32>
    tpu.vector_store %arg6[%swap3A_229], %swap3A_232 {strides = array<i32>} : memref<640xf32, #tpu.memory_space<vmem>>, vector<16xf32>,
    %broadcast_in_dim3A_233 = arith.constant 0.000000e+00 : f32
    %broadcast_in_dim3A_234 = vector.broadcast %broadcast_in_dim3A_233 : f32 to vector<16xf32>
    %swap3A_235 = arith.constant 496 : index
    %swap3A_236 = tpu.vector_load %arg6[%swap3A_235] {strides = array<i32>} : memref<640xf32, #tpu.memory_space<vmem>>, vector<16xf32>,
    %swap3A_237 = vector.shape_cast %swap3A_236 : vector<16xf32> to vector<16xf32>
    %swap3A_238 = vector.shape_cast %broadcast_in_dim3A_234 : vector<16xf32> to vector<16xf32>
    tpu.vector_store %arg6[%swap3A_235], %swap3A_238 {strides = array<i32>} : memref<640xf32, #tpu.memory_space<vmem>>, vector<16xf32>,
    %broadcast_in_dim3A_239 = arith.constant 0.000000e+00 : f32
    %broadcast_in_dim3A_240 = vector.broadcast %broadcast_in_dim3A_239 : f32 to vector<16xf32>
    %swap3A_241 = arith.constant 512 : index
    %swap3A_242 = tpu.vector_load %arg6[%swap3A_241] {strides = array<i32>} : memref<640xf32, #tpu.memory_space<vmem>>, vector<16xf32>,
    %swap3A_243 = vector.shape_cast %swap3A_242 : vector<16xf32> to vector<16xf32>
    %swap3A_244 = vector.shape_cast %broadcast_in_dim3A_240 : vector<16xf32> to vector<16xf32>
    tpu.vector_store %arg6[%swap3A_241], %swap3A_244 {strides = array<i32>} : memref<640xf32, #tpu.memory_space<vmem>>, vector<16xf32>,
    %broadcast_in_dim3A_245 = arith.constant 0.000000e+00 : f32
    %broadcast_in_dim3A_246 = vector.broadcast %broadcast_in_dim3A_245 : f32 to vector<16xf32>
    %swap3A_247 = arith.constant 528 : index
    %swap3A_248 = tpu.vector_load %arg6[%swap3A_247] {strides = array<i32>} : memref<640xf32, #tpu.memory_space<vmem>>, vector<16xf32>,
    %swap3A_249 = vector.shape_cast %swap3A_248 : vector<16xf32> to vector<16xf32>
    %swap3A_250 = vector.shape_cast %broadcast_in_dim3A_246 : vector<16xf32> to vector<16xf32>
    tpu.vector_store %arg6[%swap3A_247], %swap3A_250 {strides = array<i32>} : memref<640xf32, #tpu.memory_space<vmem>>, vector<16xf32>,
    %broadcast_in_dim3A_251 = arith.constant 0.000000e+00 : f32
    %broadcast_in_dim3A_252 = vector.broadcast %broadcast_in_dim3A_251 : f32 to vector<16xf32>
    %swap3A_253 = arith.constant 544 : index
    %swap3A_254 = tpu.vector_load %arg6[%swap3A_253] {strides = array<i32>} : memref<640xf32, #tpu.memory_space<vmem>>, vector<16xf32>,
    %swap3A_255 = vector.shape_cast %swap3A_254 : vector<16xf32> to vector<16xf32>
    %swap3A_256 = vector.shape_cast %broadcast_in_dim3A_252 : vector<16xf32> to vector<16xf32>
    tpu.vector_store %arg6[%swap3A_253], %swap3A_256 {strides = array<i32>} : memref<640xf32, #tpu.memory_space<vmem>>, vector<16xf32>,
    %broadcast_in_dim3A_257 = arith.constant 0.000000e+00 : f32
    %broadcast_in_dim3A_258 = vector.broadcast %broadcast_in_dim3A_257 : f32 to vector<16xf32>
    %swap3A_259 = arith.constant 560 : index
    %swap3A_260 = tpu.vector_load %arg6[%swap3A_259] {strides = array<i32>} : memref<640xf32, #tpu.memory_space<vmem>>, vector<16xf32>,
    %swap3A_261 = vector.shape_cast %swap3A_260 : vector<16xf32> to vector<16xf32>
    %swap3A_262 = vector.shape_cast %broadcast_in_dim3A_258 : vector<16xf32> to vector<16xf32>
    tpu.vector_store %arg6[%swap3A_259], %swap3A_262 {strides = array<i32>} : memref<640xf32, #tpu.memory_space<vmem>>, vector<16xf32>,
    %broadcast_in_dim3A_263 = arith.constant 0.000000e+00 : f32
    %broadcast_in_dim3A_264 = vector.broadcast %broadcast_in_dim3A_263 : f32 to vector<16xf32>
    %swap3A_265 = arith.constant 576 : index
    %swap3A_266 = tpu.vector_load %arg6[%swap3A_265] {strides = array<i32>} : memref<640xf32, #tpu.memory_space<vmem>>, vector<16xf32>,
    %swap3A_267 = vector.shape_cast %swap3A_266 : vector<16xf32> to vector<16xf32>
    %swap3A_268 = vector.shape_cast %broadcast_in_dim3A_264 : vector<16xf32> to vector<16xf32>
    tpu.vector_store %arg6[%swap3A_265], %swap3A_268 {strides = array<i32>} : memref<640xf32, #tpu.memory_space<vmem>>, vector<16xf32>,
    %broadcast_in_dim3A_269 = arith.constant 0.000000e+00 : f32
    %broadcast_in_dim3A_270 = vector.broadcast %broadcast_in_dim3A_269 : f32 to vector<16xf32>
    %swap3A_271 = arith.constant 592 : index
    %swap3A_272 = tpu.vector_load %arg6[%swap3A_271] {strides = array<i32>} : memref<640xf32, #tpu.memory_space<vmem>>, vector<16xf32>,
    %swap3A_273 = vector.shape_cast %swap3A_272 : vector<16xf32> to vector<16xf32>
    %swap3A_274 = vector.shape_cast %broadcast_in_dim3A_270 : vector<16xf32> to vector<16xf32>
    tpu.vector_store %arg6[%swap3A_271], %swap3A_274 {strides = array<i32>} : memref<640xf32, #tpu.memory_space<vmem>>, vector<16xf32>,
    %broadcast_in_dim3A_275 = arith.constant 0.000000e+00 : f32
    %broadcast_in_dim3A_276 = vector.broadcast %broadcast_in_dim3A_275 : f32 to vector<16xf32>
    %swap3A_277 = arith.constant 608 : index
    %swap3A_278 = tpu.vector_load %arg6[%swap3A_277] {strides = array<i32>} : memref<640xf32, #tpu.memory_space<vmem>>, vector<16xf32>,
    %swap3A_279 = vector.shape_cast %swap3A_278 : vector<16xf32> to vector<16xf32>
    %swap3A_280 = vector.shape_cast %broadcast_in_dim3A_276 : vector<16xf32> to vector<16xf32>
    tpu.vector_store %arg6[%swap3A_277], %swap3A_280 {strides = array<i32>} : memref<640xf32, #tpu.memory_space<vmem>>, vector<16xf32>,
    %broadcast_in_dim3A_281 = arith.constant 0.000000e+00 : f32
    %broadcast_in_dim3A_282 = vector.broadcast %broadcast_in_dim3A_281 : f32 to vector<16xf32>
    %swap3A_283 = arith.constant 624 : index
    %swap3A_284 = tpu.vector_load %arg6[%swap3A_283] {strides = array<i32>} : memref<640xf32, #tpu.memory_space<vmem>>, vector<16xf32>,
    %swap3A_285 = vector.shape_cast %swap3A_284 : vector<16xf32> to vector<16xf32>
    %swap3A_286 = vector.shape_cast %broadcast_in_dim3A_282 : vector<16xf32> to vector<16xf32>
    tpu.vector_store %arg6[%swap3A_283], %swap3A_286 {strides = array<i32>} : memref<640xf32, #tpu.memory_space<vmem>>, vector<16xf32>,
    %mul3A_287 = arith.constant 632 : i32
    %mul3A_288 = arith.muli %arg1, %mul3A_287 : i32
    "tpu.region"() ({
      %run_scoped3A = tpu.sem_alloc : memref<!tpu.dma_semaphore, #tpu.memory_space<semaphore_mem>>
      %dma_start3A = arith.constant 0 : i32
      %dma_start3A_302 = tpu.memref_slice %arg6[%dma_start3A] : memref<640xf32, #tpu.memory_space<vmem>> -> memref<632xf32, #tpu.memory_space<vmem>>
      %dma_start3A_303 = tpu.memref_slice %arg7[%mul3A_288] : memref<10112xf32, #tpu.memory_space<vmem_shared>> -> memref<632xf32, #tpu.memory_space<vmem_shared>>
      %dma_start3A_304 = tpu.memref_slice %arg7[%mul3A_288] : memref<10112xf32, #tpu.memory_space<vmem_shared>> -> memref<632xf32, #tpu.memory_space<vmem_shared>>
      %dma_start3A_305 = arith.constant 0 : i32
      %dma_start3A_306 = tpu.memref_slice %arg6[%dma_start3A_305] : memref<640xf32, #tpu.memory_space<vmem>> -> memref<632xf32, #tpu.memory_space<vmem>>
      tpu.enqueue_dma source(%dma_start3A_306 : memref<632xf32, #tpu.memory_space<vmem>>) target(%dma_start3A_304 : memref<632xf32, #tpu.memory_space<vmem_shared>>) target_semaphore(%run_scoped3A : memref<!tpu.dma_semaphore, #tpu.memory_space<semaphore_mem>>)
      %dma_wait3A = arith.constant 0 : i32
      %dma_wait3A_307 = tpu.memref_slice %arg6[%dma_wait3A] : memref<640xf32, #tpu.memory_space<vmem>> -> memref<632xf32, #tpu.memory_space<vmem>>
      %dma_wait3A_308 = tpu.memref_slice %arg7[%mul3A_288] : memref<10112xf32, #tpu.memory_space<vmem_shared>> -> memref<632xf32, #tpu.memory_space<vmem_shared>>
      %dma_wait3A_309 = tpu.memref_slice %arg7[%mul3A_288] : memref<10112xf32, #tpu.memory_space<vmem_shared>> -> memref<632xf32, #tpu.memory_space<vmem_shared>>
      %dma_wait3A_310 = arith.constant 0 : i32
      %dma_wait3A_311 = tpu.memref_slice %arg6[%dma_wait3A_310] : memref<640xf32, #tpu.memory_space<vmem>> -> memref<632xf32, #tpu.memory_space<vmem>>
      tpu.wait_dma2 semaphore(%run_scoped3A : memref<!tpu.dma_semaphore, #tpu.memory_space<semaphore_mem>>) src(%dma_wait3A_311 : memref<632xf32, #tpu.memory_space<vmem>>) dst(%dma_wait3A_309 : memref<632xf32, #tpu.memory_space<vmem_shared>>)
      tpu.yield
    }) : () -> ()
    %barrier3A = arith.constant 0 : index
    tpu.barrier barrier_id(%barrier3A)
    "tpu.region"() ({
      %run_scoped3A = tpu.sem_alloc : memref<!tpu.dma_semaphore, #tpu.memory_space<semaphore_mem>>
      %dma_start3A = arith.constant 0 : i32
      %dma_start3A_302 = arith.constant 0 : i32
      %dma_start3A_303 = tpu.memref_slice %arg2[%add3A, %dma_start3A, %dma_start3A_302] : memref<32x80x128xi32, #tpu.memory_space<hbm>> -> memref<1x80x128xi32, #tpu.memory_space<hbm>>
      %dma_start3A_304 = tpu.memref_squeeze %dma_start3A_303 : memref<1x80x128xi32, #tpu.memory_space<hbm>> -> memref<80x128xi32, #tpu.memory_space<hbm>>
      %dma_start3A_305 = arith.constant 0 : i32
      %dma_start3A_306 = arith.constant 0 : i32
      %dma_start3A_307 = tpu.memref_slice %arg2[%add3A, %dma_start3A_305, %dma_start3A_306] : memref<32x80x128xi32, #tpu.memory_space<hbm>> -> memref<1x80x128xi32, #tpu.memory_space<hbm>>
      %dma_start3A_308 = tpu.memref_squeeze %dma_start3A_307 : memref<1x80x128xi32, #tpu.memory_space<hbm>> -> memref<80x128xi32, #tpu.memory_space<hbm>>
      tpu.enqueue_dma source(%dma_start3A_308 : memref<80x128xi32, #tpu.memory_space<hbm>>) target(%arg4 : memref<80x128xi32, #tpu.memory_space<vmem>>) target_semaphore(%run_scoped3A : memref<!tpu.dma_semaphore, #tpu.memory_space<semaphore_mem>>)
      %dma_wait3A = arith.constant 0 : i32
      %dma_wait3A_309 = arith.constant 0 : i32
      %dma_wait3A_310 = tpu.memref_slice %arg2[%add3A, %dma_wait3A, %dma_wait3A_309] : memref<32x80x128xi32, #tpu.memory_space<hbm>> -> memref<1x80x128xi32, #tpu.memory_space<hbm>>
      %dma_wait3A_311 = tpu.memref_squeeze %dma_wait3A_310 : memref<1x80x128xi32, #tpu.memory_space<hbm>> -> memref<80x128xi32, #tpu.memory_space<hbm>>
      %dma_wait3A_312 = arith.constant 0 : i32
      %dma_wait3A_313 = arith.constant 0 : i32
      %dma_wait3A_314 = tpu.memref_slice %arg2[%add3A, %dma_wait3A_312, %dma_wait3A_313] : memref<32x80x128xi32, #tpu.memory_space<hbm>> -> memref<1x80x128xi32, #tpu.memory_space<hbm>>
      %dma_wait3A_315 = tpu.memref_squeeze %dma_wait3A_314 : memref<1x80x128xi32, #tpu.memory_space<hbm>> -> memref<80x128xi32, #tpu.memory_space<hbm>>
      tpu.wait_dma2 semaphore(%run_scoped3A : memref<!tpu.dma_semaphore, #tpu.memory_space<semaphore_mem>>) src(%dma_wait3A_315 : memref<80x128xi32, #tpu.memory_space<hbm>>) dst(%arg4 : memref<80x128xi32, #tpu.memory_space<vmem>>)
      tpu.yield
    }) : () -> ()
    %scan3A = arith.constant 0 : i32
    %scan3A_289 = arith.constant 0 : i32
    %scan3A_290 = arith.constant 10 : i32
    %scan3A_291 = arith.addi %scan3A_289, %scan3A_290 : i32
    %scan3A_292 = arith.constant 1 : i32
    scf.for %scan3A_302 = %scan3A_289 to %scan3A_291 step %scan3A_292  : i32 {
      %mul3A_303 = arith.constant 8 : i32
      %mul3A_304 = arith.muli %scan3A_302, %mul3A_303 : i32
      %add3A_305 = arith.constant 0 : i32
      %add3A_306 = arith.addi %mul3A_304, %add3A_305 : i32
      %dma_start3A = arith.constant 0 : i32
      %dma_start3A_307 = tpu.memref_slice %arg4[%add3A_306, %dma_start3A] : memref<80x128xi32, #tpu.memory_space<vmem>> -> memref<1x128xi32, #tpu.memory_space<vmem>>
      %dma_start3A_308 = tpu.memref_squeeze %dma_start3A_307 : memref<1x128xi32, #tpu.memory_space<vmem>> -> memref<128xi32, #tpu.memory_space<vmem>>
      %dma_start3A_309 = arith.constant 0 : i32
      %dma_start3A_310 = tpu.memref_slice %arg7[%dma_start3A_309] : memref<10112xf32, #tpu.memory_space<vmem_shared>> -> memref<10112xf32, #tpu.memory_space<vmem_shared>>
      tpu.enqueue_indirect_dma source(%arg5 : memref<128xf32, #tpu.memory_space<vmem>>) target(%dma_start3A_310 : memref<10112xf32, #tpu.memory_space<vmem_shared>>) offsets(%dma_start3A_308 : memref<128xi32, #tpu.memory_space<vmem>>) semaphore(%arg8 : memref<!tpu.dma_semaphore, #tpu.memory_space<semaphore_mem>>) {add = true}
      %mul3A_311 = arith.constant 8 : i32
      %mul3A_312 = arith.muli %scan3A_302, %mul3A_311 : i32
      %add3A_313 = arith.constant 1 : i32
      %add3A_314 = arith.addi %mul3A_312, %add3A_313 : i32
      %dma_start3A_315 = arith.constant 0 : i32
      %dma_start3A_316 = tpu.memref_slice %arg4[%add3A_314, %dma_start3A_315] : memref<80x128xi32, #tpu.memory_space<vmem>> -> memref<1x128xi32, #tpu.memory_space<vmem>>
      %dma_start3A_317 = tpu.memref_squeeze %dma_start3A_316 : memref<1x128xi32, #tpu.memory_space<vmem>> -> memref<128xi32, #tpu.memory_space<vmem>>
      %dma_start3A_318 = arith.constant 0 : i32
      %dma_start3A_319 = tpu.memref_slice %arg7[%dma_start3A_318] : memref<10112xf32, #tpu.memory_space<vmem_shared>> -> memref<10112xf32, #tpu.memory_space<vmem_shared>>
      tpu.enqueue_indirect_dma source(%arg5 : memref<128xf32, #tpu.memory_space<vmem>>) target(%dma_start3A_319 : memref<10112xf32, #tpu.memory_space<vmem_shared>>) offsets(%dma_start3A_317 : memref<128xi32, #tpu.memory_space<vmem>>) semaphore(%arg8 : memref<!tpu.dma_semaphore, #tpu.memory_space<semaphore_mem>>) {add = true}
      %mul3A_320 = arith.constant 8 : i32
      %mul3A_321 = arith.muli %scan3A_302, %mul3A_320 : i32
      %add3A_322 = arith.constant 2 : i32
      %add3A_323 = arith.addi %mul3A_321, %add3A_322 : i32
      %dma_start3A_324 = arith.constant 0 : i32
      %dma_start3A_325 = tpu.memref_slice %arg4[%add3A_323, %dma_start3A_324] : memref<80x128xi32, #tpu.memory_space<vmem>> -> memref<1x128xi32, #tpu.memory_space<vmem>>
      %dma_start3A_326 = tpu.memref_squeeze %dma_start3A_325 : memref<1x128xi32, #tpu.memory_space<vmem>> -> memref<128xi32, #tpu.memory_space<vmem>>
      %dma_start3A_327 = arith.constant 0 : i32
      %dma_start3A_328 = tpu.memref_slice %arg7[%dma_start3A_327] : memref<10112xf32, #tpu.memory_space<vmem_shared>> -> memref<10112xf32, #tpu.memory_space<vmem_shared>>
      tpu.enqueue_indirect_dma source(%arg5 : memref<128xf32, #tpu.memory_space<vmem>>) target(%dma_start3A_328 : memref<10112xf32, #tpu.memory_space<vmem_shared>>) offsets(%dma_start3A_326 : memref<128xi32, #tpu.memory_space<vmem>>) semaphore(%arg8 : memref<!tpu.dma_semaphore, #tpu.memory_space<semaphore_mem>>) {add = true}
      %mul3A_329 = arith.constant 8 : i32
      %mul3A_330 = arith.muli %scan3A_302, %mul3A_329 : i32
      %add3A_331 = arith.constant 3 : i32
      %add3A_332 = arith.addi %mul3A_330, %add3A_331 : i32
      %dma_start3A_333 = arith.constant 0 : i32
      %dma_start3A_334 = tpu.memref_slice %arg4[%add3A_332, %dma_start3A_333] : memref<80x128xi32, #tpu.memory_space<vmem>> -> memref<1x128xi32, #tpu.memory_space<vmem>>
      %dma_start3A_335 = tpu.memref_squeeze %dma_start3A_334 : memref<1x128xi32, #tpu.memory_space<vmem>> -> memref<128xi32, #tpu.memory_space<vmem>>
      %dma_start3A_336 = arith.constant 0 : i32
      %dma_start3A_337 = tpu.memref_slice %arg7[%dma_start3A_336] : memref<10112xf32, #tpu.memory_space<vmem_shared>> -> memref<10112xf32, #tpu.memory_space<vmem_shared>>
      tpu.enqueue_indirect_dma source(%arg5 : memref<128xf32, #tpu.memory_space<vmem>>) target(%dma_start3A_337 : memref<10112xf32, #tpu.memory_space<vmem_shared>>) offsets(%dma_start3A_335 : memref<128xi32, #tpu.memory_space<vmem>>) semaphore(%arg8 : memref<!tpu.dma_semaphore, #tpu.memory_space<semaphore_mem>>) {add = true}
      %mul3A_338 = arith.constant 8 : i32
      %mul3A_339 = arith.muli %scan3A_302, %mul3A_338 : i32
      %add3A_340 = arith.constant 4 : i32
      %add3A_341 = arith.addi %mul3A_339, %add3A_340 : i32
      %dma_start3A_342 = arith.constant 0 : i32
      %dma_start3A_343 = tpu.memref_slice %arg4[%add3A_341, %dma_start3A_342] : memref<80x128xi32, #tpu.memory_space<vmem>> -> memref<1x128xi32, #tpu.memory_space<vmem>>
      %dma_start3A_344 = tpu.memref_squeeze %dma_start3A_343 : memref<1x128xi32, #tpu.memory_space<vmem>> -> memref<128xi32, #tpu.memory_space<vmem>>
      %dma_start3A_345 = arith.constant 0 : i32
      %dma_start3A_346 = tpu.memref_slice %arg7[%dma_start3A_345] : memref<10112xf32, #tpu.memory_space<vmem_shared>> -> memref<10112xf32, #tpu.memory_space<vmem_shared>>
      tpu.enqueue_indirect_dma source(%arg5 : memref<128xf32, #tpu.memory_space<vmem>>) target(%dma_start3A_346 : memref<10112xf32, #tpu.memory_space<vmem_shared>>) offsets(%dma_start3A_344 : memref<128xi32, #tpu.memory_space<vmem>>) semaphore(%arg8 : memref<!tpu.dma_semaphore, #tpu.memory_space<semaphore_mem>>) {add = true}
      %mul3A_347 = arith.constant 8 : i32
      %mul3A_348 = arith.muli %scan3A_302, %mul3A_347 : i32
      %add3A_349 = arith.constant 5 : i32
      %add3A_350 = arith.addi %mul3A_348, %add3A_349 : i32
      %dma_start3A_351 = arith.constant 0 : i32
      %dma_start3A_352 = tpu.memref_slice %arg4[%add3A_350, %dma_start3A_351] : memref<80x128xi32, #tpu.memory_space<vmem>> -> memref<1x128xi32, #tpu.memory_space<vmem>>
      %dma_start3A_353 = tpu.memref_squeeze %dma_start3A_352 : memref<1x128xi32, #tpu.memory_space<vmem>> -> memref<128xi32, #tpu.memory_space<vmem>>
      %dma_start3A_354 = arith.constant 0 : i32
      %dma_start3A_355 = tpu.memref_slice %arg7[%dma_start3A_354] : memref<10112xf32, #tpu.memory_space<vmem_shared>> -> memref<10112xf32, #tpu.memory_space<vmem_shared>>
      tpu.enqueue_indirect_dma source(%arg5 : memref<128xf32, #tpu.memory_space<vmem>>) target(%dma_start3A_355 : memref<10112xf32, #tpu.memory_space<vmem_shared>>) offsets(%dma_start3A_353 : memref<128xi32, #tpu.memory_space<vmem>>) semaphore(%arg8 : memref<!tpu.dma_semaphore, #tpu.memory_space<semaphore_mem>>) {add = true}
      %mul3A_356 = arith.constant 8 : i32
      %mul3A_357 = arith.muli %scan3A_302, %mul3A_356 : i32
      %add3A_358 = arith.constant 6 : i32
      %add3A_359 = arith.addi %mul3A_357, %add3A_358 : i32
      %dma_start3A_360 = arith.constant 0 : i32
      %dma_start3A_361 = tpu.memref_slice %arg4[%add3A_359, %dma_start3A_360] : memref<80x128xi32, #tpu.memory_space<vmem>> -> memref<1x128xi32, #tpu.memory_space<vmem>>
      %dma_start3A_362 = tpu.memref_squeeze %dma_start3A_361 : memref<1x128xi32, #tpu.memory_space<vmem>> -> memref<128xi32, #tpu.memory_space<vmem>>
      %dma_start3A_363 = arith.constant 0 : i32
      %dma_start3A_364 = tpu.memref_slice %arg7[%dma_start3A_363] : memref<10112xf32, #tpu.memory_space<vmem_shared>> -> memref<10112xf32, #tpu.memory_space<vmem_shared>>
      tpu.enqueue_indirect_dma source(%arg5 : memref<128xf32, #tpu.memory_space<vmem>>) target(%dma_start3A_364 : memref<10112xf32, #tpu.memory_space<vmem_shared>>) offsets(%dma_start3A_362 : memref<128xi32, #tpu.memory_space<vmem>>) semaphore(%arg8 : memref<!tpu.dma_semaphore, #tpu.memory_space<semaphore_mem>>) {add = true}
      %mul3A_365 = arith.constant 8 : i32
      %mul3A_366 = arith.muli %scan3A_302, %mul3A_365 : i32
      %add3A_367 = arith.constant 7 : i32
      %add3A_368 = arith.addi %mul3A_366, %add3A_367 : i32
      %dma_start3A_369 = arith.constant 0 : i32
      %dma_start3A_370 = tpu.memref_slice %arg4[%add3A_368, %dma_start3A_369] : memref<80x128xi32, #tpu.memory_space<vmem>> -> memref<1x128xi32, #tpu.memory_space<vmem>>
      %dma_start3A_371 = tpu.memref_squeeze %dma_start3A_370 : memref<1x128xi32, #tpu.memory_space<vmem>> -> memref<128xi32, #tpu.memory_space<vmem>>
      %dma_start3A_372 = arith.constant 0 : i32
      %dma_start3A_373 = tpu.memref_slice %arg7[%dma_start3A_372] : memref<10112xf32, #tpu.memory_space<vmem_shared>> -> memref<10112xf32, #tpu.memory_space<vmem_shared>>
      tpu.enqueue_indirect_dma source(%arg5 : memref<128xf32, #tpu.memory_space<vmem>>) target(%dma_start3A_373 : memref<10112xf32, #tpu.memory_space<vmem_shared>>) offsets(%dma_start3A_371 : memref<128xi32, #tpu.memory_space<vmem>>) semaphore(%arg8 : memref<!tpu.dma_semaphore, #tpu.memory_space<semaphore_mem>>) {add = true}
      %dma_wait3A = arith.constant 0 : i32
      %dma_wait3A_374 = tpu.memref_slice %arg4[%add3A_306, %dma_wait3A] : memref<80x128xi32, #tpu.memory_space<vmem>> -> memref<1x128xi32, #tpu.memory_space<vmem>>
      %dma_wait3A_375 = tpu.memref_squeeze %dma_wait3A_374 : memref<1x128xi32, #tpu.memory_space<vmem>> -> memref<128xi32, #tpu.memory_space<vmem>>
      %dma_wait3A_376 = arith.constant 0 : i32
      %dma_wait3A_377 = tpu.memref_slice %arg7[%dma_wait3A_376] : memref<10112xf32, #tpu.memory_space<vmem_shared>> -> memref<10112xf32, #tpu.memory_space<vmem_shared>>
      tpu.wait_indirect_dma semaphore(%arg8 : memref<!tpu.dma_semaphore, #tpu.memory_space<semaphore_mem>>) src(%arg5 : memref<128xf32, #tpu.memory_space<vmem>>) dst(%dma_wait3A_377 : memref<10112xf32, #tpu.memory_space<vmem_shared>>)
      %dma_wait3A_378 = arith.constant 0 : i32
      %dma_wait3A_379 = tpu.memref_slice %arg4[%add3A_314, %dma_wait3A_378] : memref<80x128xi32, #tpu.memory_space<vmem>> -> memref<1x128xi32, #tpu.memory_space<vmem>>
      %dma_wait3A_380 = tpu.memref_squeeze %dma_wait3A_379 : memref<1x128xi32, #tpu.memory_space<vmem>> -> memref<128xi32, #tpu.memory_space<vmem>>
      %dma_wait3A_381 = arith.constant 0 : i32
      %dma_wait3A_382 = tpu.memref_slice %arg7[%dma_wait3A_381] : memref<10112xf32, #tpu.memory_space<vmem_shared>> -> memref<10112xf32, #tpu.memory_space<vmem_shared>>
      tpu.wait_indirect_dma semaphore(%arg8 : memref<!tpu.dma_semaphore, #tpu.memory_space<semaphore_mem>>) src(%arg5 : memref<128xf32, #tpu.memory_space<vmem>>) dst(%dma_wait3A_382 : memref<10112xf32, #tpu.memory_space<vmem_shared>>)
      %dma_wait3A_383 = arith.constant 0 : i32
      %dma_wait3A_384 = tpu.memref_slice %arg4[%add3A_323, %dma_wait3A_383] : memref<80x128xi32, #tpu.memory_space<vmem>> -> memref<1x128xi32, #tpu.memory_space<vmem>>
      %dma_wait3A_385 = tpu.memref_squeeze %dma_wait3A_384 : memref<1x128xi32, #tpu.memory_space<vmem>> -> memref<128xi32, #tpu.memory_space<vmem>>
      %dma_wait3A_386 = arith.constant 0 : i32
      %dma_wait3A_387 = tpu.memref_slice %arg7[%dma_wait3A_386] : memref<10112xf32, #tpu.memory_space<vmem_shared>> -> memref<10112xf32, #tpu.memory_space<vmem_shared>>
      tpu.wait_indirect_dma semaphore(%arg8 : memref<!tpu.dma_semaphore, #tpu.memory_space<semaphore_mem>>) src(%arg5 : memref<128xf32, #tpu.memory_space<vmem>>) dst(%dma_wait3A_387 : memref<10112xf32, #tpu.memory_space<vmem_shared>>)
      %dma_wait3A_388 = arith.constant 0 : i32
      %dma_wait3A_389 = tpu.memref_slice %arg4[%add3A_332, %dma_wait3A_388] : memref<80x128xi32, #tpu.memory_space<vmem>> -> memref<1x128xi32, #tpu.memory_space<vmem>>
      %dma_wait3A_390 = tpu.memref_squeeze %dma_wait3A_389 : memref<1x128xi32, #tpu.memory_space<vmem>> -> memref<128xi32, #tpu.memory_space<vmem>>
      %dma_wait3A_391 = arith.constant 0 : i32
      %dma_wait3A_392 = tpu.memref_slice %arg7[%dma_wait3A_391] : memref<10112xf32, #tpu.memory_space<vmem_shared>> -> memref<10112xf32, #tpu.memory_space<vmem_shared>>
      tpu.wait_indirect_dma semaphore(%arg8 : memref<!tpu.dma_semaphore, #tpu.memory_space<semaphore_mem>>) src(%arg5 : memref<128xf32, #tpu.memory_space<vmem>>) dst(%dma_wait3A_392 : memref<10112xf32, #tpu.memory_space<vmem_shared>>)
      %dma_wait3A_393 = arith.constant 0 : i32
      %dma_wait3A_394 = tpu.memref_slice %arg4[%add3A_341, %dma_wait3A_393] : memref<80x128xi32, #tpu.memory_space<vmem>> -> memref<1x128xi32, #tpu.memory_space<vmem>>
      %dma_wait3A_395 = tpu.memref_squeeze %dma_wait3A_394 : memref<1x128xi32, #tpu.memory_space<vmem>> -> memref<128xi32, #tpu.memory_space<vmem>>
      %dma_wait3A_396 = arith.constant 0 : i32
      %dma_wait3A_397 = tpu.memref_slice %arg7[%dma_wait3A_396] : memref<10112xf32, #tpu.memory_space<vmem_shared>> -> memref<10112xf32, #tpu.memory_space<vmem_shared>>
      tpu.wait_indirect_dma semaphore(%arg8 : memref<!tpu.dma_semaphore, #tpu.memory_space<semaphore_mem>>) src(%arg5 : memref<128xf32, #tpu.memory_space<vmem>>) dst(%dma_wait3A_397 : memref<10112xf32, #tpu.memory_space<vmem_shared>>)
      %dma_wait3A_398 = arith.constant 0 : i32
      %dma_wait3A_399 = tpu.memref_slice %arg4[%add3A_350, %dma_wait3A_398] : memref<80x128xi32, #tpu.memory_space<vmem>> -> memref<1x128xi32, #tpu.memory_space<vmem>>
      %dma_wait3A_400 = tpu.memref_squeeze %dma_wait3A_399 : memref<1x128xi32, #tpu.memory_space<vmem>> -> memref<128xi32, #tpu.memory_space<vmem>>
      %dma_wait3A_401 = arith.constant 0 : i32
      %dma_wait3A_402 = tpu.memref_slice %arg7[%dma_wait3A_401] : memref<10112xf32, #tpu.memory_space<vmem_shared>> -> memref<10112xf32, #tpu.memory_space<vmem_shared>>
      tpu.wait_indirect_dma semaphore(%arg8 : memref<!tpu.dma_semaphore, #tpu.memory_space<semaphore_mem>>) src(%arg5 : memref<128xf32, #tpu.memory_space<vmem>>) dst(%dma_wait3A_402 : memref<10112xf32, #tpu.memory_space<vmem_shared>>)
      %dma_wait3A_403 = arith.constant 0 : i32
      %dma_wait3A_404 = tpu.memref_slice %arg4[%add3A_359, %dma_wait3A_403] : memref<80x128xi32, #tpu.memory_space<vmem>> -> memref<1x128xi32, #tpu.memory_space<vmem>>
      %dma_wait3A_405 = tpu.memref_squeeze %dma_wait3A_404 : memref<1x128xi32, #tpu.memory_space<vmem>> -> memref<128xi32, #tpu.memory_space<vmem>>
      %dma_wait3A_406 = arith.constant 0 : i32
      %dma_wait3A_407 = tpu.memref_slice %arg7[%dma_wait3A_406] : memref<10112xf32, #tpu.memory_space<vmem_shared>> -> memref<10112xf32, #tpu.memory_space<vmem_shared>>
      tpu.wait_indirect_dma semaphore(%arg8 : memref<!tpu.dma_semaphore, #tpu.memory_space<semaphore_mem>>) src(%arg5 : memref<128xf32, #tpu.memory_space<vmem>>) dst(%dma_wait3A_407 : memref<10112xf32, #tpu.memory_space<vmem_shared>>)
      %dma_wait3A_408 = arith.constant 0 : i32
      %dma_wait3A_409 = tpu.memref_slice %arg4[%add3A_368, %dma_wait3A_408] : memref<80x128xi32, #tpu.memory_space<vmem>> -> memref<1x128xi32, #tpu.memory_space<vmem>>
      %dma_wait3A_410 = tpu.memref_squeeze %dma_wait3A_409 : memref<1x128xi32, #tpu.memory_space<vmem>> -> memref<128xi32, #tpu.memory_space<vmem>>
      %dma_wait3A_411 = arith.constant 0 : i32
      %dma_wait3A_412 = tpu.memref_slice %arg7[%dma_wait3A_411] : memref<10112xf32, #tpu.memory_space<vmem_shared>> -> memref<10112xf32, #tpu.memory_space<vmem_shared>>
      tpu.wait_indirect_dma semaphore(%arg8 : memref<!tpu.dma_semaphore, #tpu.memory_space<semaphore_mem>>) src(%arg5 : memref<128xf32, #tpu.memory_space<vmem>>) dst(%dma_wait3A_412 : memref<10112xf32, #tpu.memory_space<vmem_shared>>)
    }
    %scan3A_293 = arith.constant 10 : i32
    %barrier3A_294 = arith.constant 0 : index
    tpu.barrier barrier_id(%barrier3A_294)
    %mul3A_295 = arith.constant 632 : i32
    %mul3A_296 = arith.muli %arg1, %mul3A_295 : i32
    "tpu.region"() ({
      %run_scoped3A = tpu.sem_alloc : memref<!tpu.dma_semaphore, #tpu.memory_space<semaphore_mem>>
      %dma_start3A = arith.constant 0 : i32
      %dma_start3A_302 = tpu.memref_slice %arg6[%dma_start3A] : memref<640xf32, #tpu.memory_space<vmem>> -> memref<632xf32, #tpu.memory_space<vmem>>
      %dma_start3A_303 = tpu.memref_slice %arg7[%mul3A_296] : memref<10112xf32, #tpu.memory_space<vmem_shared>> -> memref<632xf32, #tpu.memory_space<vmem_shared>>
      %dma_start3A_304 = arith.constant 0 : i32
      %dma_start3A_305 = tpu.memref_slice %arg6[%dma_start3A_304] : memref<640xf32, #tpu.memory_space<vmem>> -> memref<632xf32, #tpu.memory_space<vmem>>
      %dma_start3A_306 = tpu.memref_slice %arg7[%mul3A_296] : memref<10112xf32, #tpu.memory_space<vmem_shared>> -> memref<632xf32, #tpu.memory_space<vmem_shared>>
      tpu.enqueue_dma source(%dma_start3A_306 : memref<632xf32, #tpu.memory_space<vmem_shared>>) target(%dma_start3A_305 : memref<632xf32, #tpu.memory_space<vmem>>) target_semaphore(%run_scoped3A : memref<!tpu.dma_semaphore, #tpu.memory_space<semaphore_mem>>)
      %dma_wait3A = arith.constant 0 : i32
      %dma_wait3A_307 = tpu.memref_slice %arg6[%dma_wait3A] : memref<640xf32, #tpu.memory_space<vmem>> -> memref<632xf32, #tpu.memory_space<vmem>>
      %dma_wait3A_308 = tpu.memref_slice %arg7[%mul3A_296] : memref<10112xf32, #tpu.memory_space<vmem_shared>> -> memref<632xf32, #tpu.memory_space<vmem_shared>>
      %dma_wait3A_309 = arith.constant 0 : i32
      %dma_wait3A_310 = tpu.memref_slice %arg6[%dma_wait3A_309] : memref<640xf32, #tpu.memory_space<vmem>> -> memref<632xf32, #tpu.memory_space<vmem>>
      %dma_wait3A_311 = tpu.memref_slice %arg7[%mul3A_296] : memref<10112xf32, #tpu.memory_space<vmem_shared>> -> memref<632xf32, #tpu.memory_space<vmem_shared>>
      tpu.wait_dma2 semaphore(%run_scoped3A : memref<!tpu.dma_semaphore, #tpu.memory_space<semaphore_mem>>) src(%dma_wait3A_311 : memref<632xf32, #tpu.memory_space<vmem_shared>>) dst(%dma_wait3A_310 : memref<632xf32, #tpu.memory_space<vmem>>)
      tpu.yield
    }) : () -> ()
    %mul3A_297 = arith.constant 10112 : i32
    %mul3A_298 = arith.muli %arg0, %mul3A_297 : i32
    %mul3A_299 = arith.constant 632 : i32
    %mul3A_300 = arith.muli %arg1, %mul3A_299 : i32
    %add3A_301 = arith.addi %mul3A_298, %mul3A_300 : i32
    "tpu.region"() ({
      %run_scoped3A = tpu.sem_alloc : memref<!tpu.dma_semaphore, #tpu.memory_space<semaphore_mem>>
      %dma_start3A = arith.constant 0 : i32
      %dma_start3A_302 = tpu.memref_slice %arg6[%dma_start3A] : memref<640xf32, #tpu.memory_space<vmem>> -> memref<632xf32, #tpu.memory_space<vmem>>
      %dma_start3A_303 = tpu.memref_slice %arg3[%add3A_301] : memref<20224xf32, #tpu.memory_space<hbm>> -> memref<632xf32, #tpu.memory_space<hbm>>
      %dma_start3A_304 = tpu.memref_slice %arg3[%add3A_301] : memref<20224xf32, #tpu.memory_space<hbm>> -> memref<632xf32, #tpu.memory_space<hbm>>
      %dma_start3A_305 = arith.constant 0 : i32
      %dma_start3A_306 = tpu.memref_slice %arg6[%dma_start3A_305] : memref<640xf32, #tpu.memory_space<vmem>> -> memref<632xf32, #tpu.memory_space<vmem>>
      tpu.enqueue_dma source(%dma_start3A_306 : memref<632xf32, #tpu.memory_space<vmem>>) target(%dma_start3A_304 : memref<632xf32, #tpu.memory_space<hbm>>) target_semaphore(%run_scoped3A : memref<!tpu.dma_semaphore, #tpu.memory_space<semaphore_mem>>)
      %dma_wait3A = arith.constant 0 : i32
      %dma_wait3A_307 = tpu.memref_slice %arg6[%dma_wait3A] : memref<640xf32, #tpu.memory_space<vmem>> -> memref<632xf32, #tpu.memory_space<vmem>>
      %dma_wait3A_308 = tpu.memref_slice %arg3[%add3A_301] : memref<20224xf32, #tpu.memory_space<hbm>> -> memref<632xf32, #tpu.memory_space<hbm>>
      %dma_wait3A_309 = tpu.memref_slice %arg3[%add3A_301] : memref<20224xf32, #tpu.memory_space<hbm>> -> memref<632xf32, #tpu.memory_space<hbm>>
      %dma_wait3A_310 = arith.constant 0 : i32
      %dma_wait3A_311 = tpu.memref_slice %arg6[%dma_wait3A_310] : memref<640xf32, #tpu.memory_space<vmem>> -> memref<632xf32, #tpu.memory_space<vmem>>
      tpu.wait_dma2 semaphore(%run_scoped3A : memref<!tpu.dma_semaphore, #tpu.memory_space<semaphore_mem>>) src(%dma_wait3A_311 : memref<632xf32, #tpu.memory_space<vmem>>) dst(%dma_wait3A_309 : memref<632xf32, #tpu.memory_space<hbm>>)
      tpu.yield
    }) : () -> ()
    return
  }
}

#map = affine_map<(d0, d1) -> (0, 0)>
#map1 = affine_map<(d0, d1) -> (0, 0, 0)>
module attributes {stable_mosaic.version = 14 : i64} {
  func.func @_sc_scatter(%arg0: i32, %arg1: i32, %arg2: memref<10000x128xf32, #tpu.memory_space<hbm>>, %arg3: memref<32x80x128xi32, #tpu.memory_space<hbm>>, %arg4: memref<32x80x128xi32, #tpu.memory_space<hbm>>, %arg5: memref<10112x128xf32, #tpu.memory_space<hbm>>, %arg6: memref<2x10112x128xf32, #tpu.memory_space<hbm>>, %arg7: memref<40x128xi32, #tpu.memory_space<vmem>>, %arg8: memref<40x128xi32, #tpu.memory_space<vmem>>, %arg9: memref<128x128xf32, #tpu.memory_space<vmem>>, %arg10: memref<128x128xf32, #tpu.memory_space<vmem>>, %arg11: memref<10112x128xf32, #tpu.memory_space<vmem_shared>>, %arg12: memref<!tpu.dma_semaphore, #tpu.memory_space<semaphore_mem>>, %arg13: memref<!tpu.dma_semaphore, #tpu.memory_space<semaphore_mem>>, %arg14: memref<!tpu.dma_semaphore, #tpu.memory_space<semaphore_mem>>, %arg15: memref<!tpu.dma_semaphore, #tpu.memory_space<semaphore_mem>>) attributes {dimension_semantics = [#tpu.dimension_semantics<core_parallel>, #tpu.dimension_semantics<subcore_parallel>], iteration_bounds = array<i64: 2, 16>, scalar_prefetch = 0 : i64, scratch_operands = 9 : i64, tpu.core_type = #tpu.core_type<sc_vector_subcore>, window_params = [{transform_indices = #map}, {transform_indices = #map1}, {transform_indices = #map1}, {transform_indices = #map}, {transform_indices = #map1}]} {
    %mul3A = arith.constant 2 : i32
    %mul3A_0 = arith.muli %arg1, %mul3A : i32
    %add3A = arith.addi %mul3A_0, %arg0 : i32
    %mul3A_1 = arith.constant 632 : i32
    %mul3A_2 = arith.muli %arg1, %mul3A_1 : i32
    %mul3A_3 = arith.constant 632 : i32
    %mul3A_4 = arith.muli %arg1, %mul3A_3 : i32
    "tpu.region"() ({
      %run_scoped3A = tpu.sem_alloc : memref<!tpu.dma_semaphore, #tpu.memory_space<semaphore_mem>>
      %dma_start3A = arith.constant 0 : i32
      %dma_start3A_21 = tpu.memref_slice %arg11[%mul3A_4, %dma_start3A] : memref<10112x128xf32, #tpu.memory_space<vmem_shared>> -> memref<632x128xf32, #tpu.memory_space<vmem_shared>>
      %dma_start3A_22 = arith.constant 0 : i32
      %dma_start3A_23 = tpu.memref_slice %arg5[%mul3A_2, %dma_start3A_22] : memref<10112x128xf32, #tpu.memory_space<hbm>> -> memref<632x128xf32, #tpu.memory_space<hbm>>
      tpu.enqueue_dma source(%dma_start3A_23 : memref<632x128xf32, #tpu.memory_space<hbm>>) target(%dma_start3A_21 : memref<632x128xf32, #tpu.memory_space<vmem_shared>>) target_semaphore(%run_scoped3A : memref<!tpu.dma_semaphore, #tpu.memory_space<semaphore_mem>>)
      %dma_wait3A = arith.constant 0 : i32
      %dma_wait3A_24 = tpu.memref_slice %arg11[%mul3A_4, %dma_wait3A] : memref<10112x128xf32, #tpu.memory_space<vmem_shared>> -> memref<632x128xf32, #tpu.memory_space<vmem_shared>>
      %dma_wait3A_25 = arith.constant 0 : i32
      %dma_wait3A_26 = tpu.memref_slice %arg5[%mul3A_2, %dma_wait3A_25] : memref<10112x128xf32, #tpu.memory_space<hbm>> -> memref<632x128xf32, #tpu.memory_space<hbm>>
      tpu.wait_dma2 semaphore(%run_scoped3A : memref<!tpu.dma_semaphore, #tpu.memory_space<semaphore_mem>>) src(%dma_wait3A_26 : memref<632x128xf32, #tpu.memory_space<hbm>>) dst(%dma_wait3A_24 : memref<632x128xf32, #tpu.memory_space<vmem_shared>>)
      tpu.yield
    }) : () -> ()
    %barrier3A = arith.constant 0 : index
    tpu.barrier barrier_id(%barrier3A)
    "tpu.region"() ({
      %run_scoped3A = tpu.sem_alloc : memref<!tpu.dma_semaphore, #tpu.memory_space<semaphore_mem>>
      %dma_start3A = arith.constant 0 : i32
      %dma_start3A_21 = arith.constant 0 : i32
      %dma_start3A_22 = tpu.memref_slice %arg3[%add3A, %dma_start3A, %dma_start3A_21] : memref<32x80x128xi32, #tpu.memory_space<hbm>> -> memref<1x40x128xi32, #tpu.memory_space<hbm>>
      %dma_start3A_23 = tpu.memref_squeeze %dma_start3A_22 : memref<1x40x128xi32, #tpu.memory_space<hbm>> -> memref<40x128xi32, #tpu.memory_space<hbm>>
      %dma_start3A_24 = arith.constant 0 : i32
      %dma_start3A_25 = arith.constant 0 : i32
      %dma_start3A_26 = tpu.memref_slice %arg3[%add3A, %dma_start3A_24, %dma_start3A_25] : memref<32x80x128xi32, #tpu.memory_space<hbm>> -> memref<1x40x128xi32, #tpu.memory_space<hbm>>
      %dma_start3A_27 = tpu.memref_squeeze %dma_start3A_26 : memref<1x40x128xi32, #tpu.memory_space<hbm>> -> memref<40x128xi32, #tpu.memory_space<hbm>>
      tpu.enqueue_dma source(%dma_start3A_27 : memref<40x128xi32, #tpu.memory_space<hbm>>) target(%arg7 : memref<40x128xi32, #tpu.memory_space<vmem>>) target_semaphore(%run_scoped3A : memref<!tpu.dma_semaphore, #tpu.memory_space<semaphore_mem>>)
      %dma_wait3A = arith.constant 0 : i32
      %dma_wait3A_28 = arith.constant 0 : i32
      %dma_wait3A_29 = tpu.memref_slice %arg3[%add3A, %dma_wait3A, %dma_wait3A_28] : memref<32x80x128xi32, #tpu.memory_space<hbm>> -> memref<1x40x128xi32, #tpu.memory_space<hbm>>
      %dma_wait3A_30 = tpu.memref_squeeze %dma_wait3A_29 : memref<1x40x128xi32, #tpu.memory_space<hbm>> -> memref<40x128xi32, #tpu.memory_space<hbm>>
      %dma_wait3A_31 = arith.constant 0 : i32
      %dma_wait3A_32 = arith.constant 0 : i32
      %dma_wait3A_33 = tpu.memref_slice %arg3[%add3A, %dma_wait3A_31, %dma_wait3A_32] : memref<32x80x128xi32, #tpu.memory_space<hbm>> -> memref<1x40x128xi32, #tpu.memory_space<hbm>>
      %dma_wait3A_34 = tpu.memref_squeeze %dma_wait3A_33 : memref<1x40x128xi32, #tpu.memory_space<hbm>> -> memref<40x128xi32, #tpu.memory_space<hbm>>
      tpu.wait_dma2 semaphore(%run_scoped3A : memref<!tpu.dma_semaphore, #tpu.memory_space<semaphore_mem>>) src(%dma_wait3A_34 : memref<40x128xi32, #tpu.memory_space<hbm>>) dst(%arg7 : memref<40x128xi32, #tpu.memory_space<vmem>>)
      tpu.yield
    }) : () -> ()
    "tpu.region"() ({
      %run_scoped3A = tpu.sem_alloc : memref<!tpu.dma_semaphore, #tpu.memory_space<semaphore_mem>>
      %dma_start3A = arith.constant 0 : i32
      %dma_start3A_21 = arith.constant 0 : i32
      %dma_start3A_22 = tpu.memref_slice %arg4[%add3A, %dma_start3A, %dma_start3A_21] : memref<32x80x128xi32, #tpu.memory_space<hbm>> -> memref<1x40x128xi32, #tpu.memory_space<hbm>>
      %dma_start3A_23 = tpu.memref_squeeze %dma_start3A_22 : memref<1x40x128xi32, #tpu.memory_space<hbm>> -> memref<40x128xi32, #tpu.memory_space<hbm>>
      %dma_start3A_24 = arith.constant 0 : i32
      %dma_start3A_25 = arith.constant 0 : i32
      %dma_start3A_26 = tpu.memref_slice %arg4[%add3A, %dma_start3A_24, %dma_start3A_25] : memref<32x80x128xi32, #tpu.memory_space<hbm>> -> memref<1x40x128xi32, #tpu.memory_space<hbm>>
      %dma_start3A_27 = tpu.memref_squeeze %dma_start3A_26 : memref<1x40x128xi32, #tpu.memory_space<hbm>> -> memref<40x128xi32, #tpu.memory_space<hbm>>
      tpu.enqueue_dma source(%dma_start3A_27 : memref<40x128xi32, #tpu.memory_space<hbm>>) target(%arg8 : memref<40x128xi32, #tpu.memory_space<vmem>>) target_semaphore(%run_scoped3A : memref<!tpu.dma_semaphore, #tpu.memory_space<semaphore_mem>>)
      %dma_wait3A = arith.constant 0 : i32
      %dma_wait3A_28 = arith.constant 0 : i32
      %dma_wait3A_29 = tpu.memref_slice %arg4[%add3A, %dma_wait3A, %dma_wait3A_28] : memref<32x80x128xi32, #tpu.memory_space<hbm>> -> memref<1x40x128xi32, #tpu.memory_space<hbm>>
      %dma_wait3A_30 = tpu.memref_squeeze %dma_wait3A_29 : memref<1x40x128xi32, #tpu.memory_space<hbm>> -> memref<40x128xi32, #tpu.memory_space<hbm>>
      %dma_wait3A_31 = arith.constant 0 : i32
      %dma_wait3A_32 = arith.constant 0 : i32
      %dma_wait3A_33 = tpu.memref_slice %arg4[%add3A, %dma_wait3A_31, %dma_wait3A_32] : memref<32x80x128xi32, #tpu.memory_space<hbm>> -> memref<1x40x128xi32, #tpu.memory_space<hbm>>
      %dma_wait3A_34 = tpu.memref_squeeze %dma_wait3A_33 : memref<1x40x128xi32, #tpu.memory_space<hbm>> -> memref<40x128xi32, #tpu.memory_space<hbm>>
      tpu.wait_dma2 semaphore(%run_scoped3A : memref<!tpu.dma_semaphore, #tpu.memory_space<semaphore_mem>>) src(%dma_wait3A_34 : memref<40x128xi32, #tpu.memory_space<hbm>>) dst(%arg8 : memref<40x128xi32, #tpu.memory_space<vmem>>)
      tpu.yield
    }) : () -> ()
    %scan3A = arith.constant 0 : i32
    %scan3A_5 = arith.constant 0 : i32
    %scan3A_6 = arith.constant 4 : i32
    %scan3A_7 = arith.addi %scan3A_5, %scan3A_6 : i32
    %scan3A_8 = arith.constant 1 : i32
    scf.for %scan3A_21 = %scan3A_5 to %scan3A_7 step %scan3A_8  : i32 {
      %mul3A_22 = arith.constant 10 : i32
      %mul3A_23 = arith.muli %scan3A_21, %mul3A_22 : i32
      %dma_start3A = arith.constant 0 : i32
      %dma_start3A_24 = tpu.memref_slice %arg7[%mul3A_23, %dma_start3A] : memref<40x128xi32, #tpu.memory_space<vmem>> -> memref<1x128xi32, #tpu.memory_space<vmem>>
      %dma_start3A_25 = tpu.memref_squeeze %dma_start3A_24 : memref<1x128xi32, #tpu.memory_space<vmem>> -> memref<128xi32, #tpu.memory_space<vmem>>
      %dma_start3A_26 = arith.constant 0 : i32
      %dma_start3A_27 = arith.constant 0 : i32
      %dma_start3A_28 = tpu.memref_slice %arg2[%dma_start3A_26, %dma_start3A_27] : memref<10000x128xf32, #tpu.memory_space<hbm>> -> memref<10000x128xf32, #tpu.memory_space<hbm>>
      tpu.enqueue_indirect_dma source(%dma_start3A_28 : memref<10000x128xf32, #tpu.memory_space<hbm>>) target(%arg9 : memref<128x128xf32, #tpu.memory_space<vmem>>) offsets(%dma_start3A_25 : memref<128xi32, #tpu.memory_space<vmem>>) semaphore(%arg12 : memref<!tpu.dma_semaphore, #tpu.memory_space<semaphore_mem>>)
      %add3A_29 = arith.constant 1 : i32
      %add3A_30 = arith.addi %mul3A_23, %add3A_29 : i32
      %dma_start3A_31 = arith.constant 0 : i32
      %dma_start3A_32 = tpu.memref_slice %arg7[%add3A_30, %dma_start3A_31] : memref<40x128xi32, #tpu.memory_space<vmem>> -> memref<1x128xi32, #tpu.memory_space<vmem>>
      %dma_start3A_33 = tpu.memref_squeeze %dma_start3A_32 : memref<1x128xi32, #tpu.memory_space<vmem>> -> memref<128xi32, #tpu.memory_space<vmem>>
      %dma_start3A_34 = arith.constant 0 : i32
      %dma_start3A_35 = arith.constant 0 : i32
      %dma_start3A_36 = tpu.memref_slice %arg2[%dma_start3A_34, %dma_start3A_35] : memref<10000x128xf32, #tpu.memory_space<hbm>> -> memref<10000x128xf32, #tpu.memory_space<hbm>>
      tpu.enqueue_indirect_dma source(%dma_start3A_36 : memref<10000x128xf32, #tpu.memory_space<hbm>>) target(%arg10 : memref<128x128xf32, #tpu.memory_space<vmem>>) offsets(%dma_start3A_33 : memref<128xi32, #tpu.memory_space<vmem>>) semaphore(%arg13 : memref<!tpu.dma_semaphore, #tpu.memory_space<semaphore_mem>>)
      %dma_wait3A = arith.constant 0 : i32
      %dma_wait3A_37 = tpu.memref_slice %arg7[%mul3A_23, %dma_wait3A] : memref<40x128xi32, #tpu.memory_space<vmem>> -> memref<1x128xi32, #tpu.memory_space<vmem>>
      %dma_wait3A_38 = tpu.memref_squeeze %dma_wait3A_37 : memref<1x128xi32, #tpu.memory_space<vmem>> -> memref<128xi32, #tpu.memory_space<vmem>>
      %dma_wait3A_39 = arith.constant 0 : i32
      %dma_wait3A_40 = arith.constant 0 : i32
      %dma_wait3A_41 = tpu.memref_slice %arg2[%dma_wait3A_39, %dma_wait3A_40] : memref<10000x128xf32, #tpu.memory_space<hbm>> -> memref<10000x128xf32, #tpu.memory_space<hbm>>
      tpu.wait_indirect_dma semaphore(%arg12 : memref<!tpu.dma_semaphore, #tpu.memory_space<semaphore_mem>>) src(%dma_wait3A_41 : memref<10000x128xf32, #tpu.memory_space<hbm>>) dst(%arg9 : memref<128x128xf32, #tpu.memory_space<vmem>>)
      %add3A_42 = arith.constant 0 : i32
      %add3A_43 = arith.addi %mul3A_23, %add3A_42 : i32
      %dma_start3A_44 = arith.constant 0 : i32
      %dma_start3A_45 = tpu.memref_slice %arg8[%add3A_43, %dma_start3A_44] : memref<40x128xi32, #tpu.memory_space<vmem>> -> memref<1x128xi32, #tpu.memory_space<vmem>>
      %dma_start3A_46 = tpu.memref_squeeze %dma_start3A_45 : memref<1x128xi32, #tpu.memory_space<vmem>> -> memref<128xi32, #tpu.memory_space<vmem>>
      %dma_start3A_47 = arith.constant 0 : i32
      %dma_start3A_48 = arith.constant 0 : i32
      %dma_start3A_49 = tpu.memref_slice %arg11[%dma_start3A_47, %dma_start3A_48] : memref<10112x128xf32, #tpu.memory_space<vmem_shared>> -> memref<10112x128xf32, #tpu.memory_space<vmem_shared>>
      tpu.enqueue_indirect_dma source(%arg9 : memref<128x128xf32, #tpu.memory_space<vmem>>) target(%dma_start3A_49 : memref<10112x128xf32, #tpu.memory_space<vmem_shared>>) offsets(%dma_start3A_46 : memref<128xi32, #tpu.memory_space<vmem>>) semaphore(%arg14 : memref<!tpu.dma_semaphore, #tpu.memory_space<semaphore_mem>>) {add = true}
      %dma_wait3A_50 = arith.constant 0 : i32
      %dma_wait3A_51 = tpu.memref_slice %arg8[%add3A_43, %dma_wait3A_50] : memref<40x128xi32, #tpu.memory_space<vmem>> -> memref<1x128xi32, #tpu.memory_space<vmem>>
      %dma_wait3A_52 = tpu.memref_squeeze %dma_wait3A_51 : memref<1x128xi32, #tpu.memory_space<vmem>> -> memref<128xi32, #tpu.memory_space<vmem>>
      %dma_wait3A_53 = arith.constant 0 : i32
      %dma_wait3A_54 = arith.constant 0 : i32
      %dma_wait3A_55 = tpu.memref_slice %arg11[%dma_wait3A_53, %dma_wait3A_54] : memref<10112x128xf32, #tpu.memory_space<vmem_shared>> -> memref<10112x128xf32, #tpu.memory_space<vmem_shared>>
      tpu.wait_indirect_dma semaphore(%arg14 : memref<!tpu.dma_semaphore, #tpu.memory_space<semaphore_mem>>) src(%arg9 : memref<128x128xf32, #tpu.memory_space<vmem>>) dst(%dma_wait3A_55 : memref<10112x128xf32, #tpu.memory_space<vmem_shared>>)
      %add3A_56 = arith.constant 0 : i32
      %add3A_57 = arith.addi %mul3A_23, %add3A_56 : i32
      %add3A_58 = arith.constant 2 : i32
      %add3A_59 = arith.addi %add3A_57, %add3A_58 : i32
      %dma_start3A_60 = arith.constant 0 : i32
      %dma_start3A_61 = tpu.memref_slice %arg7[%add3A_59, %dma_start3A_60] : memref<40x128xi32, #tpu.memory_space<vmem>> -> memref<1x128xi32, #tpu.memory_space<vmem>>
      %dma_start3A_62 = tpu.memref_squeeze %dma_start3A_61 : memref<1x128xi32, #tpu.memory_space<vmem>> -> memref<128xi32, #tpu.memory_space<vmem>>
      %dma_start3A_63 = arith.constant 0 : i32
      %dma_start3A_64 = arith.constant 0 : i32
      %dma_start3A_65 = tpu.memref_slice %arg2[%dma_start3A_63, %dma_start3A_64] : memref<10000x128xf32, #tpu.memory_space<hbm>> -> memref<10000x128xf32, #tpu.memory_space<hbm>>
      tpu.enqueue_indirect_dma source(%dma_start3A_65 : memref<10000x128xf32, #tpu.memory_space<hbm>>) target(%arg9 : memref<128x128xf32, #tpu.memory_space<vmem>>) offsets(%dma_start3A_62 : memref<128xi32, #tpu.memory_space<vmem>>) semaphore(%arg12 : memref<!tpu.dma_semaphore, #tpu.memory_space<semaphore_mem>>)
      %dma_wait3A_66 = arith.constant 0 : i32
      %dma_wait3A_67 = tpu.memref_slice %arg7[%add3A_30, %dma_wait3A_66] : memref<40x128xi32, #tpu.memory_space<vmem>> -> memref<1x128xi32, #tpu.memory_space<vmem>>
      %dma_wait3A_68 = tpu.memref_squeeze %dma_wait3A_67 : memref<1x128xi32, #tpu.memory_space<vmem>> -> memref<128xi32, #tpu.memory_space<vmem>>
      %dma_wait3A_69 = arith.constant 0 : i32
      %dma_wait3A_70 = arith.constant 0 : i32
      %dma_wait3A_71 = tpu.memref_slice %arg2[%dma_wait3A_69, %dma_wait3A_70] : memref<10000x128xf32, #tpu.memory_space<hbm>> -> memref<10000x128xf32, #tpu.memory_space<hbm>>
      tpu.wait_indirect_dma semaphore(%arg13 : memref<!tpu.dma_semaphore, #tpu.memory_space<semaphore_mem>>) src(%dma_wait3A_71 : memref<10000x128xf32, #tpu.memory_space<hbm>>) dst(%arg10 : memref<128x128xf32, #tpu.memory_space<vmem>>)
      %add3A_72 = arith.constant 1 : i32
      %add3A_73 = arith.addi %mul3A_23, %add3A_72 : i32
      %dma_start3A_74 = arith.constant 0 : i32
      %dma_start3A_75 = tpu.memref_slice %arg8[%add3A_73, %dma_start3A_74] : memref<40x128xi32, #tpu.memory_space<vmem>> -> memref<1x128xi32, #tpu.memory_space<vmem>>
      %dma_start3A_76 = tpu.memref_squeeze %dma_start3A_75 : memref<1x128xi32, #tpu.memory_space<vmem>> -> memref<128xi32, #tpu.memory_space<vmem>>
      %dma_start3A_77 = arith.constant 0 : i32
      %dma_start3A_78 = arith.constant 0 : i32
      %dma_start3A_79 = tpu.memref_slice %arg11[%dma_start3A_77, %dma_start3A_78] : memref<10112x128xf32, #tpu.memory_space<vmem_shared>> -> memref<10112x128xf32, #tpu.memory_space<vmem_shared>>
      tpu.enqueue_indirect_dma source(%arg10 : memref<128x128xf32, #tpu.memory_space<vmem>>) target(%dma_start3A_79 : memref<10112x128xf32, #tpu.memory_space<vmem_shared>>) offsets(%dma_start3A_76 : memref<128xi32, #tpu.memory_space<vmem>>) semaphore(%arg15 : memref<!tpu.dma_semaphore, #tpu.memory_space<semaphore_mem>>) {add = true}
      %dma_wait3A_80 = arith.constant 0 : i32
      %dma_wait3A_81 = tpu.memref_slice %arg8[%add3A_73, %dma_wait3A_80] : memref<40x128xi32, #tpu.memory_space<vmem>> -> memref<1x128xi32, #tpu.memory_space<vmem>>
      %dma_wait3A_82 = tpu.memref_squeeze %dma_wait3A_81 : memref<1x128xi32, #tpu.memory_space<vmem>> -> memref<128xi32, #tpu.memory_space<vmem>>
      %dma_wait3A_83 = arith.constant 0 : i32
      %dma_wait3A_84 = arith.constant 0 : i32
      %dma_wait3A_85 = tpu.memref_slice %arg11[%dma_wait3A_83, %dma_wait3A_84] : memref<10112x128xf32, #tpu.memory_space<vmem_shared>> -> memref<10112x128xf32, #tpu.memory_space<vmem_shared>>
      tpu.wait_indirect_dma semaphore(%arg15 : memref<!tpu.dma_semaphore, #tpu.memory_space<semaphore_mem>>) src(%arg10 : memref<128x128xf32, #tpu.memory_space<vmem>>) dst(%dma_wait3A_85 : memref<10112x128xf32, #tpu.memory_space<vmem_shared>>)
      %add3A_86 = arith.constant 1 : i32
      %add3A_87 = arith.addi %mul3A_23, %add3A_86 : i32
      %add3A_88 = arith.constant 2 : i32
      %add3A_89 = arith.addi %add3A_87, %add3A_88 : i32
      %dma_start3A_90 = arith.constant 0 : i32
      %dma_start3A_91 = tpu.memref_slice %arg7[%add3A_89, %dma_start3A_90] : memref<40x128xi32, #tpu.memory_space<vmem>> -> memref<1x128xi32, #tpu.memory_space<vmem>>
      %dma_start3A_92 = tpu.memref_squeeze %dma_start3A_91 : memref<1x128xi32, #tpu.memory_space<vmem>> -> memref<128xi32, #tpu.memory_space<vmem>>
      %dma_start3A_93 = arith.constant 0 : i32
      %dma_start3A_94 = arith.constant 0 : i32
      %dma_start3A_95 = tpu.memref_slice %arg2[%dma_start3A_93, %dma_start3A_94] : memref<10000x128xf32, #tpu.memory_space<hbm>> -> memref<10000x128xf32, #tpu.memory_space<hbm>>
      tpu.enqueue_indirect_dma source(%dma_start3A_95 : memref<10000x128xf32, #tpu.memory_space<hbm>>) target(%arg10 : memref<128x128xf32, #tpu.memory_space<vmem>>) offsets(%dma_start3A_92 : memref<128xi32, #tpu.memory_space<vmem>>) semaphore(%arg13 : memref<!tpu.dma_semaphore, #tpu.memory_space<semaphore_mem>>)
      %dma_wait3A_96 = arith.constant 0 : i32
      %dma_wait3A_97 = tpu.memref_slice %arg7[%add3A_59, %dma_wait3A_96] : memref<40x128xi32, #tpu.memory_space<vmem>> -> memref<1x128xi32, #tpu.memory_space<vmem>>
      %dma_wait3A_98 = tpu.memref_squeeze %dma_wait3A_97 : memref<1x128xi32, #tpu.memory_space<vmem>> -> memref<128xi32, #tpu.memory_space<vmem>>
      %dma_wait3A_99 = arith.constant 0 : i32
      %dma_wait3A_100 = arith.constant 0 : i32
      %dma_wait3A_101 = tpu.memref_slice %arg2[%dma_wait3A_99, %dma_wait3A_100] : memref<10000x128xf32, #tpu.memory_space<hbm>> -> memref<10000x128xf32, #tpu.memory_space<hbm>>
      tpu.wait_indirect_dma semaphore(%arg12 : memref<!tpu.dma_semaphore, #tpu.memory_space<semaphore_mem>>) src(%dma_wait3A_101 : memref<10000x128xf32, #tpu.memory_space<hbm>>) dst(%arg9 : memref<128x128xf32, #tpu.memory_space<vmem>>)
      %add3A_102 = arith.constant 2 : i32
      %add3A_103 = arith.addi %mul3A_23, %add3A_102 : i32
      %dma_start3A_104 = arith.constant 0 : i32
      %dma_start3A_105 = tpu.memref_slice %arg8[%add3A_103, %dma_start3A_104] : memref<40x128xi32, #tpu.memory_space<vmem>> -> memref<1x128xi32, #tpu.memory_space<vmem>>
      %dma_start3A_106 = tpu.memref_squeeze %dma_start3A_105 : memref<1x128xi32, #tpu.memory_space<vmem>> -> memref<128xi32, #tpu.memory_space<vmem>>
      %dma_start3A_107 = arith.constant 0 : i32
      %dma_start3A_108 = arith.constant 0 : i32
      %dma_start3A_109 = tpu.memref_slice %arg11[%dma_start3A_107, %dma_start3A_108] : memref<10112x128xf32, #tpu.memory_space<vmem_shared>> -> memref<10112x128xf32, #tpu.memory_space<vmem_shared>>
      tpu.enqueue_indirect_dma source(%arg9 : memref<128x128xf32, #tpu.memory_space<vmem>>) target(%dma_start3A_109 : memref<10112x128xf32, #tpu.memory_space<vmem_shared>>) offsets(%dma_start3A_106 : memref<128xi32, #tpu.memory_space<vmem>>) semaphore(%arg14 : memref<!tpu.dma_semaphore, #tpu.memory_space<semaphore_mem>>) {add = true}
      %dma_wait3A_110 = arith.constant 0 : i32
      %dma_wait3A_111 = tpu.memref_slice %arg8[%add3A_103, %dma_wait3A_110] : memref<40x128xi32, #tpu.memory_space<vmem>> -> memref<1x128xi32, #tpu.memory_space<vmem>>
      %dma_wait3A_112 = tpu.memref_squeeze %dma_wait3A_111 : memref<1x128xi32, #tpu.memory_space<vmem>> -> memref<128xi32, #tpu.memory_space<vmem>>
      %dma_wait3A_113 = arith.constant 0 : i32
      %dma_wait3A_114 = arith.constant 0 : i32
      %dma_wait3A_115 = tpu.memref_slice %arg11[%dma_wait3A_113, %dma_wait3A_114] : memref<10112x128xf32, #tpu.memory_space<vmem_shared>> -> memref<10112x128xf32, #tpu.memory_space<vmem_shared>>
      tpu.wait_indirect_dma semaphore(%arg14 : memref<!tpu.dma_semaphore, #tpu.memory_space<semaphore_mem>>) src(%arg9 : memref<128x128xf32, #tpu.memory_space<vmem>>) dst(%dma_wait3A_115 : memref<10112x128xf32, #tpu.memory_space<vmem_shared>>)
      %add3A_116 = arith.constant 2 : i32
      %add3A_117 = arith.addi %mul3A_23, %add3A_116 : i32
      %add3A_118 = arith.constant 2 : i32
      %add3A_119 = arith.addi %add3A_117, %add3A_118 : i32
      %dma_start3A_120 = arith.constant 0 : i32
      %dma_start3A_121 = tpu.memref_slice %arg7[%add3A_119, %dma_start3A_120] : memref<40x128xi32, #tpu.memory_space<vmem>> -> memref<1x128xi32, #tpu.memory_space<vmem>>
      %dma_start3A_122 = tpu.memref_squeeze %dma_start3A_121 : memref<1x128xi32, #tpu.memory_space<vmem>> -> memref<128xi32, #tpu.memory_space<vmem>>
      %dma_start3A_123 = arith.constant 0 : i32
      %dma_start3A_124 = arith.constant 0 : i32
      %dma_start3A_125 = tpu.memref_slice %arg2[%dma_start3A_123, %dma_start3A_124] : memref<10000x128xf32, #tpu.memory_space<hbm>> -> memref<10000x128xf32, #tpu.memory_space<hbm>>
      tpu.enqueue_indirect_dma source(%dma_start3A_125 : memref<10000x128xf32, #tpu.memory_space<hbm>>) target(%arg9 : memref<128x128xf32, #tpu.memory_space<vmem>>) offsets(%dma_start3A_122 : memref<128xi32, #tpu.memory_space<vmem>>) semaphore(%arg12 : memref<!tpu.dma_semaphore, #tpu.memory_space<semaphore_mem>>)
      %dma_wait3A_126 = arith.constant 0 : i32
      %dma_wait3A_127 = tpu.memref_slice %arg7[%add3A_89, %dma_wait3A_126] : memref<40x128xi32, #tpu.memory_space<vmem>> -> memref<1x128xi32, #tpu.memory_space<vmem>>
      %dma_wait3A_128 = tpu.memref_squeeze %dma_wait3A_127 : memref<1x128xi32, #tpu.memory_space<vmem>> -> memref<128xi32, #tpu.memory_space<vmem>>
      %dma_wait3A_129 = arith.constant 0 : i32
      %dma_wait3A_130 = arith.constant 0 : i32
      %dma_wait3A_131 = tpu.memref_slice %arg2[%dma_wait3A_129, %dma_wait3A_130] : memref<10000x128xf32, #tpu.memory_space<hbm>> -> memref<10000x128xf32, #tpu.memory_space<hbm>>
      tpu.wait_indirect_dma semaphore(%arg13 : memref<!tpu.dma_semaphore, #tpu.memory_space<semaphore_mem>>) src(%dma_wait3A_131 : memref<10000x128xf32, #tpu.memory_space<hbm>>) dst(%arg10 : memref<128x128xf32, #tpu.memory_space<vmem>>)
      %add3A_132 = arith.constant 3 : i32
      %add3A_133 = arith.addi %mul3A_23, %add3A_132 : i32
      %dma_start3A_134 = arith.constant 0 : i32
      %dma_start3A_135 = tpu.memref_slice %arg8[%add3A_133, %dma_start3A_134] : memref<40x128xi32, #tpu.memory_space<vmem>> -> memref<1x128xi32, #tpu.memory_space<vmem>>
      %dma_start3A_136 = tpu.memref_squeeze %dma_start3A_135 : memref<1x128xi32, #tpu.memory_space<vmem>> -> memref<128xi32, #tpu.memory_space<vmem>>
      %dma_start3A_137 = arith.constant 0 : i32
      %dma_start3A_138 = arith.constant 0 : i32
      %dma_start3A_139 = tpu.memref_slice %arg11[%dma_start3A_137, %dma_start3A_138] : memref<10112x128xf32, #tpu.memory_space<vmem_shared>> -> memref<10112x128xf32, #tpu.memory_space<vmem_shared>>
      tpu.enqueue_indirect_dma source(%arg10 : memref<128x128xf32, #tpu.memory_space<vmem>>) target(%dma_start3A_139 : memref<10112x128xf32, #tpu.memory_space<vmem_shared>>) offsets(%dma_start3A_136 : memref<128xi32, #tpu.memory_space<vmem>>) semaphore(%arg15 : memref<!tpu.dma_semaphore, #tpu.memory_space<semaphore_mem>>) {add = true}
      %dma_wait3A_140 = arith.constant 0 : i32
      %dma_wait3A_141 = tpu.memref_slice %arg8[%add3A_133, %dma_wait3A_140] : memref<40x128xi32, #tpu.memory_space<vmem>> -> memref<1x128xi32, #tpu.memory_space<vmem>>
      %dma_wait3A_142 = tpu.memref_squeeze %dma_wait3A_141 : memref<1x128xi32, #tpu.memory_space<vmem>> -> memref<128xi32, #tpu.memory_space<vmem>>
      %dma_wait3A_143 = arith.constant 0 : i32
      %dma_wait3A_144 = arith.constant 0 : i32
      %dma_wait3A_145 = tpu.memref_slice %arg11[%dma_wait3A_143, %dma_wait3A_144] : memref<10112x128xf32, #tpu.memory_space<vmem_shared>> -> memref<10112x128xf32, #tpu.memory_space<vmem_shared>>
      tpu.wait_indirect_dma semaphore(%arg15 : memref<!tpu.dma_semaphore, #tpu.memory_space<semaphore_mem>>) src(%arg10 : memref<128x128xf32, #tpu.memory_space<vmem>>) dst(%dma_wait3A_145 : memref<10112x128xf32, #tpu.memory_space<vmem_shared>>)
      %add3A_146 = arith.constant 3 : i32
      %add3A_147 = arith.addi %mul3A_23, %add3A_146 : i32
      %add3A_148 = arith.constant 2 : i32
      %add3A_149 = arith.addi %add3A_147, %add3A_148 : i32
      %dma_start3A_150 = arith.constant 0 : i32
      %dma_start3A_151 = tpu.memref_slice %arg7[%add3A_149, %dma_start3A_150] : memref<40x128xi32, #tpu.memory_space<vmem>> -> memref<1x128xi32, #tpu.memory_space<vmem>>
      %dma_start3A_152 = tpu.memref_squeeze %dma_start3A_151 : memref<1x128xi32, #tpu.memory_space<vmem>> -> memref<128xi32, #tpu.memory_space<vmem>>
      %dma_start3A_153 = arith.constant 0 : i32
      %dma_start3A_154 = arith.constant 0 : i32
      %dma_start3A_155 = tpu.memref_slice %arg2[%dma_start3A_153, %dma_start3A_154] : memref<10000x128xf32, #tpu.memory_space<hbm>> -> memref<10000x128xf32, #tpu.memory_space<hbm>>
      tpu.enqueue_indirect_dma source(%dma_start3A_155 : memref<10000x128xf32, #tpu.memory_space<hbm>>) target(%arg10 : memref<128x128xf32, #tpu.memory_space<vmem>>) offsets(%dma_start3A_152 : memref<128xi32, #tpu.memory_space<vmem>>) semaphore(%arg13 : memref<!tpu.dma_semaphore, #tpu.memory_space<semaphore_mem>>)
      %dma_wait3A_156 = arith.constant 0 : i32
      %dma_wait3A_157 = tpu.memref_slice %arg7[%add3A_119, %dma_wait3A_156] : memref<40x128xi32, #tpu.memory_space<vmem>> -> memref<1x128xi32, #tpu.memory_space<vmem>>
      %dma_wait3A_158 = tpu.memref_squeeze %dma_wait3A_157 : memref<1x128xi32, #tpu.memory_space<vmem>> -> memref<128xi32, #tpu.memory_space<vmem>>
      %dma_wait3A_159 = arith.constant 0 : i32
      %dma_wait3A_160 = arith.constant 0 : i32
      %dma_wait3A_161 = tpu.memref_slice %arg2[%dma_wait3A_159, %dma_wait3A_160] : memref<10000x128xf32, #tpu.memory_space<hbm>> -> memref<10000x128xf32, #tpu.memory_space<hbm>>
      tpu.wait_indirect_dma semaphore(%arg12 : memref<!tpu.dma_semaphore, #tpu.memory_space<semaphore_mem>>) src(%dma_wait3A_161 : memref<10000x128xf32, #tpu.memory_space<hbm>>) dst(%arg9 : memref<128x128xf32, #tpu.memory_space<vmem>>)
      %add3A_162 = arith.constant 4 : i32
      %add3A_163 = arith.addi %mul3A_23, %add3A_162 : i32
      %dma_start3A_164 = arith.constant 0 : i32
      %dma_start3A_165 = tpu.memref_slice %arg8[%add3A_163, %dma_start3A_164] : memref<40x128xi32, #tpu.memory_space<vmem>> -> memref<1x128xi32, #tpu.memory_space<vmem>>
      %dma_start3A_166 = tpu.memref_squeeze %dma_start3A_165 : memref<1x128xi32, #tpu.memory_space<vmem>> -> memref<128xi32, #tpu.memory_space<vmem>>
      %dma_start3A_167 = arith.constant 0 : i32
      %dma_start3A_168 = arith.constant 0 : i32
      %dma_start3A_169 = tpu.memref_slice %arg11[%dma_start3A_167, %dma_start3A_168] : memref<10112x128xf32, #tpu.memory_space<vmem_shared>> -> memref<10112x128xf32, #tpu.memory_space<vmem_shared>>
      tpu.enqueue_indirect_dma source(%arg9 : memref<128x128xf32, #tpu.memory_space<vmem>>) target(%dma_start3A_169 : memref<10112x128xf32, #tpu.memory_space<vmem_shared>>) offsets(%dma_start3A_166 : memref<128xi32, #tpu.memory_space<vmem>>) semaphore(%arg14 : memref<!tpu.dma_semaphore, #tpu.memory_space<semaphore_mem>>) {add = true}
      %dma_wait3A_170 = arith.constant 0 : i32
      %dma_wait3A_171 = tpu.memref_slice %arg8[%add3A_163, %dma_wait3A_170] : memref<40x128xi32, #tpu.memory_space<vmem>> -> memref<1x128xi32, #tpu.memory_space<vmem>>
      %dma_wait3A_172 = tpu.memref_squeeze %dma_wait3A_171 : memref<1x128xi32, #tpu.memory_space<vmem>> -> memref<128xi32, #tpu.memory_space<vmem>>
      %dma_wait3A_173 = arith.constant 0 : i32
      %dma_wait3A_174 = arith.constant 0 : i32
      %dma_wait3A_175 = tpu.memref_slice %arg11[%dma_wait3A_173, %dma_wait3A_174] : memref<10112x128xf32, #tpu.memory_space<vmem_shared>> -> memref<10112x128xf32, #tpu.memory_space<vmem_shared>>
      tpu.wait_indirect_dma semaphore(%arg14 : memref<!tpu.dma_semaphore, #tpu.memory_space<semaphore_mem>>) src(%arg9 : memref<128x128xf32, #tpu.memory_space<vmem>>) dst(%dma_wait3A_175 : memref<10112x128xf32, #tpu.memory_space<vmem_shared>>)
      %add3A_176 = arith.constant 4 : i32
      %add3A_177 = arith.addi %mul3A_23, %add3A_176 : i32
      %add3A_178 = arith.constant 2 : i32
      %add3A_179 = arith.addi %add3A_177, %add3A_178 : i32
      %dma_start3A_180 = arith.constant 0 : i32
      %dma_start3A_181 = tpu.memref_slice %arg7[%add3A_179, %dma_start3A_180] : memref<40x128xi32, #tpu.memory_space<vmem>> -> memref<1x128xi32, #tpu.memory_space<vmem>>
      %dma_start3A_182 = tpu.memref_squeeze %dma_start3A_181 : memref<1x128xi32, #tpu.memory_space<vmem>> -> memref<128xi32, #tpu.memory_space<vmem>>
      %dma_start3A_183 = arith.constant 0 : i32
      %dma_start3A_184 = arith.constant 0 : i32
      %dma_start3A_185 = tpu.memref_slice %arg2[%dma_start3A_183, %dma_start3A_184] : memref<10000x128xf32, #tpu.memory_space<hbm>> -> memref<10000x128xf32, #tpu.memory_space<hbm>>
      tpu.enqueue_indirect_dma source(%dma_start3A_185 : memref<10000x128xf32, #tpu.memory_space<hbm>>) target(%arg9 : memref<128x128xf32, #tpu.memory_space<vmem>>) offsets(%dma_start3A_182 : memref<128xi32, #tpu.memory_space<vmem>>) semaphore(%arg12 : memref<!tpu.dma_semaphore, #tpu.memory_space<semaphore_mem>>)
      %dma_wait3A_186 = arith.constant 0 : i32
      %dma_wait3A_187 = tpu.memref_slice %arg7[%add3A_149, %dma_wait3A_186] : memref<40x128xi32, #tpu.memory_space<vmem>> -> memref<1x128xi32, #tpu.memory_space<vmem>>
      %dma_wait3A_188 = tpu.memref_squeeze %dma_wait3A_187 : memref<1x128xi32, #tpu.memory_space<vmem>> -> memref<128xi32, #tpu.memory_space<vmem>>
      %dma_wait3A_189 = arith.constant 0 : i32
      %dma_wait3A_190 = arith.constant 0 : i32
      %dma_wait3A_191 = tpu.memref_slice %arg2[%dma_wait3A_189, %dma_wait3A_190] : memref<10000x128xf32, #tpu.memory_space<hbm>> -> memref<10000x128xf32, #tpu.memory_space<hbm>>
      tpu.wait_indirect_dma semaphore(%arg13 : memref<!tpu.dma_semaphore, #tpu.memory_space<semaphore_mem>>) src(%dma_wait3A_191 : memref<10000x128xf32, #tpu.memory_space<hbm>>) dst(%arg10 : memref<128x128xf32, #tpu.memory_space<vmem>>)
      %add3A_192 = arith.constant 5 : i32
      %add3A_193 = arith.addi %mul3A_23, %add3A_192 : i32
      %dma_start3A_194 = arith.constant 0 : i32
      %dma_start3A_195 = tpu.memref_slice %arg8[%add3A_193, %dma_start3A_194] : memref<40x128xi32, #tpu.memory_space<vmem>> -> memref<1x128xi32, #tpu.memory_space<vmem>>
      %dma_start3A_196 = tpu.memref_squeeze %dma_start3A_195 : memref<1x128xi32, #tpu.memory_space<vmem>> -> memref<128xi32, #tpu.memory_space<vmem>>
      %dma_start3A_197 = arith.constant 0 : i32
      %dma_start3A_198 = arith.constant 0 : i32
      %dma_start3A_199 = tpu.memref_slice %arg11[%dma_start3A_197, %dma_start3A_198] : memref<10112x128xf32, #tpu.memory_space<vmem_shared>> -> memref<10112x128xf32, #tpu.memory_space<vmem_shared>>
      tpu.enqueue_indirect_dma source(%arg10 : memref<128x128xf32, #tpu.memory_space<vmem>>) target(%dma_start3A_199 : memref<10112x128xf32, #tpu.memory_space<vmem_shared>>) offsets(%dma_start3A_196 : memref<128xi32, #tpu.memory_space<vmem>>) semaphore(%arg15 : memref<!tpu.dma_semaphore, #tpu.memory_space<semaphore_mem>>) {add = true}
      %dma_wait3A_200 = arith.constant 0 : i32
      %dma_wait3A_201 = tpu.memref_slice %arg8[%add3A_193, %dma_wait3A_200] : memref<40x128xi32, #tpu.memory_space<vmem>> -> memref<1x128xi32, #tpu.memory_space<vmem>>
      %dma_wait3A_202 = tpu.memref_squeeze %dma_wait3A_201 : memref<1x128xi32, #tpu.memory_space<vmem>> -> memref<128xi32, #tpu.memory_space<vmem>>
      %dma_wait3A_203 = arith.constant 0 : i32
      %dma_wait3A_204 = arith.constant 0 : i32
      %dma_wait3A_205 = tpu.memref_slice %arg11[%dma_wait3A_203, %dma_wait3A_204] : memref<10112x128xf32, #tpu.memory_space<vmem_shared>> -> memref<10112x128xf32, #tpu.memory_space<vmem_shared>>
      tpu.wait_indirect_dma semaphore(%arg15 : memref<!tpu.dma_semaphore, #tpu.memory_space<semaphore_mem>>) src(%arg10 : memref<128x128xf32, #tpu.memory_space<vmem>>) dst(%dma_wait3A_205 : memref<10112x128xf32, #tpu.memory_space<vmem_shared>>)
      %add3A_206 = arith.constant 5 : i32
      %add3A_207 = arith.addi %mul3A_23, %add3A_206 : i32
      %add3A_208 = arith.constant 2 : i32
      %add3A_209 = arith.addi %add3A_207, %add3A_208 : i32
      %dma_start3A_210 = arith.constant 0 : i32
      %dma_start3A_211 = tpu.memref_slice %arg7[%add3A_209, %dma_start3A_210] : memref<40x128xi32, #tpu.memory_space<vmem>> -> memref<1x128xi32, #tpu.memory_space<vmem>>
      %dma_start3A_212 = tpu.memref_squeeze %dma_start3A_211 : memref<1x128xi32, #tpu.memory_space<vmem>> -> memref<128xi32, #tpu.memory_space<vmem>>
      %dma_start3A_213 = arith.constant 0 : i32
      %dma_start3A_214 = arith.constant 0 : i32
      %dma_start3A_215 = tpu.memref_slice %arg2[%dma_start3A_213, %dma_start3A_214] : memref<10000x128xf32, #tpu.memory_space<hbm>> -> memref<10000x128xf32, #tpu.memory_space<hbm>>
      tpu.enqueue_indirect_dma source(%dma_start3A_215 : memref<10000x128xf32, #tpu.memory_space<hbm>>) target(%arg10 : memref<128x128xf32, #tpu.memory_space<vmem>>) offsets(%dma_start3A_212 : memref<128xi32, #tpu.memory_space<vmem>>) semaphore(%arg13 : memref<!tpu.dma_semaphore, #tpu.memory_space<semaphore_mem>>)
      %dma_wait3A_216 = arith.constant 0 : i32
      %dma_wait3A_217 = tpu.memref_slice %arg7[%add3A_179, %dma_wait3A_216] : memref<40x128xi32, #tpu.memory_space<vmem>> -> memref<1x128xi32, #tpu.memory_space<vmem>>
      %dma_wait3A_218 = tpu.memref_squeeze %dma_wait3A_217 : memref<1x128xi32, #tpu.memory_space<vmem>> -> memref<128xi32, #tpu.memory_space<vmem>>
      %dma_wait3A_219 = arith.constant 0 : i32
      %dma_wait3A_220 = arith.constant 0 : i32
      %dma_wait3A_221 = tpu.memref_slice %arg2[%dma_wait3A_219, %dma_wait3A_220] : memref<10000x128xf32, #tpu.memory_space<hbm>> -> memref<10000x128xf32, #tpu.memory_space<hbm>>
      tpu.wait_indirect_dma semaphore(%arg12 : memref<!tpu.dma_semaphore, #tpu.memory_space<semaphore_mem>>) src(%dma_wait3A_221 : memref<10000x128xf32, #tpu.memory_space<hbm>>) dst(%arg9 : memref<128x128xf32, #tpu.memory_space<vmem>>)
      %add3A_222 = arith.constant 6 : i32
      %add3A_223 = arith.addi %mul3A_23, %add3A_222 : i32
      %dma_start3A_224 = arith.constant 0 : i32
      %dma_start3A_225 = tpu.memref_slice %arg8[%add3A_223, %dma_start3A_224] : memref<40x128xi32, #tpu.memory_space<vmem>> -> memref<1x128xi32, #tpu.memory_space<vmem>>
      %dma_start3A_226 = tpu.memref_squeeze %dma_start3A_225 : memref<1x128xi32, #tpu.memory_space<vmem>> -> memref<128xi32, #tpu.memory_space<vmem>>
      %dma_start3A_227 = arith.constant 0 : i32
      %dma_start3A_228 = arith.constant 0 : i32
      %dma_start3A_229 = tpu.memref_slice %arg11[%dma_start3A_227, %dma_start3A_228] : memref<10112x128xf32, #tpu.memory_space<vmem_shared>> -> memref<10112x128xf32, #tpu.memory_space<vmem_shared>>
      tpu.enqueue_indirect_dma source(%arg9 : memref<128x128xf32, #tpu.memory_space<vmem>>) target(%dma_start3A_229 : memref<10112x128xf32, #tpu.memory_space<vmem_shared>>) offsets(%dma_start3A_226 : memref<128xi32, #tpu.memory_space<vmem>>) semaphore(%arg14 : memref<!tpu.dma_semaphore, #tpu.memory_space<semaphore_mem>>) {add = true}
      %dma_wait3A_230 = arith.constant 0 : i32
      %dma_wait3A_231 = tpu.memref_slice %arg8[%add3A_223, %dma_wait3A_230] : memref<40x128xi32, #tpu.memory_space<vmem>> -> memref<1x128xi32, #tpu.memory_space<vmem>>
      %dma_wait3A_232 = tpu.memref_squeeze %dma_wait3A_231 : memref<1x128xi32, #tpu.memory_space<vmem>> -> memref<128xi32, #tpu.memory_space<vmem>>
      %dma_wait3A_233 = arith.constant 0 : i32
      %dma_wait3A_234 = arith.constant 0 : i32
      %dma_wait3A_235 = tpu.memref_slice %arg11[%dma_wait3A_233, %dma_wait3A_234] : memref<10112x128xf32, #tpu.memory_space<vmem_shared>> -> memref<10112x128xf32, #tpu.memory_space<vmem_shared>>
      tpu.wait_indirect_dma semaphore(%arg14 : memref<!tpu.dma_semaphore, #tpu.memory_space<semaphore_mem>>) src(%arg9 : memref<128x128xf32, #tpu.memory_space<vmem>>) dst(%dma_wait3A_235 : memref<10112x128xf32, #tpu.memory_space<vmem_shared>>)
      %add3A_236 = arith.constant 6 : i32
      %add3A_237 = arith.addi %mul3A_23, %add3A_236 : i32
      %add3A_238 = arith.constant 2 : i32
      %add3A_239 = arith.addi %add3A_237, %add3A_238 : i32
      %dma_start3A_240 = arith.constant 0 : i32
      %dma_start3A_241 = tpu.memref_slice %arg7[%add3A_239, %dma_start3A_240] : memref<40x128xi32, #tpu.memory_space<vmem>> -> memref<1x128xi32, #tpu.memory_space<vmem>>
      %dma_start3A_242 = tpu.memref_squeeze %dma_start3A_241 : memref<1x128xi32, #tpu.memory_space<vmem>> -> memref<128xi32, #tpu.memory_space<vmem>>
      %dma_start3A_243 = arith.constant 0 : i32
      %dma_start3A_244 = arith.constant 0 : i32
      %dma_start3A_245 = tpu.memref_slice %arg2[%dma_start3A_243, %dma_start3A_244] : memref<10000x128xf32, #tpu.memory_space<hbm>> -> memref<10000x128xf32, #tpu.memory_space<hbm>>
      tpu.enqueue_indirect_dma source(%dma_start3A_245 : memref<10000x128xf32, #tpu.memory_space<hbm>>) target(%arg9 : memref<128x128xf32, #tpu.memory_space<vmem>>) offsets(%dma_start3A_242 : memref<128xi32, #tpu.memory_space<vmem>>) semaphore(%arg12 : memref<!tpu.dma_semaphore, #tpu.memory_space<semaphore_mem>>)
      %dma_wait3A_246 = arith.constant 0 : i32
      %dma_wait3A_247 = tpu.memref_slice %arg7[%add3A_209, %dma_wait3A_246] : memref<40x128xi32, #tpu.memory_space<vmem>> -> memref<1x128xi32, #tpu.memory_space<vmem>>
      %dma_wait3A_248 = tpu.memref_squeeze %dma_wait3A_247 : memref<1x128xi32, #tpu.memory_space<vmem>> -> memref<128xi32, #tpu.memory_space<vmem>>
      %dma_wait3A_249 = arith.constant 0 : i32
      %dma_wait3A_250 = arith.constant 0 : i32
      %dma_wait3A_251 = tpu.memref_slice %arg2[%dma_wait3A_249, %dma_wait3A_250] : memref<10000x128xf32, #tpu.memory_space<hbm>> -> memref<10000x128xf32, #tpu.memory_space<hbm>>
      tpu.wait_indirect_dma semaphore(%arg13 : memref<!tpu.dma_semaphore, #tpu.memory_space<semaphore_mem>>) src(%dma_wait3A_251 : memref<10000x128xf32, #tpu.memory_space<hbm>>) dst(%arg10 : memref<128x128xf32, #tpu.memory_space<vmem>>)
      %add3A_252 = arith.constant 7 : i32
      %add3A_253 = arith.addi %mul3A_23, %add3A_252 : i32
      %dma_start3A_254 = arith.constant 0 : i32
      %dma_start3A_255 = tpu.memref_slice %arg8[%add3A_253, %dma_start3A_254] : memref<40x128xi32, #tpu.memory_space<vmem>> -> memref<1x128xi32, #tpu.memory_space<vmem>>
      %dma_start3A_256 = tpu.memref_squeeze %dma_start3A_255 : memref<1x128xi32, #tpu.memory_space<vmem>> -> memref<128xi32, #tpu.memory_space<vmem>>
      %dma_start3A_257 = arith.constant 0 : i32
      %dma_start3A_258 = arith.constant 0 : i32
      %dma_start3A_259 = tpu.memref_slice %arg11[%dma_start3A_257, %dma_start3A_258] : memref<10112x128xf32, #tpu.memory_space<vmem_shared>> -> memref<10112x128xf32, #tpu.memory_space<vmem_shared>>
      tpu.enqueue_indirect_dma source(%arg10 : memref<128x128xf32, #tpu.memory_space<vmem>>) target(%dma_start3A_259 : memref<10112x128xf32, #tpu.memory_space<vmem_shared>>) offsets(%dma_start3A_256 : memref<128xi32, #tpu.memory_space<vmem>>) semaphore(%arg15 : memref<!tpu.dma_semaphore, #tpu.memory_space<semaphore_mem>>) {add = true}
      %dma_wait3A_260 = arith.constant 0 : i32
      %dma_wait3A_261 = tpu.memref_slice %arg8[%add3A_253, %dma_wait3A_260] : memref<40x128xi32, #tpu.memory_space<vmem>> -> memref<1x128xi32, #tpu.memory_space<vmem>>
      %dma_wait3A_262 = tpu.memref_squeeze %dma_wait3A_261 : memref<1x128xi32, #tpu.memory_space<vmem>> -> memref<128xi32, #tpu.memory_space<vmem>>
      %dma_wait3A_263 = arith.constant 0 : i32
      %dma_wait3A_264 = arith.constant 0 : i32
      %dma_wait3A_265 = tpu.memref_slice %arg11[%dma_wait3A_263, %dma_wait3A_264] : memref<10112x128xf32, #tpu.memory_space<vmem_shared>> -> memref<10112x128xf32, #tpu.memory_space<vmem_shared>>
      tpu.wait_indirect_dma semaphore(%arg15 : memref<!tpu.dma_semaphore, #tpu.memory_space<semaphore_mem>>) src(%arg10 : memref<128x128xf32, #tpu.memory_space<vmem>>) dst(%dma_wait3A_265 : memref<10112x128xf32, #tpu.memory_space<vmem_shared>>)
      %add3A_266 = arith.constant 7 : i32
      %add3A_267 = arith.addi %mul3A_23, %add3A_266 : i32
      %add3A_268 = arith.constant 2 : i32
      %add3A_269 = arith.addi %add3A_267, %add3A_268 : i32
      %dma_start3A_270 = arith.constant 0 : i32
      %dma_start3A_271 = tpu.memref_slice %arg7[%add3A_269, %dma_start3A_270] : memref<40x128xi32, #tpu.memory_space<vmem>> -> memref<1x128xi32, #tpu.memory_space<vmem>>
      %dma_start3A_272 = tpu.memref_squeeze %dma_start3A_271 : memref<1x128xi32, #tpu.memory_space<vmem>> -> memref<128xi32, #tpu.memory_space<vmem>>
      %dma_start3A_273 = arith.constant 0 : i32
      %dma_start3A_274 = arith.constant 0 : i32
      %dma_start3A_275 = tpu.memref_slice %arg2[%dma_start3A_273, %dma_start3A_274] : memref<10000x128xf32, #tpu.memory_space<hbm>> -> memref<10000x128xf32, #tpu.memory_space<hbm>>
      tpu.enqueue_indirect_dma source(%dma_start3A_275 : memref<10000x128xf32, #tpu.memory_space<hbm>>) target(%arg10 : memref<128x128xf32, #tpu.memory_space<vmem>>) offsets(%dma_start3A_272 : memref<128xi32, #tpu.memory_space<vmem>>) semaphore(%arg13 : memref<!tpu.dma_semaphore, #tpu.memory_space<semaphore_mem>>)
      %dma_wait3A_276 = arith.constant 0 : i32
      %dma_wait3A_277 = tpu.memref_slice %arg7[%add3A_239, %dma_wait3A_276] : memref<40x128xi32, #tpu.memory_space<vmem>> -> memref<1x128xi32, #tpu.memory_space<vmem>>
      %dma_wait3A_278 = tpu.memref_squeeze %dma_wait3A_277 : memref<1x128xi32, #tpu.memory_space<vmem>> -> memref<128xi32, #tpu.memory_space<vmem>>
      %dma_wait3A_279 = arith.constant 0 : i32
      %dma_wait3A_280 = arith.constant 0 : i32
      %dma_wait3A_281 = tpu.memref_slice %arg2[%dma_wait3A_279, %dma_wait3A_280] : memref<10000x128xf32, #tpu.memory_space<hbm>> -> memref<10000x128xf32, #tpu.memory_space<hbm>>
      tpu.wait_indirect_dma semaphore(%arg12 : memref<!tpu.dma_semaphore, #tpu.memory_space<semaphore_mem>>) src(%dma_wait3A_281 : memref<10000x128xf32, #tpu.memory_space<hbm>>) dst(%arg9 : memref<128x128xf32, #tpu.memory_space<vmem>>)
      %add3A_282 = arith.constant 8 : i32
      %add3A_283 = arith.addi %mul3A_23, %add3A_282 : i32
      %dma_start3A_284 = arith.constant 0 : i32
      %dma_start3A_285 = tpu.memref_slice %arg8[%add3A_283, %dma_start3A_284] : memref<40x128xi32, #tpu.memory_space<vmem>> -> memref<1x128xi32, #tpu.memory_space<vmem>>
      %dma_start3A_286 = tpu.memref_squeeze %dma_start3A_285 : memref<1x128xi32, #tpu.memory_space<vmem>> -> memref<128xi32, #tpu.memory_space<vmem>>
      %dma_start3A_287 = arith.constant 0 : i32
      %dma_start3A_288 = arith.constant 0 : i32
      %dma_start3A_289 = tpu.memref_slice %arg11[%dma_start3A_287, %dma_start3A_288] : memref<10112x128xf32, #tpu.memory_space<vmem_shared>> -> memref<10112x128xf32, #tpu.memory_space<vmem_shared>>
      tpu.enqueue_indirect_dma source(%arg9 : memref<128x128xf32, #tpu.memory_space<vmem>>) target(%dma_start3A_289 : memref<10112x128xf32, #tpu.memory_space<vmem_shared>>) offsets(%dma_start3A_286 : memref<128xi32, #tpu.memory_space<vmem>>) semaphore(%arg14 : memref<!tpu.dma_semaphore, #tpu.memory_space<semaphore_mem>>) {add = true}
      %dma_wait3A_290 = arith.constant 0 : i32
      %dma_wait3A_291 = tpu.memref_slice %arg7[%add3A_269, %dma_wait3A_290] : memref<40x128xi32, #tpu.memory_space<vmem>> -> memref<1x128xi32, #tpu.memory_space<vmem>>
      %dma_wait3A_292 = tpu.memref_squeeze %dma_wait3A_291 : memref<1x128xi32, #tpu.memory_space<vmem>> -> memref<128xi32, #tpu.memory_space<vmem>>
      %dma_wait3A_293 = arith.constant 0 : i32
      %dma_wait3A_294 = arith.constant 0 : i32
      %dma_wait3A_295 = tpu.memref_slice %arg2[%dma_wait3A_293, %dma_wait3A_294] : memref<10000x128xf32, #tpu.memory_space<hbm>> -> memref<10000x128xf32, #tpu.memory_space<hbm>>
      tpu.wait_indirect_dma semaphore(%arg13 : memref<!tpu.dma_semaphore, #tpu.memory_space<semaphore_mem>>) src(%dma_wait3A_295 : memref<10000x128xf32, #tpu.memory_space<hbm>>) dst(%arg10 : memref<128x128xf32, #tpu.memory_space<vmem>>)
      %add3A_296 = arith.constant 9 : i32
      %add3A_297 = arith.addi %mul3A_23, %add3A_296 : i32
      %dma_start3A_298 = arith.constant 0 : i32
      %dma_start3A_299 = tpu.memref_slice %arg8[%add3A_297, %dma_start3A_298] : memref<40x128xi32, #tpu.memory_space<vmem>> -> memref<1x128xi32, #tpu.memory_space<vmem>>
      %dma_start3A_300 = tpu.memref_squeeze %dma_start3A_299 : memref<1x128xi32, #tpu.memory_space<vmem>> -> memref<128xi32, #tpu.memory_space<vmem>>
      %dma_start3A_301 = arith.constant 0 : i32
      %dma_start3A_302 = arith.constant 0 : i32
      %dma_start3A_303 = tpu.memref_slice %arg11[%dma_start3A_301, %dma_start3A_302] : memref<10112x128xf32, #tpu.memory_space<vmem_shared>> -> memref<10112x128xf32, #tpu.memory_space<vmem_shared>>
      tpu.enqueue_indirect_dma source(%arg10 : memref<128x128xf32, #tpu.memory_space<vmem>>) target(%dma_start3A_303 : memref<10112x128xf32, #tpu.memory_space<vmem_shared>>) offsets(%dma_start3A_300 : memref<128xi32, #tpu.memory_space<vmem>>) semaphore(%arg15 : memref<!tpu.dma_semaphore, #tpu.memory_space<semaphore_mem>>) {add = true}
      %dma_wait3A_304 = arith.constant 0 : i32
      %dma_wait3A_305 = tpu.memref_slice %arg8[%add3A_283, %dma_wait3A_304] : memref<40x128xi32, #tpu.memory_space<vmem>> -> memref<1x128xi32, #tpu.memory_space<vmem>>
      %dma_wait3A_306 = tpu.memref_squeeze %dma_wait3A_305 : memref<1x128xi32, #tpu.memory_space<vmem>> -> memref<128xi32, #tpu.memory_space<vmem>>
      %dma_wait3A_307 = arith.constant 0 : i32
      %dma_wait3A_308 = arith.constant 0 : i32
      %dma_wait3A_309 = tpu.memref_slice %arg11[%dma_wait3A_307, %dma_wait3A_308] : memref<10112x128xf32, #tpu.memory_space<vmem_shared>> -> memref<10112x128xf32, #tpu.memory_space<vmem_shared>>
      tpu.wait_indirect_dma semaphore(%arg14 : memref<!tpu.dma_semaphore, #tpu.memory_space<semaphore_mem>>) src(%arg9 : memref<128x128xf32, #tpu.memory_space<vmem>>) dst(%dma_wait3A_309 : memref<10112x128xf32, #tpu.memory_space<vmem_shared>>)
      %dma_wait3A_310 = arith.constant 0 : i32
      %dma_wait3A_311 = tpu.memref_slice %arg8[%add3A_297, %dma_wait3A_310] : memref<40x128xi32, #tpu.memory_space<vmem>> -> memref<1x128xi32, #tpu.memory_space<vmem>>
      %dma_wait3A_312 = tpu.memref_squeeze %dma_wait3A_311 : memref<1x128xi32, #tpu.memory_space<vmem>> -> memref<128xi32, #tpu.memory_space<vmem>>
      %dma_wait3A_313 = arith.constant 0 : i32
      %dma_wait3A_314 = arith.constant 0 : i32
      %dma_wait3A_315 = tpu.memref_slice %arg11[%dma_wait3A_313, %dma_wait3A_314] : memref<10112x128xf32, #tpu.memory_space<vmem_shared>> -> memref<10112x128xf32, #tpu.memory_space<vmem_shared>>
      tpu.wait_indirect_dma semaphore(%arg15 : memref<!tpu.dma_semaphore, #tpu.memory_space<semaphore_mem>>) src(%arg10 : memref<128x128xf32, #tpu.memory_space<vmem>>) dst(%dma_wait3A_315 : memref<10112x128xf32, #tpu.memory_space<vmem_shared>>)
    }
    %scan3A_9 = arith.constant 4 : i32
    "tpu.region"() ({
      %run_scoped3A = tpu.sem_alloc : memref<!tpu.dma_semaphore, #tpu.memory_space<semaphore_mem>>
      %dma_start3A = arith.constant 40 : i32
      %dma_start3A_21 = arith.constant 0 : i32
      %dma_start3A_22 = tpu.memref_slice %arg3[%add3A, %dma_start3A, %dma_start3A_21] : memref<32x80x128xi32, #tpu.memory_space<hbm>> -> memref<1x40x128xi32, #tpu.memory_space<hbm>>
      %dma_start3A_23 = tpu.memref_squeeze %dma_start3A_22 : memref<1x40x128xi32, #tpu.memory_space<hbm>> -> memref<40x128xi32, #tpu.memory_space<hbm>>
      %dma_start3A_24 = arith.constant 40 : i32
      %dma_start3A_25 = arith.constant 0 : i32
      %dma_start3A_26 = tpu.memref_slice %arg3[%add3A, %dma_start3A_24, %dma_start3A_25] : memref<32x80x128xi32, #tpu.memory_space<hbm>> -> memref<1x40x128xi32, #tpu.memory_space<hbm>>
      %dma_start3A_27 = tpu.memref_squeeze %dma_start3A_26 : memref<1x40x128xi32, #tpu.memory_space<hbm>> -> memref<40x128xi32, #tpu.memory_space<hbm>>
      tpu.enqueue_dma source(%dma_start3A_27 : memref<40x128xi32, #tpu.memory_space<hbm>>) target(%arg7 : memref<40x128xi32, #tpu.memory_space<vmem>>) target_semaphore(%run_scoped3A : memref<!tpu.dma_semaphore, #tpu.memory_space<semaphore_mem>>)
      %dma_wait3A = arith.constant 40 : i32
      %dma_wait3A_28 = arith.constant 0 : i32
      %dma_wait3A_29 = tpu.memref_slice %arg3[%add3A, %dma_wait3A, %dma_wait3A_28] : memref<32x80x128xi32, #tpu.memory_space<hbm>> -> memref<1x40x128xi32, #tpu.memory_space<hbm>>
      %dma_wait3A_30 = tpu.memref_squeeze %dma_wait3A_29 : memref<1x40x128xi32, #tpu.memory_space<hbm>> -> memref<40x128xi32, #tpu.memory_space<hbm>>
      %dma_wait3A_31 = arith.constant 40 : i32
      %dma_wait3A_32 = arith.constant 0 : i32
      %dma_wait3A_33 = tpu.memref_slice %arg3[%add3A, %dma_wait3A_31, %dma_wait3A_32] : memref<32x80x128xi32, #tpu.memory_space<hbm>> -> memref<1x40x128xi32, #tpu.memory_space<hbm>>
      %dma_wait3A_34 = tpu.memref_squeeze %dma_wait3A_33 : memref<1x40x128xi32, #tpu.memory_space<hbm>> -> memref<40x128xi32, #tpu.memory_space<hbm>>
      tpu.wait_dma2 semaphore(%run_scoped3A : memref<!tpu.dma_semaphore, #tpu.memory_space<semaphore_mem>>) src(%dma_wait3A_34 : memref<40x128xi32, #tpu.memory_space<hbm>>) dst(%arg7 : memref<40x128xi32, #tpu.memory_space<vmem>>)
      tpu.yield
    }) : () -> ()
    "tpu.region"() ({
      %run_scoped3A = tpu.sem_alloc : memref<!tpu.dma_semaphore, #tpu.memory_space<semaphore_mem>>
      %dma_start3A = arith.constant 40 : i32
      %dma_start3A_21 = arith.constant 0 : i32
      %dma_start3A_22 = tpu.memref_slice %arg4[%add3A, %dma_start3A, %dma_start3A_21] : memref<32x80x128xi32, #tpu.memory_space<hbm>> -> memref<1x40x128xi32, #tpu.memory_space<hbm>>
      %dma_start3A_23 = tpu.memref_squeeze %dma_start3A_22 : memref<1x40x128xi32, #tpu.memory_space<hbm>> -> memref<40x128xi32, #tpu.memory_space<hbm>>
      %dma_start3A_24 = arith.constant 40 : i32
      %dma_start3A_25 = arith.constant 0 : i32
      %dma_start3A_26 = tpu.memref_slice %arg4[%add3A, %dma_start3A_24, %dma_start3A_25] : memref<32x80x128xi32, #tpu.memory_space<hbm>> -> memref<1x40x128xi32, #tpu.memory_space<hbm>>
      %dma_start3A_27 = tpu.memref_squeeze %dma_start3A_26 : memref<1x40x128xi32, #tpu.memory_space<hbm>> -> memref<40x128xi32, #tpu.memory_space<hbm>>
      tpu.enqueue_dma source(%dma_start3A_27 : memref<40x128xi32, #tpu.memory_space<hbm>>) target(%arg8 : memref<40x128xi32, #tpu.memory_space<vmem>>) target_semaphore(%run_scoped3A : memref<!tpu.dma_semaphore, #tpu.memory_space<semaphore_mem>>)
      %dma_wait3A = arith.constant 40 : i32
      %dma_wait3A_28 = arith.constant 0 : i32
      %dma_wait3A_29 = tpu.memref_slice %arg4[%add3A, %dma_wait3A, %dma_wait3A_28] : memref<32x80x128xi32, #tpu.memory_space<hbm>> -> memref<1x40x128xi32, #tpu.memory_space<hbm>>
      %dma_wait3A_30 = tpu.memref_squeeze %dma_wait3A_29 : memref<1x40x128xi32, #tpu.memory_space<hbm>> -> memref<40x128xi32, #tpu.memory_space<hbm>>
      %dma_wait3A_31 = arith.constant 40 : i32
      %dma_wait3A_32 = arith.constant 0 : i32
      %dma_wait3A_33 = tpu.memref_slice %arg4[%add3A, %dma_wait3A_31, %dma_wait3A_32] : memref<32x80x128xi32, #tpu.memory_space<hbm>> -> memref<1x40x128xi32, #tpu.memory_space<hbm>>
      %dma_wait3A_34 = tpu.memref_squeeze %dma_wait3A_33 : memref<1x40x128xi32, #tpu.memory_space<hbm>> -> memref<40x128xi32, #tpu.memory_space<hbm>>
      tpu.wait_dma2 semaphore(%run_scoped3A : memref<!tpu.dma_semaphore, #tpu.memory_space<semaphore_mem>>) src(%dma_wait3A_34 : memref<40x128xi32, #tpu.memory_space<hbm>>) dst(%arg8 : memref<40x128xi32, #tpu.memory_space<vmem>>)
      tpu.yield
    }) : () -> ()
    %scan3A_10 = arith.constant 0 : i32
    %scan3A_11 = arith.constant 0 : i32
    %scan3A_12 = arith.constant 4 : i32
    %scan3A_13 = arith.addi %scan3A_11, %scan3A_12 : i32
    %scan3A_14 = arith.constant 1 : i32
    scf.for %scan3A_21 = %scan3A_11 to %scan3A_13 step %scan3A_14  : i32 {
      %mul3A_22 = arith.constant 10 : i32
      %mul3A_23 = arith.muli %scan3A_21, %mul3A_22 : i32
      %dma_start3A = arith.constant 0 : i32
      %dma_start3A_24 = tpu.memref_slice %arg7[%mul3A_23, %dma_start3A] : memref<40x128xi32, #tpu.memory_space<vmem>> -> memref<1x128xi32, #tpu.memory_space<vmem>>
      %dma_start3A_25 = tpu.memref_squeeze %dma_start3A_24 : memref<1x128xi32, #tpu.memory_space<vmem>> -> memref<128xi32, #tpu.memory_space<vmem>>
      %dma_start3A_26 = arith.constant 0 : i32
      %dma_start3A_27 = arith.constant 0 : i32
      %dma_start3A_28 = tpu.memref_slice %arg2[%dma_start3A_26, %dma_start3A_27] : memref<10000x128xf32, #tpu.memory_space<hbm>> -> memref<10000x128xf32, #tpu.memory_space<hbm>>
      tpu.enqueue_indirect_dma source(%dma_start3A_28 : memref<10000x128xf32, #tpu.memory_space<hbm>>) target(%arg9 : memref<128x128xf32, #tpu.memory_space<vmem>>) offsets(%dma_start3A_25 : memref<128xi32, #tpu.memory_space<vmem>>) semaphore(%arg12 : memref<!tpu.dma_semaphore, #tpu.memory_space<semaphore_mem>>)
      %add3A_29 = arith.constant 1 : i32
      %add3A_30 = arith.addi %mul3A_23, %add3A_29 : i32
      %dma_start3A_31 = arith.constant 0 : i32
      %dma_start3A_32 = tpu.memref_slice %arg7[%add3A_30, %dma_start3A_31] : memref<40x128xi32, #tpu.memory_space<vmem>> -> memref<1x128xi32, #tpu.memory_space<vmem>>
      %dma_start3A_33 = tpu.memref_squeeze %dma_start3A_32 : memref<1x128xi32, #tpu.memory_space<vmem>> -> memref<128xi32, #tpu.memory_space<vmem>>
      %dma_start3A_34 = arith.constant 0 : i32
      %dma_start3A_35 = arith.constant 0 : i32
      %dma_start3A_36 = tpu.memref_slice %arg2[%dma_start3A_34, %dma_start3A_35] : memref<10000x128xf32, #tpu.memory_space<hbm>> -> memref<10000x128xf32, #tpu.memory_space<hbm>>
      tpu.enqueue_indirect_dma source(%dma_start3A_36 : memref<10000x128xf32, #tpu.memory_space<hbm>>) target(%arg10 : memref<128x128xf32, #tpu.memory_space<vmem>>) offsets(%dma_start3A_33 : memref<128xi32, #tpu.memory_space<vmem>>) semaphore(%arg13 : memref<!tpu.dma_semaphore, #tpu.memory_space<semaphore_mem>>)
      %dma_wait3A = arith.constant 0 : i32
      %dma_wait3A_37 = tpu.memref_slice %arg7[%mul3A_23, %dma_wait3A] : memref<40x128xi32, #tpu.memory_space<vmem>> -> memref<1x128xi32, #tpu.memory_space<vmem>>
      %dma_wait3A_38 = tpu.memref_squeeze %dma_wait3A_37 : memref<1x128xi32, #tpu.memory_space<vmem>> -> memref<128xi32, #tpu.memory_space<vmem>>
      %dma_wait3A_39 = arith.constant 0 : i32
      %dma_wait3A_40 = arith.constant 0 : i32
      %dma_wait3A_41 = tpu.memref_slice %arg2[%dma_wait3A_39, %dma_wait3A_40] : memref<10000x128xf32, #tpu.memory_space<hbm>> -> memref<10000x128xf32, #tpu.memory_space<hbm>>
      tpu.wait_indirect_dma semaphore(%arg12 : memref<!tpu.dma_semaphore, #tpu.memory_space<semaphore_mem>>) src(%dma_wait3A_41 : memref<10000x128xf32, #tpu.memory_space<hbm>>) dst(%arg9 : memref<128x128xf32, #tpu.memory_space<vmem>>)
      %add3A_42 = arith.constant 0 : i32
      %add3A_43 = arith.addi %mul3A_23, %add3A_42 : i32
      %dma_start3A_44 = arith.constant 0 : i32
      %dma_start3A_45 = tpu.memref_slice %arg8[%add3A_43, %dma_start3A_44] : memref<40x128xi32, #tpu.memory_space<vmem>> -> memref<1x128xi32, #tpu.memory_space<vmem>>
      %dma_start3A_46 = tpu.memref_squeeze %dma_start3A_45 : memref<1x128xi32, #tpu.memory_space<vmem>> -> memref<128xi32, #tpu.memory_space<vmem>>
      %dma_start3A_47 = arith.constant 0 : i32
      %dma_start3A_48 = arith.constant 0 : i32
      %dma_start3A_49 = tpu.memref_slice %arg11[%dma_start3A_47, %dma_start3A_48] : memref<10112x128xf32, #tpu.memory_space<vmem_shared>> -> memref<10112x128xf32, #tpu.memory_space<vmem_shared>>
      tpu.enqueue_indirect_dma source(%arg9 : memref<128x128xf32, #tpu.memory_space<vmem>>) target(%dma_start3A_49 : memref<10112x128xf32, #tpu.memory_space<vmem_shared>>) offsets(%dma_start3A_46 : memref<128xi32, #tpu.memory_space<vmem>>) semaphore(%arg14 : memref<!tpu.dma_semaphore, #tpu.memory_space<semaphore_mem>>) {add = true}
      %dma_wait3A_50 = arith.constant 0 : i32
      %dma_wait3A_51 = tpu.memref_slice %arg8[%add3A_43, %dma_wait3A_50] : memref<40x128xi32, #tpu.memory_space<vmem>> -> memref<1x128xi32, #tpu.memory_space<vmem>>
      %dma_wait3A_52 = tpu.memref_squeeze %dma_wait3A_51 : memref<1x128xi32, #tpu.memory_space<vmem>> -> memref<128xi32, #tpu.memory_space<vmem>>
      %dma_wait3A_53 = arith.constant 0 : i32
      %dma_wait3A_54 = arith.constant 0 : i32
      %dma_wait3A_55 = tpu.memref_slice %arg11[%dma_wait3A_53, %dma_wait3A_54] : memref<10112x128xf32, #tpu.memory_space<vmem_shared>> -> memref<10112x128xf32, #tpu.memory_space<vmem_shared>>
      tpu.wait_indirect_dma semaphore(%arg14 : memref<!tpu.dma_semaphore, #tpu.memory_space<semaphore_mem>>) src(%arg9 : memref<128x128xf32, #tpu.memory_space<vmem>>) dst(%dma_wait3A_55 : memref<10112x128xf32, #tpu.memory_space<vmem_shared>>)
      %add3A_56 = arith.constant 0 : i32
      %add3A_57 = arith.addi %mul3A_23, %add3A_56 : i32
      %add3A_58 = arith.constant 2 : i32
      %add3A_59 = arith.addi %add3A_57, %add3A_58 : i32
      %dma_start3A_60 = arith.constant 0 : i32
      %dma_start3A_61 = tpu.memref_slice %arg7[%add3A_59, %dma_start3A_60] : memref<40x128xi32, #tpu.memory_space<vmem>> -> memref<1x128xi32, #tpu.memory_space<vmem>>
      %dma_start3A_62 = tpu.memref_squeeze %dma_start3A_61 : memref<1x128xi32, #tpu.memory_space<vmem>> -> memref<128xi32, #tpu.memory_space<vmem>>
      %dma_start3A_63 = arith.constant 0 : i32
      %dma_start3A_64 = arith.constant 0 : i32
      %dma_start3A_65 = tpu.memref_slice %arg2[%dma_start3A_63, %dma_start3A_64] : memref<10000x128xf32, #tpu.memory_space<hbm>> -> memref<10000x128xf32, #tpu.memory_space<hbm>>
      tpu.enqueue_indirect_dma source(%dma_start3A_65 : memref<10000x128xf32, #tpu.memory_space<hbm>>) target(%arg9 : memref<128x128xf32, #tpu.memory_space<vmem>>) offsets(%dma_start3A_62 : memref<128xi32, #tpu.memory_space<vmem>>) semaphore(%arg12 : memref<!tpu.dma_semaphore, #tpu.memory_space<semaphore_mem>>)
      %dma_wait3A_66 = arith.constant 0 : i32
      %dma_wait3A_67 = tpu.memref_slice %arg7[%add3A_30, %dma_wait3A_66] : memref<40x128xi32, #tpu.memory_space<vmem>> -> memref<1x128xi32, #tpu.memory_space<vmem>>
      %dma_wait3A_68 = tpu.memref_squeeze %dma_wait3A_67 : memref<1x128xi32, #tpu.memory_space<vmem>> -> memref<128xi32, #tpu.memory_space<vmem>>
      %dma_wait3A_69 = arith.constant 0 : i32
      %dma_wait3A_70 = arith.constant 0 : i32
      %dma_wait3A_71 = tpu.memref_slice %arg2[%dma_wait3A_69, %dma_wait3A_70] : memref<10000x128xf32, #tpu.memory_space<hbm>> -> memref<10000x128xf32, #tpu.memory_space<hbm>>
      tpu.wait_indirect_dma semaphore(%arg13 : memref<!tpu.dma_semaphore, #tpu.memory_space<semaphore_mem>>) src(%dma_wait3A_71 : memref<10000x128xf32, #tpu.memory_space<hbm>>) dst(%arg10 : memref<128x128xf32, #tpu.memory_space<vmem>>)
      %add3A_72 = arith.constant 1 : i32
      %add3A_73 = arith.addi %mul3A_23, %add3A_72 : i32
      %dma_start3A_74 = arith.constant 0 : i32
      %dma_start3A_75 = tpu.memref_slice %arg8[%add3A_73, %dma_start3A_74] : memref<40x128xi32, #tpu.memory_space<vmem>> -> memref<1x128xi32, #tpu.memory_space<vmem>>
      %dma_start3A_76 = tpu.memref_squeeze %dma_start3A_75 : memref<1x128xi32, #tpu.memory_space<vmem>> -> memref<128xi32, #tpu.memory_space<vmem>>
      %dma_start3A_77 = arith.constant 0 : i32
      %dma_start3A_78 = arith.constant 0 : i32
      %dma_start3A_79 = tpu.memref_slice %arg11[%dma_start3A_77, %dma_start3A_78] : memref<10112x128xf32, #tpu.memory_space<vmem_shared>> -> memref<10112x128xf32, #tpu.memory_space<vmem_shared>>
      tpu.enqueue_indirect_dma source(%arg10 : memref<128x128xf32, #tpu.memory_space<vmem>>) target(%dma_start3A_79 : memref<10112x128xf32, #tpu.memory_space<vmem_shared>>) offsets(%dma_start3A_76 : memref<128xi32, #tpu.memory_space<vmem>>) semaphore(%arg15 : memref<!tpu.dma_semaphore, #tpu.memory_space<semaphore_mem>>) {add = true}
      %dma_wait3A_80 = arith.constant 0 : i32
      %dma_wait3A_81 = tpu.memref_slice %arg8[%add3A_73, %dma_wait3A_80] : memref<40x128xi32, #tpu.memory_space<vmem>> -> memref<1x128xi32, #tpu.memory_space<vmem>>
      %dma_wait3A_82 = tpu.memref_squeeze %dma_wait3A_81 : memref<1x128xi32, #tpu.memory_space<vmem>> -> memref<128xi32, #tpu.memory_space<vmem>>
      %dma_wait3A_83 = arith.constant 0 : i32
      %dma_wait3A_84 = arith.constant 0 : i32
      %dma_wait3A_85 = tpu.memref_slice %arg11[%dma_wait3A_83, %dma_wait3A_84] : memref<10112x128xf32, #tpu.memory_space<vmem_shared>> -> memref<10112x128xf32, #tpu.memory_space<vmem_shared>>
      tpu.wait_indirect_dma semaphore(%arg15 : memref<!tpu.dma_semaphore, #tpu.memory_space<semaphore_mem>>) src(%arg10 : memref<128x128xf32, #tpu.memory_space<vmem>>) dst(%dma_wait3A_85 : memref<10112x128xf32, #tpu.memory_space<vmem_shared>>)
      %add3A_86 = arith.constant 1 : i32
      %add3A_87 = arith.addi %mul3A_23, %add3A_86 : i32
      %add3A_88 = arith.constant 2 : i32
      %add3A_89 = arith.addi %add3A_87, %add3A_88 : i32
      %dma_start3A_90 = arith.constant 0 : i32
      %dma_start3A_91 = tpu.memref_slice %arg7[%add3A_89, %dma_start3A_90] : memref<40x128xi32, #tpu.memory_space<vmem>> -> memref<1x128xi32, #tpu.memory_space<vmem>>
      %dma_start3A_92 = tpu.memref_squeeze %dma_start3A_91 : memref<1x128xi32, #tpu.memory_space<vmem>> -> memref<128xi32, #tpu.memory_space<vmem>>
      %dma_start3A_93 = arith.constant 0 : i32
      %dma_start3A_94 = arith.constant 0 : i32
      %dma_start3A_95 = tpu.memref_slice %arg2[%dma_start3A_93, %dma_start3A_94] : memref<10000x128xf32, #tpu.memory_space<hbm>> -> memref<10000x128xf32, #tpu.memory_space<hbm>>
      tpu.enqueue_indirect_dma source(%dma_start3A_95 : memref<10000x128xf32, #tpu.memory_space<hbm>>) target(%arg10 : memref<128x128xf32, #tpu.memory_space<vmem>>) offsets(%dma_start3A_92 : memref<128xi32, #tpu.memory_space<vmem>>) semaphore(%arg13 : memref<!tpu.dma_semaphore, #tpu.memory_space<semaphore_mem>>)
      %dma_wait3A_96 = arith.constant 0 : i32
      %dma_wait3A_97 = tpu.memref_slice %arg7[%add3A_59, %dma_wait3A_96] : memref<40x128xi32, #tpu.memory_space<vmem>> -> memref<1x128xi32, #tpu.memory_space<vmem>>
      %dma_wait3A_98 = tpu.memref_squeeze %dma_wait3A_97 : memref<1x128xi32, #tpu.memory_space<vmem>> -> memref<128xi32, #tpu.memory_space<vmem>>
      %dma_wait3A_99 = arith.constant 0 : i32
      %dma_wait3A_100 = arith.constant 0 : i32
      %dma_wait3A_101 = tpu.memref_slice %arg2[%dma_wait3A_99, %dma_wait3A_100] : memref<10000x128xf32, #tpu.memory_space<hbm>> -> memref<10000x128xf32, #tpu.memory_space<hbm>>
      tpu.wait_indirect_dma semaphore(%arg12 : memref<!tpu.dma_semaphore, #tpu.memory_space<semaphore_mem>>) src(%dma_wait3A_101 : memref<10000x128xf32, #tpu.memory_space<hbm>>) dst(%arg9 : memref<128x128xf32, #tpu.memory_space<vmem>>)
      %add3A_102 = arith.constant 2 : i32
      %add3A_103 = arith.addi %mul3A_23, %add3A_102 : i32
      %dma_start3A_104 = arith.constant 0 : i32
      %dma_start3A_105 = tpu.memref_slice %arg8[%add3A_103, %dma_start3A_104] : memref<40x128xi32, #tpu.memory_space<vmem>> -> memref<1x128xi32, #tpu.memory_space<vmem>>
      %dma_start3A_106 = tpu.memref_squeeze %dma_start3A_105 : memref<1x128xi32, #tpu.memory_space<vmem>> -> memref<128xi32, #tpu.memory_space<vmem>>
      %dma_start3A_107 = arith.constant 0 : i32
      %dma_start3A_108 = arith.constant 0 : i32
      %dma_start3A_109 = tpu.memref_slice %arg11[%dma_start3A_107, %dma_start3A_108] : memref<10112x128xf32, #tpu.memory_space<vmem_shared>> -> memref<10112x128xf32, #tpu.memory_space<vmem_shared>>
      tpu.enqueue_indirect_dma source(%arg9 : memref<128x128xf32, #tpu.memory_space<vmem>>) target(%dma_start3A_109 : memref<10112x128xf32, #tpu.memory_space<vmem_shared>>) offsets(%dma_start3A_106 : memref<128xi32, #tpu.memory_space<vmem>>) semaphore(%arg14 : memref<!tpu.dma_semaphore, #tpu.memory_space<semaphore_mem>>) {add = true}
      %dma_wait3A_110 = arith.constant 0 : i32
      %dma_wait3A_111 = tpu.memref_slice %arg8[%add3A_103, %dma_wait3A_110] : memref<40x128xi32, #tpu.memory_space<vmem>> -> memref<1x128xi32, #tpu.memory_space<vmem>>
      %dma_wait3A_112 = tpu.memref_squeeze %dma_wait3A_111 : memref<1x128xi32, #tpu.memory_space<vmem>> -> memref<128xi32, #tpu.memory_space<vmem>>
      %dma_wait3A_113 = arith.constant 0 : i32
      %dma_wait3A_114 = arith.constant 0 : i32
      %dma_wait3A_115 = tpu.memref_slice %arg11[%dma_wait3A_113, %dma_wait3A_114] : memref<10112x128xf32, #tpu.memory_space<vmem_shared>> -> memref<10112x128xf32, #tpu.memory_space<vmem_shared>>
      tpu.wait_indirect_dma semaphore(%arg14 : memref<!tpu.dma_semaphore, #tpu.memory_space<semaphore_mem>>) src(%arg9 : memref<128x128xf32, #tpu.memory_space<vmem>>) dst(%dma_wait3A_115 : memref<10112x128xf32, #tpu.memory_space<vmem_shared>>)
      %add3A_116 = arith.constant 2 : i32
      %add3A_117 = arith.addi %mul3A_23, %add3A_116 : i32
      %add3A_118 = arith.constant 2 : i32
      %add3A_119 = arith.addi %add3A_117, %add3A_118 : i32
      %dma_start3A_120 = arith.constant 0 : i32
      %dma_start3A_121 = tpu.memref_slice %arg7[%add3A_119, %dma_start3A_120] : memref<40x128xi32, #tpu.memory_space<vmem>> -> memref<1x128xi32, #tpu.memory_space<vmem>>
      %dma_start3A_122 = tpu.memref_squeeze %dma_start3A_121 : memref<1x128xi32, #tpu.memory_space<vmem>> -> memref<128xi32, #tpu.memory_space<vmem>>
      %dma_start3A_123 = arith.constant 0 : i32
      %dma_start3A_124 = arith.constant 0 : i32
      %dma_start3A_125 = tpu.memref_slice %arg2[%dma_start3A_123, %dma_start3A_124] : memref<10000x128xf32, #tpu.memory_space<hbm>> -> memref<10000x128xf32, #tpu.memory_space<hbm>>
      tpu.enqueue_indirect_dma source(%dma_start3A_125 : memref<10000x128xf32, #tpu.memory_space<hbm>>) target(%arg9 : memref<128x128xf32, #tpu.memory_space<vmem>>) offsets(%dma_start3A_122 : memref<128xi32, #tpu.memory_space<vmem>>) semaphore(%arg12 : memref<!tpu.dma_semaphore, #tpu.memory_space<semaphore_mem>>)
      %dma_wait3A_126 = arith.constant 0 : i32
      %dma_wait3A_127 = tpu.memref_slice %arg7[%add3A_89, %dma_wait3A_126] : memref<40x128xi32, #tpu.memory_space<vmem>> -> memref<1x128xi32, #tpu.memory_space<vmem>>
      %dma_wait3A_128 = tpu.memref_squeeze %dma_wait3A_127 : memref<1x128xi32, #tpu.memory_space<vmem>> -> memref<128xi32, #tpu.memory_space<vmem>>
      %dma_wait3A_129 = arith.constant 0 : i32
      %dma_wait3A_130 = arith.constant 0 : i32
      %dma_wait3A_131 = tpu.memref_slice %arg2[%dma_wait3A_129, %dma_wait3A_130] : memref<10000x128xf32, #tpu.memory_space<hbm>> -> memref<10000x128xf32, #tpu.memory_space<hbm>>
      tpu.wait_indirect_dma semaphore(%arg13 : memref<!tpu.dma_semaphore, #tpu.memory_space<semaphore_mem>>) src(%dma_wait3A_131 : memref<10000x128xf32, #tpu.memory_space<hbm>>) dst(%arg10 : memref<128x128xf32, #tpu.memory_space<vmem>>)
      %add3A_132 = arith.constant 3 : i32
      %add3A_133 = arith.addi %mul3A_23, %add3A_132 : i32
      %dma_start3A_134 = arith.constant 0 : i32
      %dma_start3A_135 = tpu.memref_slice %arg8[%add3A_133, %dma_start3A_134] : memref<40x128xi32, #tpu.memory_space<vmem>> -> memref<1x128xi32, #tpu.memory_space<vmem>>
      %dma_start3A_136 = tpu.memref_squeeze %dma_start3A_135 : memref<1x128xi32, #tpu.memory_space<vmem>> -> memref<128xi32, #tpu.memory_space<vmem>>
      %dma_start3A_137 = arith.constant 0 : i32
      %dma_start3A_138 = arith.constant 0 : i32
      %dma_start3A_139 = tpu.memref_slice %arg11[%dma_start3A_137, %dma_start3A_138] : memref<10112x128xf32, #tpu.memory_space<vmem_shared>> -> memref<10112x128xf32, #tpu.memory_space<vmem_shared>>
      tpu.enqueue_indirect_dma source(%arg10 : memref<128x128xf32, #tpu.memory_space<vmem>>) target(%dma_start3A_139 : memref<10112x128xf32, #tpu.memory_space<vmem_shared>>) offsets(%dma_start3A_136 : memref<128xi32, #tpu.memory_space<vmem>>) semaphore(%arg15 : memref<!tpu.dma_semaphore, #tpu.memory_space<semaphore_mem>>) {add = true}
      %dma_wait3A_140 = arith.constant 0 : i32
      %dma_wait3A_141 = tpu.memref_slice %arg8[%add3A_133, %dma_wait3A_140] : memref<40x128xi32, #tpu.memory_space<vmem>> -> memref<1x128xi32, #tpu.memory_space<vmem>>
      %dma_wait3A_142 = tpu.memref_squeeze %dma_wait3A_141 : memref<1x128xi32, #tpu.memory_space<vmem>> -> memref<128xi32, #tpu.memory_space<vmem>>
      %dma_wait3A_143 = arith.constant 0 : i32
      %dma_wait3A_144 = arith.constant 0 : i32
      %dma_wait3A_145 = tpu.memref_slice %arg11[%dma_wait3A_143, %dma_wait3A_144] : memref<10112x128xf32, #tpu.memory_space<vmem_shared>> -> memref<10112x128xf32, #tpu.memory_space<vmem_shared>>
      tpu.wait_indirect_dma semaphore(%arg15 : memref<!tpu.dma_semaphore, #tpu.memory_space<semaphore_mem>>) src(%arg10 : memref<128x128xf32, #tpu.memory_space<vmem>>) dst(%dma_wait3A_145 : memref<10112x128xf32, #tpu.memory_space<vmem_shared>>)
      %add3A_146 = arith.constant 3 : i32
      %add3A_147 = arith.addi %mul3A_23, %add3A_146 : i32
      %add3A_148 = arith.constant 2 : i32
      %add3A_149 = arith.addi %add3A_147, %add3A_148 : i32
      %dma_start3A_150 = arith.constant 0 : i32
      %dma_start3A_151 = tpu.memref_slice %arg7[%add3A_149, %dma_start3A_150] : memref<40x128xi32, #tpu.memory_space<vmem>> -> memref<1x128xi32, #tpu.memory_space<vmem>>
      %dma_start3A_152 = tpu.memref_squeeze %dma_start3A_151 : memref<1x128xi32, #tpu.memory_space<vmem>> -> memref<128xi32, #tpu.memory_space<vmem>>
      %dma_start3A_153 = arith.constant 0 : i32
      %dma_start3A_154 = arith.constant 0 : i32
      %dma_start3A_155 = tpu.memref_slice %arg2[%dma_start3A_153, %dma_start3A_154] : memref<10000x128xf32, #tpu.memory_space<hbm>> -> memref<10000x128xf32, #tpu.memory_space<hbm>>
      tpu.enqueue_indirect_dma source(%dma_start3A_155 : memref<10000x128xf32, #tpu.memory_space<hbm>>) target(%arg10 : memref<128x128xf32, #tpu.memory_space<vmem>>) offsets(%dma_start3A_152 : memref<128xi32, #tpu.memory_space<vmem>>) semaphore(%arg13 : memref<!tpu.dma_semaphore, #tpu.memory_space<semaphore_mem>>)
      %dma_wait3A_156 = arith.constant 0 : i32
      %dma_wait3A_157 = tpu.memref_slice %arg7[%add3A_119, %dma_wait3A_156] : memref<40x128xi32, #tpu.memory_space<vmem>> -> memref<1x128xi32, #tpu.memory_space<vmem>>
      %dma_wait3A_158 = tpu.memref_squeeze %dma_wait3A_157 : memref<1x128xi32, #tpu.memory_space<vmem>> -> memref<128xi32, #tpu.memory_space<vmem>>
      %dma_wait3A_159 = arith.constant 0 : i32
      %dma_wait3A_160 = arith.constant 0 : i32
      %dma_wait3A_161 = tpu.memref_slice %arg2[%dma_wait3A_159, %dma_wait3A_160] : memref<10000x128xf32, #tpu.memory_space<hbm>> -> memref<10000x128xf32, #tpu.memory_space<hbm>>
      tpu.wait_indirect_dma semaphore(%arg12 : memref<!tpu.dma_semaphore, #tpu.memory_space<semaphore_mem>>) src(%dma_wait3A_161 : memref<10000x128xf32, #tpu.memory_space<hbm>>) dst(%arg9 : memref<128x128xf32, #tpu.memory_space<vmem>>)
      %add3A_162 = arith.constant 4 : i32
      %add3A_163 = arith.addi %mul3A_23, %add3A_162 : i32
      %dma_start3A_164 = arith.constant 0 : i32
      %dma_start3A_165 = tpu.memref_slice %arg8[%add3A_163, %dma_start3A_164] : memref<40x128xi32, #tpu.memory_space<vmem>> -> memref<1x128xi32, #tpu.memory_space<vmem>>
      %dma_start3A_166 = tpu.memref_squeeze %dma_start3A_165 : memref<1x128xi32, #tpu.memory_space<vmem>> -> memref<128xi32, #tpu.memory_space<vmem>>
      %dma_start3A_167 = arith.constant 0 : i32
      %dma_start3A_168 = arith.constant 0 : i32
      %dma_start3A_169 = tpu.memref_slice %arg11[%dma_start3A_167, %dma_start3A_168] : memref<10112x128xf32, #tpu.memory_space<vmem_shared>> -> memref<10112x128xf32, #tpu.memory_space<vmem_shared>>
      tpu.enqueue_indirect_dma source(%arg9 : memref<128x128xf32, #tpu.memory_space<vmem>>) target(%dma_start3A_169 : memref<10112x128xf32, #tpu.memory_space<vmem_shared>>) offsets(%dma_start3A_166 : memref<128xi32, #tpu.memory_space<vmem>>) semaphore(%arg14 : memref<!tpu.dma_semaphore, #tpu.memory_space<semaphore_mem>>) {add = true}
      %dma_wait3A_170 = arith.constant 0 : i32
      %dma_wait3A_171 = tpu.memref_slice %arg8[%add3A_163, %dma_wait3A_170] : memref<40x128xi32, #tpu.memory_space<vmem>> -> memref<1x128xi32, #tpu.memory_space<vmem>>
      %dma_wait3A_172 = tpu.memref_squeeze %dma_wait3A_171 : memref<1x128xi32, #tpu.memory_space<vmem>> -> memref<128xi32, #tpu.memory_space<vmem>>
      %dma_wait3A_173 = arith.constant 0 : i32
      %dma_wait3A_174 = arith.constant 0 : i32
      %dma_wait3A_175 = tpu.memref_slice %arg11[%dma_wait3A_173, %dma_wait3A_174] : memref<10112x128xf32, #tpu.memory_space<vmem_shared>> -> memref<10112x128xf32, #tpu.memory_space<vmem_shared>>
      tpu.wait_indirect_dma semaphore(%arg14 : memref<!tpu.dma_semaphore, #tpu.memory_space<semaphore_mem>>) src(%arg9 : memref<128x128xf32, #tpu.memory_space<vmem>>) dst(%dma_wait3A_175 : memref<10112x128xf32, #tpu.memory_space<vmem_shared>>)
      %add3A_176 = arith.constant 4 : i32
      %add3A_177 = arith.addi %mul3A_23, %add3A_176 : i32
      %add3A_178 = arith.constant 2 : i32
      %add3A_179 = arith.addi %add3A_177, %add3A_178 : i32
      %dma_start3A_180 = arith.constant 0 : i32
      %dma_start3A_181 = tpu.memref_slice %arg7[%add3A_179, %dma_start3A_180] : memref<40x128xi32, #tpu.memory_space<vmem>> -> memref<1x128xi32, #tpu.memory_space<vmem>>
      %dma_start3A_182 = tpu.memref_squeeze %dma_start3A_181 : memref<1x128xi32, #tpu.memory_space<vmem>> -> memref<128xi32, #tpu.memory_space<vmem>>
      %dma_start3A_183 = arith.constant 0 : i32
      %dma_start3A_184 = arith.constant 0 : i32
      %dma_start3A_185 = tpu.memref_slice %arg2[%dma_start3A_183, %dma_start3A_184] : memref<10000x128xf32, #tpu.memory_space<hbm>> -> memref<10000x128xf32, #tpu.memory_space<hbm>>
      tpu.enqueue_indirect_dma source(%dma_start3A_185 : memref<10000x128xf32, #tpu.memory_space<hbm>>) target(%arg9 : memref<128x128xf32, #tpu.memory_space<vmem>>) offsets(%dma_start3A_182 : memref<128xi32, #tpu.memory_space<vmem>>) semaphore(%arg12 : memref<!tpu.dma_semaphore, #tpu.memory_space<semaphore_mem>>)
      %dma_wait3A_186 = arith.constant 0 : i32
      %dma_wait3A_187 = tpu.memref_slice %arg7[%add3A_149, %dma_wait3A_186] : memref<40x128xi32, #tpu.memory_space<vmem>> -> memref<1x128xi32, #tpu.memory_space<vmem>>
      %dma_wait3A_188 = tpu.memref_squeeze %dma_wait3A_187 : memref<1x128xi32, #tpu.memory_space<vmem>> -> memref<128xi32, #tpu.memory_space<vmem>>
      %dma_wait3A_189 = arith.constant 0 : i32
      %dma_wait3A_190 = arith.constant 0 : i32
      %dma_wait3A_191 = tpu.memref_slice %arg2[%dma_wait3A_189, %dma_wait3A_190] : memref<10000x128xf32, #tpu.memory_space<hbm>> -> memref<10000x128xf32, #tpu.memory_space<hbm>>
      tpu.wait_indirect_dma semaphore(%arg13 : memref<!tpu.dma_semaphore, #tpu.memory_space<semaphore_mem>>) src(%dma_wait3A_191 : memref<10000x128xf32, #tpu.memory_space<hbm>>) dst(%arg10 : memref<128x128xf32, #tpu.memory_space<vmem>>)
      %add3A_192 = arith.constant 5 : i32
      %add3A_193 = arith.addi %mul3A_23, %add3A_192 : i32
      %dma_start3A_194 = arith.constant 0 : i32
      %dma_start3A_195 = tpu.memref_slice %arg8[%add3A_193, %dma_start3A_194] : memref<40x128xi32, #tpu.memory_space<vmem>> -> memref<1x128xi32, #tpu.memory_space<vmem>>
      %dma_start3A_196 = tpu.memref_squeeze %dma_start3A_195 : memref<1x128xi32, #tpu.memory_space<vmem>> -> memref<128xi32, #tpu.memory_space<vmem>>
      %dma_start3A_197 = arith.constant 0 : i32
      %dma_start3A_198 = arith.constant 0 : i32
      %dma_start3A_199 = tpu.memref_slice %arg11[%dma_start3A_197, %dma_start3A_198] : memref<10112x128xf32, #tpu.memory_space<vmem_shared>> -> memref<10112x128xf32, #tpu.memory_space<vmem_shared>>
      tpu.enqueue_indirect_dma source(%arg10 : memref<128x128xf32, #tpu.memory_space<vmem>>) target(%dma_start3A_199 : memref<10112x128xf32, #tpu.memory_space<vmem_shared>>) offsets(%dma_start3A_196 : memref<128xi32, #tpu.memory_space<vmem>>) semaphore(%arg15 : memref<!tpu.dma_semaphore, #tpu.memory_space<semaphore_mem>>) {add = true}
      %dma_wait3A_200 = arith.constant 0 : i32
      %dma_wait3A_201 = tpu.memref_slice %arg8[%add3A_193, %dma_wait3A_200] : memref<40x128xi32, #tpu.memory_space<vmem>> -> memref<1x128xi32, #tpu.memory_space<vmem>>
      %dma_wait3A_202 = tpu.memref_squeeze %dma_wait3A_201 : memref<1x128xi32, #tpu.memory_space<vmem>> -> memref<128xi32, #tpu.memory_space<vmem>>
      %dma_wait3A_203 = arith.constant 0 : i32
      %dma_wait3A_204 = arith.constant 0 : i32
      %dma_wait3A_205 = tpu.memref_slice %arg11[%dma_wait3A_203, %dma_wait3A_204] : memref<10112x128xf32, #tpu.memory_space<vmem_shared>> -> memref<10112x128xf32, #tpu.memory_space<vmem_shared>>
      tpu.wait_indirect_dma semaphore(%arg15 : memref<!tpu.dma_semaphore, #tpu.memory_space<semaphore_mem>>) src(%arg10 : memref<128x128xf32, #tpu.memory_space<vmem>>) dst(%dma_wait3A_205 : memref<10112x128xf32, #tpu.memory_space<vmem_shared>>)
      %add3A_206 = arith.constant 5 : i32
      %add3A_207 = arith.addi %mul3A_23, %add3A_206 : i32
      %add3A_208 = arith.constant 2 : i32
      %add3A_209 = arith.addi %add3A_207, %add3A_208 : i32
      %dma_start3A_210 = arith.constant 0 : i32
      %dma_start3A_211 = tpu.memref_slice %arg7[%add3A_209, %dma_start3A_210] : memref<40x128xi32, #tpu.memory_space<vmem>> -> memref<1x128xi32, #tpu.memory_space<vmem>>
      %dma_start3A_212 = tpu.memref_squeeze %dma_start3A_211 : memref<1x128xi32, #tpu.memory_space<vmem>> -> memref<128xi32, #tpu.memory_space<vmem>>
      %dma_start3A_213 = arith.constant 0 : i32
      %dma_start3A_214 = arith.constant 0 : i32
      %dma_start3A_215 = tpu.memref_slice %arg2[%dma_start3A_213, %dma_start3A_214] : memref<10000x128xf32, #tpu.memory_space<hbm>> -> memref<10000x128xf32, #tpu.memory_space<hbm>>
      tpu.enqueue_indirect_dma source(%dma_start3A_215 : memref<10000x128xf32, #tpu.memory_space<hbm>>) target(%arg10 : memref<128x128xf32, #tpu.memory_space<vmem>>) offsets(%dma_start3A_212 : memref<128xi32, #tpu.memory_space<vmem>>) semaphore(%arg13 : memref<!tpu.dma_semaphore, #tpu.memory_space<semaphore_mem>>)
      %dma_wait3A_216 = arith.constant 0 : i32
      %dma_wait3A_217 = tpu.memref_slice %arg7[%add3A_179, %dma_wait3A_216] : memref<40x128xi32, #tpu.memory_space<vmem>> -> memref<1x128xi32, #tpu.memory_space<vmem>>
      %dma_wait3A_218 = tpu.memref_squeeze %dma_wait3A_217 : memref<1x128xi32, #tpu.memory_space<vmem>> -> memref<128xi32, #tpu.memory_space<vmem>>
      %dma_wait3A_219 = arith.constant 0 : i32
      %dma_wait3A_220 = arith.constant 0 : i32
      %dma_wait3A_221 = tpu.memref_slice %arg2[%dma_wait3A_219, %dma_wait3A_220] : memref<10000x128xf32, #tpu.memory_space<hbm>> -> memref<10000x128xf32, #tpu.memory_space<hbm>>
      tpu.wait_indirect_dma semaphore(%arg12 : memref<!tpu.dma_semaphore, #tpu.memory_space<semaphore_mem>>) src(%dma_wait3A_221 : memref<10000x128xf32, #tpu.memory_space<hbm>>) dst(%arg9 : memref<128x128xf32, #tpu.memory_space<vmem>>)
      %add3A_222 = arith.constant 6 : i32
      %add3A_223 = arith.addi %mul3A_23, %add3A_222 : i32
      %dma_start3A_224 = arith.constant 0 : i32
      %dma_start3A_225 = tpu.memref_slice %arg8[%add3A_223, %dma_start3A_224] : memref<40x128xi32, #tpu.memory_space<vmem>> -> memref<1x128xi32, #tpu.memory_space<vmem>>
      %dma_start3A_226 = tpu.memref_squeeze %dma_start3A_225 : memref<1x128xi32, #tpu.memory_space<vmem>> -> memref<128xi32, #tpu.memory_space<vmem>>
      %dma_start3A_227 = arith.constant 0 : i32
      %dma_start3A_228 = arith.constant 0 : i32
      %dma_start3A_229 = tpu.memref_slice %arg11[%dma_start3A_227, %dma_start3A_228] : memref<10112x128xf32, #tpu.memory_space<vmem_shared>> -> memref<10112x128xf32, #tpu.memory_space<vmem_shared>>
      tpu.enqueue_indirect_dma source(%arg9 : memref<128x128xf32, #tpu.memory_space<vmem>>) target(%dma_start3A_229 : memref<10112x128xf32, #tpu.memory_space<vmem_shared>>) offsets(%dma_start3A_226 : memref<128xi32, #tpu.memory_space<vmem>>) semaphore(%arg14 : memref<!tpu.dma_semaphore, #tpu.memory_space<semaphore_mem>>) {add = true}
      %dma_wait3A_230 = arith.constant 0 : i32
      %dma_wait3A_231 = tpu.memref_slice %arg8[%add3A_223, %dma_wait3A_230] : memref<40x128xi32, #tpu.memory_space<vmem>> -> memref<1x128xi32, #tpu.memory_space<vmem>>
      %dma_wait3A_232 = tpu.memref_squeeze %dma_wait3A_231 : memref<1x128xi32, #tpu.memory_space<vmem>> -> memref<128xi32, #tpu.memory_space<vmem>>
      %dma_wait3A_233 = arith.constant 0 : i32
      %dma_wait3A_234 = arith.constant 0 : i32
      %dma_wait3A_235 = tpu.memref_slice %arg11[%dma_wait3A_233, %dma_wait3A_234] : memref<10112x128xf32, #tpu.memory_space<vmem_shared>> -> memref<10112x128xf32, #tpu.memory_space<vmem_shared>>
      tpu.wait_indirect_dma semaphore(%arg14 : memref<!tpu.dma_semaphore, #tpu.memory_space<semaphore_mem>>) src(%arg9 : memref<128x128xf32, #tpu.memory_space<vmem>>) dst(%dma_wait3A_235 : memref<10112x128xf32, #tpu.memory_space<vmem_shared>>)
      %add3A_236 = arith.constant 6 : i32
      %add3A_237 = arith.addi %mul3A_23, %add3A_236 : i32
      %add3A_238 = arith.constant 2 : i32
      %add3A_239 = arith.addi %add3A_237, %add3A_238 : i32
      %dma_start3A_240 = arith.constant 0 : i32
      %dma_start3A_241 = tpu.memref_slice %arg7[%add3A_239, %dma_start3A_240] : memref<40x128xi32, #tpu.memory_space<vmem>> -> memref<1x128xi32, #tpu.memory_space<vmem>>
      %dma_start3A_242 = tpu.memref_squeeze %dma_start3A_241 : memref<1x128xi32, #tpu.memory_space<vmem>> -> memref<128xi32, #tpu.memory_space<vmem>>
      %dma_start3A_243 = arith.constant 0 : i32
      %dma_start3A_244 = arith.constant 0 : i32
      %dma_start3A_245 = tpu.memref_slice %arg2[%dma_start3A_243, %dma_start3A_244] : memref<10000x128xf32, #tpu.memory_space<hbm>> -> memref<10000x128xf32, #tpu.memory_space<hbm>>
      tpu.enqueue_indirect_dma source(%dma_start3A_245 : memref<10000x128xf32, #tpu.memory_space<hbm>>) target(%arg9 : memref<128x128xf32, #tpu.memory_space<vmem>>) offsets(%dma_start3A_242 : memref<128xi32, #tpu.memory_space<vmem>>) semaphore(%arg12 : memref<!tpu.dma_semaphore, #tpu.memory_space<semaphore_mem>>)
      %dma_wait3A_246 = arith.constant 0 : i32
      %dma_wait3A_247 = tpu.memref_slice %arg7[%add3A_209, %dma_wait3A_246] : memref<40x128xi32, #tpu.memory_space<vmem>> -> memref<1x128xi32, #tpu.memory_space<vmem>>
      %dma_wait3A_248 = tpu.memref_squeeze %dma_wait3A_247 : memref<1x128xi32, #tpu.memory_space<vmem>> -> memref<128xi32, #tpu.memory_space<vmem>>
      %dma_wait3A_249 = arith.constant 0 : i32
      %dma_wait3A_250 = arith.constant 0 : i32
      %dma_wait3A_251 = tpu.memref_slice %arg2[%dma_wait3A_249, %dma_wait3A_250] : memref<10000x128xf32, #tpu.memory_space<hbm>> -> memref<10000x128xf32, #tpu.memory_space<hbm>>
      tpu.wait_indirect_dma semaphore(%arg13 : memref<!tpu.dma_semaphore, #tpu.memory_space<semaphore_mem>>) src(%dma_wait3A_251 : memref<10000x128xf32, #tpu.memory_space<hbm>>) dst(%arg10 : memref<128x128xf32, #tpu.memory_space<vmem>>)
      %add3A_252 = arith.constant 7 : i32
      %add3A_253 = arith.addi %mul3A_23, %add3A_252 : i32
      %dma_start3A_254 = arith.constant 0 : i32
      %dma_start3A_255 = tpu.memref_slice %arg8[%add3A_253, %dma_start3A_254] : memref<40x128xi32, #tpu.memory_space<vmem>> -> memref<1x128xi32, #tpu.memory_space<vmem>>
      %dma_start3A_256 = tpu.memref_squeeze %dma_start3A_255 : memref<1x128xi32, #tpu.memory_space<vmem>> -> memref<128xi32, #tpu.memory_space<vmem>>
      %dma_start3A_257 = arith.constant 0 : i32
      %dma_start3A_258 = arith.constant 0 : i32
      %dma_start3A_259 = tpu.memref_slice %arg11[%dma_start3A_257, %dma_start3A_258] : memref<10112x128xf32, #tpu.memory_space<vmem_shared>> -> memref<10112x128xf32, #tpu.memory_space<vmem_shared>>
      tpu.enqueue_indirect_dma source(%arg10 : memref<128x128xf32, #tpu.memory_space<vmem>>) target(%dma_start3A_259 : memref<10112x128xf32, #tpu.memory_space<vmem_shared>>) offsets(%dma_start3A_256 : memref<128xi32, #tpu.memory_space<vmem>>) semaphore(%arg15 : memref<!tpu.dma_semaphore, #tpu.memory_space<semaphore_mem>>) {add = true}
      %dma_wait3A_260 = arith.constant 0 : i32
      %dma_wait3A_261 = tpu.memref_slice %arg8[%add3A_253, %dma_wait3A_260] : memref<40x128xi32, #tpu.memory_space<vmem>> -> memref<1x128xi32, #tpu.memory_space<vmem>>
      %dma_wait3A_262 = tpu.memref_squeeze %dma_wait3A_261 : memref<1x128xi32, #tpu.memory_space<vmem>> -> memref<128xi32, #tpu.memory_space<vmem>>
      %dma_wait3A_263 = arith.constant 0 : i32
      %dma_wait3A_264 = arith.constant 0 : i32
      %dma_wait3A_265 = tpu.memref_slice %arg11[%dma_wait3A_263, %dma_wait3A_264] : memref<10112x128xf32, #tpu.memory_space<vmem_shared>> -> memref<10112x128xf32, #tpu.memory_space<vmem_shared>>
      tpu.wait_indirect_dma semaphore(%arg15 : memref<!tpu.dma_semaphore, #tpu.memory_space<semaphore_mem>>) src(%arg10 : memref<128x128xf32, #tpu.memory_space<vmem>>) dst(%dma_wait3A_265 : memref<10112x128xf32, #tpu.memory_space<vmem_shared>>)
      %add3A_266 = arith.constant 7 : i32
      %add3A_267 = arith.addi %mul3A_23, %add3A_266 : i32
      %add3A_268 = arith.constant 2 : i32
      %add3A_269 = arith.addi %add3A_267, %add3A_268 : i32
      %dma_start3A_270 = arith.constant 0 : i32
      %dma_start3A_271 = tpu.memref_slice %arg7[%add3A_269, %dma_start3A_270] : memref<40x128xi32, #tpu.memory_space<vmem>> -> memref<1x128xi32, #tpu.memory_space<vmem>>
      %dma_start3A_272 = tpu.memref_squeeze %dma_start3A_271 : memref<1x128xi32, #tpu.memory_space<vmem>> -> memref<128xi32, #tpu.memory_space<vmem>>
      %dma_start3A_273 = arith.constant 0 : i32
      %dma_start3A_274 = arith.constant 0 : i32
      %dma_start3A_275 = tpu.memref_slice %arg2[%dma_start3A_273, %dma_start3A_274] : memref<10000x128xf32, #tpu.memory_space<hbm>> -> memref<10000x128xf32, #tpu.memory_space<hbm>>
      tpu.enqueue_indirect_dma source(%dma_start3A_275 : memref<10000x128xf32, #tpu.memory_space<hbm>>) target(%arg10 : memref<128x128xf32, #tpu.memory_space<vmem>>) offsets(%dma_start3A_272 : memref<128xi32, #tpu.memory_space<vmem>>) semaphore(%arg13 : memref<!tpu.dma_semaphore, #tpu.memory_space<semaphore_mem>>)
      %dma_wait3A_276 = arith.constant 0 : i32
      %dma_wait3A_277 = tpu.memref_slice %arg7[%add3A_239, %dma_wait3A_276] : memref<40x128xi32, #tpu.memory_space<vmem>> -> memref<1x128xi32, #tpu.memory_space<vmem>>
      %dma_wait3A_278 = tpu.memref_squeeze %dma_wait3A_277 : memref<1x128xi32, #tpu.memory_space<vmem>> -> memref<128xi32, #tpu.memory_space<vmem>>
      %dma_wait3A_279 = arith.constant 0 : i32
      %dma_wait3A_280 = arith.constant 0 : i32
      %dma_wait3A_281 = tpu.memref_slice %arg2[%dma_wait3A_279, %dma_wait3A_280] : memref<10000x128xf32, #tpu.memory_space<hbm>> -> memref<10000x128xf32, #tpu.memory_space<hbm>>
      tpu.wait_indirect_dma semaphore(%arg12 : memref<!tpu.dma_semaphore, #tpu.memory_space<semaphore_mem>>) src(%dma_wait3A_281 : memref<10000x128xf32, #tpu.memory_space<hbm>>) dst(%arg9 : memref<128x128xf32, #tpu.memory_space<vmem>>)
      %add3A_282 = arith.constant 8 : i32
      %add3A_283 = arith.addi %mul3A_23, %add3A_282 : i32
      %dma_start3A_284 = arith.constant 0 : i32
      %dma_start3A_285 = tpu.memref_slice %arg8[%add3A_283, %dma_start3A_284] : memref<40x128xi32, #tpu.memory_space<vmem>> -> memref<1x128xi32, #tpu.memory_space<vmem>>
      %dma_start3A_286 = tpu.memref_squeeze %dma_start3A_285 : memref<1x128xi32, #tpu.memory_space<vmem>> -> memref<128xi32, #tpu.memory_space<vmem>>
      %dma_start3A_287 = arith.constant 0 : i32
      %dma_start3A_288 = arith.constant 0 : i32
      %dma_start3A_289 = tpu.memref_slice %arg11[%dma_start3A_287, %dma_start3A_288] : memref<10112x128xf32, #tpu.memory_space<vmem_shared>> -> memref<10112x128xf32, #tpu.memory_space<vmem_shared>>
      tpu.enqueue_indirect_dma source(%arg9 : memref<128x128xf32, #tpu.memory_space<vmem>>) target(%dma_start3A_289 : memref<10112x128xf32, #tpu.memory_space<vmem_shared>>) offsets(%dma_start3A_286 : memref<128xi32, #tpu.memory_space<vmem>>) semaphore(%arg14 : memref<!tpu.dma_semaphore, #tpu.memory_space<semaphore_mem>>) {add = true}
      %dma_wait3A_290 = arith.constant 0 : i32
      %dma_wait3A_291 = tpu.memref_slice %arg7[%add3A_269, %dma_wait3A_290] : memref<40x128xi32, #tpu.memory_space<vmem>> -> memref<1x128xi32, #tpu.memory_space<vmem>>
      %dma_wait3A_292 = tpu.memref_squeeze %dma_wait3A_291 : memref<1x128xi32, #tpu.memory_space<vmem>> -> memref<128xi32, #tpu.memory_space<vmem>>
      %dma_wait3A_293 = arith.constant 0 : i32
      %dma_wait3A_294 = arith.constant 0 : i32
      %dma_wait3A_295 = tpu.memref_slice %arg2[%dma_wait3A_293, %dma_wait3A_294] : memref<10000x128xf32, #tpu.memory_space<hbm>> -> memref<10000x128xf32, #tpu.memory_space<hbm>>
      tpu.wait_indirect_dma semaphore(%arg13 : memref<!tpu.dma_semaphore, #tpu.memory_space<semaphore_mem>>) src(%dma_wait3A_295 : memref<10000x128xf32, #tpu.memory_space<hbm>>) dst(%arg10 : memref<128x128xf32, #tpu.memory_space<vmem>>)
      %add3A_296 = arith.constant 9 : i32
      %add3A_297 = arith.addi %mul3A_23, %add3A_296 : i32
      %dma_start3A_298 = arith.constant 0 : i32
      %dma_start3A_299 = tpu.memref_slice %arg8[%add3A_297, %dma_start3A_298] : memref<40x128xi32, #tpu.memory_space<vmem>> -> memref<1x128xi32, #tpu.memory_space<vmem>>
      %dma_start3A_300 = tpu.memref_squeeze %dma_start3A_299 : memref<1x128xi32, #tpu.memory_space<vmem>> -> memref<128xi32, #tpu.memory_space<vmem>>
      %dma_start3A_301 = arith.constant 0 : i32
      %dma_start3A_302 = arith.constant 0 : i32
      %dma_start3A_303 = tpu.memref_slice %arg11[%dma_start3A_301, %dma_start3A_302] : memref<10112x128xf32, #tpu.memory_space<vmem_shared>> -> memref<10112x128xf32, #tpu.memory_space<vmem_shared>>
      tpu.enqueue_indirect_dma source(%arg10 : memref<128x128xf32, #tpu.memory_space<vmem>>) target(%dma_start3A_303 : memref<10112x128xf32, #tpu.memory_space<vmem_shared>>) offsets(%dma_start3A_300 : memref<128xi32, #tpu.memory_space<vmem>>) semaphore(%arg15 : memref<!tpu.dma_semaphore, #tpu.memory_space<semaphore_mem>>) {add = true}
      %dma_wait3A_304 = arith.constant 0 : i32
      %dma_wait3A_305 = tpu.memref_slice %arg8[%add3A_283, %dma_wait3A_304] : memref<40x128xi32, #tpu.memory_space<vmem>> -> memref<1x128xi32, #tpu.memory_space<vmem>>
      %dma_wait3A_306 = tpu.memref_squeeze %dma_wait3A_305 : memref<1x128xi32, #tpu.memory_space<vmem>> -> memref<128xi32, #tpu.memory_space<vmem>>
      %dma_wait3A_307 = arith.constant 0 : i32
      %dma_wait3A_308 = arith.constant 0 : i32
      %dma_wait3A_309 = tpu.memref_slice %arg11[%dma_wait3A_307, %dma_wait3A_308] : memref<10112x128xf32, #tpu.memory_space<vmem_shared>> -> memref<10112x128xf32, #tpu.memory_space<vmem_shared>>
      tpu.wait_indirect_dma semaphore(%arg14 : memref<!tpu.dma_semaphore, #tpu.memory_space<semaphore_mem>>) src(%arg9 : memref<128x128xf32, #tpu.memory_space<vmem>>) dst(%dma_wait3A_309 : memref<10112x128xf32, #tpu.memory_space<vmem_shared>>)
      %dma_wait3A_310 = arith.constant 0 : i32
      %dma_wait3A_311 = tpu.memref_slice %arg8[%add3A_297, %dma_wait3A_310] : memref<40x128xi32, #tpu.memory_space<vmem>> -> memref<1x128xi32, #tpu.memory_space<vmem>>
      %dma_wait3A_312 = tpu.memref_squeeze %dma_wait3A_311 : memref<1x128xi32, #tpu.memory_space<vmem>> -> memref<128xi32, #tpu.memory_space<vmem>>
      %dma_wait3A_313 = arith.constant 0 : i32
      %dma_wait3A_314 = arith.constant 0 : i32
      %dma_wait3A_315 = tpu.memref_slice %arg11[%dma_wait3A_313, %dma_wait3A_314] : memref<10112x128xf32, #tpu.memory_space<vmem_shared>> -> memref<10112x128xf32, #tpu.memory_space<vmem_shared>>
      tpu.wait_indirect_dma semaphore(%arg15 : memref<!tpu.dma_semaphore, #tpu.memory_space<semaphore_mem>>) src(%arg10 : memref<128x128xf32, #tpu.memory_space<vmem>>) dst(%dma_wait3A_315 : memref<10112x128xf32, #tpu.memory_space<vmem_shared>>)
    }
    %scan3A_15 = arith.constant 4 : i32
    %barrier3A_16 = arith.constant 0 : index
    tpu.barrier barrier_id(%barrier3A_16)
    %mul3A_17 = arith.constant 632 : i32
    %mul3A_18 = arith.muli %arg1, %mul3A_17 : i32
    %mul3A_19 = arith.constant 632 : i32
    %mul3A_20 = arith.muli %arg1, %mul3A_19 : i32
    "tpu.region"() ({
      %run_scoped3A = tpu.sem_alloc : memref<!tpu.dma_semaphore, #tpu.memory_space<semaphore_mem>>
      %dma_start3A = arith.constant 0 : i32
      %dma_start3A_21 = tpu.memref_slice %arg6[%arg0, %mul3A_20, %dma_start3A] : memref<2x10112x128xf32, #tpu.memory_space<hbm>> -> memref<1x632x128xf32, #tpu.memory_space<hbm>>
      %dma_start3A_22 = tpu.memref_squeeze %dma_start3A_21 : memref<1x632x128xf32, #tpu.memory_space<hbm>> -> memref<632x128xf32, #tpu.memory_space<hbm>>
      %dma_start3A_23 = arith.constant 0 : i32
      %dma_start3A_24 = tpu.memref_slice %arg11[%mul3A_18, %dma_start3A_23] : memref<10112x128xf32, #tpu.memory_space<vmem_shared>> -> memref<632x128xf32, #tpu.memory_space<vmem_shared>>
      tpu.enqueue_dma source(%dma_start3A_24 : memref<632x128xf32, #tpu.memory_space<vmem_shared>>) target(%dma_start3A_22 : memref<632x128xf32, #tpu.memory_space<hbm>>) target_semaphore(%run_scoped3A : memref<!tpu.dma_semaphore, #tpu.memory_space<semaphore_mem>>)
      %dma_wait3A = arith.constant 0 : i32
      %dma_wait3A_25 = tpu.memref_slice %arg6[%arg0, %mul3A_20, %dma_wait3A] : memref<2x10112x128xf32, #tpu.memory_space<hbm>> -> memref<1x632x128xf32, #tpu.memory_space<hbm>>
      %dma_wait3A_26 = tpu.memref_squeeze %dma_wait3A_25 : memref<1x632x128xf32, #tpu.memory_space<hbm>> -> memref<632x128xf32, #tpu.memory_space<hbm>>
      %dma_wait3A_27 = arith.constant 0 : i32
      %dma_wait3A_28 = tpu.memref_slice %arg11[%mul3A_18, %dma_wait3A_27] : memref<10112x128xf32, #tpu.memory_space<vmem_shared>> -> memref<632x128xf32, #tpu.memory_space<vmem_shared>>
      tpu.wait_dma2 semaphore(%run_scoped3A : memref<!tpu.dma_semaphore, #tpu.memory_space<semaphore_mem>>) src(%dma_wait3A_28 : memref<632x128xf32, #tpu.memory_space<vmem_shared>>) dst(%dma_wait3A_26 : memref<632x128xf32, #tpu.memory_space<hbm>>)
      tpu.yield
    }) : () -> ()
    return
  }
}

module attributes {stable_mosaic.version = 14 : i64} {
  func.func @_tc_front_body(%arg0: memref<2x10112x1xf32, #tpu.memory_space<vmem>>, %arg1: memref<10000x128xf32, #tpu.memory_space<vmem>>, %arg2: memref<128x128xf32, #tpu.memory_space<vmem>>, %arg3: memref<128x128xf32, #tpu.memory_space<vmem>>, %arg4: memref<10112x1xf32, #tpu.memory_space<vmem>>, %arg5: memref<10000x128xf32, #tpu.memory_space<vmem>>) attributes {dimension_semantics = [], scalar_prefetch = 0 : i64, scratch_operands = 0 : i64, tpu.core_type = #tpu.core_type<tc>} {
    %get3A = arith.constant 0 : index
    %get3A_0 = arith.constant 0 : index
    %get3A_1 = arith.constant 0 : index
    %get3A_2 = vector.load %arg0[%get3A, %get3A_0, %get3A_1] : memref<2x10112x1xf32, #tpu.memory_space<vmem>>, vector<2x10112x1xf32>
    %slice3A = vector.extract_strided_slice %get3A_2 {offsets = [0, 0, 0], sizes = [1, 10112, 1], strides = [1, 1, 1]} : vector<2x10112x1xf32> to vector<1x10112x1xf32>
    %squeeze3A = vector.shape_cast %slice3A : vector<1x10112x1xf32> to vector<10112x1xf32>
    %slice3A_3 = vector.extract_strided_slice %get3A_2 {offsets = [1, 0, 0], sizes = [1, 10112, 1], strides = [1, 1, 1]} : vector<2x10112x1xf32> to vector<1x10112x1xf32>
    %squeeze3A_4 = vector.shape_cast %slice3A_3 : vector<1x10112x1xf32> to vector<10112x1xf32>
    %add3A = arith.addf %squeeze3A, %squeeze3A_4 : vector<10112x1xf32>
    %add3A_5 = arith.constant 1.000000e+00 : f32
    %add3A_6 = vector.broadcast %add3A_5 : f32 to vector<10112x1xf32>
    %add3A_7 = arith.addf %add3A_6, %add3A : vector<10112x1xf32>
    %rsqrt3A = math.rsqrt %add3A_7 : vector<10112x1xf32>
    %swap3A = arith.constant 0 : index
    %swap3A_8 = arith.constant 0 : index
    %swap3A_9 = vector.load %arg4[%swap3A, %swap3A_8] : memref<10112x1xf32, #tpu.memory_space<vmem>>, vector<10112x1xf32>
    tpu.vector_store %arg4[%swap3A, %swap3A_8], %rsqrt3A {strides = array<i32>} : memref<10112x1xf32, #tpu.memory_space<vmem>>, vector<10112x1xf32>,
    %get3A_10 = arith.constant 0 : index
    %get3A_11 = arith.constant 0 : index
    %get3A_12 = vector.load %arg1[%get3A_10, %get3A_11] : memref<10000x128xf32, #tpu.memory_space<vmem>>, vector<10000x128xf32>
    %get3A_13 = arith.constant 0 : index
    %get3A_14 = arith.constant 0 : index
    %get3A_15 = vector.load %arg2[%get3A_13, %get3A_14] : memref<128x128xf32, #tpu.memory_space<vmem>>, vector<128x128xf32>
    %dot_general3A = arith.constant dense<0.000000e+00> : vector<10000x128xf32>
    %dot_general3A_16 = tpu.matmul %get3A_12, %get3A_15, %dot_general3A {dimension_numbers = #tpu.dot_dimension_numbers<[1], [0], [0], [1], [0, 0, 1, 1], [], []>, transpose_lhs_hint = false} : vector<10000x128xf32>, vector<128x128xf32>, vector<10000x128xf32> -> vector<10000x128xf32>
    %get3A_17 = arith.constant 0 : index
    %get3A_18 = arith.constant 0 : index
    %get3A_19 = vector.load %arg3[%get3A_17, %get3A_18] : memref<128x128xf32, #tpu.memory_space<vmem>>, vector<128x128xf32>
    %dot_general3A_20 = arith.constant dense<0.000000e+00> : vector<10000x128xf32>
    %dot_general3A_21 = tpu.matmul %dot_general3A_16, %get3A_19, %dot_general3A_20 {dimension_numbers = #tpu.dot_dimension_numbers<[1], [0], [0], [1], [0, 0, 1, 1], [], []>, transpose_lhs_hint = false} : vector<10000x128xf32>, vector<128x128xf32>, vector<10000x128xf32> -> vector<10000x128xf32>
    %slice3A_22 = vector.extract_strided_slice %rsqrt3A {offsets = [0, 0], sizes = [10000, 1], strides = [1, 1]} : vector<10112x1xf32> to vector<10000x1xf32>
    %mul3A = vector.broadcast %slice3A_22 : vector<10000x1xf32> to vector<10000x128xf32>
    %mul3A_23 = arith.mulf %dot_general3A_21, %mul3A : vector<10000x128xf32>
    %swap3A_24 = arith.constant 0 : index
    %swap3A_25 = arith.constant 0 : index
    %swap3A_26 = vector.load %arg5[%swap3A_24, %swap3A_25] : memref<10000x128xf32, #tpu.memory_space<vmem>>, vector<10000x128xf32>
    tpu.vector_store %arg5[%swap3A_24, %swap3A_25], %mul3A_23 {strides = array<i32>} : memref<10000x128xf32, #tpu.memory_space<vmem>>, vector<10000x128xf32>,
    return
  }
}

module attributes {stable_mosaic.version = 14 : i64} {
  func.func @_tc_mid_body(%arg0: memref<2x10112x128xf32, #tpu.memory_space<vmem>>, %arg1: memref<10000x128xf32, #tpu.memory_space<vmem>>, %arg2: memref<10112x1xf32, #tpu.memory_space<vmem>>, %arg3: memref<1x128xf32, #tpu.memory_space<vmem>>, %arg4: memref<128x128xf32, #tpu.memory_space<vmem>>, %arg5: memref<10000x128xf32, #tpu.memory_space<vmem>>) attributes {dimension_semantics = [], scalar_prefetch = 0 : i64, scratch_operands = 0 : i64, tpu.core_type = #tpu.core_type<tc>} {
    %get3A = arith.constant 0 : index
    %get3A_0 = arith.constant 0 : index
    %get3A_1 = arith.constant 0 : index
    %get3A_2 = vector.load %arg0[%get3A, %get3A_0, %get3A_1] : memref<2x10112x128xf32, #tpu.memory_space<vmem>>, vector<1x10000x128xf32>
    %get3A_3 = vector.shape_cast %get3A_2 : vector<1x10000x128xf32> to vector<10000x128xf32>
    %get3A_4 = arith.constant 1 : index
    %get3A_5 = arith.constant 0 : index
    %get3A_6 = arith.constant 0 : index
    %get3A_7 = vector.load %arg0[%get3A_4, %get3A_5, %get3A_6] : memref<2x10112x128xf32, #tpu.memory_space<vmem>>, vector<1x10000x128xf32>
    %get3A_8 = vector.shape_cast %get3A_7 : vector<1x10000x128xf32> to vector<10000x128xf32>
    %add3A = arith.addf %get3A_3, %get3A_8 : vector<10000x128xf32>
    %get3A_9 = arith.constant 0 : index
    %get3A_10 = arith.constant 0 : index
    %get3A_11 = vector.load %arg1[%get3A_9, %get3A_10] : memref<10000x128xf32, #tpu.memory_space<vmem>>, vector<10000x128xf32>
    %add3A_12 = arith.addf %add3A, %get3A_11 : vector<10000x128xf32>
    %get3A_13 = arith.constant 0 : index
    %get3A_14 = arith.constant 0 : index
    %get3A_15 = vector.load %arg2[%get3A_13, %get3A_14] : memref<10112x1xf32, #tpu.memory_space<vmem>>, vector<10000x1xf32>
    %mul3A = vector.broadcast %get3A_15 : vector<10000x1xf32> to vector<10000x128xf32>
    %mul3A_16 = arith.mulf %add3A_12, %mul3A : vector<10000x128xf32>
    %get3A_17 = arith.constant 0 : index
    %get3A_18 = arith.constant 0 : index
    %get3A_19 = vector.load %arg3[%get3A_17, %get3A_18] : memref<1x128xf32, #tpu.memory_space<vmem>>, vector<1x128xf32>
    %add3A_20 = vector.broadcast %get3A_19 : vector<1x128xf32> to vector<10000x128xf32>
    %add3A_21 = arith.addf %mul3A_16, %add3A_20 : vector<10000x128xf32>
    %max3A = arith.constant 0.000000e+00 : f32
    %max3A_22 = vector.broadcast %max3A : f32 to vector<10000x128xf32>
    %max3A_23 = arith.maximumf %add3A_21, %max3A_22 : vector<10000x128xf32>
    %get3A_24 = arith.constant 0 : index
    %get3A_25 = arith.constant 0 : index
    %get3A_26 = vector.load %arg4[%get3A_24, %get3A_25] : memref<128x128xf32, #tpu.memory_space<vmem>>, vector<128x128xf32>
    %dot_general3A = arith.constant dense<0.000000e+00> : vector<10000x128xf32>
    %dot_general3A_27 = tpu.matmul %max3A_23, %get3A_26, %dot_general3A {dimension_numbers = #tpu.dot_dimension_numbers<[1], [0], [0], [1], [0, 0, 1, 1], [], []>, transpose_lhs_hint = false} : vector<10000x128xf32>, vector<128x128xf32>, vector<10000x128xf32> -> vector<10000x128xf32>
    %mul3A_28 = vector.broadcast %get3A_15 : vector<10000x1xf32> to vector<10000x128xf32>
    %mul3A_29 = arith.mulf %dot_general3A_27, %mul3A_28 : vector<10000x128xf32>
    %swap3A = arith.constant 0 : index
    %swap3A_30 = arith.constant 0 : index
    %swap3A_31 = vector.load %arg5[%swap3A, %swap3A_30] : memref<10000x128xf32, #tpu.memory_space<vmem>>, vector<10000x128xf32>
    tpu.vector_store %arg5[%swap3A, %swap3A_30], %mul3A_29 {strides = array<i32>} : memref<10000x128xf32, #tpu.memory_space<vmem>>, vector<10000x128xf32>,
    return
  }
}

module attributes {stable_mosaic.version = 14 : i64} {
  func.func @_tc_out_body(%arg0: memref<2x10112x128xf32, #tpu.memory_space<vmem>>, %arg1: memref<10000x128xf32, #tpu.memory_space<vmem>>, %arg2: memref<10112x1xf32, #tpu.memory_space<vmem>>, %arg3: memref<1x128xf32, #tpu.memory_space<vmem>>, %arg4: memref<128x64xf32, #tpu.memory_space<vmem>>, %arg5: memref<10000x64xf32, #tpu.memory_space<vmem>>) attributes {dimension_semantics = [], scalar_prefetch = 0 : i64, scratch_operands = 0 : i64, tpu.core_type = #tpu.core_type<tc>} {
    %get3A = arith.constant 0 : index
    %get3A_0 = arith.constant 0 : index
    %get3A_1 = arith.constant 0 : index
    %get3A_2 = vector.load %arg0[%get3A, %get3A_0, %get3A_1] : memref<2x10112x128xf32, #tpu.memory_space<vmem>>, vector<1x10000x128xf32>
    %get3A_3 = vector.shape_cast %get3A_2 : vector<1x10000x128xf32> to vector<10000x128xf32>
    %get3A_4 = arith.constant 1 : index
    %get3A_5 = arith.constant 0 : index
    %get3A_6 = arith.constant 0 : index
    %get3A_7 = vector.load %arg0[%get3A_4, %get3A_5, %get3A_6] : memref<2x10112x128xf32, #tpu.memory_space<vmem>>, vector<1x10000x128xf32>
    %get3A_8 = vector.shape_cast %get3A_7 : vector<1x10000x128xf32> to vector<10000x128xf32>
    %add3A = arith.addf %get3A_3, %get3A_8 : vector<10000x128xf32>
    %get3A_9 = arith.constant 0 : index
    %get3A_10 = arith.constant 0 : index
    %get3A_11 = vector.load %arg1[%get3A_9, %get3A_10] : memref<10000x128xf32, #tpu.memory_space<vmem>>, vector<10000x128xf32>
    %add3A_12 = arith.addf %add3A, %get3A_11 : vector<10000x128xf32>
    %get3A_13 = arith.constant 0 : index
    %get3A_14 = arith.constant 0 : index
    %get3A_15 = vector.load %arg2[%get3A_13, %get3A_14] : memref<10112x1xf32, #tpu.memory_space<vmem>>, vector<10000x1xf32>
    %mul3A = vector.broadcast %get3A_15 : vector<10000x1xf32> to vector<10000x128xf32>
    %mul3A_16 = arith.mulf %add3A_12, %mul3A : vector<10000x128xf32>
    %get3A_17 = arith.constant 0 : index
    %get3A_18 = arith.constant 0 : index
    %get3A_19 = vector.load %arg3[%get3A_17, %get3A_18] : memref<1x128xf32, #tpu.memory_space<vmem>>, vector<1x128xf32>
    %add3A_20 = vector.broadcast %get3A_19 : vector<1x128xf32> to vector<10000x128xf32>
    %add3A_21 = arith.addf %mul3A_16, %add3A_20 : vector<10000x128xf32>
    %max3A = arith.constant 0.000000e+00 : f32
    %max3A_22 = vector.broadcast %max3A : f32 to vector<10000x128xf32>
    %max3A_23 = arith.maximumf %add3A_21, %max3A_22 : vector<10000x128xf32>
    %get3A_24 = arith.constant 0 : index
    %get3A_25 = arith.constant 0 : index
    %get3A_26 = vector.load %arg4[%get3A_24, %get3A_25] : memref<128x64xf32, #tpu.memory_space<vmem>>, vector<128x64xf32>
    %dot_general3A = arith.constant dense<0.000000e+00> : vector<10000x64xf32>
    %dot_general3A_27 = tpu.matmul %max3A_23, %get3A_26, %dot_general3A {dimension_numbers = #tpu.dot_dimension_numbers<[1], [0], [0], [1], [0, 0, 1, 1], [], []>, transpose_lhs_hint = false} : vector<10000x128xf32>, vector<128x64xf32>, vector<10000x64xf32> -> vector<10000x64xf32>
    %reduce_max3A = arith.constant dense<0xFF800000> : vector<10000xf32>
    %reduce_max3A_28 = vector.multi_reduction <maximumf>, %dot_general3A_27, %reduce_max3A [1] : vector<10000x64xf32> to vector<10000xf32>
    %broadcast_in_dim3A = vector.shape_cast %reduce_max3A_28 : vector<10000xf32> to vector<10000x1xf32>
    %sub3A = vector.broadcast %broadcast_in_dim3A : vector<10000x1xf32> to vector<10000x64xf32>
    %sub3A_29 = arith.subf %dot_general3A_27, %sub3A : vector<10000x64xf32>
    %exp3A = math.exp %sub3A_29 : vector<10000x64xf32>
    %reduce_sum3A = arith.constant dense<0.000000e+00> : vector<10000xf32>
    %reduce_sum3A_30 = vector.multi_reduction <add>, %exp3A, %reduce_sum3A [1] : vector<10000x64xf32> to vector<10000xf32>
    %broadcast_in_dim3A_31 = vector.shape_cast %reduce_sum3A_30 : vector<10000xf32> to vector<10000x1xf32>
    %log3A = math.log %broadcast_in_dim3A_31 : vector<10000x1xf32>
    %sub3A_32 = vector.broadcast %broadcast_in_dim3A : vector<10000x1xf32> to vector<10000x64xf32>
    %sub3A_33 = arith.subf %dot_general3A_27, %sub3A_32 : vector<10000x64xf32>
    %sub3A_34 = vector.broadcast %log3A : vector<10000x1xf32> to vector<10000x64xf32>
    %sub3A_35 = arith.subf %sub3A_33, %sub3A_34 : vector<10000x64xf32>
    %swap3A = arith.constant 0 : index
    %swap3A_36 = arith.constant 0 : index
    %swap3A_37 = vector.load %arg5[%swap3A, %swap3A_36] : memref<10000x64xf32, #tpu.memory_space<vmem>>, vector<10000x64xf32>
    tpu.vector_store %arg5[%swap3A, %swap3A_36], %sub3A_35 {strides = array<i32>} : memref<10000x64xf32, #tpu.memory_space<vmem>>, vector<10000x64xf32>,
    return
  }
}

</mosaic_0001>

<sc_bundles>
// kernel: kernel.11.cloned.1.call-start
scs
__scs_entry_jumppad:
0x0: {  	(pc) =	sbr.rel $0x88, $3  }
0x1: {  	(tag) =	ssettag $0x0;
	lr =	simm.s32 $0x1  }
0x2: {  	[smem:$0x3F99] =	sst lr;
	_ =	strace $0xD0000000  }
0x3: {  	_ = 	snop  }
0x4: {  	_ = 	snop  }
0x5: {  	_ = 	snop  }
0x6: {  	_ = 	snop  }
0x7: {  	_ = 	snop  }
__scs_overlays_trampoline_lowered:
0x8: {  	[smem:$0x3FA8] =	sst s0  }
0x9: {  	[smem:$0x3FA9] =	sst s1  }
0xa: {  	[smem:$0x3FAA] =	sst s2  }
0xb: {  	[smem:$0x3FAB] =	sst s3  }
0xc: {  	[smem:$0x3FAC] =	sst s4  }
0xd: {  	[smem:$0x3FAD] =	sst s5  }
0xe: {  	[smem:$0x3FAE] =	sst s6  }
0xf: {  	[smem:$0x3FAF] =	sst s7  }
0x10: {  	[smem:$0x3FB0] =	sst s8  }
0x11: {  	[smem:$0x3FB1] =	sst s9;
	s0 =	simm.s32 @!p0 $0x0  }
0x12: {  	s1 =	sld [smem:$0x3F97];
	s0 =	simm.s32 @p0 $0x1  }
0x13: {  	[smem:$0x3FB2] =	sst s0;
	s0 =	simm.s32 @!p1 $0x0  }
0x14: {  	s2 =	sld [smem:$0x3F96];
	s0 =	simm.s32 @p1 $0x1  }
0x15: {  	[smem:$0x3FB3] =	sst s0;
	s0 =	simm.s32 @!p2 $0x0  }
0x16: {  	s3 =	sld [smem:$0x3FDB];
	s0 =	simm.s32 @p2 $0x1  }
0x17: {  	s4 =	simm.s32 $0x1BF5;
	[smem:$0x3FB5] =	sst s0  }
0x18: {  	s0 =	sld [smem:$0x3F98];
	_ =	swait.ge [sflag:s4], $0x0  }
0x19: {  	s7 =	sld [smem:$0x3F99]  }
0x1a: {  	s8 =	sadd.s32 $0xFFFFE003, lr  }
0x1b: {  	s9 =	sadd.s32 $0xFFFFFEF7, lr;
	s5 =	simm.s32 $0xFFFFFFFF;
	p2 =	slt.u32 s8, $0xFFFFF086  }
0x1c: {  	p1 =	slt.u32 s9, $0xF7A;
	s5 =	simm.s32 @!p2 $0x0  }
0x1d: {  	s5 =	simm.s32 @p1 $0x1;
	p0 =	seq.s32 s7, s2  }
0x1e: {  	s7 =	smul.u32 @!p0 $0xF7A, s2;
	p2 =	seq.s32 @!p0 s5, $0x0  }
0x1f: {  	s9 =	smul.u32 $0xF7A, s1;
	s8 =	simm.s32 @!p0 $0x1BF5;
	p2 =	por !p2, p0  }
0x20: {  	[sflag:s8] =	ssyncset.s32 @!p0 $0xFFFFF086;
	s6 =	sadd.s32 @!p0 s3, s7;
	s7 =	simm.s32 @!p0 $0x108  }
0x21: {  	s3 =	sadd.s32 s3, s9;
	s6 =	sadd.s32 @!p0 $0x88, s6;
	s7 =	simm.s32 @p2 $0x1082  }
0x22: {  	[simem:s7], [sflag:s8] =	dma.local @!p0 [hbm:s6], $0xF7A  }
0x23: {  	s9 =	sor.u32 $0xD0000000, s2;
	s6 =	simm.s32 $0x108;
	_ =	swait.ge @!p0 [sflag:s8], $0x0  }
0x24: {  	s3 =	sadd.s32 $0x88, s3;
	s6 =	simm.s32 @!p1 $0x1082;
	[sflag:s4] =	ssyncset.s32 $0xFFFFF086  }
0x25: {  	[simem:s6], [sflag:s4] =	dma.local [hbm:s3], $0xF7A  }
0x26: {  	[smem:$0x3F99] =	sst s1;
	(tag) =	ssettag s2;
	_ =	strace s9  }
0x27: {  	s1 =	sld [smem:$0x3FA9]  }
0x28: {  	s2 =	sld [smem:$0x3FAA]  }
0x29: {  	s4 =	sld [smem:$0x3FAC]  }
0x2a: {  	p0 =	seq.s32 s5, $0x0;
	s5 =	sld [smem:$0x3FAD]  }
0x2b: {  	s6 =	sld [smem:$0x3FAE]  }
0x2c: {  	s7 =	sld [smem:$0x3FAF]  }
0x2d: {  	s3 =	simm.s32 $0x108;
	s8 =	sld [smem:$0x3FB0]  }
0x2e: {  	s3 =	simm.s32 @!p0 $0x1082;
	s9 =	sld [smem:$0x3FB1]  }
0x2f: {  	lr =	sadd.s32 s0, s3;
	s0 =	sld [smem:$0x3FA8]  }
0x30: {  	s3 =	sld [smem:$0x3FAB]  }
0x31: {  	[smem:$0x3FB4] =	sst s10  }
0x32: {  	s10 =	sld [smem:$0x3FB2];
	_ =	sdelay $0x3  }
0x33: {  	p0 =	seq.s32 s10, $0x1;
	s10 =	sld [smem:$0x3FB4];
	_ =	sdelay $0x3  }
0x34: {  	[smem:$0x3FB4] =	sst s10  }
0x35: {  	s10 =	sld [smem:$0x3FB3];
	_ =	sdelay $0x3  }
0x36: {  	p1 =	seq.s32 s10, $0x1;
	s10 =	sld [smem:$0x3FB4];
	_ =	sdelay $0x3  }
0x37: {  	[smem:$0x3FB4] =	sst s10  }
0x38: {  	s10 =	sld [smem:$0x3FB5]  }
0x39: {  	_ = 	snop;
	(pc) =	sbr.ind lr, $3  }
0x3a: {  	_ = 	snop  }
0x3b: {  	_ = 	snop  }
0x3c: {  	p2 =	seq.s32 s10, $0x1;
	s10 =	sld [smem:$0x3FB4]  }
0x3d: {  	_ =	shalt  }
0x3e: {  	_ =	shalt  }
0x3f: {  	_ =	shalt  }
0x40: {  	_ =	shalt  }
0x41: {  	_ =	shalt  }
0x42: {  	_ =	shalt  }
0x43: {  	_ =	shalt  }
0x44: {  	_ =	shalt  }
0x45: {  	_ =	shalt  }
0x46: {  	_ =	shalt  }
0x47: {  	_ =	shalt  }
0x48: {  	_ =	shalt  }
0x49: {  	_ =	shalt  }
0x4a: {  	_ =	shalt  }
0x4b: {  	_ =	shalt  }
0x4c: {  	_ =	shalt  }
0x4d: {  	_ =	shalt  }
0x4e: {  	_ =	shalt  }
0x4f: {  	_ =	shalt  }
0x50: {  	_ =	shalt  }
0x51: {  	_ =	shalt  }
0x52: {  	_ =	shalt  }
0x53: {  	_ =	shalt  }
0x54: {  	_ =	shalt  }
0x55: {  	_ =	shalt  }
0x56: {  	_ =	shalt  }
0x57: {  	_ =	shalt  }
0x58: {  	_ =	shalt  }
0x59: {  	_ =	shalt  }
0x5a: {  	_ =	shalt  }
0x5b: {  	_ =	shalt  }
0x5c: {  	_ =	shalt  }
0x5d: {  	_ =	shalt  }
0x5e: {  	_ =	shalt  }
0x5f: {  	_ =	shalt  }
0x60: {  	_ =	shalt  }
0x61: {  	_ =	shalt  }
0x62: {  	_ =	shalt  }
0x63: {  	_ =	shalt  }
0x64: {  	_ =	shalt  }
0x65: {  	_ =	shalt  }
0x66: {  	_ =	shalt  }
0x67: {  	_ =	shalt  }
0x68: {  	_ =	shalt  }
0x69: {  	_ =	shalt  }
0x6a: {  	_ =	shalt  }
0x6b: {  	_ =	shalt  }
0x6c: {  	_ =	shalt  }
0x6d: {  	_ =	shalt  }
0x6e: {  	_ =	shalt  }
0x6f: {  	_ =	shalt  }
0x70: {  	_ =	shalt  }
0x71: {  	_ =	shalt  }
0x72: {  	_ =	shalt  }
0x73: {  	_ =	shalt  }
0x74: {  	_ =	shalt  }
0x75: {  	_ =	shalt  }
0x76: {  	_ =	shalt  }
0x77: {  	_ =	shalt  }
0x78: {  	_ =	shalt  }
0x79: {  	_ =	shalt  }
0x7a: {  	_ =	shalt  }
0x7b: {  	_ =	shalt  }
0x7c: {  	_ =	shalt  }
0x7d: {  	_ =	shalt  }
0x7e: {  	_ =	shalt  }
0x7f: {  	_ =	shalt  }
0x80: {  	_ =	shalt  }
0x81: {  	_ =	shalt  }
0x82: {  	_ =	shalt  }
0x83: {  	_ =	shalt  }
0x84: {  	_ =	shalt  }
0x85: {  	_ =	shalt  }
0x86: {  	_ =	shalt  }
0x87: {  	_ =	shalt  }
.Lfunc_end0:
.L_simem_size_0:
called_computation.1_lowered:
.L_overlay_start_0:
0x88: {  	s2 =	sld [smem:$0x3FD9]  }
0x89: {  	s3 =	sld [smem:$0x3FFE];
	_ =	sdelay $0x1  }
0x8a: {  	s1 =	srdreg.scid  }
0x8b: {  	s0 =	sand.u32 $0x1, s1  }
0x8c: {  	s17 =	sshll.u32 s0, $0xA;
	s2 =	sadd.s32 s3, s2  }
0x8d: {  	s2 =	sadd.s32 s2, s17  }
0x8e: {  	[smem:$0x3FC0] =	sst s2  }
0x8f: {  	_ = 	snop  }
0x90: {  	s2 =	sld [smem:$0x3FD0];
	(tm) =	ssettm $0x1  }
0x91: {  	s18 =	sld [smem:$0x3FFB];
	_ =	sdelay $0x3  }
0x92: {  	_ =	strace s18  }
0x93: {  	s3 =	sld [smem:$0x3FFC];
	_ =	sdelay $0x3  }
0x94: {  	_ =	strace s3  }
0x95: {  	s3 =	sld [smem:$0x3FFD];
	_ =	sdelay $0x3  }
0x96: {  	_ =	strace s3  }
0x97: {  	_ =	strace $0x8FFFFFFF  }
0x98: {  	s19 =	sld [smem:$0x3FDB];
	_ =	sdelay $0x1  }
0x99: {  	s4 =	simm.s32 $_scs_section_size  }
0x9a: {  	s5 =	simm.s32 $_size__tile_overlayer_lowered;
	s6 =	simm.s32 $_tile_overlayer_lowered  }
0x9b: {  	s22 =	simm.s32 $0x1BFF;
	s21 =	sshll.u32 s6, $0x1;
	s3 =	sadd.s32 s4, s19  }
0x9c: {  	s7 =	simm.s32 $0x0;
	s20 =	sshll.u32 s5, $0x1;
	s5 =	sadd.s32 s21, s3  }
0x9d: {  	[timem:s7], [sflag:s22] =	dma.local [hbm:s5], s20  }
0x9e: {  	_ =	swait.ge [sflag:s22], s20  }
0x9f: {  	s4 =	ssub.s32 $0x0, s20;
	[sflag:s22] =	ssyncset.done $0x0  }
0xa0: {  	[sflag:s22] =	ssyncadd.s32 s4;
	_ =	sdelay $0x1  }
0xa1: {  	s23 =	simm.s32 $0x1B8B  }
0xa2: {  	_ =	swait.ge [sflag:s23], $0x1  }
0xa3: {  	[sflag:s23] =	ssyncset.done $0x0  }
0xa4: {  	s25 =	simm.s32 $0x1B8E;
	s24 =	sld [smem:$0x3FFE];
	[sflag:s23] =	ssyncadd.s32 $0xFFFFFFFF  }
0xa5: {  	s26 =	simm.s32 $execute0_lowered;
	[smem:$0x3FD2] =	sst s25  }
0xa6: {  	s5 =	sshll.u32 s26, $0x1;
	_ =	strace $0x80000049;
	[dreg:$0x1] =	wrdreg $0xFFFFFFFF  }
0xa7: {  	s28 =	simm.s32 $_size_execute0_lowered;
	s3 =	sadd.s32 s3, s5;
	[dreg:$0x0] =	wrdreg $0x0  }
0xa8: {  	s5 =	sshll.u32 s28, $0x1;
	[dreg:$0x2] =	wrdreg s3  }
0xa9: {  	[dreg:$0x3] =	wrdreg s5  }
0xaa: {  	[dreg:$0x4] =	wrdreg $0xC0  }
0xab: {  	_ =	task [dreg:s7], $0x5FFFF  }
0xac: {  	[dreg:$0x1] =	wrdreg $0xFFFFFFFF  }
0xad: {  	[dreg:$0x0] =	wrdreg $0x60  }
0xae: {  	[dreg:$0x2] =	wrdreg s24  }
0xaf: {  	[dreg:$0x3] =	wrdreg s2  }
0xb0: {  	[dreg:$0x4] =	wrdreg $0xA8000  }
0xb1: {  	[dreg:$0x5] =	wrdreg $0x9  }
0xb2: {  	_ =	task.clear_ibuf [dreg:s7], $0x6FFFF;
	_ =	strace $0x90000049  }
0xb3: {  	s29 =	simm.s32 $0x9;
	_ =	strace $0x8000004B  }
0xb4: {  	_ =	swait.ge [sflag:s29], $0x1  }
0xb5: {  	[sflag:s29] =	ssyncadd.s32 $0xFFFFFFFF  }
0xb6: {  	_ =	strace $0x9000004B  }
0xb7: {  	_ =	sfence  }
0xb8: {  	s30 =	sld [smem:$0x0];
	_ =	sdelay $0x2  }
0xb9: {  	s31 =	sshll.u32 s1, $0xD;
	s1 =	sshrl.u32 s1, $0x2  }
0xba: {  	s3 =	sand.u32 $0x4000, s31;
	s1 =	sadd.s32 s1, s30  }
0xbb: {  	s0 =	sor.u32 s3, s0;
	s1 =	sshll.u32 s1, $0x11  }
0xbc: {  	s0 =	sor.u32 s1, s0  }
0xbd: {  	s0 =	sadd.s32 $0x8F2B, s0  }
0xbe: {  	[sflag:s0] =	ssyncadd.remote.s32 $0x1  }
0xbf: {  	_ =	sfence.sel $0xFFFF  }
0xc0: {  	[dreg:$0x0] =	wrdreg $0xFFFFFFFF;
	(pc) =	sbr.abs _section_cstart, $3  }
0xc1: {  	[dreg:$0x1] =	wrdreg $0xFFFFFFFF  }
0xc2: {  	_ =	task.clear_ibuf [dreg:s7], $0x2FFFF;
	_ =	strace $0x9FFFFFFF  }
0xc3: {  	(tm) =	ssettm $0x7FFFFFFF  }
tec
execute0_lowered:
.L_overlay_start_1:
0x0: {  	(tag) =	ssettag $0x1  }
0x1: {  	s5 =	rddreg [dreg:$0x0]  }
0x2: {  	s10 =	rddreg [dreg:$0x1]  }
0x3: {  	s2 =	rddreg [dreg:$0x2]  }
0x4: {  	s0 =	rddreg [dreg:$0x3];
	s1 =	stileid.u32  }
0x5: {  	s4 =	srdreg.scid;
	s3 =	simm.s32 $0x0;
	s16 =	simm.s32 $0x80  }
0x6: {  	s17 =	simm.s32 $0x2800;
	s18 =	simm.s32 $0x6800;
	s19 =	simm.s32 $0x1  }
0x7: {  	s20 =	simm.s32 $0x3;
	s21 =	simm.s32 $0x2;
	s22 =	simm.s32 $0x4  }
0x8: {  	s23 =	simm.s32 $0x0;
	s6 =	smul.u32 $0x13C00, s1;
	s7 =	sand.u32 $0x1, s4  }
0x9: {  	[smem:$0x7FF] =	sst s3;
	s4 =	sadd.s32 $0xC400, s5;
	s11 =	sadd.s32 $0x2400, s5  }
0xa: {  	s25 =	smul.u32 $0x4F000, s1;
	s12 =	sshll.u32 s1, $0x1;
	s30 =	sshll.u32 s1, $0x6  }
0xb: {  	s8 =	smul.u32 $0x13C000, s7;
	_ =	strace $0x8000004A;
	s26 =	ssub.s32 $0x2, s7  }
0xc: {  	s28 =	sor.u32 s7, s12;
	s9 =	sshrl.u32 s6, $0x3;
	s29 =	sshrl.u32 s26, $0x1  }
0xd: {  	s12 =	smul.u32 $0x2800, s28;
	s9 =	sadd.s32 s9, s5;
	s6 =	sadd.s32 s6, s8  }
0xe: {  	s8 =	sshrl.u32 s25, $0x2;
	s14 =	ssub.s32 s26, s29;
	s6 =	sshrl.u32 s6, $0x3  }
0xf: {  	s15 =	sadd.s32 s8, s2;
	s31 =	sshrl.u32 s12, $0x3;
	s13 =	sadd.s32 s6, s5  }
0x10: {  	s5 =	sadd.s32 $0x33600, s9;
	s6 =	sor.u32 $0x1C05, s30;
	s12 =	sadd.s32 $0x280, s31  }
0x11: {  	s7 =	sadd.s32 s11, s31;
	s8 =	sadd.s32 s10, s31;
	s9 =	sadd.s32 s11, s12  }
0x12: {  	s10 =	sadd.s32 s10, s12;
	s11 =	sadd.s32 $0x5AE00, s13;
	s12 =	smax.u32 s14, $0x1  }
0x13: {  	s13 =	sshrl.u32 s15, $0x3;
	s14 =	simm.s32 $0x5;
	s15 =	simm.s32 $0x1400  }
.LBB2_1:
0x14: {  	[spmem:s13], [sflag:s6] =	dma.local [hbm:s5], $0x2780  }
0x15: {  	_ =	swait.ge [sflag:s14], $0x2780  }
0x16: {  	[sflag:s14] =	ssyncset.done $0x0  }
0x17: {  	[sflag:s14] =	ssyncadd.s32 $0xFFFFD880  }
0x18: {  	[bflag:$0x0] =	sbarrier.arrive $0xFFFF  }
0x19: {  	[tilespmem:s3], [sflag:$0x5] =	stream.linear.gather [hbm4b:s7+s3], $0x1400, $0x38;
	[tilespmem:$0x1E400] =	vst v63  }
0x1a: {  	_ =	swait.ge [sflag:s14], $0x1400  }
0x1b: {  	[sflag:s14] =	ssyncset.done $0x0  }
0x1c: {  	[sflag:s14] =	ssyncadd.s32 $0xFFFFEC00  }
0x1d: {  	[tilespmem:s15], [sflag:$0x5] =	stream.linear.gather [hbm4b:s8+s3], $0x1400, $0x38;
	[tilespmem:$0x1E400] =	vst v63  }
0x1e: {  	_ =	swait.ge [sflag:s14], $0x1400  }
0x1f: {  	[sflag:s14] =	ssyncset.done $0x0  }
0x20: {  	s24 =	simm.s32 $0x0;
	[sflag:s14] =	ssyncadd.s32 $0xFFFFEC00  }
0x21: {  	[tilespmem:s17], [sflag:$0x1] =	stream.indirect.gather [hbm4b:s4+s16], $0x80, s24, s16, $0xb8;
	[tilespmem:$0x1E400] =	vst v63  }
0x22: {  	s26 =	simm.s32 $0x80  }
0x23: {  	[tilespmem:s18], [sflag:$0x2] =	stream.indirect.gather [hbm4b:s4+s16], $0x80, s26, s16, $0xb8;
	[tilespmem:$0x1E400] =	vst v63  }
0x24: {  	_ =	swait.ge [sflag:s19], $0x4000  }
0x25: {  	[sflag:s19] =	ssyncset.done $0x0  }
0x26: {  	s29 =	simm.s32 $0x1400;
	[sflag:s19] =	ssyncadd.s32 $0xFFFFC000  }
0x27: {  	[spmem:s2] =	stream.indirect.scatter.add.f32 [tilespmem:s17], [sflag:$0x3], $0x80, s29, s16, $0xb8;
	[tilespmem:$0x1E400] =	vst v63  }
0x28: {  	_ =	swait.ge [sflag:s20], $0x4000  }
0x29: {  	[sflag:s20] =	ssyncset.done $0x0  }
0x2a: {  	s30 =	simm.s32 $0x100;
	[sflag:s20] =	ssyncadd.s32 $0xFFFFC000  }
0x2b: {  	[tilespmem:s17], [sflag:$0x1] =	stream.indirect.gather [hbm4b:s4+s16], $0x80, s30, s16, $0xb8;
	[tilespmem:$0x1E400] =	vst v63  }
0x2c: {  	_ =	swait.ge [sflag:s21], $0x4000  }
0x2d: {  	[sflag:s21] =	ssyncset.done $0x0  }
0x2e: {  	s31 =	simm.s32 $0x1480;
	[sflag:s21] =	ssyncadd.s32 $0xFFFFC000  }
0x2f: {  	[spmem:s2] =	stream.indirect.scatter.add.f32 [tilespmem:s18], [sflag:$0x4], $0x80, s31, s16, $0xb8;
	[tilespmem:$0x1E400] =	vst v63  }
0x30: {  	_ =	swait.ge [sflag:s22], $0x4000  }
0x31: {  	[sflag:s22] =	ssyncset.done $0x0  }
0x32: {  	s25 =	simm.s32 $0x180;
	[sflag:s22] =	ssyncadd.s32 $0xFFFFC000  }
0x33: {  	[tilespmem:s18], [sflag:$0x2] =	stream.indirect.gather [hbm4b:s4+s16], $0x80, s25, s16, $0xb8;
	[tilespmem:$0x1E400] =	vst v63  }
0x34: {  	_ =	swait.ge [sflag:s19], $0x4000  }
0x35: {  	[sflag:s19] =	ssyncset.done $0x0  }
0x36: {  	s26 =	simm.s32 $0x1500;
	[sflag:s19] =	ssyncadd.s32 $0xFFFFC000  }
0x37: {  	[spmem:s2] =	stream.indirect.scatter.add.f32 [tilespmem:s17], [sflag:$0x3], $0x80, s26, s16, $0xb8;
	[tilespmem:$0x1E400] =	vst v63  }
0x38: {  	_ =	swait.ge [sflag:s20], $0x4000  }
0x39: {  	[sflag:s20] =	ssyncset.done $0x0  }
0x3a: {  	s29 =	simm.s32 $0x200;
	[sflag:s20] =	ssyncadd.s32 $0xFFFFC000  }
0x3b: {  	[tilespmem:s17], [sflag:$0x1] =	stream.indirect.gather [hbm4b:s4+s16], $0x80, s29, s16, $0xb8;
	[tilespmem:$0x1E400] =	vst v63  }
0x3c: {  	_ =	swait.ge [sflag:s21], $0x4000  }
0x3d: {  	[sflag:s21] =	ssyncset.done $0x0  }
0x3e: {  	s30 =	simm.s32 $0x1580;
	[sflag:s21] =	ssyncadd.s32 $0xFFFFC000  }
0x3f: {  	[spmem:s2] =	stream.indirect.scatter.add.f32 [tilespmem:s18], [sflag:$0x4], $0x80, s30, s16, $0xb8;
	[tilespmem:$0x1E400] =	vst v63  }
0x40: {  	_ =	swait.ge [sflag:s22], $0x4000  }
0x41: {  	[sflag:s22] =	ssyncset.done $0x0  }
0x42: {  	s31 =	simm.s32 $0x280;
	[sflag:s22] =	ssyncadd.s32 $0xFFFFC000  }
0x43: {  	[tilespmem:s18], [sflag:$0x2] =	stream.indirect.gather [hbm4b:s4+s16], $0x80, s31, s16, $0xb8;
	[tilespmem:$0x1E400] =	vst v63  }
0x44: {  	_ =	swait.ge [sflag:s19], $0x4000  }
0x45: {  	[sflag:s19] =	ssyncset.done $0x0  }
0x46: {  	s25 =	simm.s32 $0x1600;
	[sflag:s19] =	ssyncadd.s32 $0xFFFFC000  }
0x47: {  	[spmem:s2] =	stream.indirect.scatter.add.f32 [tilespmem:s17], [sflag:$0x3], $0x80, s25, s16, $0xb8;
	[tilespmem:$0x1E400] =	vst v63  }
0x48: {  	_ =	swait.ge [sflag:s20], $0x4000  }
0x49: {  	[sflag:s20] =	ssyncset.done $0x0  }
0x4a: {  	s26 =	simm.s32 $0x300;
	[sflag:s20] =	ssyncadd.s32 $0xFFFFC000  }
0x4b: {  	[tilespmem:s17], [sflag:$0x1] =	stream.indirect.gather [hbm4b:s4+s16], $0x80, s26, s16, $0xb8;
	[tilespmem:$0x1E400] =	vst v63  }
0x4c: {  	_ =	swait.ge [sflag:s21], $0x4000  }
0x4d: {  	[sflag:s21] =	ssyncset.done $0x0  }
0x4e: {  	s29 =	simm.s32 $0x1680;
	[sflag:s21] =	ssyncadd.s32 $0xFFFFC000  }
0x4f: {  	[spmem:s2] =	stream.indirect.scatter.add.f32 [tilespmem:s18], [sflag:$0x4], $0x80, s29, s16, $0xb8;
	[tilespmem:$0x1E400] =	vst v63  }
0x50: {  	_ =	swait.ge [sflag:s22], $0x4000  }
0x51: {  	[sflag:s22] =	ssyncset.done $0x0  }
0x52: {  	s30 =	simm.s32 $0x380;
	[sflag:s22] =	ssyncadd.s32 $0xFFFFC000  }
0x53: {  	[tilespmem:s18], [sflag:$0x2] =	stream.indirect.gather [hbm4b:s4+s16], $0x80, s30, s16, $0xb8;
	[tilespmem:$0x1E400] =	vst v63  }
0x54: {  	_ =	swait.ge [sflag:s19], $0x4000  }
0x55: {  	[sflag:s19] =	ssyncset.done $0x0  }
0x56: {  	s31 =	simm.s32 $0x1700;
	[sflag:s19] =	ssyncadd.s32 $0xFFFFC000  }
0x57: {  	[spmem:s2] =	stream.indirect.scatter.add.f32 [tilespmem:s17], [sflag:$0x3], $0x80, s31, s16, $0xb8;
	[tilespmem:$0x1E400] =	vst v63  }
0x58: {  	_ =	swait.ge [sflag:s20], $0x4000  }
0x59: {  	[sflag:s20] =	ssyncset.done $0x0  }
0x5a: {  	s25 =	simm.s32 $0x400;
	[sflag:s20] =	ssyncadd.s32 $0xFFFFC000  }
0x5b: {  	[tilespmem:s17], [sflag:$0x1] =	stream.indirect.gather [hbm4b:s4+s16], $0x80, s25, s16, $0xb8;
	[tilespmem:$0x1E400] =	vst v63  }
0x5c: {  	_ =	swait.ge [sflag:s21], $0x4000  }
0x5d: {  	[sflag:s21] =	ssyncset.done $0x0  }
0x5e: {  	s26 =	simm.s32 $0x1780;
	[sflag:s21] =	ssyncadd.s32 $0xFFFFC000  }
0x5f: {  	[spmem:s2] =	stream.indirect.scatter.add.f32 [tilespmem:s18], [sflag:$0x4], $0x80, s26, s16, $0xb8;
	[tilespmem:$0x1E400] =	vst v63  }
0x60: {  	_ =	swait.ge [sflag:s22], $0x4000  }
0x61: {  	[sflag:s22] =	ssyncset.done $0x0  }
0x62: {  	s29 =	simm.s32 $0x480;
	[sflag:s22] =	ssyncadd.s32 $0xFFFFC000  }
0x63: {  	[tilespmem:s18], [sflag:$0x2] =	stream.indirect.gather [hbm4b:s4+s16], $0x80, s29, s16, $0xb8;
	[tilespmem:$0x1E400] =	vst v63  }
0x64: {  	_ =	swait.ge [sflag:s19], $0x4000  }
0x65: {  	[sflag:s19] =	ssyncset.done $0x0  }
0x66: {  	s30 =	simm.s32 $0x1800;
	[sflag:s19] =	ssyncadd.s32 $0xFFFFC000  }
0x67: {  	[spmem:s2] =	stream.indirect.scatter.add.f32 [tilespmem:s17], [sflag:$0x3], $0x80, s30, s16, $0xb8;
	[tilespmem:$0x1E400] =	vst v63  }
0x68: {  	_ =	swait.ge [sflag:s21], $0x4000  }
0x69: {  	[sflag:s21] =	ssyncset.done $0x0  }
0x6a: {  	s31 =	simm.s32 $0x1880;
	[sflag:s21] =	ssyncadd.s32 $0xFFFFC000  }
0x6b: {  	[spmem:s2] =	stream.indirect.scatter.add.f32 [tilespmem:s18], [sflag:$0x4], $0x80, s31, s16, $0xb8;
	[tilespmem:$0x1E400] =	vst v63  }
0x6c: {  	_ =	swait.ge [sflag:s20], $0x4000  }
0x6d: {  	[sflag:s20] =	ssyncset.done $0x0  }
0x6e: {  	[sflag:s20] =	ssyncadd.s32 $0xFFFFC000  }
0x6f: {  	_ =	swait.ge [sflag:s22], $0x4000  }
0x70: {  	s28 =	simm.s32 $0x2800;
	s24 =	simm.s32 $0x1400;
	[sflag:s22] =	ssyncset.done $0x0  }
.LBB2_2:
0x71: {  	s26 =	sshra.s32 s24, $0x2  }
0x72: {  	[sflag:s22] =	ssyncadd.s32 $0xFFFFC000;
	s24 =	smov.u32 s28;
	s25 =	sadd.s32 $0x1400, s28  }
0x73: {  	[tilespmem:s17], [sflag:$0x1] =	stream.indirect.gather [hbm4b:s4+s16], $0x80, s26, s16, $0xb8;
	[tilespmem:$0x1E400] =	vst v63  }
0x74: {  	p0 =	sne.s32 s28, $0x3C00;
	s28 =	sadd.s32 $0x80, s26  }
0x75: {  	[tilespmem:s18], [sflag:$0x2] =	stream.indirect.gather [hbm4b:s4+s16], $0x80, s28, s16, $0xb8;
	[tilespmem:$0x1E400] =	vst v63  }
0x76: {  	_ =	swait.ge [sflag:s19], $0x4000  }
0x77: {  	[sflag:s19] =	ssyncset.done $0x0  }
0x78: {  	s28 =	sadd.s32 $0x1400, s26;
	[sflag:s19] =	ssyncadd.s32 $0xFFFFC000  }
0x79: {  	[spmem:s2] =	stream.indirect.scatter.add.f32 [tilespmem:s17], [sflag:$0x3], $0x80, s28, s16, $0xb8;
	[tilespmem:$0x1E400] =	vst v63  }
0x7a: {  	_ =	swait.ge [sflag:s20], $0x4000  }
0x7b: {  	[sflag:s20] =	ssyncset.done $0x0  }
0x7c: {  	s28 =	sadd.s32 $0x100, s26;
	[sflag:s20] =	ssyncadd.s32 $0xFFFFC000  }
0x7d: {  	[tilespmem:s17], [sflag:$0x1] =	stream.indirect.gather [hbm4b:s4+s16], $0x80, s28, s16, $0xb8;
	[tilespmem:$0x1E400] =	vst v63  }
0x7e: {  	_ =	swait.ge [sflag:s21], $0x4000  }
0x7f: {  	[sflag:s21] =	ssyncset.done $0x0  }
0x80: {  	s28 =	sadd.s32 $0x1480, s26;
	[sflag:s21] =	ssyncadd.s32 $0xFFFFC000  }
0x81: {  	[spmem:s2] =	stream.indirect.scatter.add.f32 [tilespmem:s18], [sflag:$0x4], $0x80, s28, s16, $0xb8;
	[tilespmem:$0x1E400] =	vst v63  }
0x82: {  	_ =	swait.ge [sflag:s22], $0x4000  }
0x83: {  	[sflag:s22] =	ssyncset.done $0x0  }
0x84: {  	s28 =	sadd.s32 $0x180, s26;
	[sflag:s22] =	ssyncadd.s32 $0xFFFFC000  }
0x85: {  	[tilespmem:s18], [sflag:$0x2] =	stream.indirect.gather [hbm4b:s4+s16], $0x80, s28, s16, $0xb8;
	[tilespmem:$0x1E400] =	vst v63  }
0x86: {  	_ =	swait.ge [sflag:s19], $0x4000  }
0x87: {  	[sflag:s19] =	ssyncset.done $0x0  }
0x88: {  	s28 =	sadd.s32 $0x1500, s26;
	[sflag:s19] =	ssyncadd.s32 $0xFFFFC000  }
0x89: {  	[spmem:s2] =	stream.indirect.scatter.add.f32 [tilespmem:s17], [sflag:$0x3], $0x80, s28, s16, $0xb8;
	[tilespmem:$0x1E400] =	vst v63  }
0x8a: {  	_ =	swait.ge [sflag:s20], $0x4000  }
0x8b: {  	[sflag:s20] =	ssyncset.done $0x0  }
0x8c: {  	s28 =	sadd.s32 $0x200, s26;
	[sflag:s20] =	ssyncadd.s32 $0xFFFFC000  }
0x8d: {  	[tilespmem:s17], [sflag:$0x1] =	stream.indirect.gather [hbm4b:s4+s16], $0x80, s28, s16, $0xb8;
	[tilespmem:$0x1E400] =	vst v63  }
0x8e: {  	_ =	swait.ge [sflag:s21], $0x4000  }
0x8f: {  	[sflag:s21] =	ssyncset.done $0x0  }
0x90: {  	s28 =	sadd.s32 $0x1580, s26;
	[sflag:s21] =	ssyncadd.s32 $0xFFFFC000  }
0x91: {  	[spmem:s2] =	stream.indirect.scatter.add.f32 [tilespmem:s18], [sflag:$0x4], $0x80, s28, s16, $0xb8;
	[tilespmem:$0x1E400] =	vst v63  }
0x92: {  	_ =	swait.ge [sflag:s22], $0x4000  }
0x93: {  	[sflag:s22] =	ssyncset.done $0x0  }
0x94: {  	s28 =	sadd.s32 $0x280, s26;
	[sflag:s22] =	ssyncadd.s32 $0xFFFFC000  }
0x95: {  	[tilespmem:s18], [sflag:$0x2] =	stream.indirect.gather [hbm4b:s4+s16], $0x80, s28, s16, $0xb8;
	[tilespmem:$0x1E400] =	vst v63  }
0x96: {  	_ =	swait.ge [sflag:s19], $0x4000  }
0x97: {  	[sflag:s19] =	ssyncset.done $0x0  }
0x98: {  	s28 =	sadd.s32 $0x1600, s26;
	[sflag:s19] =	ssyncadd.s32 $0xFFFFC000  }
0x99: {  	[spmem:s2] =	stream.indirect.scatter.add.f32 [tilespmem:s17], [sflag:$0x3], $0x80, s28, s16, $0xb8;
	[tilespmem:$0x1E400] =	vst v63  }
0x9a: {  	_ =	swait.ge [sflag:s20], $0x4000  }
0x9b: {  	[sflag:s20] =	ssyncset.done $0x0  }
0x9c: {  	s28 =	sadd.s32 $0x300, s26;
	[sflag:s20] =	ssyncadd.s32 $0xFFFFC000  }
0x9d: {  	[tilespmem:s17], [sflag:$0x1] =	stream.indirect.gather [hbm4b:s4+s16], $0x80, s28, s16, $0xb8;
	[tilespmem:$0x1E400] =	vst v63  }
0x9e: {  	_ =	swait.ge [sflag:s21], $0x4000  }
0x9f: {  	[sflag:s21] =	ssyncset.done $0x0  }
0xa0: {  	s28 =	sadd.s32 $0x1680, s26;
	[sflag:s21] =	ssyncadd.s32 $0xFFFFC000  }
0xa1: {  	[spmem:s2] =	stream.indirect.scatter.add.f32 [tilespmem:s18], [sflag:$0x4], $0x80, s28, s16, $0xb8;
	[tilespmem:$0x1E400] =	vst v63  }
0xa2: {  	_ =	swait.ge [sflag:s22], $0x4000  }
0xa3: {  	[sflag:s22] =	ssyncset.done $0x0  }
0xa4: {  	s28 =	sadd.s32 $0x380, s26;
	[sflag:s22] =	ssyncadd.s32 $0xFFFFC000  }
0xa5: {  	[tilespmem:s18], [sflag:$0x2] =	stream.indirect.gather [hbm4b:s4+s16], $0x80, s28, s16, $0xb8;
	[tilespmem:$0x1E400] =	vst v63  }
0xa6: {  	_ =	swait.ge [sflag:s19], $0x4000  }
0xa7: {  	[sflag:s19] =	ssyncset.done $0x0  }
0xa8: {  	s28 =	sadd.s32 $0x1700, s26;
	[sflag:s19] =	ssyncadd.s32 $0xFFFFC000  }
0xa9: {  	[spmem:s2] =	stream.indirect.scatter.add.f32 [tilespmem:s17], [sflag:$0x3], $0x80, s28, s16, $0xb8;
	[tilespmem:$0x1E400] =	vst v63  }
0xaa: {  	_ =	swait.ge [sflag:s20], $0x4000  }
0xab: {  	[sflag:s20] =	ssyncset.done $0x0  }
0xac: {  	s28 =	sadd.s32 $0x400, s26;
	[sflag:s20] =	ssyncadd.s32 $0xFFFFC000  }
0xad: {  	[tilespmem:s17], [sflag:$0x1] =	stream.indirect.gather [hbm4b:s4+s16], $0x80, s28, s16, $0xb8;
	[tilespmem:$0x1E400] =	vst v63  }
0xae: {  	_ =	swait.ge [sflag:s21], $0x4000  }
0xaf: {  	[sflag:s21] =	ssyncset.done $0x0  }
0xb0: {  	s28 =	sadd.s32 $0x1780, s26;
	[sflag:s21] =	ssyncadd.s32 $0xFFFFC000  }
0xb1: {  	[spmem:s2] =	stream.indirect.scatter.add.f32 [tilespmem:s18], [sflag:$0x4], $0x80, s28, s16, $0xb8;
	[tilespmem:$0x1E400] =	vst v63  }
0xb2: {  	_ =	swait.ge [sflag:s22], $0x4000  }
0xb3: {  	[sflag:s22] =	ssyncset.done $0x0  }
0xb4: {  	s28 =	sadd.s32 $0x480, s26;
	[sflag:s22] =	ssyncadd.s32 $0xFFFFC000  }
0xb5: {  	[tilespmem:s18], [sflag:$0x2] =	stream.indirect.gather [hbm4b:s4+s16], $0x80, s28, s16, $0xb8;
	[tilespmem:$0x1E400] =	vst v63  }
0xb6: {  	_ =	swait.ge [sflag:s19], $0x4000  }
0xb7: {  	[sflag:s19] =	ssyncset.done $0x0  }
0xb8: {  	s28 =	sadd.s32 $0x1800, s26;
	[sflag:s19] =	ssyncadd.s32 $0xFFFFC000  }
0xb9: {  	[spmem:s2] =	stream.indirect.scatter.add.f32 [tilespmem:s17], [sflag:$0x3], $0x80, s28, s16, $0xb8;
	[tilespmem:$0x1E400] =	vst v63  }
0xba: {  	_ =	swait.ge [sflag:s21], $0x4000  }
0xbb: {  	[sflag:s21] =	ssyncset.done $0x0  }
0xbc: {  	s26 =	sadd.s32 $0x1880, s26;
	[sflag:s21] =	ssyncadd.s32 $0xFFFFC000  }
0xbd: {  	[spmem:s2] =	stream.indirect.scatter.add.f32 [tilespmem:s18], [sflag:$0x4], $0x80, s26, s16, $0xb8;
	[tilespmem:$0x1E400] =	vst v63  }
.Ltmp0:
0xbe: {  	_ =	swait.ge [sflag:s20], $0x4000;
	(pc) =	sbr.rel @p0 .LBB2_2-.Ltmp0, $4  }
0xbf: {  	[sflag:s20] =	ssyncset.done $0x0  }
0xc0: {  	[sflag:s20] =	ssyncadd.s32 $0xFFFFC000  }
0xc1: {  	_ =	swait.ge [sflag:s22], $0x4000  }
0xc2: {  	s28 =	smov.u32 s25;
	[sflag:s22] =	ssyncset.done $0x0  }
0xc3: {  	s24 =	sshra.s32 s24, $0x2;
	[sflag:s22] =	ssyncadd.s32 $0xFFFFC000  }
0xc4: {  	[tilespmem:s17], [sflag:$0x1] =	stream.indirect.gather [hbm4b:s4+s16], $0x80, s24, s16, $0xb8;
	[tilespmem:$0x1E400] =	vst v63  }
0xc5: {  	s25 =	sadd.s32 $0x80, s24  }
0xc6: {  	[tilespmem:s18], [sflag:$0x2] =	stream.indirect.gather [hbm4b:s4+s16], $0x80, s25, s16, $0xb8;
	[tilespmem:$0x1E400] =	vst v63  }
0xc7: {  	_ =	swait.ge [sflag:s19], $0x4000  }
0xc8: {  	[sflag:s19] =	ssyncset.done $0x0  }
0xc9: {  	s30 =	sadd.s32 $0x1400, s24;
	[sflag:s19] =	ssyncadd.s32 $0xFFFFC000  }
0xca: {  	[spmem:s2] =	stream.indirect.scatter.add.f32 [tilespmem:s17], [sflag:$0x3], $0x80, s30, s16, $0xb8;
	[tilespmem:$0x1E400] =	vst v63  }
0xcb: {  	_ =	swait.ge [sflag:s20], $0x4000  }
0xcc: {  	[sflag:s20] =	ssyncset.done $0x0  }
0xcd: {  	s31 =	sadd.s32 $0x100, s24;
	[sflag:s20] =	ssyncadd.s32 $0xFFFFC000  }
0xce: {  	[tilespmem:s17], [sflag:$0x1] =	stream.indirect.gather [hbm4b:s4+s16], $0x80, s31, s16, $0xb8;
	[tilespmem:$0x1E400] =	vst v63  }
0xcf: {  	_ =	swait.ge [sflag:s21], $0x4000  }
0xd0: {  	[sflag:s21] =	ssyncset.done $0x0  }
0xd1: {  	s26 =	sadd.s32 $0x1480, s24;
	[sflag:s21] =	ssyncadd.s32 $0xFFFFC000  }
0xd2: {  	[spmem:s2] =	stream.indirect.scatter.add.f32 [tilespmem:s18], [sflag:$0x4], $0x80, s26, s16, $0xb8;
	[tilespmem:$0x1E400] =	vst v63  }
0xd3: {  	_ =	swait.ge [sflag:s22], $0x4000  }
0xd4: {  	[sflag:s22] =	ssyncset.done $0x0  }
0xd5: {  	s29 =	sadd.s32 $0x180, s24;
	[sflag:s22] =	ssyncadd.s32 $0xFFFFC000  }
0xd6: {  	[tilespmem:s18], [sflag:$0x2] =	stream.indirect.gather [hbm4b:s4+s16], $0x80, s29, s16, $0xb8;
	[tilespmem:$0x1E400] =	vst v63  }
0xd7: {  	_ =	swait.ge [sflag:s19], $0x4000  }
0xd8: {  	[sflag:s19] =	ssyncset.done $0x0  }
0xd9: {  	s30 =	sadd.s32 $0x1500, s24;
	[sflag:s19] =	ssyncadd.s32 $0xFFFFC000  }
0xda: {  	[spmem:s2] =	stream.indirect.scatter.add.f32 [tilespmem:s17], [sflag:$0x3], $0x80, s30, s16, $0xb8;
	[tilespmem:$0x1E400] =	vst v63  }
0xdb: {  	_ =	swait.ge [sflag:s20], $0x4000  }
0xdc: {  	[sflag:s20] =	ssyncset.done $0x0  }
0xdd: {  	s31 =	sadd.s32 $0x200, s24;
	[sflag:s20] =	ssyncadd.s32 $0xFFFFC000  }
0xde: {  	[tilespmem:s17], [sflag:$0x1] =	stream.indirect.gather [hbm4b:s4+s16], $0x80, s31, s16, $0xb8;
	[tilespmem:$0x1E400] =	vst v63  }
0xdf: {  	_ =	swait.ge [sflag:s21], $0x4000  }
0xe0: {  	[sflag:s21] =	ssyncset.done $0x0  }
0xe1: {  	s26 =	sadd.s32 $0x1580, s24;
	[sflag:s21] =	ssyncadd.s32 $0xFFFFC000  }
0xe2: {  	[spmem:s2] =	stream.indirect.scatter.add.f32 [tilespmem:s18], [sflag:$0x4], $0x80, s26, s16, $0xb8;
	[tilespmem:$0x1E400] =	vst v63  }
0xe3: {  	_ =	swait.ge [sflag:s22], $0x4000  }
0xe4: {  	[sflag:s22] =	ssyncset.done $0x0  }
0xe5: {  	s29 =	sadd.s32 $0x280, s24;
	[sflag:s22] =	ssyncadd.s32 $0xFFFFC000  }
0xe6: {  	[tilespmem:s18], [sflag:$0x2] =	stream.indirect.gather [hbm4b:s4+s16], $0x80, s29, s16, $0xb8;
	[tilespmem:$0x1E400] =	vst v63  }
0xe7: {  	_ =	swait.ge [sflag:s19], $0x4000  }
0xe8: {  	[sflag:s19] =	ssyncset.done $0x0  }
0xe9: {  	s30 =	sadd.s32 $0x1600, s24;
	[sflag:s19] =	ssyncadd.s32 $0xFFFFC000  }
0xea: {  	[spmem:s2] =	stream.indirect.scatter.add.f32 [tilespmem:s17], [sflag:$0x3], $0x80, s30, s16, $0xb8;
	[tilespmem:$0x1E400] =	vst v63  }
0xeb: {  	_ =	swait.ge [sflag:s20], $0x4000  }
0xec: {  	[sflag:s20] =	ssyncset.done $0x0  }
0xed: {  	s31 =	sadd.s32 $0x300, s24;
	[sflag:s20] =	ssyncadd.s32 $0xFFFFC000  }
0xee: {  	[tilespmem:s17], [sflag:$0x1] =	stream.indirect.gather [hbm4b:s4+s16], $0x80, s31, s16, $0xb8;
	[tilespmem:$0x1E400] =	vst v63  }
0xef: {  	_ =	swait.ge [sflag:s21], $0x4000  }
0xf0: {  	[sflag:s21] =	ssyncset.done $0x0  }
0xf1: {  	s26 =	sadd.s32 $0x1680, s24;
	[sflag:s21] =	ssyncadd.s32 $0xFFFFC000  }
0xf2: {  	[spmem:s2] =	stream.indirect.scatter.add.f32 [tilespmem:s18], [sflag:$0x4], $0x80, s26, s16, $0xb8;
	[tilespmem:$0x1E400] =	vst v63  }
0xf3: {  	_ =	swait.ge [sflag:s22], $0x4000  }
0xf4: {  	[sflag:s22] =	ssyncset.done $0x0  }
0xf5: {  	s29 =	sadd.s32 $0x380, s24;
	[sflag:s22] =	ssyncadd.s32 $0xFFFFC000  }
0xf6: {  	[tilespmem:s18], [sflag:$0x2] =	stream.indirect.gather [hbm4b:s4+s16], $0x80, s29, s16, $0xb8;
	[tilespmem:$0x1E400] =	vst v63  }
0xf7: {  	_ =	swait.ge [sflag:s19], $0x4000  }
0xf8: {  	[sflag:s19] =	ssyncset.done $0x0  }
0xf9: {  	s30 =	sadd.s32 $0x1700, s24;
	[sflag:s19] =	ssyncadd.s32 $0xFFFFC000  }
0xfa: {  	[spmem:s2] =	stream.indirect.scatter.add.f32 [tilespmem:s17], [sflag:$0x3], $0x80, s30, s16, $0xb8;
	[tilespmem:$0x1E400] =	vst v63  }
0xfb: {  	_ =	swait.ge [sflag:s20], $0x4000  }
0xfc: {  	[sflag:s20] =	ssyncset.done $0x0  }
0xfd: {  	s31 =	sadd.s32 $0x400, s24;
	[sflag:s20] =	ssyncadd.s32 $0xFFFFC000  }
0xfe: {  	[tilespmem:s17], [sflag:$0x1] =	stream.indirect.gather [hbm4b:s4+s16], $0x80, s31, s16, $0xb8;
	[tilespmem:$0x1E400] =	vst v63  }
0xff: {  	_ =	swait.ge [sflag:s21], $0x4000  }
0x100: {  	[sflag:s21] =	ssyncset.done $0x0  }
0x101: {  	s26 =	sadd.s32 $0x1780, s24;
	[sflag:s21] =	ssyncadd.s32 $0xFFFFC000  }
0x102: {  	[spmem:s2] =	stream.indirect.scatter.add.f32 [tilespmem:s18], [sflag:$0x4], $0x80, s26, s16, $0xb8;
	[tilespmem:$0x1E400] =	vst v63  }
0x103: {  	_ =	swait.ge [sflag:s22], $0x4000  }
0x104: {  	[sflag:s22] =	ssyncset.done $0x0  }
0x105: {  	s29 =	sadd.s32 $0x480, s24;
	[sflag:s22] =	ssyncadd.s32 $0xFFFFC000  }
0x106: {  	[tilespmem:s18], [sflag:$0x2] =	stream.indirect.gather [hbm4b:s4+s16], $0x80, s29, s16, $0xb8;
	[tilespmem:$0x1E400] =	vst v63  }
0x107: {  	_ =	swait.ge [sflag:s19], $0x4000  }
0x108: {  	[sflag:s19] =	ssyncset.done $0x0  }
0x109: {  	s30 =	sadd.s32 $0x1800, s24;
	[sflag:s19] =	ssyncadd.s32 $0xFFFFC000  }
0x10a: {  	[spmem:s2] =	stream.indirect.scatter.add.f32 [tilespmem:s17], [sflag:$0x3], $0x80, s30, s16, $0xb8;
	[tilespmem:$0x1E400] =	vst v63  }
0x10b: {  	_ =	swait.ge [sflag:s21], $0x4000  }
0x10c: {  	[sflag:s21] =	ssyncset.done $0x0  }
0x10d: {  	s24 =	sadd.s32 $0x1880, s24;
	[sflag:s21] =	ssyncadd.s32 $0xFFFFC000  }
0x10e: {  	[spmem:s2] =	stream.indirect.scatter.add.f32 [tilespmem:s18], [sflag:$0x4], $0x80, s24, s16, $0xb8;
	[tilespmem:$0x1E400] =	vst v63  }
0x10f: {  	_ =	swait.ge [sflag:s20], $0x4000  }
0x110: {  	[sflag:s20] =	ssyncset.done $0x0  }
0x111: {  	[sflag:s20] =	ssyncadd.s32 $0xFFFFC000  }
0x112: {  	_ =	swait.ge [sflag:s22], $0x4000  }
0x113: {  	[sflag:s22] =	ssyncset.done $0x0  }
0x114: {  	s31 =	simm.s32 $0x0;
	[sflag:s22] =	ssyncadd.s32 $0xFFFFC000  }
0x115: {  	[tilespmem:s31], [sflag:$0x5] =	stream.linear.gather [hbm4b:s9+s31], $0x1400, $0x38;
	[tilespmem:$0x1E400] =	vst v63  }
0x116: {  	_ =	swait.ge [sflag:s14], $0x1400  }
0x117: {  	[sflag:s14] =	ssyncset.done $0x0  }
0x118: {  	[sflag:s14] =	ssyncadd.s32 $0xFFFFEC00  }
0x119: {  	[tilespmem:s15], [sflag:$0x5] =	stream.linear.gather [hbm4b:s10+s31], $0x1400, $0x38;
	[tilespmem:$0x1E400] =	vst v63  }
0x11a: {  	_ =	swait.ge [sflag:s14], $0x1400  }
0x11b: {  	[sflag:s14] =	ssyncset.done $0x0  }
0x11c: {  	s25 =	simm.s32 $0x0;
	[sflag:s14] =	ssyncadd.s32 $0xFFFFEC00  }
0x11d: {  	[tilespmem:s17], [sflag:$0x1] =	stream.indirect.gather [hbm4b:s4+s16], $0x80, s25, s16, $0xb8;
	[tilespmem:$0x1E400] =	vst v63  }
0x11e: {  	s26 =	simm.s32 $0x80  }
0x11f: {  	[tilespmem:s18], [sflag:$0x2] =	stream.indirect.gather [hbm4b:s4+s16], $0x80, s26, s16, $0xb8;
	[tilespmem:$0x1E400] =	vst v63  }
0x120: {  	_ =	swait.ge [sflag:s19], $0x4000  }
0x121: {  	[sflag:s19] =	ssyncset.done $0x0  }
0x122: {  	s29 =	simm.s32 $0x1400;
	[sflag:s19] =	ssyncadd.s32 $0xFFFFC000  }
0x123: {  	[spmem:s2] =	stream.indirect.scatter.add.f32 [tilespmem:s17], [sflag:$0x3], $0x80, s29, s16, $0xb8;
	[tilespmem:$0x1E400] =	vst v63  }
0x124: {  	_ =	swait.ge [sflag:s20], $0x4000  }
0x125: {  	[sflag:s20] =	ssyncset.done $0x0  }
0x126: {  	s30 =	simm.s32 $0x100;
	[sflag:s20] =	ssyncadd.s32 $0xFFFFC000  }
0x127: {  	[tilespmem:s17], [sflag:$0x1] =	stream.indirect.gather [hbm4b:s4+s16], $0x80, s30, s16, $0xb8;
	[tilespmem:$0x1E400] =	vst v63  }
0x128: {  	_ =	swait.ge [sflag:s21], $0x4000  }
0x129: {  	[sflag:s21] =	ssyncset.done $0x0  }
0x12a: {  	s31 =	simm.s32 $0x1480;
	[sflag:s21] =	ssyncadd.s32 $0xFFFFC000  }
0x12b: {  	[spmem:s2] =	stream.indirect.scatter.add.f32 [tilespmem:s18], [sflag:$0x4], $0x80, s31, s16, $0xb8;
	[tilespmem:$0x1E400] =	vst v63  }
0x12c: {  	_ =	swait.ge [sflag:s22], $0x4000  }
0x12d: {  	[sflag:s22] =	ssyncset.done $0x0  }
0x12e: {  	s25 =	simm.s32 $0x180;
	[sflag:s22] =	ssyncadd.s32 $0xFFFFC000  }
0x12f: {  	[tilespmem:s18], [sflag:$0x2] =	stream.indirect.gather [hbm4b:s4+s16], $0x80, s25, s16, $0xb8;
	[tilespmem:$0x1E400] =	vst v63  }
0x130: {  	_ =	swait.ge [sflag:s19], $0x4000  }
0x131: {  	[sflag:s19] =	ssyncset.done $0x0  }
0x132: {  	s26 =	simm.s32 $0x1500;
	[sflag:s19] =	ssyncadd.s32 $0xFFFFC000  }
0x133: {  	[spmem:s2] =	stream.indirect.scatter.add.f32 [tilespmem:s17], [sflag:$0x3], $0x80, s26, s16, $0xb8;
	[tilespmem:$0x1E400] =	vst v63  }
0x134: {  	_ =	swait.ge [sflag:s20], $0x4000  }
0x135: {  	[sflag:s20] =	ssyncset.done $0x0  }
0x136: {  	s29 =	simm.s32 $0x200;
	[sflag:s20] =	ssyncadd.s32 $0xFFFFC000  }
0x137: {  	[tilespmem:s17], [sflag:$0x1] =	stream.indirect.gather [hbm4b:s4+s16], $0x80, s29, s16, $0xb8;
	[tilespmem:$0x1E400] =	vst v63  }
0x138: {  	_ =	swait.ge [sflag:s21], $0x4000  }
0x139: {  	[sflag:s21] =	ssyncset.done $0x0  }
0x13a: {  	s30 =	simm.s32 $0x1580;
	[sflag:s21] =	ssyncadd.s32 $0xFFFFC000  }
0x13b: {  	[spmem:s2] =	stream.indirect.scatter.add.f32 [tilespmem:s18], [sflag:$0x4], $0x80, s30, s16, $0xb8;
	[tilespmem:$0x1E400] =	vst v63  }
0x13c: {  	_ =	swait.ge [sflag:s22], $0x4000  }
0x13d: {  	[sflag:s22] =	ssyncset.done $0x0  }
0x13e: {  	s31 =	simm.s32 $0x280;
	[sflag:s22] =	ssyncadd.s32 $0xFFFFC000  }
0x13f: {  	[tilespmem:s18], [sflag:$0x2] =	stream.indirect.gather [hbm4b:s4+s16], $0x80, s31, s16, $0xb8;
	[tilespmem:$0x1E400] =	vst v63  }
0x140: {  	_ =	swait.ge [sflag:s19], $0x4000  }
0x141: {  	[sflag:s19] =	ssyncset.done $0x0  }
0x142: {  	s25 =	simm.s32 $0x1600;
	[sflag:s19] =	ssyncadd.s32 $0xFFFFC000  }
0x143: {  	[spmem:s2] =	stream.indirect.scatter.add.f32 [tilespmem:s17], [sflag:$0x3], $0x80, s25, s16, $0xb8;
	[tilespmem:$0x1E400] =	vst v63  }
0x144: {  	_ =	swait.ge [sflag:s20], $0x4000  }
0x145: {  	[sflag:s20] =	ssyncset.done $0x0  }
0x146: {  	s26 =	simm.s32 $0x300;
	[sflag:s20] =	ssyncadd.s32 $0xFFFFC000  }
0x147: {  	[tilespmem:s17], [sflag:$0x1] =	stream.indirect.gather [hbm4b:s4+s16], $0x80, s26, s16, $0xb8;
	[tilespmem:$0x1E400] =	vst v63  }
0x148: {  	_ =	swait.ge [sflag:s21], $0x4000  }
0x149: {  	[sflag:s21] =	ssyncset.done $0x0  }
0x14a: {  	s29 =	simm.s32 $0x1680;
	[sflag:s21] =	ssyncadd.s32 $0xFFFFC000  }
0x14b: {  	[spmem:s2] =	stream.indirect.scatter.add.f32 [tilespmem:s18], [sflag:$0x4], $0x80, s29, s16, $0xb8;
	[tilespmem:$0x1E400] =	vst v63  }
0x14c: {  	_ =	swait.ge [sflag:s22], $0x4000  }
0x14d: {  	[sflag:s22] =	ssyncset.done $0x0  }
0x14e: {  	s30 =	simm.s32 $0x380;
	[sflag:s22] =	ssyncadd.s32 $0xFFFFC000  }
0x14f: {  	[tilespmem:s18], [sflag:$0x2] =	stream.indirect.gather [hbm4b:s4+s16], $0x80, s30, s16, $0xb8;
	[tilespmem:$0x1E400] =	vst v63  }
0x150: {  	_ =	swait.ge [sflag:s19], $0x4000  }
0x151: {  	[sflag:s19] =	ssyncset.done $0x0  }
0x152: {  	s31 =	simm.s32 $0x1700;
	[sflag:s19] =	ssyncadd.s32 $0xFFFFC000  }
0x153: {  	[spmem:s2] =	stream.indirect.scatter.add.f32 [tilespmem:s17], [sflag:$0x3], $0x80, s31, s16, $0xb8;
	[tilespmem:$0x1E400] =	vst v63  }
0x154: {  	_ =	swait.ge [sflag:s20], $0x4000  }
0x155: {  	[sflag:s20] =	ssyncset.done $0x0  }
0x156: {  	s25 =	simm.s32 $0x400;
	[sflag:s20] =	ssyncadd.s32 $0xFFFFC000  }
0x157: {  	[tilespmem:s17], [sflag:$0x1] =	stream.indirect.gather [hbm4b:s4+s16], $0x80, s25, s16, $0xb8;
	[tilespmem:$0x1E400] =	vst v63  }
0x158: {  	_ =	swait.ge [sflag:s21], $0x4000  }
0x159: {  	[sflag:s21] =	ssyncset.done $0x0  }
0x15a: {  	s26 =	simm.s32 $0x1780;
	[sflag:s21] =	ssyncadd.s32 $0xFFFFC000  }
0x15b: {  	[spmem:s2] =	stream.indirect.scatter.add.f32 [tilespmem:s18], [sflag:$0x4], $0x80, s26, s16, $0xb8;
	[tilespmem:$0x1E400] =	vst v63  }
0x15c: {  	_ =	swait.ge [sflag:s22], $0x4000  }
0x15d: {  	[sflag:s22] =	ssyncset.done $0x0  }
0x15e: {  	s29 =	simm.s32 $0x480;
	[sflag:s22] =	ssyncadd.s32 $0xFFFFC000  }
0x15f: {  	[tilespmem:s18], [sflag:$0x2] =	stream.indirect.gather [hbm4b:s4+s16], $0x80, s29, s16, $0xb8;
	[tilespmem:$0x1E400] =	vst v63  }
0x160: {  	_ =	swait.ge [sflag:s19], $0x4000  }
0x161: {  	[sflag:s19] =	ssyncset.done $0x0  }
0x162: {  	s30 =	simm.s32 $0x1800;
	[sflag:s19] =	ssyncadd.s32 $0xFFFFC000  }
0x163: {  	[spmem:s2] =	stream.indirect.scatter.add.f32 [tilespmem:s17], [sflag:$0x3], $0x80, s30, s16, $0xb8;
	[tilespmem:$0x1E400] =	vst v63  }
0x164: {  	_ =	swait.ge [sflag:s21], $0x4000  }
0x165: {  	[sflag:s21] =	ssyncset.done $0x0  }
0x166: {  	s31 =	simm.s32 $0x1880;
	[sflag:s21] =	ssyncadd.s32 $0xFFFFC000  }
0x167: {  	[spmem:s2] =	stream.indirect.scatter.add.f32 [tilespmem:s18], [sflag:$0x4], $0x80, s31, s16, $0xb8;
	[tilespmem:$0x1E400] =	vst v63  }
0x168: {  	_ =	swait.ge [sflag:s20], $0x4000  }
0x169: {  	[sflag:s20] =	ssyncset.done $0x0  }
0x16a: {  	[sflag:s20] =	ssyncadd.s32 $0xFFFFC000  }
0x16b: {  	_ =	swait.ge [sflag:s22], $0x4000  }
0x16c: {  	s28 =	simm.s32 $0x2800;
	s24 =	simm.s32 $0x1400;
	[sflag:s22] =	ssyncset.done $0x0  }
.LBB2_4:
0x16d: {  	s26 =	sshra.s32 s24, $0x2  }
0x16e: {  	[sflag:s22] =	ssyncadd.s32 $0xFFFFC000;
	s24 =	smov.u32 s28;
	s25 =	sadd.s32 $0x1400, s28  }
0x16f: {  	[tilespmem:s17], [sflag:$0x1] =	stream.indirect.gather [hbm4b:s4+s16], $0x80, s26, s16, $0xb8;
	[tilespmem:$0x1E400] =	vst v63  }
0x170: {  	p0 =	sne.s32 s28, $0x3C00;
	s28 =	sadd.s32 $0x80, s26  }
0x171: {  	[tilespmem:s18], [sflag:$0x2] =	stream.indirect.gather [hbm4b:s4+s16], $0x80, s28, s16, $0xb8;
	[tilespmem:$0x1E400] =	vst v63  }
0x172: {  	_ =	swait.ge [sflag:s19], $0x4000  }
0x173: {  	[sflag:s19] =	ssyncset.done $0x0  }
0x174: {  	s28 =	sadd.s32 $0x1400, s26;
	[sflag:s19] =	ssyncadd.s32 $0xFFFFC000  }
0x175: {  	[spmem:s2] =	stream.indirect.scatter.add.f32 [tilespmem:s17], [sflag:$0x3], $0x80, s28, s16, $0xb8;
	[tilespmem:$0x1E400] =	vst v63  }
0x176: {  	_ =	swait.ge [sflag:s20], $0x4000  }
0x177: {  	[sflag:s20] =	ssyncset.done $0x0  }
0x178: {  	s28 =	sadd.s32 $0x100, s26;
	[sflag:s20] =	ssyncadd.s32 $0xFFFFC000  }
0x179: {  	[tilespmem:s17], [sflag:$0x1] =	stream.indirect.gather [hbm4b:s4+s16], $0x80, s28, s16, $0xb8;
	[tilespmem:$0x1E400] =	vst v63  }
0x17a: {  	_ =	swait.ge [sflag:s21], $0x4000  }
0x17b: {  	[sflag:s21] =	ssyncset.done $0x0  }
0x17c: {  	s28 =	sadd.s32 $0x1480, s26;
	[sflag:s21] =	ssyncadd.s32 $0xFFFFC000  }
0x17d: {  	[spmem:s2] =	stream.indirect.scatter.add.f32 [tilespmem:s18], [sflag:$0x4], $0x80, s28, s16, $0xb8;
	[tilespmem:$0x1E400] =	vst v63  }
0x17e: {  	_ =	swait.ge [sflag:s22], $0x4000  }
0x17f: {  	[sflag:s22] =	ssyncset.done $0x0  }
0x180: {  	s28 =	sadd.s32 $0x180, s26;
	[sflag:s22] =	ssyncadd.s32 $0xFFFFC000  }
0x181: {  	[tilespmem:s18], [sflag:$0x2] =	stream.indirect.gather [hbm4b:s4+s16], $0x80, s28, s16, $0xb8;
	[tilespmem:$0x1E400] =	vst v63  }
0x182: {  	_ =	swait.ge [sflag:s19], $0x4000  }
0x183: {  	[sflag:s19] =	ssyncset.done $0x0  }
0x184: {  	s28 =	sadd.s32 $0x1500, s26;
	[sflag:s19] =	ssyncadd.s32 $0xFFFFC000  }
0x185: {  	[spmem:s2] =	stream.indirect.scatter.add.f32 [tilespmem:s17], [sflag:$0x3], $0x80, s28, s16, $0xb8;
	[tilespmem:$0x1E400] =	vst v63  }
0x186: {  	_ =	swait.ge [sflag:s20], $0x4000  }
0x187: {  	[sflag:s20] =	ssyncset.done $0x0  }
0x188: {  	s28 =	sadd.s32 $0x200, s26;
	[sflag:s20] =	ssyncadd.s32 $0xFFFFC000  }
0x189: {  	[tilespmem:s17], [sflag:$0x1] =	stream.indirect.gather [hbm4b:s4+s16], $0x80, s28, s16, $0xb8;
	[tilespmem:$0x1E400] =	vst v63  }
0x18a: {  	_ =	swait.ge [sflag:s21], $0x4000  }
0x18b: {  	[sflag:s21] =	ssyncset.done $0x0  }
0x18c: {  	s28 =	sadd.s32 $0x1580, s26;
	[sflag:s21] =	ssyncadd.s32 $0xFFFFC000  }
0x18d: {  	[spmem:s2] =	stream.indirect.scatter.add.f32 [tilespmem:s18], [sflag:$0x4], $0x80, s28, s16, $0xb8;
	[tilespmem:$0x1E400] =	vst v63  }
0x18e: {  	_ =	swait.ge [sflag:s22], $0x4000  }
0x18f: {  	[sflag:s22] =	ssyncset.done $0x0  }
0x190: {  	s28 =	sadd.s32 $0x280, s26;
	[sflag:s22] =	ssyncadd.s32 $0xFFFFC000  }
0x191: {  	[tilespmem:s18], [sflag:$0x2] =	stream.indirect.gather [hbm4b:s4+s16], $0x80, s28, s16, $0xb8;
	[tilespmem:$0x1E400] =	vst v63  }
0x192: {  	_ =	swait.ge [sflag:s19], $0x4000  }
0x193: {  	[sflag:s19] =	ssyncset.done $0x0  }
0x194: {  	s28 =	sadd.s32 $0x1600, s26;
	[sflag:s19] =	ssyncadd.s32 $0xFFFFC000  }
0x195: {  	[spmem:s2] =	stream.indirect.scatter.add.f32 [tilespmem:s17], [sflag:$0x3], $0x80, s28, s16, $0xb8;
	[tilespmem:$0x1E400] =	vst v63  }
0x196: {  	_ =	swait.ge [sflag:s20], $0x4000  }
0x197: {  	[sflag:s20] =	ssyncset.done $0x0  }
0x198: {  	s28 =	sadd.s32 $0x300, s26;
	[sflag:s20] =	ssyncadd.s32 $0xFFFFC000  }
0x199: {  	[tilespmem:s17], [sflag:$0x1] =	stream.indirect.gather [hbm4b:s4+s16], $0x80, s28, s16, $0xb8;
	[tilespmem:$0x1E400] =	vst v63  }
0x19a: {  	_ =	swait.ge [sflag:s21], $0x4000  }
0x19b: {  	[sflag:s21] =	ssyncset.done $0x0  }
0x19c: {  	s28 =	sadd.s32 $0x1680, s26;
	[sflag:s21] =	ssyncadd.s32 $0xFFFFC000  }
0x19d: {  	[spmem:s2] =	stream.indirect.scatter.add.f32 [tilespmem:s18], [sflag:$0x4], $0x80, s28, s16, $0xb8;
	[tilespmem:$0x1E400] =	vst v63  }
0x19e: {  	_ =	swait.ge [sflag:s22], $0x4000  }
0x19f: {  	[sflag:s22] =	ssyncset.done $0x0  }
0x1a0: {  	s28 =	sadd.s32 $0x380, s26;
	[sflag:s22] =	ssyncadd.s32 $0xFFFFC000  }
0x1a1: {  	[tilespmem:s18], [sflag:$0x2] =	stream.indirect.gather [hbm4b:s4+s16], $0x80, s28, s16, $0xb8;
	[tilespmem:$0x1E400] =	vst v63  }
0x1a2: {  	_ =	swait.ge [sflag:s19], $0x4000  }
0x1a3: {  	[sflag:s19] =	ssyncset.done $0x0  }
0x1a4: {  	s28 =	sadd.s32 $0x1700, s26;
	[sflag:s19] =	ssyncadd.s32 $0xFFFFC000  }
0x1a5: {  	[spmem:s2] =	stream.indirect.scatter.add.f32 [tilespmem:s17], [sflag:$0x3], $0x80, s28, s16, $0xb8;
	[tilespmem:$0x1E400] =	vst v63  }
0x1a6: {  	_ =	swait.ge [sflag:s20], $0x4000  }
0x1a7: {  	[sflag:s20] =	ssyncset.done $0x0  }
0x1a8: {  	s28 =	sadd.s32 $0x400, s26;
	[sflag:s20] =	ssyncadd.s32 $0xFFFFC000  }
0x1a9: {  	[tilespmem:s17], [sflag:$0x1] =	stream.indirect.gather [hbm4b:s4+s16], $0x80, s28, s16, $0xb8;
	[tilespmem:$0x1E400] =	vst v63  }
0x1aa: {  	_ =	swait.ge [sflag:s21], $0x4000  }
0x1ab: {  	[sflag:s21] =	ssyncset.done $0x0  }
0x1ac: {  	s28 =	sadd.s32 $0x1780, s26;
	[sflag:s21] =	ssyncadd.s32 $0xFFFFC000  }
0x1ad: {  	[spmem:s2] =	stream.indirect.scatter.add.f32 [tilespmem:s18], [sflag:$0x4], $0x80, s28, s16, $0xb8;
	[tilespmem:$0x1E400] =	vst v63  }
0x1ae: {  	_ =	swait.ge [sflag:s22], $0x4000  }
0x1af: {  	[sflag:s22] =	ssyncset.done $0x0  }
0x1b0: {  	s28 =	sadd.s32 $0x480, s26;
	[sflag:s22] =	ssyncadd.s32 $0xFFFFC000  }
0x1b1: {  	[tilespmem:s18], [sflag:$0x2] =	stream.indirect.gather [hbm4b:s4+s16], $0x80, s28, s16, $0xb8;
	[tilespmem:$0x1E400] =	vst v63  }
0x1b2: {  	_ =	swait.ge [sflag:s19], $0x4000  }
0x1b3: {  	[sflag:s19] =	ssyncset.done $0x0  }
0x1b4: {  	s28 =	sadd.s32 $0x1800, s26;
	[sflag:s19] =	ssyncadd.s32 $0xFFFFC000  }
0x1b5: {  	[spmem:s2] =	stream.indirect.scatter.add.f32 [tilespmem:s17], [sflag:$0x3], $0x80, s28, s16, $0xb8;
	[tilespmem:$0x1E400] =	vst v63  }
0x1b6: {  	_ =	swait.ge [sflag:s21], $0x4000  }
0x1b7: {  	[sflag:s21] =	ssyncset.done $0x0  }
0x1b8: {  	s26 =	sadd.s32 $0x1880, s26;
	[sflag:s21] =	ssyncadd.s32 $0xFFFFC000  }
0x1b9: {  	[spmem:s2] =	stream.indirect.scatter.add.f32 [tilespmem:s18], [sflag:$0x4], $0x80, s26, s16, $0xb8;
	[tilespmem:$0x1E400] =	vst v63  }
.Ltmp1:
0x1ba: {  	_ =	swait.ge [sflag:s20], $0x4000;
	(pc) =	sbr.rel @p0 .LBB2_4-.Ltmp1, $4  }
0x1bb: {  	[sflag:s20] =	ssyncset.done $0x0  }
0x1bc: {  	[sflag:s20] =	ssyncadd.s32 $0xFFFFC000  }
0x1bd: {  	_ =	swait.ge [sflag:s22], $0x4000  }
0x1be: {  	s28 =	smov.u32 s25;
	[sflag:s22] =	ssyncset.done $0x0  }
0x1bf: {  	s24 =	sshra.s32 s24, $0x2;
	[sflag:s22] =	ssyncadd.s32 $0xFFFFC000  }
0x1c0: {  	[tilespmem:s17], [sflag:$0x1] =	stream.indirect.gather [hbm4b:s4+s16], $0x80, s24, s16, $0xb8;
	[tilespmem:$0x1E400] =	vst v63  }
0x1c1: {  	s25 =	sadd.s32 $0x80, s24  }
0x1c2: {  	[tilespmem:s18], [sflag:$0x2] =	stream.indirect.gather [hbm4b:s4+s16], $0x80, s25, s16, $0xb8;
	[tilespmem:$0x1E400] =	vst v63  }
0x1c3: {  	_ =	swait.ge [sflag:s19], $0x4000  }
0x1c4: {  	[sflag:s19] =	ssyncset.done $0x0  }
0x1c5: {  	s30 =	sadd.s32 $0x1400, s24;
	[sflag:s19] =	ssyncadd.s32 $0xFFFFC000  }
0x1c6: {  	[spmem:s2] =	stream.indirect.scatter.add.f32 [tilespmem:s17], [sflag:$0x3], $0x80, s30, s16, $0xb8;
	[tilespmem:$0x1E400] =	vst v63  }
0x1c7: {  	_ =	swait.ge [sflag:s20], $0x4000  }
0x1c8: {  	[sflag:s20] =	ssyncset.done $0x0  }
0x1c9: {  	s31 =	sadd.s32 $0x100, s24;
	[sflag:s20] =	ssyncadd.s32 $0xFFFFC000  }
0x1ca: {  	[tilespmem:s17], [sflag:$0x1] =	stream.indirect.gather [hbm4b:s4+s16], $0x80, s31, s16, $0xb8;
	[tilespmem:$0x1E400] =	vst v63  }
0x1cb: {  	_ =	swait.ge [sflag:s21], $0x4000  }
0x1cc: {  	[sflag:s21] =	ssyncset.done $0x0  }
0x1cd: {  	s26 =	sadd.s32 $0x1480, s24;
	[sflag:s21] =	ssyncadd.s32 $0xFFFFC000  }
0x1ce: {  	[spmem:s2] =	stream.indirect.scatter.add.f32 [tilespmem:s18], [sflag:$0x4], $0x80, s26, s16, $0xb8;
	[tilespmem:$0x1E400] =	vst v63  }
0x1cf: {  	_ =	swait.ge [sflag:s22], $0x4000  }
0x1d0: {  	[sflag:s22] =	ssyncset.done $0x0  }
0x1d1: {  	s28 =	sadd.s32 $0x180, s24;
	[sflag:s22] =	ssyncadd.s32 $0xFFFFC000  }
0x1d2: {  	[tilespmem:s18], [sflag:$0x2] =	stream.indirect.gather [hbm4b:s4+s16], $0x80, s28, s16, $0xb8;
	[tilespmem:$0x1E400] =	vst v63  }
0x1d3: {  	_ =	swait.ge [sflag:s19], $0x4000  }
0x1d4: {  	[sflag:s19] =	ssyncset.done $0x0  }
0x1d5: {  	s29 =	sadd.s32 $0x1500, s24;
	[sflag:s19] =	ssyncadd.s32 $0xFFFFC000  }
0x1d6: {  	[spmem:s2] =	stream.indirect.scatter.add.f32 [tilespmem:s17], [sflag:$0x3], $0x80, s29, s16, $0xb8;
	[tilespmem:$0x1E400] =	vst v63  }
0x1d7: {  	_ =	swait.ge [sflag:s20], $0x4000  }
0x1d8: {  	[sflag:s20] =	ssyncset.done $0x0  }
0x1d9: {  	s30 =	sadd.s32 $0x200, s24;
	[sflag:s20] =	ssyncadd.s32 $0xFFFFC000  }
0x1da: {  	[tilespmem:s17], [sflag:$0x1] =	stream.indirect.gather [hbm4b:s4+s16], $0x80, s30, s16, $0xb8;
	[tilespmem:$0x1E400] =	vst v63  }
0x1db: {  	_ =	swait.ge [sflag:s21], $0x4000  }
0x1dc: {  	[sflag:s21] =	ssyncset.done $0x0  }
0x1dd: {  	s31 =	sadd.s32 $0x1580, s24;
	[sflag:s21] =	ssyncadd.s32 $0xFFFFC000  }
0x1de: {  	[spmem:s2] =	stream.indirect.scatter.add.f32 [tilespmem:s18], [sflag:$0x4], $0x80, s31, s16, $0xb8;
	[tilespmem:$0x1E400] =	vst v63  }
0x1df: {  	_ =	swait.ge [sflag:s22], $0x4000  }
0x1e0: {  	[sflag:s22] =	ssyncset.done $0x0  }
0x1e1: {  	s26 =	sadd.s32 $0x280, s24;
	[sflag:s22] =	ssyncadd.s32 $0xFFFFC000  }
0x1e2: {  	[tilespmem:s18], [sflag:$0x2] =	stream.indirect.gather [hbm4b:s4+s16], $0x80, s26, s16, $0xb8;
	[tilespmem:$0x1E400] =	vst v63  }
0x1e3: {  	_ =	swait.ge [sflag:s19], $0x4000  }
0x1e4: {  	[sflag:s19] =	ssyncset.done $0x0  }
0x1e5: {  	s28 =	sadd.s32 $0x1600, s24;
	[sflag:s19] =	ssyncadd.s32 $0xFFFFC000  }
0x1e6: {  	[spmem:s2] =	stream.indirect.scatter.add.f32 [tilespmem:s17], [sflag:$0x3], $0x80, s28, s16, $0xb8;
	[tilespmem:$0x1E400] =	vst v63  }
0x1e7: {  	_ =	swait.ge [sflag:s20], $0x4000  }
0x1e8: {  	[sflag:s20] =	ssyncset.done $0x0  }
0x1e9: {  	s29 =	sadd.s32 $0x300, s24;
	[sflag:s20] =	ssyncadd.s32 $0xFFFFC000  }
0x1ea: {  	[tilespmem:s17], [sflag:$0x1] =	stream.indirect.gather [hbm4b:s4+s16], $0x80, s29, s16, $0xb8;
	[tilespmem:$0x1E400] =	vst v63  }
0x1eb: {  	_ =	swait.ge [sflag:s21], $0x4000  }
0x1ec: {  	[sflag:s21] =	ssyncset.done $0x0  }
0x1ed: {  	s30 =	sadd.s32 $0x1680, s24;
	[sflag:s21] =	ssyncadd.s32 $0xFFFFC000  }
0x1ee: {  	[spmem:s2] =	stream.indirect.scatter.add.f32 [tilespmem:s18], [sflag:$0x4], $0x80, s30, s16, $0xb8;
	[tilespmem:$0x1E400] =	vst v63  }
0x1ef: {  	_ =	swait.ge [sflag:s22], $0x4000  }
0x1f0: {  	[sflag:s22] =	ssyncset.done $0x0  }
0x1f1: {  	s31 =	sadd.s32 $0x380, s24;
	[sflag:s22] =	ssyncadd.s32 $0xFFFFC000  }
0x1f2: {  	[tilespmem:s18], [sflag:$0x2] =	stream.indirect.gather [hbm4b:s4+s16], $0x80, s31, s16, $0xb8;
	[tilespmem:$0x1E400] =	vst v63  }
0x1f3: {  	_ =	swait.ge [sflag:s19], $0x4000  }
0x1f4: {  	[sflag:s19] =	ssyncset.done $0x0  }
0x1f5: {  	s26 =	sadd.s32 $0x1700, s24;
	[sflag:s19] =	ssyncadd.s32 $0xFFFFC000  }
0x1f6: {  	[spmem:s2] =	stream.indirect.scatter.add.f32 [tilespmem:s17], [sflag:$0x3], $0x80, s26, s16, $0xb8;
	[tilespmem:$0x1E400] =	vst v63  }
0x1f7: {  	_ =	swait.ge [sflag:s20], $0x4000  }
0x1f8: {  	[sflag:s20] =	ssyncset.done $0x0  }
0x1f9: {  	s28 =	sadd.s32 $0x400, s24;
	[sflag:s20] =	ssyncadd.s32 $0xFFFFC000  }
0x1fa: {  	[tilespmem:s17], [sflag:$0x1] =	stream.indirect.gather [hbm4b:s4+s16], $0x80, s28, s16, $0xb8;
	[tilespmem:$0x1E400] =	vst v63  }
0x1fb: {  	_ =	swait.ge [sflag:s21], $0x4000  }
0x1fc: {  	[sflag:s21] =	ssyncset.done $0x0  }
0x1fd: {  	s29 =	sadd.s32 $0x1780, s24;
	[sflag:s21] =	ssyncadd.s32 $0xFFFFC000  }
0x1fe: {  	[spmem:s2] =	stream.indirect.scatter.add.f32 [tilespmem:s18], [sflag:$0x4], $0x80, s29, s16, $0xb8;
	[tilespmem:$0x1E400] =	vst v63  }
0x1ff: {  	_ =	swait.ge [sflag:s22], $0x4000  }
0x200: {  	[sflag:s22] =	ssyncset.done $0x0  }
0x201: {  	s30 =	sadd.s32 $0x480, s24;
	[sflag:s22] =	ssyncadd.s32 $0xFFFFC000  }
0x202: {  	[tilespmem:s18], [sflag:$0x2] =	stream.indirect.gather [hbm4b:s4+s16], $0x80, s30, s16, $0xb8;
	[tilespmem:$0x1E400] =	vst v63  }
0x203: {  	_ =	swait.ge [sflag:s19], $0x4000  }
0x204: {  	[sflag:s19] =	ssyncset.done $0x0  }
0x205: {  	s31 =	sadd.s32 $0x1800, s24;
	[sflag:s19] =	ssyncadd.s32 $0xFFFFC000  }
0x206: {  	[spmem:s2] =	stream.indirect.scatter.add.f32 [tilespmem:s17], [sflag:$0x3], $0x80, s31, s16, $0xb8;
	[tilespmem:$0x1E400] =	vst v63  }
0x207: {  	_ =	swait.ge [sflag:s21], $0x4000  }
0x208: {  	[sflag:s21] =	ssyncset.done $0x0  }
0x209: {  	s24 =	sadd.s32 $0x1880, s24;
	[sflag:s21] =	ssyncadd.s32 $0xFFFFC000  }
0x20a: {  	[spmem:s2] =	stream.indirect.scatter.add.f32 [tilespmem:s18], [sflag:$0x4], $0x80, s24, s16, $0xb8;
	[tilespmem:$0x1E400] =	vst v63  }
0x20b: {  	_ =	swait.ge [sflag:s20], $0x4000  }
0x20c: {  	[sflag:s20] =	ssyncset.done $0x0  }
0x20d: {  	[sflag:s20] =	ssyncadd.s32 $0xFFFFC000  }
0x20e: {  	_ =	swait.ge [sflag:s22], $0x4000  }
0x20f: {  	s23 =	sadd.s32 $0x1, s23;
	[sflag:s22] =	ssyncset.done $0x0  }
0x210: {  	p0 =	sne.s32 s23, s12;
	[sflag:s22] =	ssyncadd.s32 $0xFFFFC000  }
.Ltmp2:
0x211: {  	[bflag:$0x0] =	sbarrier.arrive $0xFFFF;
	(pc) =	sbr.rel @p0 .LBB2_1-.Ltmp2, $4  }
0x212: {  	[hbm:s11], [sflag:s6] =	dma.local [spmem:s13], $0x2780  }
0x213: {  	_ =	swait.ge [sflag:s14], $0x2780  }
0x214: {  	[sflag:s14] =	ssyncset.done $0x0  }
0x215: {  	[sflag:s14] =	ssyncadd.s32 $0xFFFFD880  }
0x216: {  	_ =	sfence.sel $0x180000  }
0x217: {  	[bflag:$0x0] =	sbarrier.arrive $0xFFFF  }
0x218: {  	p0 =	sne.s32 s1, $0x0;
	_ =	strace $0x9000004A  }
0x219: {  	s0 =	sadd.s32 @!p0 $0x100000, s0;
	[bflag:$0x2] =	sbarrier.arrive $0xFFFF  }
0x21a: {  	[sflag:s0] =	ssyncadd.tile.s32 @!p0 $0x1;
	_ =	shalt  }
.Lfunc_end2:
_tile_overlayer_lowered:
.L_overlay_start_2:
0x21b: {  	(tag) =	ssettag $0x2  }
0x21c: {  	s0 =	rddreg [dreg:$0x0];
	s2 =	stileid.u32  }
0x21d: {  	s1 =	rddreg [dreg:$0x1];
	p0 =	sne.s32 s2, $0x0  }
0x21e: {  	s3 =	rddreg [dreg:$0x2];
	[bflag:$0x3] =	sbarrier.arrive $0xFFFF;
	s2 =	simm.s32 @!p0 $0x1C05  }
0x21f: {  	[timem:s3], [sflag:s2] =	dma.local @!p0 [hbm:s0], s1  }
0x220: {  	s0 =	simm.s32 @!p0 $0x5  }
0x221: {  	_ =	swait.ge @!p0 [sflag:s0], s1  }
0x222: {  	s1 =	ssub.s32 @!p0 $0x0, s1;
	[sflag:s0] =	ssyncset.done @!p0 $0x0  }
0x223: {  	[sflag:s0] =	ssyncadd.s32 @!p0 s1  }
0x224: {  	[bflag:$0x3] =	sbarrier.arrive $0xFFFF  }
0x225: {  	_ =	shalt  }

// kernel: kernel.14.cloned.1.call-start
scs
__scs_entry_jumppad:
0x0: {  	(pc) =	sbr.rel $0x88, $3  }
0x1: {  	(tag) =	ssettag $0x0;
	lr =	simm.s32 $0x1  }
0x2: {  	[smem:$0x3F99] =	sst lr;
	_ =	strace $0xD0000000  }
0x3: {  	_ = 	snop  }
0x4: {  	_ = 	snop  }
0x5: {  	_ = 	snop  }
0x6: {  	_ = 	snop  }
0x7: {  	_ = 	snop  }
__scs_overlays_trampoline_lowered:
0x8: {  	[smem:$0x3FA8] =	sst s0  }
0x9: {  	[smem:$0x3FA9] =	sst s1  }
0xa: {  	[smem:$0x3FAA] =	sst s2  }
0xb: {  	[smem:$0x3FAB] =	sst s3  }
0xc: {  	[smem:$0x3FAC] =	sst s4  }
0xd: {  	[smem:$0x3FAD] =	sst s5  }
0xe: {  	[smem:$0x3FAE] =	sst s6  }
0xf: {  	[smem:$0x3FAF] =	sst s7  }
0x10: {  	[smem:$0x3FB0] =	sst s8  }
0x11: {  	[smem:$0x3FB1] =	sst s9;
	s0 =	simm.s32 @!p0 $0x0  }
0x12: {  	s1 =	sld [smem:$0x3F97];
	s0 =	simm.s32 @p0 $0x1  }
0x13: {  	[smem:$0x3FB2] =	sst s0;
	s0 =	simm.s32 @!p1 $0x0  }
0x14: {  	s2 =	sld [smem:$0x3F96];
	s0 =	simm.s32 @p1 $0x1  }
0x15: {  	[smem:$0x3FB3] =	sst s0;
	s0 =	simm.s32 @!p2 $0x0  }
0x16: {  	s3 =	sld [smem:$0x3FDB];
	s0 =	simm.s32 @p2 $0x1  }
0x17: {  	s4 =	simm.s32 $0x1BF5;
	[smem:$0x3FB5] =	sst s0  }
0x18: {  	s0 =	sld [smem:$0x3F98];
	_ =	swait.ge [sflag:s4], $0x0  }
0x19: {  	s7 =	sld [smem:$0x3F99]  }
0x1a: {  	s8 =	sadd.s32 $0xFFFFE003, lr  }
0x1b: {  	s9 =	sadd.s32 $0xFFFFFEF7, lr;
	s5 =	simm.s32 $0xFFFFFFFF;
	p2 =	slt.u32 s8, $0xFFFFF086  }
0x1c: {  	p1 =	slt.u32 s9, $0xF7A;
	s5 =	simm.s32 @!p2 $0x0  }
0x1d: {  	s5 =	simm.s32 @p1 $0x1;
	p0 =	seq.s32 s7, s2  }
0x1e: {  	s7 =	smul.u32 @!p0 $0xF7A, s2;
	p2 =	seq.s32 @!p0 s5, $0x0  }
0x1f: {  	s9 =	smul.u32 $0xF7A, s1;
	s8 =	simm.s32 @!p0 $0x1BF5;
	p2 =	por !p2, p0  }
0x20: {  	[sflag:s8] =	ssyncset.s32 @!p0 $0xFFFFF086;
	s6 =	sadd.s32 @!p0 s3, s7;
	s7 =	simm.s32 @!p0 $0x108  }
0x21: {  	s3 =	sadd.s32 s3, s9;
	s6 =	sadd.s32 @!p0 $0x88, s6;
	s7 =	simm.s32 @p2 $0x1082  }
0x22: {  	[simem:s7], [sflag:s8] =	dma.local @!p0 [hbm:s6], $0xF7A  }
0x23: {  	s9 =	sor.u32 $0xD0000000, s2;
	s6 =	simm.s32 $0x108;
	_ =	swait.ge @!p0 [sflag:s8], $0x0  }
0x24: {  	s3 =	sadd.s32 $0x88, s3;
	s6 =	simm.s32 @!p1 $0x1082;
	[sflag:s4] =	ssyncset.s32 $0xFFFFF086  }
0x25: {  	[simem:s6], [sflag:s4] =	dma.local [hbm:s3], $0xF7A  }
0x26: {  	[smem:$0x3F99] =	sst s1;
	(tag) =	ssettag s2;
	_ =	strace s9  }
0x27: {  	s1 =	sld [smem:$0x3FA9]  }
0x28: {  	s2 =	sld [smem:$0x3FAA]  }
0x29: {  	s4 =	sld [smem:$0x3FAC]  }
0x2a: {  	p0 =	seq.s32 s5, $0x0;
	s5 =	sld [smem:$0x3FAD]  }
0x2b: {  	s6 =	sld [smem:$0x3FAE]  }
0x2c: {  	s7 =	sld [smem:$0x3FAF]  }
0x2d: {  	s3 =	simm.s32 $0x108;
	s8 =	sld [smem:$0x3FB0]  }
0x2e: {  	s3 =	simm.s32 @!p0 $0x1082;
	s9 =	sld [smem:$0x3FB1]  }
0x2f: {  	lr =	sadd.s32 s0, s3;
	s0 =	sld [smem:$0x3FA8]  }
0x30: {  	s3 =	sld [smem:$0x3FAB]  }
0x31: {  	[smem:$0x3FB4] =	sst s10  }
0x32: {  	s10 =	sld [smem:$0x3FB2];
	_ =	sdelay $0x3  }
0x33: {  	p0 =	seq.s32 s10, $0x1;
	s10 =	sld [smem:$0x3FB4];
	_ =	sdelay $0x3  }
0x34: {  	[smem:$0x3FB4] =	sst s10  }
0x35: {  	s10 =	sld [smem:$0x3FB3];
	_ =	sdelay $0x3  }
0x36: {  	p1 =	seq.s32 s10, $0x1;
	s10 =	sld [smem:$0x3FB4];
	_ =	sdelay $0x3  }
0x37: {  	[smem:$0x3FB4] =	sst s10  }
0x38: {  	s10 =	sld [smem:$0x3FB5]  }
0x39: {  	_ = 	snop;
	(pc) =	sbr.ind lr, $3  }
0x3a: {  	_ = 	snop  }
0x3b: {  	_ = 	snop  }
0x3c: {  	p2 =	seq.s32 s10, $0x1;
	s10 =	sld [smem:$0x3FB4]  }
0x3d: {  	_ =	shalt  }
0x3e: {  	_ =	shalt  }
0x3f: {  	_ =	shalt  }
0x40: {  	_ =	shalt  }
0x41: {  	_ =	shalt  }
0x42: {  	_ =	shalt  }
0x43: {  	_ =	shalt  }
0x44: {  	_ =	shalt  }
0x45: {  	_ =	shalt  }
0x46: {  	_ =	shalt  }
0x47: {  	_ =	shalt  }
0x48: {  	_ =	shalt  }
0x49: {  	_ =	shalt  }
0x4a: {  	_ =	shalt  }
0x4b: {  	_ =	shalt  }
0x4c: {  	_ =	shalt  }
0x4d: {  	_ =	shalt  }
0x4e: {  	_ =	shalt  }
0x4f: {  	_ =	shalt  }
0x50: {  	_ =	shalt  }
0x51: {  	_ =	shalt  }
0x52: {  	_ =	shalt  }
0x53: {  	_ =	shalt  }
0x54: {  	_ =	shalt  }
0x55: {  	_ =	shalt  }
0x56: {  	_ =	shalt  }
0x57: {  	_ =	shalt  }
0x58: {  	_ =	shalt  }
0x59: {  	_ =	shalt  }
0x5a: {  	_ =	shalt  }
0x5b: {  	_ =	shalt  }
0x5c: {  	_ =	shalt  }
0x5d: {  	_ =	shalt  }
0x5e: {  	_ =	shalt  }
0x5f: {  	_ =	shalt  }
0x60: {  	_ =	shalt  }
0x61: {  	_ =	shalt  }
0x62: {  	_ =	shalt  }
0x63: {  	_ =	shalt  }
0x64: {  	_ =	shalt  }
0x65: {  	_ =	shalt  }
0x66: {  	_ =	shalt  }
0x67: {  	_ =	shalt  }
0x68: {  	_ =	shalt  }
0x69: {  	_ =	shalt  }
0x6a: {  	_ =	shalt  }
0x6b: {  	_ =	shalt  }
0x6c: {  	_ =	shalt  }
0x6d: {  	_ =	shalt  }
0x6e: {  	_ =	shalt  }
0x6f: {  	_ =	shalt  }
0x70: {  	_ =	shalt  }
0x71: {  	_ =	shalt  }
0x72: {  	_ =	shalt  }
0x73: {  	_ =	shalt  }
0x74: {  	_ =	shalt  }
0x75: {  	_ =	shalt  }
0x76: {  	_ =	shalt  }
0x77: {  	_ =	shalt  }
0x78: {  	_ =	shalt  }
0x79: {  	_ =	shalt  }
0x7a: {  	_ =	shalt  }
0x7b: {  	_ =	shalt  }
0x7c: {  	_ =	shalt  }
0x7d: {  	_ =	shalt  }
0x7e: {  	_ =	shalt  }
0x7f: {  	_ =	shalt  }
0x80: {  	_ =	shalt  }
0x81: {  	_ =	shalt  }
0x82: {  	_ =	shalt  }
0x83: {  	_ =	shalt  }
0x84: {  	_ =	shalt  }
0x85: {  	_ =	shalt  }
0x86: {  	_ =	shalt  }
0x87: {  	_ =	shalt  }
.Lfunc_end0:
.L_simem_size_0:
called_computation.2_lowered:
.L_overlay_start_0:
0x88: {  	s2 =	sld [smem:$0x3FD9]  }
0x89: {  	s3 =	sld [smem:$0x3FFE];
	_ =	sdelay $0x1  }
0x8a: {  	s1 =	srdreg.scid  }
0x8b: {  	s0 =	sand.u32 $0x1, s1  }
0x8c: {  	s17 =	sshll.u32 s0, $0xA;
	s2 =	sadd.s32 s3, s2  }
0x8d: {  	s2 =	sadd.s32 s2, s17  }
0x8e: {  	[smem:$0x3FC0] =	sst s2  }
0x8f: {  	_ = 	snop  }
0x90: {  	s2 =	sld [smem:$0x3FD0];
	(tm) =	ssettm $0x1  }
0x91: {  	s18 =	sld [smem:$0x3FFB];
	_ =	sdelay $0x3  }
0x92: {  	_ =	strace s18  }
0x93: {  	s3 =	sld [smem:$0x3FFC];
	_ =	sdelay $0x3  }
0x94: {  	_ =	strace s3  }
0x95: {  	s3 =	sld [smem:$0x3FFD];
	_ =	sdelay $0x3  }
0x96: {  	_ =	strace s3  }
0x97: {  	_ =	strace $0x8FFFFFFF  }
0x98: {  	s19 =	sld [smem:$0x3FDB];
	_ =	sdelay $0x1  }
0x99: {  	s4 =	simm.s32 $_scs_section_size  }
0x9a: {  	s5 =	simm.s32 $_size__tile_overlayer_lowered;
	s6 =	simm.s32 $_tile_overlayer_lowered  }
0x9b: {  	s22 =	simm.s32 $0x1BFF;
	s21 =	sshll.u32 s6, $0x1;
	s3 =	sadd.s32 s4, s19  }
0x9c: {  	s7 =	simm.s32 $0x0;
	s20 =	sshll.u32 s5, $0x1;
	s5 =	sadd.s32 s21, s3  }
0x9d: {  	[timem:s7], [sflag:s22] =	dma.local [hbm:s5], s20  }
0x9e: {  	_ =	swait.ge [sflag:s22], s20  }
0x9f: {  	s4 =	ssub.s32 $0x0, s20;
	[sflag:s22] =	ssyncset.done $0x0  }
0xa0: {  	[sflag:s22] =	ssyncadd.s32 s4;
	_ =	sdelay $0x1  }
0xa1: {  	s23 =	simm.s32 $0x1B8B  }
0xa2: {  	_ =	swait.ge [sflag:s23], $0x1  }
0xa3: {  	[sflag:s23] =	ssyncset.done $0x0  }
0xa4: {  	s25 =	simm.s32 $0x1B8E;
	s24 =	sld [smem:$0x3FFE];
	[sflag:s23] =	ssyncadd.s32 $0xFFFFFFFF  }
0xa5: {  	s26 =	simm.s32 $execute0_lowered;
	[smem:$0x3FD2] =	sst s25  }
0xa6: {  	s5 =	sshll.u32 s26, $0x1;
	_ =	strace $0x8000004C;
	[dreg:$0x1] =	wrdreg $0xFFFFFFFF  }
0xa7: {  	s28 =	simm.s32 $_size_execute0_lowered;
	s3 =	sadd.s32 s3, s5;
	[dreg:$0x0] =	wrdreg $0x0  }
0xa8: {  	s5 =	sshll.u32 s28, $0x1;
	[dreg:$0x2] =	wrdreg s3  }
0xa9: {  	[dreg:$0x3] =	wrdreg s5  }
0xaa: {  	[dreg:$0x4] =	wrdreg $0xC0  }
0xab: {  	_ =	task [dreg:s7], $0x5FFFF  }
0xac: {  	[dreg:$0x1] =	wrdreg $0xFFFFFFFF  }
0xad: {  	[dreg:$0x0] =	wrdreg $0x60  }
0xae: {  	[dreg:$0x2] =	wrdreg s24  }
0xaf: {  	[dreg:$0x3] =	wrdreg s2  }
0xb0: {  	[dreg:$0x4] =	wrdreg $0xA8000  }
0xb1: {  	[dreg:$0x5] =	wrdreg $0x9  }
0xb2: {  	_ =	task.clear_ibuf [dreg:s7], $0x6FFFF;
	_ =	strace $0x9000004C  }
0xb3: {  	s29 =	simm.s32 $0x9;
	_ =	strace $0x8000004E  }
0xb4: {  	_ =	swait.ge [sflag:s29], $0x1  }
0xb5: {  	[sflag:s29] =	ssyncadd.s32 $0xFFFFFFFF  }
0xb6: {  	_ =	strace $0x9000004E  }
0xb7: {  	_ =	sfence  }
0xb8: {  	s30 =	sld [smem:$0x0];
	_ =	sdelay $0x2  }
0xb9: {  	s31 =	sshll.u32 s1, $0xD;
	s1 =	sshrl.u32 s1, $0x2  }
0xba: {  	s3 =	sand.u32 $0x4000, s31;
	s1 =	sadd.s32 s1, s30  }
0xbb: {  	s0 =	sor.u32 s3, s0;
	s1 =	sshll.u32 s1, $0x11  }
0xbc: {  	s0 =	sor.u32 s1, s0  }
0xbd: {  	s0 =	sadd.s32 $0x8F2B, s0  }
0xbe: {  	[sflag:s0] =	ssyncadd.remote.s32 $0x1  }
0xbf: {  	_ =	sfence.sel $0xFFFF  }
0xc0: {  	[dreg:$0x0] =	wrdreg $0xFFFFFFFF;
	(pc) =	sbr.abs _section_cstart, $3  }
0xc1: {  	[dreg:$0x1] =	wrdreg $0xFFFFFFFF  }
0xc2: {  	_ =	task.clear_ibuf [dreg:s7], $0x2FFFF;
	_ =	strace $0x9FFFFFFF  }
0xc3: {  	(tm) =	ssettm $0x7FFFFFFF  }
tec
execute0_lowered:
.L_overlay_start_1:
0x0: {  	(tag) =	ssettag $0x1  }
0x1: {  	s5 =	rddreg [dreg:$0x0]  }
0x2: {  	s10 =	rddreg [dreg:$0x1]  }
0x3: {  	s2 =	rddreg [dreg:$0x2]  }
0x4: {  	s0 =	rddreg [dreg:$0x3];
	s1 =	stileid.u32  }
0x5: {  	s4 =	srdreg.scid;
	s3 =	simm.s32 $0x0;
	s16 =	simm.s32 $0x80  }
0x6: {  	s17 =	simm.s32 $0x2800;
	s18 =	simm.s32 $0x6800;
	s19 =	simm.s32 $0x1  }
0x7: {  	s20 =	simm.s32 $0x3;
	s21 =	simm.s32 $0x2;
	s22 =	simm.s32 $0x4  }
0x8: {  	s23 =	simm.s32 $0x0;
	s6 =	smul.u32 $0x13C00, s1;
	s7 =	sand.u32 $0x1, s4  }
0x9: {  	[smem:$0x7FF] =	sst s3;
	s4 =	sadd.s32 $0xC400, s5;
	s11 =	sadd.s32 $0x2400, s5  }
0xa: {  	s25 =	smul.u32 $0x4F000, s1;
	s12 =	sshll.u32 s1, $0x1;
	s30 =	sshll.u32 s1, $0x6  }
0xb: {  	s8 =	smul.u32 $0x13C000, s7;
	_ =	strace $0x8000004D;
	s26 =	ssub.s32 $0x2, s7  }
0xc: {  	s28 =	sor.u32 s7, s12;
	s9 =	sshrl.u32 s6, $0x3;
	s29 =	sshrl.u32 s26, $0x1  }
0xd: {  	s12 =	smul.u32 $0x2800, s28;
	s9 =	sadd.s32 s9, s5;
	s6 =	sadd.s32 s6, s8  }
0xe: {  	s8 =	sshrl.u32 s25, $0x2;
	s14 =	ssub.s32 s26, s29;
	s6 =	sshrl.u32 s6, $0x3  }
0xf: {  	s15 =	sadd.s32 s8, s2;
	s31 =	sshrl.u32 s12, $0x3;
	s13 =	sadd.s32 s6, s5  }
0x10: {  	s5 =	sadd.s32 $0x33600, s9;
	s6 =	sor.u32 $0x1C05, s30;
	s12 =	sadd.s32 $0x280, s31  }
0x11: {  	s7 =	sadd.s32 s11, s31;
	s8 =	sadd.s32 s10, s31;
	s9 =	sadd.s32 s11, s12  }
0x12: {  	s10 =	sadd.s32 s10, s12;
	s11 =	sadd.s32 $0x5AE00, s13;
	s12 =	smax.u32 s14, $0x1  }
0x13: {  	s13 =	sshrl.u32 s15, $0x3;
	s14 =	simm.s32 $0x5;
	s15 =	simm.s32 $0x1400  }
.LBB2_1:
0x14: {  	[spmem:s13], [sflag:s6] =	dma.local [hbm:s5], $0x2780  }
0x15: {  	_ =	swait.ge [sflag:s14], $0x2780  }
0x16: {  	[sflag:s14] =	ssyncset.done $0x0  }
0x17: {  	[sflag:s14] =	ssyncadd.s32 $0xFFFFD880  }
0x18: {  	[bflag:$0x0] =	sbarrier.arrive $0xFFFF  }
0x19: {  	[tilespmem:s3], [sflag:$0x5] =	stream.linear.gather [hbm4b:s7+s3], $0x1400, $0x38;
	[tilespmem:$0x1E400] =	vst v63  }
0x1a: {  	_ =	swait.ge [sflag:s14], $0x1400  }
0x1b: {  	[sflag:s14] =	ssyncset.done $0x0  }
0x1c: {  	[sflag:s14] =	ssyncadd.s32 $0xFFFFEC00  }
0x1d: {  	[tilespmem:s15], [sflag:$0x5] =	stream.linear.gather [hbm4b:s8+s3], $0x1400, $0x38;
	[tilespmem:$0x1E400] =	vst v63  }
0x1e: {  	_ =	swait.ge [sflag:s14], $0x1400  }
0x1f: {  	[sflag:s14] =	ssyncset.done $0x0  }
0x20: {  	s24 =	simm.s32 $0x0;
	[sflag:s14] =	ssyncadd.s32 $0xFFFFEC00  }
0x21: {  	[tilespmem:s17], [sflag:$0x1] =	stream.indirect.gather [hbm4b:s4+s16], $0x80, s24, s16, $0xb8;
	[tilespmem:$0x1E400] =	vst v63  }
0x22: {  	s26 =	simm.s32 $0x80  }
0x23: {  	[tilespmem:s18], [sflag:$0x2] =	stream.indirect.gather [hbm4b:s4+s16], $0x80, s26, s16, $0xb8;
	[tilespmem:$0x1E400] =	vst v63  }
0x24: {  	_ =	swait.ge [sflag:s19], $0x4000  }
0x25: {  	[sflag:s19] =	ssyncset.done $0x0  }
0x26: {  	s29 =	simm.s32 $0x1400;
	[sflag:s19] =	ssyncadd.s32 $0xFFFFC000  }
0x27: {  	[spmem:s2] =	stream.indirect.scatter.add.f32 [tilespmem:s17], [sflag:$0x3], $0x80, s29, s16, $0xb8;
	[tilespmem:$0x1E400] =	vst v63  }
0x28: {  	_ =	swait.ge [sflag:s20], $0x4000  }
0x29: {  	[sflag:s20] =	ssyncset.done $0x0  }
0x2a: {  	s30 =	simm.s32 $0x100;
	[sflag:s20] =	ssyncadd.s32 $0xFFFFC000  }
0x2b: {  	[tilespmem:s17], [sflag:$0x1] =	stream.indirect.gather [hbm4b:s4+s16], $0x80, s30, s16, $0xb8;
	[tilespmem:$0x1E400] =	vst v63  }
0x2c: {  	_ =	swait.ge [sflag:s21], $0x4000  }
0x2d: {  	[sflag:s21] =	ssyncset.done $0x0  }
0x2e: {  	s31 =	simm.s32 $0x1480;
	[sflag:s21] =	ssyncadd.s32 $0xFFFFC000  }
0x2f: {  	[spmem:s2] =	stream.indirect.scatter.add.f32 [tilespmem:s18], [sflag:$0x4], $0x80, s31, s16, $0xb8;
	[tilespmem:$0x1E400] =	vst v63  }
0x30: {  	_ =	swait.ge [sflag:s22], $0x4000  }
0x31: {  	[sflag:s22] =	ssyncset.done $0x0  }
0x32: {  	s25 =	simm.s32 $0x180;
	[sflag:s22] =	ssyncadd.s32 $0xFFFFC000  }
0x33: {  	[tilespmem:s18], [sflag:$0x2] =	stream.indirect.gather [hbm4b:s4+s16], $0x80, s25, s16, $0xb8;
	[tilespmem:$0x1E400] =	vst v63  }
0x34: {  	_ =	swait.ge [sflag:s19], $0x4000  }
0x35: {  	[sflag:s19] =	ssyncset.done $0x0  }
0x36: {  	s26 =	simm.s32 $0x1500;
	[sflag:s19] =	ssyncadd.s32 $0xFFFFC000  }
0x37: {  	[spmem:s2] =	stream.indirect.scatter.add.f32 [tilespmem:s17], [sflag:$0x3], $0x80, s26, s16, $0xb8;
	[tilespmem:$0x1E400] =	vst v63  }
0x38: {  	_ =	swait.ge [sflag:s20], $0x4000  }
0x39: {  	[sflag:s20] =	ssyncset.done $0x0  }
0x3a: {  	s29 =	simm.s32 $0x200;
	[sflag:s20] =	ssyncadd.s32 $0xFFFFC000  }
0x3b: {  	[tilespmem:s17], [sflag:$0x1] =	stream.indirect.gather [hbm4b:s4+s16], $0x80, s29, s16, $0xb8;
	[tilespmem:$0x1E400] =	vst v63  }
0x3c: {  	_ =	swait.ge [sflag:s21], $0x4000  }
0x3d: {  	[sflag:s21] =	ssyncset.done $0x0  }
0x3e: {  	s30 =	simm.s32 $0x1580;
	[sflag:s21] =	ssyncadd.s32 $0xFFFFC000  }
0x3f: {  	[spmem:s2] =	stream.indirect.scatter.add.f32 [tilespmem:s18], [sflag:$0x4], $0x80, s30, s16, $0xb8;
	[tilespmem:$0x1E400] =	vst v63  }
0x40: {  	_ =	swait.ge [sflag:s22], $0x4000  }
0x41: {  	[sflag:s22] =	ssyncset.done $0x0  }
0x42: {  	s31 =	simm.s32 $0x280;
	[sflag:s22] =	ssyncadd.s32 $0xFFFFC000  }
0x43: {  	[tilespmem:s18], [sflag:$0x2] =	stream.indirect.gather [hbm4b:s4+s16], $0x80, s31, s16, $0xb8;
	[tilespmem:$0x1E400] =	vst v63  }
0x44: {  	_ =	swait.ge [sflag:s19], $0x4000  }
0x45: {  	[sflag:s19] =	ssyncset.done $0x0  }
0x46: {  	s25 =	simm.s32 $0x1600;
	[sflag:s19] =	ssyncadd.s32 $0xFFFFC000  }
0x47: {  	[spmem:s2] =	stream.indirect.scatter.add.f32 [tilespmem:s17], [sflag:$0x3], $0x80, s25, s16, $0xb8;
	[tilespmem:$0x1E400] =	vst v63  }
0x48: {  	_ =	swait.ge [sflag:s20], $0x4000  }
0x49: {  	[sflag:s20] =	ssyncset.done $0x0  }
0x4a: {  	s26 =	simm.s32 $0x300;
	[sflag:s20] =	ssyncadd.s32 $0xFFFFC000  }
0x4b: {  	[tilespmem:s17], [sflag:$0x1] =	stream.indirect.gather [hbm4b:s4+s16], $0x80, s26, s16, $0xb8;
	[tilespmem:$0x1E400] =	vst v63  }
0x4c: {  	_ =	swait.ge [sflag:s21], $0x4000  }
0x4d: {  	[sflag:s21] =	ssyncset.done $0x0  }
0x4e: {  	s29 =	simm.s32 $0x1680;
	[sflag:s21] =	ssyncadd.s32 $0xFFFFC000  }
0x4f: {  	[spmem:s2] =	stream.indirect.scatter.add.f32 [tilespmem:s18], [sflag:$0x4], $0x80, s29, s16, $0xb8;
	[tilespmem:$0x1E400] =	vst v63  }
0x50: {  	_ =	swait.ge [sflag:s22], $0x4000  }
0x51: {  	[sflag:s22] =	ssyncset.done $0x0  }
0x52: {  	s30 =	simm.s32 $0x380;
	[sflag:s22] =	ssyncadd.s32 $0xFFFFC000  }
0x53: {  	[tilespmem:s18], [sflag:$0x2] =	stream.indirect.gather [hbm4b:s4+s16], $0x80, s30, s16, $0xb8;
	[tilespmem:$0x1E400] =	vst v63  }
0x54: {  	_ =	swait.ge [sflag:s19], $0x4000  }
0x55: {  	[sflag:s19] =	ssyncset.done $0x0  }
0x56: {  	s31 =	simm.s32 $0x1700;
	[sflag:s19] =	ssyncadd.s32 $0xFFFFC000  }
0x57: {  	[spmem:s2] =	stream.indirect.scatter.add.f32 [tilespmem:s17], [sflag:$0x3], $0x80, s31, s16, $0xb8;
	[tilespmem:$0x1E400] =	vst v63  }
0x58: {  	_ =	swait.ge [sflag:s20], $0x4000  }
0x59: {  	[sflag:s20] =	ssyncset.done $0x0  }
0x5a: {  	s25 =	simm.s32 $0x400;
	[sflag:s20] =	ssyncadd.s32 $0xFFFFC000  }
0x5b: {  	[tilespmem:s17], [sflag:$0x1] =	stream.indirect.gather [hbm4b:s4+s16], $0x80, s25, s16, $0xb8;
	[tilespmem:$0x1E400] =	vst v63  }
0x5c: {  	_ =	swait.ge [sflag:s21], $0x4000  }
0x5d: {  	[sflag:s21] =	ssyncset.done $0x0  }
0x5e: {  	s26 =	simm.s32 $0x1780;
	[sflag:s21] =	ssyncadd.s32 $0xFFFFC000  }
0x5f: {  	[spmem:s2] =	stream.indirect.scatter.add.f32 [tilespmem:s18], [sflag:$0x4], $0x80, s26, s16, $0xb8;
	[tilespmem:$0x1E400] =	vst v63  }
0x60: {  	_ =	swait.ge [sflag:s22], $0x4000  }
0x61: {  	[sflag:s22] =	ssyncset.done $0x0  }
0x62: {  	s29 =	simm.s32 $0x480;
	[sflag:s22] =	ssyncadd.s32 $0xFFFFC000  }
0x63: {  	[tilespmem:s18], [sflag:$0x2] =	stream.indirect.gather [hbm4b:s4+s16], $0x80, s29, s16, $0xb8;
	[tilespmem:$0x1E400] =	vst v63  }
0x64: {  	_ =	swait.ge [sflag:s19], $0x4000  }
0x65: {  	[sflag:s19] =	ssyncset.done $0x0  }
0x66: {  	s30 =	simm.s32 $0x1800;
	[sflag:s19] =	ssyncadd.s32 $0xFFFFC000  }
0x67: {  	[spmem:s2] =	stream.indirect.scatter.add.f32 [tilespmem:s17], [sflag:$0x3], $0x80, s30, s16, $0xb8;
	[tilespmem:$0x1E400] =	vst v63  }
0x68: {  	_ =	swait.ge [sflag:s21], $0x4000  }
0x69: {  	[sflag:s21] =	ssyncset.done $0x0  }
0x6a: {  	s31 =	simm.s32 $0x1880;
	[sflag:s21] =	ssyncadd.s32 $0xFFFFC000  }
0x6b: {  	[spmem:s2] =	stream.indirect.scatter.add.f32 [tilespmem:s18], [sflag:$0x4], $0x80, s31, s16, $0xb8;
	[tilespmem:$0x1E400] =	vst v63  }
0x6c: {  	_ =	swait.ge [sflag:s20], $0x4000  }
0x6d: {  	[sflag:s20] =	ssyncset.done $0x0  }
0x6e: {  	[sflag:s20] =	ssyncadd.s32 $0xFFFFC000  }
0x6f: {  	_ =	swait.ge [sflag:s22], $0x4000  }
0x70: {  	s28 =	simm.s32 $0x2800;
	s24 =	simm.s32 $0x1400;
	[sflag:s22] =	ssyncset.done $0x0  }
.LBB2_2:
0x71: {  	s26 =	sshra.s32 s24, $0x2  }
0x72: {  	[sflag:s22] =	ssyncadd.s32 $0xFFFFC000;
	s24 =	smov.u32 s28;
	s25 =	sadd.s32 $0x1400, s28  }
0x73: {  	[tilespmem:s17], [sflag:$0x1] =	stream.indirect.gather [hbm4b:s4+s16], $0x80, s26, s16, $0xb8;
	[tilespmem:$0x1E400] =	vst v63  }
0x74: {  	p0 =	sne.s32 s28, $0x3C00;
	s28 =	sadd.s32 $0x80, s26  }
0x75: {  	[tilespmem:s18], [sflag:$0x2] =	stream.indirect.gather [hbm4b:s4+s16], $0x80, s28, s16, $0xb8;
	[tilespmem:$0x1E400] =	vst v63  }
0x76: {  	_ =	swait.ge [sflag:s19], $0x4000  }
0x77: {  	[sflag:s19] =	ssyncset.done $0x0  }
0x78: {  	s28 =	sadd.s32 $0x1400, s26;
	[sflag:s19] =	ssyncadd.s32 $0xFFFFC000  }
0x79: {  	[spmem:s2] =	stream.indirect.scatter.add.f32 [tilespmem:s17], [sflag:$0x3], $0x80, s28, s16, $0xb8;
	[tilespmem:$0x1E400] =	vst v63  }
0x7a: {  	_ =	swait.ge [sflag:s20], $0x4000  }
0x7b: {  	[sflag:s20] =	ssyncset.done $0x0  }
0x7c: {  	s28 =	sadd.s32 $0x100, s26;
	[sflag:s20] =	ssyncadd.s32 $0xFFFFC000  }
0x7d: {  	[tilespmem:s17], [sflag:$0x1] =	stream.indirect.gather [hbm4b:s4+s16], $0x80, s28, s16, $0xb8;
	[tilespmem:$0x1E400] =	vst v63  }
0x7e: {  	_ =	swait.ge [sflag:s21], $0x4000  }
0x7f: {  	[sflag:s21] =	ssyncset.done $0x0  }
0x80: {  	s28 =	sadd.s32 $0x1480, s26;
	[sflag:s21] =	ssyncadd.s32 $0xFFFFC000  }
0x81: {  	[spmem:s2] =	stream.indirect.scatter.add.f32 [tilespmem:s18], [sflag:$0x4], $0x80, s28, s16, $0xb8;
	[tilespmem:$0x1E400] =	vst v63  }
0x82: {  	_ =	swait.ge [sflag:s22], $0x4000  }
0x83: {  	[sflag:s22] =	ssyncset.done $0x0  }
0x84: {  	s28 =	sadd.s32 $0x180, s26;
	[sflag:s22] =	ssyncadd.s32 $0xFFFFC000  }
0x85: {  	[tilespmem:s18], [sflag:$0x2] =	stream.indirect.gather [hbm4b:s4+s16], $0x80, s28, s16, $0xb8;
	[tilespmem:$0x1E400] =	vst v63  }
0x86: {  	_ =	swait.ge [sflag:s19], $0x4000  }
0x87: {  	[sflag:s19] =	ssyncset.done $0x0  }
0x88: {  	s28 =	sadd.s32 $0x1500, s26;
	[sflag:s19] =	ssyncadd.s32 $0xFFFFC000  }
0x89: {  	[spmem:s2] =	stream.indirect.scatter.add.f32 [tilespmem:s17], [sflag:$0x3], $0x80, s28, s16, $0xb8;
	[tilespmem:$0x1E400] =	vst v63  }
0x8a: {  	_ =	swait.ge [sflag:s20], $0x4000  }
0x8b: {  	[sflag:s20] =	ssyncset.done $0x0  }
0x8c: {  	s28 =	sadd.s32 $0x200, s26;
	[sflag:s20] =	ssyncadd.s32 $0xFFFFC000  }
0x8d: {  	[tilespmem:s17], [sflag:$0x1] =	stream.indirect.gather [hbm4b:s4+s16], $0x80, s28, s16, $0xb8;
	[tilespmem:$0x1E400] =	vst v63  }
0x8e: {  	_ =	swait.ge [sflag:s21], $0x4000  }
0x8f: {  	[sflag:s21] =	ssyncset.done $0x0  }
0x90: {  	s28 =	sadd.s32 $0x1580, s26;
	[sflag:s21] =	ssyncadd.s32 $0xFFFFC000  }
0x91: {  	[spmem:s2] =	stream.indirect.scatter.add.f32 [tilespmem:s18], [sflag:$0x4], $0x80, s28, s16, $0xb8;
	[tilespmem:$0x1E400] =	vst v63  }
0x92: {  	_ =	swait.ge [sflag:s22], $0x4000  }
0x93: {  	[sflag:s22] =	ssyncset.done $0x0  }
0x94: {  	s28 =	sadd.s32 $0x280, s26;
	[sflag:s22] =	ssyncadd.s32 $0xFFFFC000  }
0x95: {  	[tilespmem:s18], [sflag:$0x2] =	stream.indirect.gather [hbm4b:s4+s16], $0x80, s28, s16, $0xb8;
	[tilespmem:$0x1E400] =	vst v63  }
0x96: {  	_ =	swait.ge [sflag:s19], $0x4000  }
0x97: {  	[sflag:s19] =	ssyncset.done $0x0  }
0x98: {  	s28 =	sadd.s32 $0x1600, s26;
	[sflag:s19] =	ssyncadd.s32 $0xFFFFC000  }
0x99: {  	[spmem:s2] =	stream.indirect.scatter.add.f32 [tilespmem:s17], [sflag:$0x3], $0x80, s28, s16, $0xb8;
	[tilespmem:$0x1E400] =	vst v63  }
0x9a: {  	_ =	swait.ge [sflag:s20], $0x4000  }
0x9b: {  	[sflag:s20] =	ssyncset.done $0x0  }
0x9c: {  	s28 =	sadd.s32 $0x300, s26;
	[sflag:s20] =	ssyncadd.s32 $0xFFFFC000  }
0x9d: {  	[tilespmem:s17], [sflag:$0x1] =	stream.indirect.gather [hbm4b:s4+s16], $0x80, s28, s16, $0xb8;
	[tilespmem:$0x1E400] =	vst v63  }
0x9e: {  	_ =	swait.ge [sflag:s21], $0x4000  }
0x9f: {  	[sflag:s21] =	ssyncset.done $0x0  }
0xa0: {  	s28 =	sadd.s32 $0x1680, s26;
	[sflag:s21] =	ssyncadd.s32 $0xFFFFC000  }
0xa1: {  	[spmem:s2] =	stream.indirect.scatter.add.f32 [tilespmem:s18], [sflag:$0x4], $0x80, s28, s16, $0xb8;
	[tilespmem:$0x1E400] =	vst v63  }
0xa2: {  	_ =	swait.ge [sflag:s22], $0x4000  }
0xa3: {  	[sflag:s22] =	ssyncset.done $0x0  }
0xa4: {  	s28 =	sadd.s32 $0x380, s26;
	[sflag:s22] =	ssyncadd.s32 $0xFFFFC000  }
0xa5: {  	[tilespmem:s18], [sflag:$0x2] =	stream.indirect.gather [hbm4b:s4+s16], $0x80, s28, s16, $0xb8;
	[tilespmem:$0x1E400] =	vst v63  }
0xa6: {  	_ =	swait.ge [sflag:s19], $0x4000  }
0xa7: {  	[sflag:s19] =	ssyncset.done $0x0  }
0xa8: {  	s28 =	sadd.s32 $0x1700, s26;
	[sflag:s19] =	ssyncadd.s32 $0xFFFFC000  }
0xa9: {  	[spmem:s2] =	stream.indirect.scatter.add.f32 [tilespmem:s17], [sflag:$0x3], $0x80, s28, s16, $0xb8;
	[tilespmem:$0x1E400] =	vst v63  }
0xaa: {  	_ =	swait.ge [sflag:s20], $0x4000  }
0xab: {  	[sflag:s20] =	ssyncset.done $0x0  }
0xac: {  	s28 =	sadd.s32 $0x400, s26;
	[sflag:s20] =	ssyncadd.s32 $0xFFFFC000  }
0xad: {  	[tilespmem:s17], [sflag:$0x1] =	stream.indirect.gather [hbm4b:s4+s16], $0x80, s28, s16, $0xb8;
	[tilespmem:$0x1E400] =	vst v63  }
0xae: {  	_ =	swait.ge [sflag:s21], $0x4000  }
0xaf: {  	[sflag:s21] =	ssyncset.done $0x0  }
0xb0: {  	s28 =	sadd.s32 $0x1780, s26;
	[sflag:s21] =	ssyncadd.s32 $0xFFFFC000  }
0xb1: {  	[spmem:s2] =	stream.indirect.scatter.add.f32 [tilespmem:s18], [sflag:$0x4], $0x80, s28, s16, $0xb8;
	[tilespmem:$0x1E400] =	vst v63  }
0xb2: {  	_ =	swait.ge [sflag:s22], $0x4000  }
0xb3: {  	[sflag:s22] =	ssyncset.done $0x0  }
0xb4: {  	s28 =	sadd.s32 $0x480, s26;
	[sflag:s22] =	ssyncadd.s32 $0xFFFFC000  }
0xb5: {  	[tilespmem:s18], [sflag:$0x2] =	stream.indirect.gather [hbm4b:s4+s16], $0x80, s28, s16, $0xb8;
	[tilespmem:$0x1E400] =	vst v63  }
0xb6: {  	_ =	swait.ge [sflag:s19], $0x4000  }
0xb7: {  	[sflag:s19] =	ssyncset.done $0x0  }
0xb8: {  	s28 =	sadd.s32 $0x1800, s26;
	[sflag:s19] =	ssyncadd.s32 $0xFFFFC000  }
0xb9: {  	[spmem:s2] =	stream.indirect.scatter.add.f32 [tilespmem:s17], [sflag:$0x3], $0x80, s28, s16, $0xb8;
	[tilespmem:$0x1E400] =	vst v63  }
0xba: {  	_ =	swait.ge [sflag:s21], $0x4000  }
0xbb: {  	[sflag:s21] =	ssyncset.done $0x0  }
0xbc: {  	s26 =	sadd.s32 $0x1880, s26;
	[sflag:s21] =	ssyncadd.s32 $0xFFFFC000  }
0xbd: {  	[spmem:s2] =	stream.indirect.scatter.add.f32 [tilespmem:s18], [sflag:$0x4], $0x80, s26, s16, $0xb8;
	[tilespmem:$0x1E400] =	vst v63  }
.Ltmp0:
0xbe: {  	_ =	swait.ge [sflag:s20], $0x4000;
	(pc) =	sbr.rel @p0 .LBB2_2-.Ltmp0, $4  }
0xbf: {  	[sflag:s20] =	ssyncset.done $0x0  }
0xc0: {  	[sflag:s20] =	ssyncadd.s32 $0xFFFFC000  }
0xc1: {  	_ =	swait.ge [sflag:s22], $0x4000  }
0xc2: {  	s28 =	smov.u32 s25;
	[sflag:s22] =	ssyncset.done $0x0  }
0xc3: {  	s24 =	sshra.s32 s24, $0x2;
	[sflag:s22] =	ssyncadd.s32 $0xFFFFC000  }
0xc4: {  	[tilespmem:s17], [sflag:$0x1] =	stream.indirect.gather [hbm4b:s4+s16], $0x80, s24, s16, $0xb8;
	[tilespmem:$0x1E400] =	vst v63  }
0xc5: {  	s25 =	sadd.s32 $0x80, s24  }
0xc6: {  	[tilespmem:s18], [sflag:$0x2] =	stream.indirect.gather [hbm4b:s4+s16], $0x80, s25, s16, $0xb8;
	[tilespmem:$0x1E400] =	vst v63  }
0xc7: {  	_ =	swait.ge [sflag:s19], $0x4000  }
0xc8: {  	[sflag:s19] =	ssyncset.done $0x0  }
0xc9: {  	s30 =	sadd.s32 $0x1400, s24;
	[sflag:s19] =	ssyncadd.s32 $0xFFFFC000  }
0xca: {  	[spmem:s2] =	stream.indirect.scatter.add.f32 [tilespmem:s17], [sflag:$0x3], $0x80, s30, s16, $0xb8;
	[tilespmem:$0x1E400] =	vst v63  }
0xcb: {  	_ =	swait.ge [sflag:s20], $0x4000  }
0xcc: {  	[sflag:s20] =	ssyncset.done $0x0  }
0xcd: {  	s31 =	sadd.s32 $0x100, s24;
	[sflag:s20] =	ssyncadd.s32 $0xFFFFC000  }
0xce: {  	[tilespmem:s17], [sflag:$0x1] =	stream.indirect.gather [hbm4b:s4+s16], $0x80, s31, s16, $0xb8;
	[tilespmem:$0x1E400] =	vst v63  }
0xcf: {  	_ =	swait.ge [sflag:s21], $0x4000  }
0xd0: {  	[sflag:s21] =	ssyncset.done $0x0  }
0xd1: {  	s26 =	sadd.s32 $0x1480, s24;
	[sflag:s21] =	ssyncadd.s32 $0xFFFFC000  }
0xd2: {  	[spmem:s2] =	stream.indirect.scatter.add.f32 [tilespmem:s18], [sflag:$0x4], $0x80, s26, s16, $0xb8;
	[tilespmem:$0x1E400] =	vst v63  }
0xd3: {  	_ =	swait.ge [sflag:s22], $0x4000  }
0xd4: {  	[sflag:s22] =	ssyncset.done $0x0  }
0xd5: {  	s29 =	sadd.s32 $0x180, s24;
	[sflag:s22] =	ssyncadd.s32 $0xFFFFC000  }
0xd6: {  	[tilespmem:s18], [sflag:$0x2] =	stream.indirect.gather [hbm4b:s4+s16], $0x80, s29, s16, $0xb8;
	[tilespmem:$0x1E400] =	vst v63  }
0xd7: {  	_ =	swait.ge [sflag:s19], $0x4000  }
0xd8: {  	[sflag:s19] =	ssyncset.done $0x0  }
0xd9: {  	s30 =	sadd.s32 $0x1500, s24;
	[sflag:s19] =	ssyncadd.s32 $0xFFFFC000  }
0xda: {  	[spmem:s2] =	stream.indirect.scatter.add.f32 [tilespmem:s17], [sflag:$0x3], $0x80, s30, s16, $0xb8;
	[tilespmem:$0x1E400] =	vst v63  }
0xdb: {  	_ =	swait.ge [sflag:s20], $0x4000  }
0xdc: {  	[sflag:s20] =	ssyncset.done $0x0  }
0xdd: {  	s31 =	sadd.s32 $0x200, s24;
	[sflag:s20] =	ssyncadd.s32 $0xFFFFC000  }
0xde: {  	[tilespmem:s17], [sflag:$0x1] =	stream.indirect.gather [hbm4b:s4+s16], $0x80, s31, s16, $0xb8;
	[tilespmem:$0x1E400] =	vst v63  }
0xdf: {  	_ =	swait.ge [sflag:s21], $0x4000  }
0xe0: {  	[sflag:s21] =	ssyncset.done $0x0  }
0xe1: {  	s26 =	sadd.s32 $0x1580, s24;
	[sflag:s21] =	ssyncadd.s32 $0xFFFFC000  }
0xe2: {  	[spmem:s2] =	stream.indirect.scatter.add.f32 [tilespmem:s18], [sflag:$0x4], $0x80, s26, s16, $0xb8;
	[tilespmem:$0x1E400] =	vst v63  }
0xe3: {  	_ =	swait.ge [sflag:s22], $0x4000  }
0xe4: {  	[sflag:s22] =	ssyncset.done $0x0  }
0xe5: {  	s29 =	sadd.s32 $0x280, s24;
	[sflag:s22] =	ssyncadd.s32 $0xFFFFC000  }
0xe6: {  	[tilespmem:s18], [sflag:$0x2] =	stream.indirect.gather [hbm4b:s4+s16], $0x80, s29, s16, $0xb8;
	[tilespmem:$0x1E400] =	vst v63  }
0xe7: {  	_ =	swait.ge [sflag:s19], $0x4000  }
0xe8: {  	[sflag:s19] =	ssyncset.done $0x0  }
0xe9: {  	s30 =	sadd.s32 $0x1600, s24;
	[sflag:s19] =	ssyncadd.s32 $0xFFFFC000  }
0xea: {  	[spmem:s2] =	stream.indirect.scatter.add.f32 [tilespmem:s17], [sflag:$0x3], $0x80, s30, s16, $0xb8;
	[tilespmem:$0x1E400] =	vst v63  }
0xeb: {  	_ =	swait.ge [sflag:s20], $0x4000  }
0xec: {  	[sflag:s20] =	ssyncset.done $0x0  }
0xed: {  	s31 =	sadd.s32 $0x300, s24;
	[sflag:s20] =	ssyncadd.s32 $0xFFFFC000  }
0xee: {  	[tilespmem:s17], [sflag:$0x1] =	stream.indirect.gather [hbm4b:s4+s16], $0x80, s31, s16, $0xb8;
	[tilespmem:$0x1E400] =	vst v63  }
0xef: {  	_ =	swait.ge [sflag:s21], $0x4000  }
0xf0: {  	[sflag:s21] =	ssyncset.done $0x0  }
0xf1: {  	s26 =	sadd.s32 $0x1680, s24;
	[sflag:s21] =	ssyncadd.s32 $0xFFFFC000  }
0xf2: {  	[spmem:s2] =	stream.indirect.scatter.add.f32 [tilespmem:s18], [sflag:$0x4], $0x80, s26, s16, $0xb8;
	[tilespmem:$0x1E400] =	vst v63  }
0xf3: {  	_ =	swait.ge [sflag:s22], $0x4000  }
0xf4: {  	[sflag:s22] =	ssyncset.done $0x0  }
0xf5: {  	s29 =	sadd.s32 $0x380, s24;
	[sflag:s22] =	ssyncadd.s32 $0xFFFFC000  }
0xf6: {  	[tilespmem:s18], [sflag:$0x2] =	stream.indirect.gather [hbm4b:s4+s16], $0x80, s29, s16, $0xb8;
	[tilespmem:$0x1E400] =	vst v63  }
0xf7: {  	_ =	swait.ge [sflag:s19], $0x4000  }
0xf8: {  	[sflag:s19] =	ssyncset.done $0x0  }
0xf9: {  	s30 =	sadd.s32 $0x1700, s24;
	[sflag:s19] =	ssyncadd.s32 $0xFFFFC000  }
0xfa: {  	[spmem:s2] =	stream.indirect.scatter.add.f32 [tilespmem:s17], [sflag:$0x3], $0x80, s30, s16, $0xb8;
	[tilespmem:$0x1E400] =	vst v63  }
0xfb: {  	_ =	swait.ge [sflag:s20], $0x4000  }
0xfc: {  	[sflag:s20] =	ssyncset.done $0x0  }
0xfd: {  	s31 =	sadd.s32 $0x400, s24;
	[sflag:s20] =	ssyncadd.s32 $0xFFFFC000  }
0xfe: {  	[tilespmem:s17], [sflag:$0x1] =	stream.indirect.gather [hbm4b:s4+s16], $0x80, s31, s16, $0xb8;
	[tilespmem:$0x1E400] =	vst v63  }
0xff: {  	_ =	swait.ge [sflag:s21], $0x4000  }
0x100: {  	[sflag:s21] =	ssyncset.done $0x0  }
0x101: {  	s26 =	sadd.s32 $0x1780, s24;
	[sflag:s21] =	ssyncadd.s32 $0xFFFFC000  }
0x102: {  	[spmem:s2] =	stream.indirect.scatter.add.f32 [tilespmem:s18], [sflag:$0x4], $0x80, s26, s16, $0xb8;
	[tilespmem:$0x1E400] =	vst v63  }
0x103: {  	_ =	swait.ge [sflag:s22], $0x4000  }
0x104: {  	[sflag:s22] =	ssyncset.done $0x0  }
0x105: {  	s29 =	sadd.s32 $0x480, s24;
	[sflag:s22] =	ssyncadd.s32 $0xFFFFC000  }
0x106: {  	[tilespmem:s18], [sflag:$0x2] =	stream.indirect.gather [hbm4b:s4+s16], $0x80, s29, s16, $0xb8;
	[tilespmem:$0x1E400] =	vst v63  }
0x107: {  	_ =	swait.ge [sflag:s19], $0x4000  }
0x108: {  	[sflag:s19] =	ssyncset.done $0x0  }
0x109: {  	s30 =	sadd.s32 $0x1800, s24;
	[sflag:s19] =	ssyncadd.s32 $0xFFFFC000  }
0x10a: {  	[spmem:s2] =	stream.indirect.scatter.add.f32 [tilespmem:s17], [sflag:$0x3], $0x80, s30, s16, $0xb8;
	[tilespmem:$0x1E400] =	vst v63  }
0x10b: {  	_ =	swait.ge [sflag:s21], $0x4000  }
0x10c: {  	[sflag:s21] =	ssyncset.done $0x0  }
0x10d: {  	s24 =	sadd.s32 $0x1880, s24;
	[sflag:s21] =	ssyncadd.s32 $0xFFFFC000  }
0x10e: {  	[spmem:s2] =	stream.indirect.scatter.add.f32 [tilespmem:s18], [sflag:$0x4], $0x80, s24, s16, $0xb8;
	[tilespmem:$0x1E400] =	vst v63  }
0x10f: {  	_ =	swait.ge [sflag:s20], $0x4000  }
0x110: {  	[sflag:s20] =	ssyncset.done $0x0  }
0x111: {  	[sflag:s20] =	ssyncadd.s32 $0xFFFFC000  }
0x112: {  	_ =	swait.ge [sflag:s22], $0x4000  }
0x113: {  	[sflag:s22] =	ssyncset.done $0x0  }
0x114: {  	s31 =	simm.s32 $0x0;
	[sflag:s22] =	ssyncadd.s32 $0xFFFFC000  }
0x115: {  	[tilespmem:s31], [sflag:$0x5] =	stream.linear.gather [hbm4b:s9+s31], $0x1400, $0x38;
	[tilespmem:$0x1E400] =	vst v63  }
0x116: {  	_ =	swait.ge [sflag:s14], $0x1400  }
0x117: {  	[sflag:s14] =	ssyncset.done $0x0  }
0x118: {  	[sflag:s14] =	ssyncadd.s32 $0xFFFFEC00  }
0x119: {  	[tilespmem:s15], [sflag:$0x5] =	stream.linear.gather [hbm4b:s10+s31], $0x1400, $0x38;
	[tilespmem:$0x1E400] =	vst v63  }
0x11a: {  	_ =	swait.ge [sflag:s14], $0x1400  }
0x11b: {  	[sflag:s14] =	ssyncset.done $0x0  }
0x11c: {  	s25 =	simm.s32 $0x0;
	[sflag:s14] =	ssyncadd.s32 $0xFFFFEC00  }
0x11d: {  	[tilespmem:s17], [sflag:$0x1] =	stream.indirect.gather [hbm4b:s4+s16], $0x80, s25, s16, $0xb8;
	[tilespmem:$0x1E400] =	vst v63  }
0x11e: {  	s26 =	simm.s32 $0x80  }
0x11f: {  	[tilespmem:s18], [sflag:$0x2] =	stream.indirect.gather [hbm4b:s4+s16], $0x80, s26, s16, $0xb8;
	[tilespmem:$0x1E400] =	vst v63  }
0x120: {  	_ =	swait.ge [sflag:s19], $0x4000  }
0x121: {  	[sflag:s19] =	ssyncset.done $0x0  }
0x122: {  	s29 =	simm.s32 $0x1400;
	[sflag:s19] =	ssyncadd.s32 $0xFFFFC000  }
0x123: {  	[spmem:s2] =	stream.indirect.scatter.add.f32 [tilespmem:s17], [sflag:$0x3], $0x80, s29, s16, $0xb8;
	[tilespmem:$0x1E400] =	vst v63  }
0x124: {  	_ =	swait.ge [sflag:s20], $0x4000  }
0x125: {  	[sflag:s20] =	ssyncset.done $0x0  }
0x126: {  	s30 =	simm.s32 $0x100;
	[sflag:s20] =	ssyncadd.s32 $0xFFFFC000  }
0x127: {  	[tilespmem:s17], [sflag:$0x1] =	stream.indirect.gather [hbm4b:s4+s16], $0x80, s30, s16, $0xb8;
	[tilespmem:$0x1E400] =	vst v63  }
0x128: {  	_ =	swait.ge [sflag:s21], $0x4000  }
0x129: {  	[sflag:s21] =	ssyncset.done $0x0  }
0x12a: {  	s31 =	simm.s32 $0x1480;
	[sflag:s21] =	ssyncadd.s32 $0xFFFFC000  }
0x12b: {  	[spmem:s2] =	stream.indirect.scatter.add.f32 [tilespmem:s18], [sflag:$0x4], $0x80, s31, s16, $0xb8;
	[tilespmem:$0x1E400] =	vst v63  }
0x12c: {  	_ =	swait.ge [sflag:s22], $0x4000  }
0x12d: {  	[sflag:s22] =	ssyncset.done $0x0  }
0x12e: {  	s25 =	simm.s32 $0x180;
	[sflag:s22] =	ssyncadd.s32 $0xFFFFC000  }
0x12f: {  	[tilespmem:s18], [sflag:$0x2] =	stream.indirect.gather [hbm4b:s4+s16], $0x80, s25, s16, $0xb8;
	[tilespmem:$0x1E400] =	vst v63  }
0x130: {  	_ =	swait.ge [sflag:s19], $0x4000  }
0x131: {  	[sflag:s19] =	ssyncset.done $0x0  }
0x132: {  	s26 =	simm.s32 $0x1500;
	[sflag:s19] =	ssyncadd.s32 $0xFFFFC000  }
0x133: {  	[spmem:s2] =	stream.indirect.scatter.add.f32 [tilespmem:s17], [sflag:$0x3], $0x80, s26, s16, $0xb8;
	[tilespmem:$0x1E400] =	vst v63  }
0x134: {  	_ =	swait.ge [sflag:s20], $0x4000  }
0x135: {  	[sflag:s20] =	ssyncset.done $0x0  }
0x136: {  	s29 =	simm.s32 $0x200;
	[sflag:s20] =	ssyncadd.s32 $0xFFFFC000  }
0x137: {  	[tilespmem:s17], [sflag:$0x1] =	stream.indirect.gather [hbm4b:s4+s16], $0x80, s29, s16, $0xb8;
	[tilespmem:$0x1E400] =	vst v63  }
0x138: {  	_ =	swait.ge [sflag:s21], $0x4000  }
0x139: {  	[sflag:s21] =	ssyncset.done $0x0  }
0x13a: {  	s30 =	simm.s32 $0x1580;
	[sflag:s21] =	ssyncadd.s32 $0xFFFFC000  }
0x13b: {  	[spmem:s2] =	stream.indirect.scatter.add.f32 [tilespmem:s18], [sflag:$0x4], $0x80, s30, s16, $0xb8;
	[tilespmem:$0x1E400] =	vst v63  }
0x13c: {  	_ =	swait.ge [sflag:s22], $0x4000  }
0x13d: {  	[sflag:s22] =	ssyncset.done $0x0  }
0x13e: {  	s31 =	simm.s32 $0x280;
	[sflag:s22] =	ssyncadd.s32 $0xFFFFC000  }
0x13f: {  	[tilespmem:s18], [sflag:$0x2] =	stream.indirect.gather [hbm4b:s4+s16], $0x80, s31, s16, $0xb8;
	[tilespmem:$0x1E400] =	vst v63  }
0x140: {  	_ =	swait.ge [sflag:s19], $0x4000  }
0x141: {  	[sflag:s19] =	ssyncset.done $0x0  }
0x142: {  	s25 =	simm.s32 $0x1600;
	[sflag:s19] =	ssyncadd.s32 $0xFFFFC000  }
0x143: {  	[spmem:s2] =	stream.indirect.scatter.add.f32 [tilespmem:s17], [sflag:$0x3], $0x80, s25, s16, $0xb8;
	[tilespmem:$0x1E400] =	vst v63  }
0x144: {  	_ =	swait.ge [sflag:s20], $0x4000  }
0x145: {  	[sflag:s20] =	ssyncset.done $0x0  }
0x146: {  	s26 =	simm.s32 $0x300;
	[sflag:s20] =	ssyncadd.s32 $0xFFFFC000  }
0x147: {  	[tilespmem:s17], [sflag:$0x1] =	stream.indirect.gather [hbm4b:s4+s16], $0x80, s26, s16, $0xb8;
	[tilespmem:$0x1E400] =	vst v63  }
0x148: {  	_ =	swait.ge [sflag:s21], $0x4000  }
0x149: {  	[sflag:s21] =	ssyncset.done $0x0  }
0x14a: {  	s29 =	simm.s32 $0x1680;
	[sflag:s21] =	ssyncadd.s32 $0xFFFFC000  }
0x14b: {  	[spmem:s2] =	stream.indirect.scatter.add.f32 [tilespmem:s18], [sflag:$0x4], $0x80, s29, s16, $0xb8;
	[tilespmem:$0x1E400] =	vst v63  }
0x14c: {  	_ =	swait.ge [sflag:s22], $0x4000  }
0x14d: {  	[sflag:s22] =	ssyncset.done $0x0  }
0x14e: {  	s30 =	simm.s32 $0x380;
	[sflag:s22] =	ssyncadd.s32 $0xFFFFC000  }
0x14f: {  	[tilespmem:s18], [sflag:$0x2] =	stream.indirect.gather [hbm4b:s4+s16], $0x80, s30, s16, $0xb8;
	[tilespmem:$0x1E400] =	vst v63  }
0x150: {  	_ =	swait.ge [sflag:s19], $0x4000  }
0x151: {  	[sflag:s19] =	ssyncset.done $0x0  }
0x152: {  	s31 =	simm.s32 $0x1700;
	[sflag:s19] =	ssyncadd.s32 $0xFFFFC000  }
0x153: {  	[spmem:s2] =	stream.indirect.scatter.add.f32 [tilespmem:s17], [sflag:$0x3], $0x80, s31, s16, $0xb8;
	[tilespmem:$0x1E400] =	vst v63  }
0x154: {  	_ =	swait.ge [sflag:s20], $0x4000  }
0x155: {  	[sflag:s20] =	ssyncset.done $0x0  }
0x156: {  	s25 =	simm.s32 $0x400;
	[sflag:s20] =	ssyncadd.s32 $0xFFFFC000  }
0x157: {  	[tilespmem:s17], [sflag:$0x1] =	stream.indirect.gather [hbm4b:s4+s16], $0x80, s25, s16, $0xb8;
	[tilespmem:$0x1E400] =	vst v63  }
0x158: {  	_ =	swait.ge [sflag:s21], $0x4000  }
0x159: {  	[sflag:s21] =	ssyncset.done $0x0  }
0x15a: {  	s26 =	simm.s32 $0x1780;
	[sflag:s21] =	ssyncadd.s32 $0xFFFFC000  }
0x15b: {  	[spmem:s2] =	stream.indirect.scatter.add.f32 [tilespmem:s18], [sflag:$0x4], $0x80, s26, s16, $0xb8;
	[tilespmem:$0x1E400] =	vst v63  }
0x15c: {  	_ =	swait.ge [sflag:s22], $0x4000  }
0x15d: {  	[sflag:s22] =	ssyncset.done $0x0  }
0x15e: {  	s29 =	simm.s32 $0x480;
	[sflag:s22] =	ssyncadd.s32 $0xFFFFC000  }
0x15f: {  	[tilespmem:s18], [sflag:$0x2] =	stream.indirect.gather [hbm4b:s4+s16], $0x80, s29, s16, $0xb8;
	[tilespmem:$0x1E400] =	vst v63  }
0x160: {  	_ =	swait.ge [sflag:s19], $0x4000  }
0x161: {  	[sflag:s19] =	ssyncset.done $0x0  }
0x162: {  	s30 =	simm.s32 $0x1800;
	[sflag:s19] =	ssyncadd.s32 $0xFFFFC000  }
0x163: {  	[spmem:s2] =	stream.indirect.scatter.add.f32 [tilespmem:s17], [sflag:$0x3], $0x80, s30, s16, $0xb8;
	[tilespmem:$0x1E400] =	vst v63  }
0x164: {  	_ =	swait.ge [sflag:s21], $0x4000  }
0x165: {  	[sflag:s21] =	ssyncset.done $0x0  }
0x166: {  	s31 =	simm.s32 $0x1880;
	[sflag:s21] =	ssyncadd.s32 $0xFFFFC000  }
0x167: {  	[spmem:s2] =	stream.indirect.scatter.add.f32 [tilespmem:s18], [sflag:$0x4], $0x80, s31, s16, $0xb8;
	[tilespmem:$0x1E400] =	vst v63  }
0x168: {  	_ =	swait.ge [sflag:s20], $0x4000  }
0x169: {  	[sflag:s20] =	ssyncset.done $0x0  }
0x16a: {  	[sflag:s20] =	ssyncadd.s32 $0xFFFFC000  }
0x16b: {  	_ =	swait.ge [sflag:s22], $0x4000  }
0x16c: {  	s28 =	simm.s32 $0x2800;
	s24 =	simm.s32 $0x1400;
	[sflag:s22] =	ssyncset.done $0x0  }
.LBB2_4:
0x16d: {  	s26 =	sshra.s32 s24, $0x2  }
0x16e: {  	[sflag:s22] =	ssyncadd.s32 $0xFFFFC000;
	s24 =	smov.u32 s28;
	s25 =	sadd.s32 $0x1400, s28  }
0x16f: {  	[tilespmem:s17], [sflag:$0x1] =	stream.indirect.gather [hbm4b:s4+s16], $0x80, s26, s16, $0xb8;
	[tilespmem:$0x1E400] =	vst v63  }
0x170: {  	p0 =	sne.s32 s28, $0x3C00;
	s28 =	sadd.s32 $0x80, s26  }
0x171: {  	[tilespmem:s18], [sflag:$0x2] =	stream.indirect.gather [hbm4b:s4+s16], $0x80, s28, s16, $0xb8;
	[tilespmem:$0x1E400] =	vst v63  }
0x172: {  	_ =	swait.ge [sflag:s19], $0x4000  }
0x173: {  	[sflag:s19] =	ssyncset.done $0x0  }
0x174: {  	s28 =	sadd.s32 $0x1400, s26;
	[sflag:s19] =	ssyncadd.s32 $0xFFFFC000  }
0x175: {  	[spmem:s2] =	stream.indirect.scatter.add.f32 [tilespmem:s17], [sflag:$0x3], $0x80, s28, s16, $0xb8;
	[tilespmem:$0x1E400] =	vst v63  }
0x176: {  	_ =	swait.ge [sflag:s20], $0x4000  }
0x177: {  	[sflag:s20] =	ssyncset.done $0x0  }
0x178: {  	s28 =	sadd.s32 $0x100, s26;
	[sflag:s20] =	ssyncadd.s32 $0xFFFFC000  }
0x179: {  	[tilespmem:s17], [sflag:$0x1] =	stream.indirect.gather [hbm4b:s4+s16], $0x80, s28, s16, $0xb8;
	[tilespmem:$0x1E400] =	vst v63  }
0x17a: {  	_ =	swait.ge [sflag:s21], $0x4000  }
0x17b: {  	[sflag:s21] =	ssyncset.done $0x0  }
0x17c: {  	s28 =	sadd.s32 $0x1480, s26;
	[sflag:s21] =	ssyncadd.s32 $0xFFFFC000  }
0x17d: {  	[spmem:s2] =	stream.indirect.scatter.add.f32 [tilespmem:s18], [sflag:$0x4], $0x80, s28, s16, $0xb8;
	[tilespmem:$0x1E400] =	vst v63  }
0x17e: {  	_ =	swait.ge [sflag:s22], $0x4000  }
0x17f: {  	[sflag:s22] =	ssyncset.done $0x0  }
0x180: {  	s28 =	sadd.s32 $0x180, s26;
	[sflag:s22] =	ssyncadd.s32 $0xFFFFC000  }
0x181: {  	[tilespmem:s18], [sflag:$0x2] =	stream.indirect.gather [hbm4b:s4+s16], $0x80, s28, s16, $0xb8;
	[tilespmem:$0x1E400] =	vst v63  }
0x182: {  	_ =	swait.ge [sflag:s19], $0x4000  }
0x183: {  	[sflag:s19] =	ssyncset.done $0x0  }
0x184: {  	s28 =	sadd.s32 $0x1500, s26;
	[sflag:s19] =	ssyncadd.s32 $0xFFFFC000  }
0x185: {  	[spmem:s2] =	stream.indirect.scatter.add.f32 [tilespmem:s17], [sflag:$0x3], $0x80, s28, s16, $0xb8;
	[tilespmem:$0x1E400] =	vst v63  }
0x186: {  	_ =	swait.ge [sflag:s20], $0x4000  }
0x187: {  	[sflag:s20] =	ssyncset.done $0x0  }
0x188: {  	s28 =	sadd.s32 $0x200, s26;
	[sflag:s20] =	ssyncadd.s32 $0xFFFFC000  }
0x189: {  	[tilespmem:s17], [sflag:$0x1] =	stream.indirect.gather [hbm4b:s4+s16], $0x80, s28, s16, $0xb8;
	[tilespmem:$0x1E400] =	vst v63  }
0x18a: {  	_ =	swait.ge [sflag:s21], $0x4000  }
0x18b: {  	[sflag:s21] =	ssyncset.done $0x0  }
0x18c: {  	s28 =	sadd.s32 $0x1580, s26;
	[sflag:s21] =	ssyncadd.s32 $0xFFFFC000  }
0x18d: {  	[spmem:s2] =	stream.indirect.scatter.add.f32 [tilespmem:s18], [sflag:$0x4], $0x80, s28, s16, $0xb8;
	[tilespmem:$0x1E400] =	vst v63  }
0x18e: {  	_ =	swait.ge [sflag:s22], $0x4000  }
0x18f: {  	[sflag:s22] =	ssyncset.done $0x0  }
0x190: {  	s28 =	sadd.s32 $0x280, s26;
	[sflag:s22] =	ssyncadd.s32 $0xFFFFC000  }
0x191: {  	[tilespmem:s18], [sflag:$0x2] =	stream.indirect.gather [hbm4b:s4+s16], $0x80, s28, s16, $0xb8;
	[tilespmem:$0x1E400] =	vst v63  }
0x192: {  	_ =	swait.ge [sflag:s19], $0x4000  }
0x193: {  	[sflag:s19] =	ssyncset.done $0x0  }
0x194: {  	s28 =	sadd.s32 $0x1600, s26;
	[sflag:s19] =	ssyncadd.s32 $0xFFFFC000  }
0x195: {  	[spmem:s2] =	stream.indirect.scatter.add.f32 [tilespmem:s17], [sflag:$0x3], $0x80, s28, s16, $0xb8;
	[tilespmem:$0x1E400] =	vst v63  }
0x196: {  	_ =	swait.ge [sflag:s20], $0x4000  }
0x197: {  	[sflag:s20] =	ssyncset.done $0x0  }
0x198: {  	s28 =	sadd.s32 $0x300, s26;
	[sflag:s20] =	ssyncadd.s32 $0xFFFFC000  }
0x199: {  	[tilespmem:s17], [sflag:$0x1] =	stream.indirect.gather [hbm4b:s4+s16], $0x80, s28, s16, $0xb8;
	[tilespmem:$0x1E400] =	vst v63  }
0x19a: {  	_ =	swait.ge [sflag:s21], $0x4000  }
0x19b: {  	[sflag:s21] =	ssyncset.done $0x0  }
0x19c: {  	s28 =	sadd.s32 $0x1680, s26;
	[sflag:s21] =	ssyncadd.s32 $0xFFFFC000  }
0x19d: {  	[spmem:s2] =	stream.indirect.scatter.add.f32 [tilespmem:s18], [sflag:$0x4], $0x80, s28, s16, $0xb8;
	[tilespmem:$0x1E400] =	vst v63  }
0x19e: {  	_ =	swait.ge [sflag:s22], $0x4000  }
0x19f: {  	[sflag:s22] =	ssyncset.done $0x0  }
0x1a0: {  	s28 =	sadd.s32 $0x380, s26;
	[sflag:s22] =	ssyncadd.s32 $0xFFFFC000  }
0x1a1: {  	[tilespmem:s18], [sflag:$0x2] =	stream.indirect.gather [hbm4b:s4+s16], $0x80, s28, s16, $0xb8;
	[tilespmem:$0x1E400] =	vst v63  }
0x1a2: {  	_ =	swait.ge [sflag:s19], $0x4000  }
0x1a3: {  	[sflag:s19] =	ssyncset.done $0x0  }
0x1a4: {  	s28 =	sadd.s32 $0x1700, s26;
	[sflag:s19] =	ssyncadd.s32 $0xFFFFC000  }
0x1a5: {  	[spmem:s2] =	stream.indirect.scatter.add.f32 [tilespmem:s17], [sflag:$0x3], $0x80, s28, s16, $0xb8;
	[tilespmem:$0x1E400] =	vst v63  }
0x1a6: {  	_ =	swait.ge [sflag:s20], $0x4000  }
0x1a7: {  	[sflag:s20] =	ssyncset.done $0x0  }
0x1a8: {  	s28 =	sadd.s32 $0x400, s26;
	[sflag:s20] =	ssyncadd.s32 $0xFFFFC000  }
0x1a9: {  	[tilespmem:s17], [sflag:$0x1] =	stream.indirect.gather [hbm4b:s4+s16], $0x80, s28, s16, $0xb8;
	[tilespmem:$0x1E400] =	vst v63  }
0x1aa: {  	_ =	swait.ge [sflag:s21], $0x4000  }
0x1ab: {  	[sflag:s21] =	ssyncset.done $0x0  }
0x1ac: {  	s28 =	sadd.s32 $0x1780, s26;
	[sflag:s21] =	ssyncadd.s32 $0xFFFFC000  }
0x1ad: {  	[spmem:s2] =	stream.indirect.scatter.add.f32 [tilespmem:s18], [sflag:$0x4], $0x80, s28, s16, $0xb8;
	[tilespmem:$0x1E400] =	vst v63  }
0x1ae: {  	_ =	swait.ge [sflag:s22], $0x4000  }
0x1af: {  	[sflag:s22] =	ssyncset.done $0x0  }
0x1b0: {  	s28 =	sadd.s32 $0x480, s26;
	[sflag:s22] =	ssyncadd.s32 $0xFFFFC000  }
0x1b1: {  	[tilespmem:s18], [sflag:$0x2] =	stream.indirect.gather [hbm4b:s4+s16], $0x80, s28, s16, $0xb8;
	[tilespmem:$0x1E400] =	vst v63  }
0x1b2: {  	_ =	swait.ge [sflag:s19], $0x4000  }
0x1b3: {  	[sflag:s19] =	ssyncset.done $0x0  }
0x1b4: {  	s28 =	sadd.s32 $0x1800, s26;
	[sflag:s19] =	ssyncadd.s32 $0xFFFFC000  }
0x1b5: {  	[spmem:s2] =	stream.indirect.scatter.add.f32 [tilespmem:s17], [sflag:$0x3], $0x80, s28, s16, $0xb8;
	[tilespmem:$0x1E400] =	vst v63  }
0x1b6: {  	_ =	swait.ge [sflag:s21], $0x4000  }
0x1b7: {  	[sflag:s21] =	ssyncset.done $0x0  }
0x1b8: {  	s26 =	sadd.s32 $0x1880, s26;
	[sflag:s21] =	ssyncadd.s32 $0xFFFFC000  }
0x1b9: {  	[spmem:s2] =	stream.indirect.scatter.add.f32 [tilespmem:s18], [sflag:$0x4], $0x80, s26, s16, $0xb8;
	[tilespmem:$0x1E400] =	vst v63  }
.Ltmp1:
0x1ba: {  	_ =	swait.ge [sflag:s20], $0x4000;
	(pc) =	sbr.rel @p0 .LBB2_4-.Ltmp1, $4  }
0x1bb: {  	[sflag:s20] =	ssyncset.done $0x0  }
0x1bc: {  	[sflag:s20] =	ssyncadd.s32 $0xFFFFC000  }
0x1bd: {  	_ =	swait.ge [sflag:s22], $0x4000  }
0x1be: {  	s28 =	smov.u32 s25;
	[sflag:s22] =	ssyncset.done $0x0  }
0x1bf: {  	s24 =	sshra.s32 s24, $0x2;
	[sflag:s22] =	ssyncadd.s32 $0xFFFFC000  }
0x1c0: {  	[tilespmem:s17], [sflag:$0x1] =	stream.indirect.gather [hbm4b:s4+s16], $0x80, s24, s16, $0xb8;
	[tilespmem:$0x1E400] =	vst v63  }
0x1c1: {  	s25 =	sadd.s32 $0x80, s24  }
0x1c2: {  	[tilespmem:s18], [sflag:$0x2] =	stream.indirect.gather [hbm4b:s4+s16], $0x80, s25, s16, $0xb8;
	[tilespmem:$0x1E400] =	vst v63  }
0x1c3: {  	_ =	swait.ge [sflag:s19], $0x4000  }
0x1c4: {  	[sflag:s19] =	ssyncset.done $0x0  }
0x1c5: {  	s30 =	sadd.s32 $0x1400, s24;
	[sflag:s19] =	ssyncadd.s32 $0xFFFFC000  }
0x1c6: {  	[spmem:s2] =	stream.indirect.scatter.add.f32 [tilespmem:s17], [sflag:$0x3], $0x80, s30, s16, $0xb8;
	[tilespmem:$0x1E400] =	vst v63  }
0x1c7: {  	_ =	swait.ge [sflag:s20], $0x4000  }
0x1c8: {  	[sflag:s20] =	ssyncset.done $0x0  }
0x1c9: {  	s31 =	sadd.s32 $0x100, s24;
	[sflag:s20] =	ssyncadd.s32 $0xFFFFC000  }
0x1ca: {  	[tilespmem:s17], [sflag:$0x1] =	stream.indirect.gather [hbm4b:s4+s16], $0x80, s31, s16, $0xb8;
	[tilespmem:$0x1E400] =	vst v63  }
0x1cb: {  	_ =	swait.ge [sflag:s21], $0x4000  }
0x1cc: {  	[sflag:s21] =	ssyncset.done $0x0  }
0x1cd: {  	s26 =	sadd.s32 $0x1480, s24;
	[sflag:s21] =	ssyncadd.s32 $0xFFFFC000  }
0x1ce: {  	[spmem:s2] =	stream.indirect.scatter.add.f32 [tilespmem:s18], [sflag:$0x4], $0x80, s26, s16, $0xb8;
	[tilespmem:$0x1E400] =	vst v63  }
0x1cf: {  	_ =	swait.ge [sflag:s22], $0x4000  }
0x1d0: {  	[sflag:s22] =	ssyncset.done $0x0  }
0x1d1: {  	s28 =	sadd.s32 $0x180, s24;
	[sflag:s22] =	ssyncadd.s32 $0xFFFFC000  }
0x1d2: {  	[tilespmem:s18], [sflag:$0x2] =	stream.indirect.gather [hbm4b:s4+s16], $0x80, s28, s16, $0xb8;
	[tilespmem:$0x1E400] =	vst v63  }
0x1d3: {  	_ =	swait.ge [sflag:s19], $0x4000  }
0x1d4: {  	[sflag:s19] =	ssyncset.done $0x0  }
0x1d5: {  	s29 =	sadd.s32 $0x1500, s24;
	[sflag:s19] =	ssyncadd.s32 $0xFFFFC000  }
0x1d6: {  	[spmem:s2] =	stream.indirect.scatter.add.f32 [tilespmem:s17], [sflag:$0x3], $0x80, s29, s16, $0xb8;
	[tilespmem:$0x1E400] =	vst v63  }
0x1d7: {  	_ =	swait.ge [sflag:s20], $0x4000  }
0x1d8: {  	[sflag:s20] =	ssyncset.done $0x0  }
0x1d9: {  	s30 =	sadd.s32 $0x200, s24;
	[sflag:s20] =	ssyncadd.s32 $0xFFFFC000  }
0x1da: {  	[tilespmem:s17], [sflag:$0x1] =	stream.indirect.gather [hbm4b:s4+s16], $0x80, s30, s16, $0xb8;
	[tilespmem:$0x1E400] =	vst v63  }
0x1db: {  	_ =	swait.ge [sflag:s21], $0x4000  }
0x1dc: {  	[sflag:s21] =	ssyncset.done $0x0  }
0x1dd: {  	s31 =	sadd.s32 $0x1580, s24;
	[sflag:s21] =	ssyncadd.s32 $0xFFFFC000  }
0x1de: {  	[spmem:s2] =	stream.indirect.scatter.add.f32 [tilespmem:s18], [sflag:$0x4], $0x80, s31, s16, $0xb8;
	[tilespmem:$0x1E400] =	vst v63  }
0x1df: {  	_ =	swait.ge [sflag:s22], $0x4000  }
0x1e0: {  	[sflag:s22] =	ssyncset.done $0x0  }
0x1e1: {  	s26 =	sadd.s32 $0x280, s24;
	[sflag:s22] =	ssyncadd.s32 $0xFFFFC000  }
0x1e2: {  	[tilespmem:s18], [sflag:$0x2] =	stream.indirect.gather [hbm4b:s4+s16], $0x80, s26, s16, $0xb8;
	[tilespmem:$0x1E400] =	vst v63  }
0x1e3: {  	_ =	swait.ge [sflag:s19], $0x4000  }
0x1e4: {  	[sflag:s19] =	ssyncset.done $0x0  }
0x1e5: {  	s28 =	sadd.s32 $0x1600, s24;
	[sflag:s19] =	ssyncadd.s32 $0xFFFFC000  }
0x1e6: {  	[spmem:s2] =	stream.indirect.scatter.add.f32 [tilespmem:s17], [sflag:$0x3], $0x80, s28, s16, $0xb8;
	[tilespmem:$0x1E400] =	vst v63  }
0x1e7: {  	_ =	swait.ge [sflag:s20], $0x4000  }
0x1e8: {  	[sflag:s20] =	ssyncset.done $0x0  }
0x1e9: {  	s29 =	sadd.s32 $0x300, s24;
	[sflag:s20] =	ssyncadd.s32 $0xFFFFC000  }
0x1ea: {  	[tilespmem:s17], [sflag:$0x1] =	stream.indirect.gather [hbm4b:s4+s16], $0x80, s29, s16, $0xb8;
	[tilespmem:$0x1E400] =	vst v63  }
0x1eb: {  	_ =	swait.ge [sflag:s21], $0x4000  }
0x1ec: {  	[sflag:s21] =	ssyncset.done $0x0  }
0x1ed: {  	s30 =	sadd.s32 $0x1680, s24;
	[sflag:s21] =	ssyncadd.s32 $0xFFFFC000  }
0x1ee: {  	[spmem:s2] =	stream.indirect.scatter.add.f32 [tilespmem:s18], [sflag:$0x4], $0x80, s30, s16, $0xb8;
	[tilespmem:$0x1E400] =	vst v63  }
0x1ef: {  	_ =	swait.ge [sflag:s22], $0x4000  }
0x1f0: {  	[sflag:s22] =	ssyncset.done $0x0  }
0x1f1: {  	s31 =	sadd.s32 $0x380, s24;
	[sflag:s22] =	ssyncadd.s32 $0xFFFFC000  }
0x1f2: {  	[tilespmem:s18], [sflag:$0x2] =	stream.indirect.gather [hbm4b:s4+s16], $0x80, s31, s16, $0xb8;
	[tilespmem:$0x1E400] =	vst v63  }
0x1f3: {  	_ =	swait.ge [sflag:s19], $0x4000  }
0x1f4: {  	[sflag:s19] =	ssyncset.done $0x0  }
0x1f5: {  	s26 =	sadd.s32 $0x1700, s24;
	[sflag:s19] =	ssyncadd.s32 $0xFFFFC000  }
0x1f6: {  	[spmem:s2] =	stream.indirect.scatter.add.f32 [tilespmem:s17], [sflag:$0x3], $0x80, s26, s16, $0xb8;
	[tilespmem:$0x1E400] =	vst v63  }
0x1f7: {  	_ =	swait.ge [sflag:s20], $0x4000  }
0x1f8: {  	[sflag:s20] =	ssyncset.done $0x0  }
0x1f9: {  	s28 =	sadd.s32 $0x400, s24;
	[sflag:s20] =	ssyncadd.s32 $0xFFFFC000  }
0x1fa: {  	[tilespmem:s17], [sflag:$0x1] =	stream.indirect.gather [hbm4b:s4+s16], $0x80, s28, s16, $0xb8;
	[tilespmem:$0x1E400] =	vst v63  }
0x1fb: {  	_ =	swait.ge [sflag:s21], $0x4000  }
0x1fc: {  	[sflag:s21] =	ssyncset.done $0x0  }
0x1fd: {  	s29 =	sadd.s32 $0x1780, s24;
	[sflag:s21] =	ssyncadd.s32 $0xFFFFC000  }
0x1fe: {  	[spmem:s2] =	stream.indirect.scatter.add.f32 [tilespmem:s18], [sflag:$0x4], $0x80, s29, s16, $0xb8;
	[tilespmem:$0x1E400] =	vst v63  }
0x1ff: {  	_ =	swait.ge [sflag:s22], $0x4000  }
0x200: {  	[sflag:s22] =	ssyncset.done $0x0  }
0x201: {  	s30 =	sadd.s32 $0x480, s24;
	[sflag:s22] =	ssyncadd.s32 $0xFFFFC000  }
0x202: {  	[tilespmem:s18], [sflag:$0x2] =	stream.indirect.gather [hbm4b:s4+s16], $0x80, s30, s16, $0xb8;
	[tilespmem:$0x1E400] =	vst v63  }
0x203: {  	_ =	swait.ge [sflag:s19], $0x4000  }
0x204: {  	[sflag:s19] =	ssyncset.done $0x0  }
0x205: {  	s31 =	sadd.s32 $0x1800, s24;
	[sflag:s19] =	ssyncadd.s32 $0xFFFFC000  }
0x206: {  	[spmem:s2] =	stream.indirect.scatter.add.f32 [tilespmem:s17], [sflag:$0x3], $0x80, s31, s16, $0xb8;
	[tilespmem:$0x1E400] =	vst v63  }
0x207: {  	_ =	swait.ge [sflag:s21], $0x4000  }
0x208: {  	[sflag:s21] =	ssyncset.done $0x0  }
0x209: {  	s24 =	sadd.s32 $0x1880, s24;
	[sflag:s21] =	ssyncadd.s32 $0xFFFFC000  }
0x20a: {  	[spmem:s2] =	stream.indirect.scatter.add.f32 [tilespmem:s18], [sflag:$0x4], $0x80, s24, s16, $0xb8;
	[tilespmem:$0x1E400] =	vst v63  }
0x20b: {  	_ =	swait.ge [sflag:s20], $0x4000  }
0x20c: {  	[sflag:s20] =	ssyncset.done $0x0  }
0x20d: {  	[sflag:s20] =	ssyncadd.s32 $0xFFFFC000  }
0x20e: {  	_ =	swait.ge [sflag:s22], $0x4000  }
0x20f: {  	s23 =	sadd.s32 $0x1, s23;
	[sflag:s22] =	ssyncset.done $0x0  }
0x210: {  	p0 =	sne.s32 s23, s12;
	[sflag:s22] =	ssyncadd.s32 $0xFFFFC000  }
.Ltmp2:
0x211: {  	[bflag:$0x0] =	sbarrier.arrive $0xFFFF;
	(pc) =	sbr.rel @p0 .LBB2_1-.Ltmp2, $4  }
0x212: {  	[hbm:s11], [sflag:s6] =	dma.local [spmem:s13], $0x2780  }
0x213: {  	_ =	swait.ge [sflag:s14], $0x2780  }
0x214: {  	[sflag:s14] =	ssyncset.done $0x0  }
0x215: {  	[sflag:s14] =	ssyncadd.s32 $0xFFFFD880  }
0x216: {  	_ =	sfence.sel $0x180000  }
0x217: {  	[bflag:$0x0] =	sbarrier.arrive $0xFFFF  }
0x218: {  	p0 =	sne.s32 s1, $0x0;
	_ =	strace $0x9000004D  }
0x219: {  	s0 =	sadd.s32 @!p0 $0x100000, s0;
	[bflag:$0x2] =	sbarrier.arrive $0xFFFF  }
0x21a: {  	[sflag:s0] =	ssyncadd.tile.s32 @!p0 $0x1;
	_ =	shalt  }
.Lfunc_end2:
_tile_overlayer_lowered:
.L_overlay_start_2:
0x21b: {  	(tag) =	ssettag $0x2  }
0x21c: {  	s0 =	rddreg [dreg:$0x0];
	s2 =	stileid.u32  }
0x21d: {  	s1 =	rddreg [dreg:$0x1];
	p0 =	sne.s32 s2, $0x0  }
0x21e: {  	s3 =	rddreg [dreg:$0x2];
	[bflag:$0x3] =	sbarrier.arrive $0xFFFF;
	s2 =	simm.s32 @!p0 $0x1C05  }
0x21f: {  	[timem:s3], [sflag:s2] =	dma.local @!p0 [hbm:s0], s1  }
0x220: {  	s0 =	simm.s32 @!p0 $0x5  }
0x221: {  	_ =	swait.ge @!p0 [sflag:s0], s1  }
0x222: {  	s1 =	ssub.s32 @!p0 $0x0, s1;
	[sflag:s0] =	ssyncset.done @!p0 $0x0  }
0x223: {  	[sflag:s0] =	ssyncadd.s32 @!p0 s1  }
0x224: {  	[bflag:$0x3] =	sbarrier.arrive $0xFFFF  }
0x225: {  	_ =	shalt  }

// kernel: kernel.8.cloned.1.call-start
scs
__scs_entry_jumppad:
0x0: {  	(pc) =	sbr.rel $0x88, $3  }
0x1: {  	(tag) =	ssettag $0x0;
	lr =	simm.s32 $0x1  }
0x2: {  	[smem:$0x3F99] =	sst lr;
	_ =	strace $0xD0000000  }
0x3: {  	_ = 	snop  }
0x4: {  	_ = 	snop  }
0x5: {  	_ = 	snop  }
0x6: {  	_ = 	snop  }
0x7: {  	_ = 	snop  }
__scs_overlays_trampoline_lowered:
0x8: {  	[smem:$0x3FA8] =	sst s0  }
0x9: {  	[smem:$0x3FA9] =	sst s1  }
0xa: {  	[smem:$0x3FAA] =	sst s2  }
0xb: {  	[smem:$0x3FAB] =	sst s3  }
0xc: {  	[smem:$0x3FAC] =	sst s4  }
0xd: {  	[smem:$0x3FAD] =	sst s5  }
0xe: {  	[smem:$0x3FAE] =	sst s6  }
0xf: {  	[smem:$0x3FAF] =	sst s7  }
0x10: {  	[smem:$0x3FB0] =	sst s8  }
0x11: {  	[smem:$0x3FB1] =	sst s9;
	s0 =	simm.s32 @!p0 $0x0  }
0x12: {  	s1 =	sld [smem:$0x3F97];
	s0 =	simm.s32 @p0 $0x1  }
0x13: {  	[smem:$0x3FB2] =	sst s0;
	s0 =	simm.s32 @!p1 $0x0  }
0x14: {  	s2 =	sld [smem:$0x3F96];
	s0 =	simm.s32 @p1 $0x1  }
0x15: {  	[smem:$0x3FB3] =	sst s0;
	s0 =	simm.s32 @!p2 $0x0  }
0x16: {  	s3 =	sld [smem:$0x3FDB];
	s0 =	simm.s32 @p2 $0x1  }
0x17: {  	s4 =	simm.s32 $0x1BF5;
	[smem:$0x3FB5] =	sst s0  }
0x18: {  	s0 =	sld [smem:$0x3F98];
	_ =	swait.ge [sflag:s4], $0x0  }
0x19: {  	s7 =	sld [smem:$0x3F99]  }
0x1a: {  	s8 =	sadd.s32 $0xFFFFE003, lr  }
0x1b: {  	s9 =	sadd.s32 $0xFFFFFEF7, lr;
	s5 =	simm.s32 $0xFFFFFFFF;
	p2 =	slt.u32 s8, $0xFFFFF086  }
0x1c: {  	p1 =	slt.u32 s9, $0xF7A;
	s5 =	simm.s32 @!p2 $0x0  }
0x1d: {  	s5 =	simm.s32 @p1 $0x1;
	p0 =	seq.s32 s7, s2  }
0x1e: {  	s7 =	smul.u32 @!p0 $0xF7A, s2;
	p2 =	seq.s32 @!p0 s5, $0x0  }
0x1f: {  	s9 =	smul.u32 $0xF7A, s1;
	s8 =	simm.s32 @!p0 $0x1BF5;
	p2 =	por !p2, p0  }
0x20: {  	[sflag:s8] =	ssyncset.s32 @!p0 $0xFFFFF086;
	s6 =	sadd.s32 @!p0 s3, s7;
	s7 =	simm.s32 @!p0 $0x108  }
0x21: {  	s3 =	sadd.s32 s3, s9;
	s6 =	sadd.s32 @!p0 $0x88, s6;
	s7 =	simm.s32 @p2 $0x1082  }
0x22: {  	[simem:s7], [sflag:s8] =	dma.local @!p0 [hbm:s6], $0xF7A  }
0x23: {  	s9 =	sor.u32 $0xD0000000, s2;
	s6 =	simm.s32 $0x108;
	_ =	swait.ge @!p0 [sflag:s8], $0x0  }
0x24: {  	s3 =	sadd.s32 $0x88, s3;
	s6 =	simm.s32 @!p1 $0x1082;
	[sflag:s4] =	ssyncset.s32 $0xFFFFF086  }
0x25: {  	[simem:s6], [sflag:s4] =	dma.local [hbm:s3], $0xF7A  }
0x26: {  	[smem:$0x3F99] =	sst s1;
	(tag) =	ssettag s2;
	_ =	strace s9  }
0x27: {  	s1 =	sld [smem:$0x3FA9]  }
0x28: {  	s2 =	sld [smem:$0x3FAA]  }
0x29: {  	s4 =	sld [smem:$0x3FAC]  }
0x2a: {  	p0 =	seq.s32 s5, $0x0;
	s5 =	sld [smem:$0x3FAD]  }
0x2b: {  	s6 =	sld [smem:$0x3FAE]  }
0x2c: {  	s7 =	sld [smem:$0x3FAF]  }
0x2d: {  	s3 =	simm.s32 $0x108;
	s8 =	sld [smem:$0x3FB0]  }
0x2e: {  	s3 =	simm.s32 @!p0 $0x1082;
	s9 =	sld [smem:$0x3FB1]  }
0x2f: {  	lr =	sadd.s32 s0, s3;
	s0 =	sld [smem:$0x3FA8]  }
0x30: {  	s3 =	sld [smem:$0x3FAB]  }
0x31: {  	[smem:$0x3FB4] =	sst s10  }
0x32: {  	s10 =	sld [smem:$0x3FB2];
	_ =	sdelay $0x3  }
0x33: {  	p0 =	seq.s32 s10, $0x1;
	s10 =	sld [smem:$0x3FB4];
	_ =	sdelay $0x3  }
0x34: {  	[smem:$0x3FB4] =	sst s10  }
0x35: {  	s10 =	sld [smem:$0x3FB3];
	_ =	sdelay $0x3  }
0x36: {  	p1 =	seq.s32 s10, $0x1;
	s10 =	sld [smem:$0x3FB4];
	_ =	sdelay $0x3  }
0x37: {  	[smem:$0x3FB4] =	sst s10  }
0x38: {  	s10 =	sld [smem:$0x3FB5]  }
0x39: {  	_ = 	snop;
	(pc) =	sbr.ind lr, $3  }
0x3a: {  	_ = 	snop  }
0x3b: {  	_ = 	snop  }
0x3c: {  	p2 =	seq.s32 s10, $0x1;
	s10 =	sld [smem:$0x3FB4]  }
0x3d: {  	_ =	shalt  }
0x3e: {  	_ =	shalt  }
0x3f: {  	_ =	shalt  }
0x40: {  	_ =	shalt  }
0x41: {  	_ =	shalt  }
0x42: {  	_ =	shalt  }
0x43: {  	_ =	shalt  }
0x44: {  	_ =	shalt  }
0x45: {  	_ =	shalt  }
0x46: {  	_ =	shalt  }
0x47: {  	_ =	shalt  }
0x48: {  	_ =	shalt  }
0x49: {  	_ =	shalt  }
0x4a: {  	_ =	shalt  }
0x4b: {  	_ =	shalt  }
0x4c: {  	_ =	shalt  }
0x4d: {  	_ =	shalt  }
0x4e: {  	_ =	shalt  }
0x4f: {  	_ =	shalt  }
0x50: {  	_ =	shalt  }
0x51: {  	_ =	shalt  }
0x52: {  	_ =	shalt  }
0x53: {  	_ =	shalt  }
0x54: {  	_ =	shalt  }
0x55: {  	_ =	shalt  }
0x56: {  	_ =	shalt  }
0x57: {  	_ =	shalt  }
0x58: {  	_ =	shalt  }
0x59: {  	_ =	shalt  }
0x5a: {  	_ =	shalt  }
0x5b: {  	_ =	shalt  }
0x5c: {  	_ =	shalt  }
0x5d: {  	_ =	shalt  }
0x5e: {  	_ =	shalt  }
0x5f: {  	_ =	shalt  }
0x60: {  	_ =	shalt  }
0x61: {  	_ =	shalt  }
0x62: {  	_ =	shalt  }
0x63: {  	_ =	shalt  }
0x64: {  	_ =	shalt  }
0x65: {  	_ =	shalt  }
0x66: {  	_ =	shalt  }
0x67: {  	_ =	shalt  }
0x68: {  	_ =	shalt  }
0x69: {  	_ =	shalt  }
0x6a: {  	_ =	shalt  }
0x6b: {  	_ =	shalt  }
0x6c: {  	_ =	shalt  }
0x6d: {  	_ =	shalt  }
0x6e: {  	_ =	shalt  }
0x6f: {  	_ =	shalt  }
0x70: {  	_ =	shalt  }
0x71: {  	_ =	shalt  }
0x72: {  	_ =	shalt  }
0x73: {  	_ =	shalt  }
0x74: {  	_ =	shalt  }
0x75: {  	_ =	shalt  }
0x76: {  	_ =	shalt  }
0x77: {  	_ =	shalt  }
0x78: {  	_ =	shalt  }
0x79: {  	_ =	shalt  }
0x7a: {  	_ =	shalt  }
0x7b: {  	_ =	shalt  }
0x7c: {  	_ =	shalt  }
0x7d: {  	_ =	shalt  }
0x7e: {  	_ =	shalt  }
0x7f: {  	_ =	shalt  }
0x80: {  	_ =	shalt  }
0x81: {  	_ =	shalt  }
0x82: {  	_ =	shalt  }
0x83: {  	_ =	shalt  }
0x84: {  	_ =	shalt  }
0x85: {  	_ =	shalt  }
0x86: {  	_ =	shalt  }
0x87: {  	_ =	shalt  }
.Lfunc_end0:
.L_simem_size_0:
called_computation_lowered:
.L_overlay_start_0:
0x88: {  	s2 =	sld [smem:$0x3FD9]  }
0x89: {  	s3 =	sld [smem:$0x3FFE];
	_ =	sdelay $0x1  }
0x8a: {  	s1 =	srdreg.scid  }
0x8b: {  	s0 =	sand.u32 $0x1, s1  }
0x8c: {  	s17 =	sshll.u32 s0, $0xA;
	s2 =	sadd.s32 s3, s2  }
0x8d: {  	s2 =	sadd.s32 s2, s17  }
0x8e: {  	[smem:$0x3FC0] =	sst s2  }
0x8f: {  	_ = 	snop  }
0x90: {  	s2 =	sld [smem:$0x3FD0];
	(tm) =	ssettm $0x1  }
0x91: {  	s18 =	sld [smem:$0x3FFB];
	_ =	sdelay $0x3  }
0x92: {  	_ =	strace s18  }
0x93: {  	s3 =	sld [smem:$0x3FFC];
	_ =	sdelay $0x3  }
0x94: {  	_ =	strace s3  }
0x95: {  	s3 =	sld [smem:$0x3FFD];
	_ =	sdelay $0x3  }
0x96: {  	_ =	strace s3  }
0x97: {  	_ =	strace $0x8FFFFFFF  }
0x98: {  	s19 =	sld [smem:$0x3FDB];
	_ =	sdelay $0x1  }
0x99: {  	s4 =	simm.s32 $_scs_section_size  }
0x9a: {  	s5 =	simm.s32 $_size__tile_overlayer_lowered;
	s6 =	simm.s32 $_tile_overlayer_lowered  }
0x9b: {  	s22 =	simm.s32 $0x1BFF;
	s21 =	sshll.u32 s6, $0x1;
	s3 =	sadd.s32 s4, s19  }
0x9c: {  	s7 =	simm.s32 $0x0;
	s20 =	sshll.u32 s5, $0x1;
	s5 =	sadd.s32 s21, s3  }
0x9d: {  	[timem:s7], [sflag:s22] =	dma.local [hbm:s5], s20  }
0x9e: {  	_ =	swait.ge [sflag:s22], s20  }
0x9f: {  	s4 =	ssub.s32 $0x0, s20;
	[sflag:s22] =	ssyncset.done $0x0  }
0xa0: {  	[sflag:s22] =	ssyncadd.s32 s4;
	_ =	sdelay $0x1  }
0xa1: {  	s23 =	simm.s32 $0x1B8B  }
0xa2: {  	_ =	swait.ge [sflag:s23], $0x1  }
0xa3: {  	[sflag:s23] =	ssyncset.done $0x0  }
0xa4: {  	s25 =	simm.s32 $0x1B8E;
	s24 =	sld [smem:$0x3FFE];
	[sflag:s23] =	ssyncadd.s32 $0xFFFFFFFF  }
0xa5: {  	s26 =	simm.s32 $execute0_lowered;
	[smem:$0x3FD2] =	sst s25  }
0xa6: {  	s5 =	sshll.u32 s26, $0x1;
	_ =	strace $0x80000046;
	[dreg:$0x1] =	wrdreg $0xFFFFFFFF  }
0xa7: {  	s28 =	simm.s32 $_size_execute0_lowered;
	s3 =	sadd.s32 s3, s5;
	[dreg:$0x0] =	wrdreg $0x0  }
0xa8: {  	s5 =	sshll.u32 s28, $0x1;
	[dreg:$0x2] =	wrdreg s3  }
0xa9: {  	[dreg:$0x3] =	wrdreg s5  }
0xaa: {  	[dreg:$0x4] =	wrdreg $0xC0  }
0xab: {  	_ =	task [dreg:s7], $0x5FFFF  }
0xac: {  	[dreg:$0x1] =	wrdreg $0xFFFFFFFF  }
0xad: {  	[dreg:$0x0] =	wrdreg $0x60  }
0xae: {  	[dreg:$0x2] =	wrdreg s2  }
0xaf: {  	[dreg:$0x3] =	wrdreg s24  }
0xb0: {  	[dreg:$0x4] =	wrdreg $0x2B000  }
0xb1: {  	[dreg:$0x5] =	wrdreg $0x9  }
0xb2: {  	_ =	task.clear_ibuf [dreg:s7], $0x6FFFF;
	_ =	strace $0x90000046  }
0xb3: {  	s29 =	simm.s32 $0x9;
	_ =	strace $0x80000048  }
0xb4: {  	_ =	swait.ge [sflag:s29], $0x1  }
0xb5: {  	[sflag:s29] =	ssyncadd.s32 $0xFFFFFFFF  }
0xb6: {  	_ =	strace $0x90000048  }
0xb7: {  	_ =	sfence  }
0xb8: {  	s30 =	sld [smem:$0x0];
	_ =	sdelay $0x2  }
0xb9: {  	s31 =	sshll.u32 s1, $0xD;
	s1 =	sshrl.u32 s1, $0x2  }
0xba: {  	s3 =	sand.u32 $0x4000, s31;
	s1 =	sadd.s32 s1, s30  }
0xbb: {  	s0 =	sor.u32 s3, s0;
	s1 =	sshll.u32 s1, $0x11  }
0xbc: {  	s0 =	sor.u32 s1, s0  }
0xbd: {  	s0 =	sadd.s32 $0x8F2B, s0  }
0xbe: {  	[sflag:s0] =	ssyncadd.remote.s32 $0x1  }
0xbf: {  	_ =	sfence.sel $0xFFFF  }
0xc0: {  	[dreg:$0x0] =	wrdreg $0xFFFFFFFF;
	(pc) =	sbr.abs _section_cstart, $3  }
0xc1: {  	[dreg:$0x1] =	wrdreg $0xFFFFFFFF  }
0xc2: {  	_ =	task.clear_ibuf [dreg:s7], $0x2FFFF;
	_ =	strace $0x9FFFFFFF  }
0xc3: {  	(tm) =	ssettm $0x7FFFFFFF  }
tec
execute0_lowered:
.L_overlay_start_1:
0x0: {  	(tag) =	ssettag $0x1  }
0x1: {  	s5 =	rddreg [dreg:$0x0]  }
0x2: {  	s4 =	rddreg [dreg:$0x1]  }
0x3: {  	s2 =	rddreg [dreg:$0x2]  }
0x4: {  	s0 =	rddreg [dreg:$0x3]  }
0x5: {  	s6 =	srdreg.scid;
	s1 =	stileid.u32;
	s3 =	simm.s32 $0x0  }
0x6: {  	s11 =	simm.s32 $0x2800;
	s12 =	simm.s32 $0x1;
	s13 =	simm.s32 $0x0  }
0x7: {  	s6 =	sand.u32 $0x1, s6;
	s7 =	smul.u32 $0x278, s1;
	s9 =	sshll.u32 s1, $0x1  }
0x8: {  	s8 =	smul.u32 $0x2780, s6;
	s10 =	ssub.s32 $0x2, s6;
	s6 =	sor.u32 s6, s9  }
0x9: {  	[smem:$0x7FF] =	sst s3;
	s31 =	sshrl.u32 s10, $0x1;
	s6 =	smul.u32 $0x500, s6  }
0xa: {  	_ =	strace $0x80000047;
	s8 =	sadd.s32 s7, s8;
	s9 =	ssub.s32 s10, s31  }
0xb: {  	s10 =	simm.s32 $0x80;
	s8 =	sshrl.u32 s8, $0x3;
	s5 =	sadd.s32 s5, s6  }
0xc: {  	s8 =	sadd.s32 s8, s4;
	s4 =	sadd.s32 s7, s2;
	s7 =	smax.u32 s9, $0x1  }
0xd: {  	v0 =	vimm.f32 $1.000000000e+00;
	v1 =	vimm.f32 $0.0e+00;
	s9 =	simm.s32 $0x2;
	s6 =	sadd.s32 $0xC400, s8;
	s8 =	simm.s32 $0x2880  }
.LBB2_1:
0xe: {  	[tilespmem:$0x2800] =	vst v0  }
0xf: {  	[tilespmem:$0x2810] =	vst v0  }
0x10: {  	[tilespmem:$0x2820] =	vst v0  }
0x11: {  	[tilespmem:$0x2830] =	vst v0  }
0x12: {  	[tilespmem:$0x2840] =	vst v0  }
0x13: {  	[tilespmem:$0x2850] =	vst v0  }
0x14: {  	[tilespmem:$0x2860] =	vst v0  }
0x15: {  	[tilespmem:$0x2870] =	vst v0  }
0x16: {  	[tilespmem:$0x2880] =	vst v1  }
0x17: {  	[tilespmem:$0x2890] =	vst v1  }
0x18: {  	[tilespmem:$0x28A0] =	vst v1  }
0x19: {  	[tilespmem:$0x28B0] =	vst v1  }
0x1a: {  	[tilespmem:$0x28C0] =	vst v1  }
0x1b: {  	[tilespmem:$0x28D0] =	vst v1  }
0x1c: {  	[tilespmem:$0x28E0] =	vst v1  }
0x1d: {  	[tilespmem:$0x28F0] =	vst v1  }
0x1e: {  	[tilespmem:$0x2900] =	vst v1  }
0x1f: {  	[tilespmem:$0x2910] =	vst v1  }
0x20: {  	[tilespmem:$0x2920] =	vst v1  }
0x21: {  	[tilespmem:$0x2930] =	vst v1  }
0x22: {  	[tilespmem:$0x2940] =	vst v1  }
0x23: {  	[tilespmem:$0x2950] =	vst v1  }
0x24: {  	[tilespmem:$0x2960] =	vst v1  }
0x25: {  	[tilespmem:$0x2970] =	vst v1  }
0x26: {  	[tilespmem:$0x2980] =	vst v1  }
0x27: {  	[tilespmem:$0x2990] =	vst v1  }
0x28: {  	[tilespmem:$0x29A0] =	vst v1  }
0x29: {  	[tilespmem:$0x29B0] =	vst v1  }
0x2a: {  	[tilespmem:$0x29C0] =	vst v1  }
0x2b: {  	[tilespmem:$0x29D0] =	vst v1  }
0x2c: {  	[tilespmem:$0x29E0] =	vst v1  }
0x2d: {  	[tilespmem:$0x29F0] =	vst v1  }
0x2e: {  	[tilespmem:$0x2A00] =	vst v1  }
0x2f: {  	[tilespmem:$0x2A10] =	vst v1  }
0x30: {  	[tilespmem:$0x2A20] =	vst v1  }
0x31: {  	[tilespmem:$0x2A30] =	vst v1  }
0x32: {  	[tilespmem:$0x2A40] =	vst v1  }
0x33: {  	[tilespmem:$0x2A50] =	vst v1  }
0x34: {  	[tilespmem:$0x2A60] =	vst v1  }
0x35: {  	[tilespmem:$0x2A70] =	vst v1  }
0x36: {  	[tilespmem:$0x2A80] =	vst v1  }
0x37: {  	[tilespmem:$0x2A90] =	vst v1  }
0x38: {  	[tilespmem:$0x2AA0] =	vst v1  }
0x39: {  	[tilespmem:$0x2AB0] =	vst v1  }
0x3a: {  	[tilespmem:$0x2AC0] =	vst v1  }
0x3b: {  	[tilespmem:$0x2AD0] =	vst v1  }
0x3c: {  	[tilespmem:$0x2AE0] =	vst v1  }
0x3d: {  	[tilespmem:$0x2AF0] =	vst v1  }
0x3e: {  	[spmem:s4] =	stream.linear.scatter [tilespmem:s8], [sflag:$0x2], $0x278, $0x38;
	[tilespmem:$0x2D78] =	vst v63  }
0x3f: {  	_ =	swait.ge [sflag:s9], $0x278  }
0x40: {  	[sflag:s9] =	ssyncset.done $0x0  }
0x41: {  	[sflag:s9] =	ssyncadd.s32 $0xFFFFFD88  }
0x42: {  	[bflag:$0x0] =	sbarrier.arrive $0xFFFF  }
0x43: {  	[tilespmem:s3], [sflag:$0x2] =	stream.linear.gather [hbm4b:s5+s3], $0x2800, $0x38;
	[tilespmem:$0x2D78] =	vst v63  }
0x44: {  	_ =	swait.ge [sflag:s9], $0x2800  }
0x45: {  	[sflag:s9] =	ssyncset.done $0x0  }
0x46: {  	s14 =	simm.s32 $0x0;
	[sflag:s9] =	ssyncadd.s32 $0xFFFFD800  }
0x47: {  	[spmem:s2] =	stream.indirect.scatter.add.f32 [tilespmem:s11], [sflag:$0x1], $0x1, s14, s10, $0xb8;
	[tilespmem:$0x2D78] =	vst v63  }
0x48: {  	s24 =	simm.s32 $0x80  }
0x49: {  	[spmem:s2] =	stream.indirect.scatter.add.f32 [tilespmem:s11], [sflag:$0x1], $0x1, s24, s10, $0xb8;
	[tilespmem:$0x2D78] =	vst v63  }
0x4a: {  	s25 =	simm.s32 $0x100  }
0x4b: {  	[spmem:s2] =	stream.indirect.scatter.add.f32 [tilespmem:s11], [sflag:$0x1], $0x1, s25, s10, $0xb8;
	[tilespmem:$0x2D78] =	vst v63  }
0x4c: {  	s26 =	simm.s32 $0x180  }
0x4d: {  	[spmem:s2] =	stream.indirect.scatter.add.f32 [tilespmem:s11], [sflag:$0x1], $0x1, s26, s10, $0xb8;
	[tilespmem:$0x2D78] =	vst v63  }
0x4e: {  	s28 =	simm.s32 $0x200  }
0x4f: {  	[spmem:s2] =	stream.indirect.scatter.add.f32 [tilespmem:s11], [sflag:$0x1], $0x1, s28, s10, $0xb8;
	[tilespmem:$0x2D78] =	vst v63  }
0x50: {  	s29 =	simm.s32 $0x280  }
0x51: {  	[spmem:s2] =	stream.indirect.scatter.add.f32 [tilespmem:s11], [sflag:$0x1], $0x1, s29, s10, $0xb8;
	[tilespmem:$0x2D78] =	vst v63  }
0x52: {  	s30 =	simm.s32 $0x300  }
0x53: {  	[spmem:s2] =	stream.indirect.scatter.add.f32 [tilespmem:s11], [sflag:$0x1], $0x1, s30, s10, $0xb8;
	[tilespmem:$0x2D78] =	vst v63  }
0x54: {  	s31 =	simm.s32 $0x380  }
0x55: {  	[spmem:s2] =	stream.indirect.scatter.add.f32 [tilespmem:s11], [sflag:$0x1], $0x1, s31, s10, $0xb8;
	[tilespmem:$0x2D78] =	vst v63  }
0x56: {  	_ =	swait.ge [sflag:s12], $0x80  }
0x57: {  	[sflag:s12] =	ssyncset.done $0x0  }
0x58: {  	[sflag:s12] =	ssyncadd.s32 $0xFFFFFF80  }
0x59: {  	_ =	swait.ge [sflag:s12], $0x80  }
0x5a: {  	[sflag:s12] =	ssyncset.done $0x0  }
0x5b: {  	[sflag:s12] =	ssyncadd.s32 $0xFFFFFF80  }
0x5c: {  	_ =	swait.ge [sflag:s12], $0x80  }
0x5d: {  	[sflag:s12] =	ssyncset.done $0x0  }
0x5e: {  	[sflag:s12] =	ssyncadd.s32 $0xFFFFFF80  }
0x5f: {  	_ =	swait.ge [sflag:s12], $0x80  }
0x60: {  	[sflag:s12] =	ssyncset.done $0x0  }
0x61: {  	[sflag:s12] =	ssyncadd.s32 $0xFFFFFF80  }
0x62: {  	_ =	swait.ge [sflag:s12], $0x80  }
0x63: {  	[sflag:s12] =	ssyncset.done $0x0  }
0x64: {  	[sflag:s12] =	ssyncadd.s32 $0xFFFFFF80  }
0x65: {  	_ =	swait.ge [sflag:s12], $0x80  }
0x66: {  	[sflag:s12] =	ssyncset.done $0x0  }
0x67: {  	[sflag:s12] =	ssyncadd.s32 $0xFFFFFF80  }
0x68: {  	_ =	swait.ge [sflag:s12], $0x80  }
0x69: {  	[sflag:s12] =	ssyncset.done $0x0  }
0x6a: {  	[sflag:s12] =	ssyncadd.s32 $0xFFFFFF80  }
0x6b: {  	_ =	swait.ge [sflag:s12], $0x80  }
0x6c: {  	s16 =	simm.s32 $0x2000;
	s14 =	simm.s32 $0x1000;
	[sflag:s12] =	ssyncset.done $0x0  }
.LBB2_2:
0x6d: {  	s17 =	sshra.s32 s14, $0x2  }
0x6e: {  	[sflag:s12] =	ssyncadd.s32 $0xFFFFFF80;
	s14 =	smov.u32 s16;
	s15 =	sadd.s32 $0x1000, s16  }
0x6f: {  	[spmem:s2] =	stream.indirect.scatter.add.f32 [tilespmem:s11], [sflag:$0x1], $0x1, s17, s10, $0xb8;
	[tilespmem:$0x2D78] =	vst v63  }
0x70: {  	p0 =	sne.s32 s16, $0x9000;
	s16 =	sadd.s32 $0x80, s17  }
0x71: {  	[spmem:s2] =	stream.indirect.scatter.add.f32 [tilespmem:s11], [sflag:$0x1], $0x1, s16, s10, $0xb8;
	[tilespmem:$0x2D78] =	vst v63  }
0x72: {  	s16 =	sadd.s32 $0x100, s17  }
0x73: {  	[spmem:s2] =	stream.indirect.scatter.add.f32 [tilespmem:s11], [sflag:$0x1], $0x1, s16, s10, $0xb8;
	[tilespmem:$0x2D78] =	vst v63  }
0x74: {  	s16 =	sadd.s32 $0x180, s17  }
0x75: {  	[spmem:s2] =	stream.indirect.scatter.add.f32 [tilespmem:s11], [sflag:$0x1], $0x1, s16, s10, $0xb8;
	[tilespmem:$0x2D78] =	vst v63  }
0x76: {  	s16 =	sadd.s32 $0x200, s17  }
0x77: {  	[spmem:s2] =	stream.indirect.scatter.add.f32 [tilespmem:s11], [sflag:$0x1], $0x1, s16, s10, $0xb8;
	[tilespmem:$0x2D78] =	vst v63  }
0x78: {  	s16 =	sadd.s32 $0x280, s17  }
0x79: {  	[spmem:s2] =	stream.indirect.scatter.add.f32 [tilespmem:s11], [sflag:$0x1], $0x1, s16, s10, $0xb8;
	[tilespmem:$0x2D78] =	vst v63  }
0x7a: {  	s16 =	sadd.s32 $0x300, s17  }
0x7b: {  	[spmem:s2] =	stream.indirect.scatter.add.f32 [tilespmem:s11], [sflag:$0x1], $0x1, s16, s10, $0xb8;
	[tilespmem:$0x2D78] =	vst v63  }
0x7c: {  	s16 =	sadd.s32 $0x380, s17  }
0x7d: {  	[spmem:s2] =	stream.indirect.scatter.add.f32 [tilespmem:s11], [sflag:$0x1], $0x1, s16, s10, $0xb8;
	[tilespmem:$0x2D78] =	vst v63  }
0x7e: {  	_ =	swait.ge [sflag:s12], $0x80  }
0x7f: {  	[sflag:s12] =	ssyncset.done $0x0  }
0x80: {  	[sflag:s12] =	ssyncadd.s32 $0xFFFFFF80  }
0x81: {  	_ =	swait.ge [sflag:s12], $0x80  }
0x82: {  	[sflag:s12] =	ssyncset.done $0x0  }
0x83: {  	[sflag:s12] =	ssyncadd.s32 $0xFFFFFF80  }
0x84: {  	_ =	swait.ge [sflag:s12], $0x80  }
0x85: {  	[sflag:s12] =	ssyncset.done $0x0  }
0x86: {  	[sflag:s12] =	ssyncadd.s32 $0xFFFFFF80  }
0x87: {  	_ =	swait.ge [sflag:s12], $0x80  }
0x88: {  	[sflag:s12] =	ssyncset.done $0x0  }
0x89: {  	[sflag:s12] =	ssyncadd.s32 $0xFFFFFF80  }
0x8a: {  	_ =	swait.ge [sflag:s12], $0x80  }
0x8b: {  	[sflag:s12] =	ssyncset.done $0x0  }
0x8c: {  	[sflag:s12] =	ssyncadd.s32 $0xFFFFFF80  }
0x8d: {  	_ =	swait.ge [sflag:s12], $0x80  }
0x8e: {  	[sflag:s12] =	ssyncset.done $0x0  }
0x8f: {  	[sflag:s12] =	ssyncadd.s32 $0xFFFFFF80  }
.Ltmp0:
0x90: {  	_ =	swait.ge [sflag:s12], $0x80;
	(pc) =	sbr.rel @p0 .LBB2_2-.Ltmp0, $4  }
0x91: {  	[sflag:s12] =	ssyncset.done $0x0  }
0x92: {  	[sflag:s12] =	ssyncadd.s32 $0xFFFFFF80  }
0x93: {  	_ =	swait.ge [sflag:s12], $0x80  }
0x94: {  	s16 =	smov.u32 s15;
	[sflag:s12] =	ssyncset.done $0x0  }
0x95: {  	s14 =	sshra.s32 s14, $0x2;
	[sflag:s12] =	ssyncadd.s32 $0xFFFFFF80  }
0x96: {  	[spmem:s2] =	stream.indirect.scatter.add.f32 [tilespmem:s11], [sflag:$0x1], $0x1, s14, s10, $0xb8;
	[tilespmem:$0x2D78] =	vst v63  }
0x97: {  	s15 =	sadd.s32 $0x80, s14  }
0x98: {  	[spmem:s2] =	stream.indirect.scatter.add.f32 [tilespmem:s11], [sflag:$0x1], $0x1, s15, s10, $0xb8;
	[tilespmem:$0x2D78] =	vst v63  }
0x99: {  	s26 =	sadd.s32 $0x100, s14  }
0x9a: {  	[spmem:s2] =	stream.indirect.scatter.add.f32 [tilespmem:s11], [sflag:$0x1], $0x1, s26, s10, $0xb8;
	[tilespmem:$0x2D78] =	vst v63  }
0x9b: {  	s28 =	sadd.s32 $0x180, s14  }
0x9c: {  	[spmem:s2] =	stream.indirect.scatter.add.f32 [tilespmem:s11], [sflag:$0x1], $0x1, s28, s10, $0xb8;
	[tilespmem:$0x2D78] =	vst v63  }
0x9d: {  	s29 =	sadd.s32 $0x200, s14  }
0x9e: {  	[spmem:s2] =	stream.indirect.scatter.add.f32 [tilespmem:s11], [sflag:$0x1], $0x1, s29, s10, $0xb8;
	[tilespmem:$0x2D78] =	vst v63  }
0x9f: {  	s30 =	sadd.s32 $0x280, s14  }
0xa0: {  	[spmem:s2] =	stream.indirect.scatter.add.f32 [tilespmem:s11], [sflag:$0x1], $0x1, s30, s10, $0xb8;
	[tilespmem:$0x2D78] =	vst v63  }
0xa1: {  	s31 =	sadd.s32 $0x300, s14  }
0xa2: {  	[spmem:s2] =	stream.indirect.scatter.add.f32 [tilespmem:s11], [sflag:$0x1], $0x1, s31, s10, $0xb8;
	[tilespmem:$0x2D78] =	vst v63  }
0xa3: {  	s14 =	sadd.s32 $0x380, s14  }
0xa4: {  	[spmem:s2] =	stream.indirect.scatter.add.f32 [tilespmem:s11], [sflag:$0x1], $0x1, s14, s10, $0xb8;
	[tilespmem:$0x2D78] =	vst v63  }
0xa5: {  	_ =	swait.ge [sflag:s12], $0x80  }
0xa6: {  	[sflag:s12] =	ssyncset.done $0x0  }
0xa7: {  	[sflag:s12] =	ssyncadd.s32 $0xFFFFFF80  }
0xa8: {  	_ =	swait.ge [sflag:s12], $0x80  }
0xa9: {  	[sflag:s12] =	ssyncset.done $0x0  }
0xaa: {  	[sflag:s12] =	ssyncadd.s32 $0xFFFFFF80  }
0xab: {  	_ =	swait.ge [sflag:s12], $0x80  }
0xac: {  	[sflag:s12] =	ssyncset.done $0x0  }
0xad: {  	[sflag:s12] =	ssyncadd.s32 $0xFFFFFF80  }
0xae: {  	_ =	swait.ge [sflag:s12], $0x80  }
0xaf: {  	[sflag:s12] =	ssyncset.done $0x0  }
0xb0: {  	[sflag:s12] =	ssyncadd.s32 $0xFFFFFF80  }
0xb1: {  	_ =	swait.ge [sflag:s12], $0x80  }
0xb2: {  	[sflag:s12] =	ssyncset.done $0x0  }
0xb3: {  	[sflag:s12] =	ssyncadd.s32 $0xFFFFFF80  }
0xb4: {  	_ =	swait.ge [sflag:s12], $0x80  }
0xb5: {  	[sflag:s12] =	ssyncset.done $0x0  }
0xb6: {  	[sflag:s12] =	ssyncadd.s32 $0xFFFFFF80  }
0xb7: {  	_ =	swait.ge [sflag:s12], $0x80  }
0xb8: {  	[sflag:s12] =	ssyncset.done $0x0  }
0xb9: {  	[sflag:s12] =	ssyncadd.s32 $0xFFFFFF80  }
0xba: {  	_ =	swait.ge [sflag:s12], $0x80  }
0xbb: {  	[sflag:s12] =	ssyncset.done $0x0  }
0xbc: {  	[sflag:s12] =	ssyncadd.s32 $0xFFFFFF80  }
0xbd: {  	[bflag:$0x0] =	sbarrier.arrive $0xFFFF  }
0xbe: {  	[tilespmem:s8], [sflag:$0x2] =	stream.linear.gather [spmem:s4], $0x278, $0x38;
	[tilespmem:$0x2D78] =	vst v63  }
0xbf: {  	s13 =	sadd.s32 $0x1, s13;
	_ =	swait.ge [sflag:s9], $0x278  }
0xc0: {  	p0 =	sne.s32 s13, s7;
	[sflag:s9] =	ssyncset.done $0x0  }
.Ltmp1:
0xc1: {  	[sflag:s9] =	ssyncadd.s32 $0xFFFFFD88;
	(pc) =	sbr.rel @p0 .LBB2_1-.Ltmp1, $4  }
0xc2: {  	[hbm4b:s6+s3] =	stream.linear.scatter [tilespmem:s8], [sflag:$0x2], $0x278, $0x38;
	[tilespmem:$0x2D78] =	vst v63  }
0xc3: {  	_ =	swait.ge [sflag:s9], $0x278  }
0xc4: {  	[sflag:s9] =	ssyncset.done $0x0  }
0xc5: {  	[sflag:s9] =	ssyncadd.s32 $0xFFFFFD88  }
0xc6: {  	_ =	sfence.sel $0x180000  }
0xc7: {  	[bflag:$0x0] =	sbarrier.arrive $0xFFFF  }
0xc8: {  	p0 =	sne.s32 s1, $0x0;
	_ =	strace $0x90000047  }
0xc9: {  	s0 =	sadd.s32 @!p0 $0x100000, s0;
	[bflag:$0x2] =	sbarrier.arrive $0xFFFF  }
0xca: {  	[sflag:s0] =	ssyncadd.tile.s32 @!p0 $0x1;
	_ =	shalt  }
.Lfunc_end2:
_tile_overlayer_lowered:
.L_overlay_start_2:
0xcb: {  	(tag) =	ssettag $0x2  }
0xcc: {  	s0 =	rddreg [dreg:$0x0];
	s2 =	stileid.u32  }
0xcd: {  	s1 =	rddreg [dreg:$0x1];
	p0 =	sne.s32 s2, $0x0  }
0xce: {  	s3 =	rddreg [dreg:$0x2];
	[bflag:$0x3] =	sbarrier.arrive $0xFFFF;
	s2 =	simm.s32 @!p0 $0x1C02  }
0xcf: {  	[timem:s3], [sflag:s2] =	dma.local @!p0 [hbm:s0], s1  }
0xd0: {  	s0 =	simm.s32 @!p0 $0x2  }
0xd1: {  	_ =	swait.ge @!p0 [sflag:s0], s1  }
0xd2: {  	s1 =	ssub.s32 @!p0 $0x0, s1;
	[sflag:s0] =	ssyncset.done @!p0 $0x0  }
0xd3: {  	[sflag:s0] =	ssyncadd.s32 @!p0 s1  }
0xd4: {  	[bflag:$0x3] =	sbarrier.arrive $0xFFFF  }
0xd5: {  	_ =	shalt  }

</sc_bundles>
